<compile_context>
chip_gen: v7x
topology: tpu7x:2x2x1
jax: 0.10.2.dev20260603
libtpu: 0.0.44.dev20260713+nightly
codegen_flags: <defaults>
</compile_context>

<pallas_src>
import jax
import jax.numpy as jnp
from jax import lax
from jax.experimental import pallas as pl
from jax.experimental.pallas import tpu as pltpu
from jax.experimental.pallas import tpu_sc as plsc

D_MODEL = 512
MAX_REL = 32
SEQ_LEN = 512
NROWS = 2 * MAX_REL + 1
C = 8
EXTR = 88
LANES = 16
NV = D_MODEL // LANES
NB = 2 * SEQ_LEN

TC_ROWS = 256
SC_PER_W = (SEQ_LEN - TC_ROWS) // 32


def _sc_body(t_hbm, x_hbm, out_hbm, tbuf, xbuf, ext0, ext1, sem0, sem1):
    nc = 2
    wid = lax.axis_index("s") * nc + lax.axis_index("c")
    i0 = TC_ROWS + wid * SC_PER_W
    exts = (ext0, ext1)
    sems = (sem0, sem1)
    pltpu.sync_copy(t_hbm, tbuf)
    pltpu.sync_copy(x_hbm.at[pl.ds(i0, SC_PER_W)], xbuf)

    def build(t, ext):
        i = i0 + t
        q = C + lax.rem(i, C)
        xv = tuple(xbuf[t, pl.ds(v * LANES, LANES)] for v in range(NV))

        def build_row(m, xs):
            k = jnp.clip(m - q, 0, NROWS - 1)
            for v in range(NV):
                ext[m, pl.ds(v * LANES, LANES)] = tbuf[k, pl.ds(v * LANES, LANES)] + xs[v]
            return xs

        lax.fori_loop(0, EXTR, build_row, xv)

    def _cp(t, ext, sem, c2):
        i = i0 + t
        q = C + lax.rem(i, C)
        off = pl.multiple_of(jnp.clip(C * c2 - i + MAX_REL + q, 0, EXTR - C), C)
        dst = out_hbm.at[i, pl.ds(pl.multiple_of(C * c2, C), C)]
        return pltpu.make_async_copy(ext.at[pl.ds(off, C)], dst, sem)

    def fire(t, ext, sem):
        lax.fori_loop(0, SEQ_LEN // C, lambda c2, cc: (_cp(t, ext, sem, c2).start(), cc)[1], 0)

    def drain(t, ext, sem):
        lax.fori_loop(0, SEQ_LEN // C, lambda c2, cc: (_cp(t, ext, sem, c2).wait(), cc)[1], 0)

    def step(t, parity):
        ext = exts[parity]
        sem = sems[parity]
        drain(t - 2, ext, sem)
        build(t, ext)
        fire(t, ext, sem)

    build(0, ext0)
    fire(0, ext0, sem0)
    build(1, ext1)
    fire(1, ext1, sem1)

    def body_a(t, carry):
        step(t, 0)
        step(t + 1, 1)
        return carry

    lax.fori_loop(0, (SC_PER_W - 2) // 2, lambda s, cc: body_a(2 + 2 * s, cc), 0)

    drain(SC_PER_W - 2, ext0, sem0)
    drain(SC_PER_W - 1, ext1, sem1)


def _build_b_body(t_ref, b_ref):
    b_ref[0:480, :] = jnp.broadcast_to(t_ref[0:1, :], (480, D_MODEL))
    b_ref[480:544, :] = t_ref[1:65, :]
    b_ref[544:NB, :] = jnp.broadcast_to(t_ref[64:65, :], (NB - 544, D_MODEL))


def _tc_body(b_ref, x_ref, alias_ref, o_ref):
    del alias_ref
    g = pl.program_id(0)
    base = pl.multiple_of(8 * (SEQ_LEN // 8 - 1 - g), 8)
    v = b_ref[pl.ds(base, SEQ_LEN + 8), :]
    for u in range(8):
        o_ref[u] = v[7 - u : 7 - u + SEQ_LEN, :] + x_ref[u]


def kernel(x, relative_position_encoding):
    t = relative_position_encoding
    x2 = x.reshape(SEQ_LEN, D_MODEL)

    mesh = plsc.VectorSubcoreMesh(core_axis_name="c", subcore_axis_name="s")
    sc_out = pl.kernel(
        _sc_body,
        out_type=jax.ShapeDtypeStruct((SEQ_LEN, SEQ_LEN, D_MODEL), jnp.float32),
        mesh=mesh,
        scratch_types=[
            pltpu.VMEM((NROWS, D_MODEL), jnp.float32),
            pltpu.VMEM((SC_PER_W, D_MODEL), jnp.float32),
            pltpu.VMEM((EXTR, D_MODEL), jnp.float32),
            pltpu.VMEM((EXTR, D_MODEL), jnp.float32),
            pltpu.SemaphoreType.DMA,
            pltpu.SemaphoreType.DMA,
        ],
    )(t, x2)

    b = pl.pallas_call(
        _build_b_body,
        out_shape=jax.ShapeDtypeStruct((NB, D_MODEL), jnp.float32),
    )(t)

    out = pl.pallas_call(
        _tc_body,
        grid=(TC_ROWS // 8,),
        in_specs=[
            pl.BlockSpec((NB, D_MODEL), lambda g: (0, 0)),
            pl.BlockSpec((8, 1, D_MODEL), lambda g: (g, 0, 0)),
            pl.BlockSpec(memory_space=pltpu.MemorySpace.HBM),
        ],
        out_specs=pl.BlockSpec((8, SEQ_LEN, D_MODEL), lambda g: (g, 0, 0)),
        out_shape=jax.ShapeDtypeStruct((SEQ_LEN, SEQ_LEN, D_MODEL), jnp.float32),
        input_output_aliases={2: 0},
    )(b, x, sc_out)
    return out

# --- scband reference (transcript-rebuilt; emitter-appended) ---
"""Pipeline reference for scband-relative-positional-encoding-54185307406779 (READ-ONLY COPY).

The authoritative reference and input builder live on the scoring server;
editing this copy changes nothing except your own understanding.
"""

import jax, jax.numpy as jnp
import numpy as np

D_MODEL = 512
MAX_REL = 32
SEQ_LEN = 512
BATCH = 1


def setup_inputs(seed: int = 0) -> dict:
    key = jax.random.key(seed)
    k1, k2 = jax.random.split(key)
    x = jax.random.normal(k1, (SEQ_LEN, BATCH, D_MODEL), dtype=jnp.float32)
    relative_position_encoding = jax.random.normal(
        k2, (2 * MAX_REL + 1, D_MODEL), dtype=jnp.float32
    )
    return {"x": x, "relative_position_encoding": relative_position_encoding}


def reference(x, relative_position_encoding):
    # Faithful translation of RelativePositionalEncoding.forward (dropout in eval mode = identity)
    seq_len = x.shape[0]
    range_vec = jnp.arange(seq_len)
    range_mat = jnp.tile(range_vec[None, :], (seq_len, 1))
    distance_mat = range_mat - range_mat.T
    distance_mat_clipped = jnp.clip(distance_mat, -MAX_REL, MAX_REL)
    final_mat = distance_mat_clipped + MAX_REL
    # embedding gather: [S, S] int indices into [2*MAX_REL+1, d_model] table -> [S, S, d_model]
    embeddings = jnp.take(relative_position_encoding, final_mat, axis=0)
    # x: [S, B, d] broadcasts against embeddings: [S, S, d] (requires B == 1 or B == S)
    out = x + embeddings
    return out

if __name__ == "__main__":
    import jax
    _d = setup_inputs()
    print(jax.jit(kernel)(*tuple(_d.values())))

</pallas_src>

<mosaic_0001>
#map = affine_map<(d0, d1) -> (0, 0)>
#map1 = affine_map<(d0, d1) -> (0, 0, 0)>
module attributes {stable_mosaic.version = 14 : i64} {
  func.func @_sc_body(%arg0: i32, %arg1: i32, %arg2: memref<65x512xf32, #tpu.memory_space<hbm>>, %arg3: memref<512x512xf32, #tpu.memory_space<hbm>>, %arg4: memref<512x512x512xf32, #tpu.memory_space<hbm>>, %arg5: memref<65x512xf32, #tpu.memory_space<vmem>>, %arg6: memref<8x512xf32, #tpu.memory_space<vmem>>, %arg7: memref<88x512xf32, #tpu.memory_space<vmem>>, %arg8: memref<88x512xf32, #tpu.memory_space<vmem>>, %arg9: memref<!tpu.dma_semaphore, #tpu.memory_space<semaphore_mem>>, %arg10: memref<!tpu.dma_semaphore, #tpu.memory_space<semaphore_mem>>) attributes {dimension_semantics = [#tpu.dimension_semantics<core_parallel>, #tpu.dimension_semantics<subcore_parallel>], iteration_bounds = array<i64: 2, 16>, scalar_prefetch = 0 : i64, scratch_operands = 6 : i64, tpu.core_type = #tpu.core_type<sc_vector_subcore>, window_params = [{transform_indices = #map}, {transform_indices = #map}, {transform_indices = #map1}]} {
    %mul3A = arith.constant 2 : i32
    %mul3A_0 = arith.muli %arg1, %mul3A : i32
    %add3A = arith.addi %mul3A_0, %arg0 : i32
    %mul3A_1 = arith.constant 8 : i32
    %mul3A_2 = arith.muli %add3A, %mul3A_1 : i32
    %add3A_3 = arith.constant 256 : i32
    %add3A_4 = arith.addi %add3A_3, %mul3A_2 : i32
    "tpu.region"() ({
      %run_scoped3A = tpu.sem_alloc : memref<!tpu.dma_semaphore, #tpu.memory_space<semaphore_mem>>
      tpu.enqueue_dma source(%arg2 : memref<65x512xf32, #tpu.memory_space<hbm>>) target(%arg5 : memref<65x512xf32, #tpu.memory_space<vmem>>) target_semaphore(%run_scoped3A : memref<!tpu.dma_semaphore, #tpu.memory_space<semaphore_mem>>)
      tpu.wait_dma2 semaphore(%run_scoped3A : memref<!tpu.dma_semaphore, #tpu.memory_space<semaphore_mem>>) src(%arg2 : memref<65x512xf32, #tpu.memory_space<hbm>>) dst(%arg5 : memref<65x512xf32, #tpu.memory_space<vmem>>)
      tpu.yield
    }) : () -> ()
    "tpu.region"() ({
      %run_scoped3A = tpu.sem_alloc : memref<!tpu.dma_semaphore, #tpu.memory_space<semaphore_mem>>
      %dma_start3A = arith.constant 0 : i32
      %dma_start3A_374 = tpu.memref_slice %arg3[%add3A_4, %dma_start3A] : memref<512x512xf32, #tpu.memory_space<hbm>> -> memref<8x512xf32, #tpu.memory_space<hbm>>
      %dma_start3A_375 = arith.constant 0 : i32
      %dma_start3A_376 = tpu.memref_slice %arg3[%add3A_4, %dma_start3A_375] : memref<512x512xf32, #tpu.memory_space<hbm>> -> memref<8x512xf32, #tpu.memory_space<hbm>>
      tpu.enqueue_dma source(%dma_start3A_376 : memref<8x512xf32, #tpu.memory_space<hbm>>) target(%arg6 : memref<8x512xf32, #tpu.memory_space<vmem>>) target_semaphore(%run_scoped3A : memref<!tpu.dma_semaphore, #tpu.memory_space<semaphore_mem>>)
      %dma_wait3A = arith.constant 0 : i32
      %dma_wait3A_377 = tpu.memref_slice %arg3[%add3A_4, %dma_wait3A] : memref<512x512xf32, #tpu.memory_space<hbm>> -> memref<8x512xf32, #tpu.memory_space<hbm>>
      %dma_wait3A_378 = arith.constant 0 : i32
      %dma_wait3A_379 = tpu.memref_slice %arg3[%add3A_4, %dma_wait3A_378] : memref<512x512xf32, #tpu.memory_space<hbm>> -> memref<8x512xf32, #tpu.memory_space<hbm>>
      tpu.wait_dma2 semaphore(%run_scoped3A : memref<!tpu.dma_semaphore, #tpu.memory_space<semaphore_mem>>) src(%dma_wait3A_379 : memref<8x512xf32, #tpu.memory_space<hbm>>) dst(%arg6 : memref<8x512xf32, #tpu.memory_space<vmem>>)
      tpu.yield
    }) : () -> ()
    %add3A_5 = arith.constant 0 : i32
    %add3A_6 = arith.addi %add3A_4, %add3A_5 : i32
    %rem3A = arith.constant 8 : i32
    %rem3A_7 = arith.remsi %add3A_6, %rem3A : i32
    %add3A_8 = arith.constant 8 : i32
    %add3A_9 = arith.addi %add3A_8, %rem3A_7 : i32
    %get3A = arith.constant 0 : i32
    %get3A_10 = arith.index_cast %get3A : i32 to index
    %get3A_11 = arith.constant 0 : index
    %get3A_12 = tpu.vector_load %arg6[%get3A_10, %get3A_11] {strides = array<i32>} : memref<8x512xf32, #tpu.memory_space<vmem>>, vector<1x16xf32>,
    %get3A_13 = vector.shape_cast %get3A_12 : vector<1x16xf32> to vector<16xf32>
    %get3A_14 = arith.constant 0 : i32
    %get3A_15 = arith.index_cast %get3A_14 : i32 to index
    %get3A_16 = arith.constant 16 : index
    %get3A_17 = tpu.vector_load %arg6[%get3A_15, %get3A_16] {strides = array<i32>} : memref<8x512xf32, #tpu.memory_space<vmem>>, vector<1x16xf32>,
    %get3A_18 = vector.shape_cast %get3A_17 : vector<1x16xf32> to vector<16xf32>
    %get3A_19 = arith.constant 0 : i32
    %get3A_20 = arith.index_cast %get3A_19 : i32 to index
    %get3A_21 = arith.constant 32 : index
    %get3A_22 = tpu.vector_load %arg6[%get3A_20, %get3A_21] {strides = array<i32>} : memref<8x512xf32, #tpu.memory_space<vmem>>, vector<1x16xf32>,
    %get3A_23 = vector.shape_cast %get3A_22 : vector<1x16xf32> to vector<16xf32>
    %get3A_24 = arith.constant 0 : i32
    %get3A_25 = arith.index_cast %get3A_24 : i32 to index
    %get3A_26 = arith.constant 48 : index
    %get3A_27 = tpu.vector_load %arg6[%get3A_25, %get3A_26] {strides = array<i32>} : memref<8x512xf32, #tpu.memory_space<vmem>>, vector<1x16xf32>,
    %get3A_28 = vector.shape_cast %get3A_27 : vector<1x16xf32> to vector<16xf32>
    %get3A_29 = arith.constant 0 : i32
    %get3A_30 = arith.index_cast %get3A_29 : i32 to index
    %get3A_31 = arith.constant 64 : index
    %get3A_32 = tpu.vector_load %arg6[%get3A_30, %get3A_31] {strides = array<i32>} : memref<8x512xf32, #tpu.memory_space<vmem>>, vector<1x16xf32>,
    %get3A_33 = vector.shape_cast %get3A_32 : vector<1x16xf32> to vector<16xf32>
    %get3A_34 = arith.constant 0 : i32
    %get3A_35 = arith.index_cast %get3A_34 : i32 to index
    %get3A_36 = arith.constant 80 : index
    %get3A_37 = tpu.vector_load %arg6[%get3A_35, %get3A_36] {strides = array<i32>} : memref<8x512xf32, #tpu.memory_space<vmem>>, vector<1x16xf32>,
    %get3A_38 = vector.shape_cast %get3A_37 : vector<1x16xf32> to vector<16xf32>
    %get3A_39 = arith.constant 0 : i32
    %get3A_40 = arith.index_cast %get3A_39 : i32 to index
    %get3A_41 = arith.constant 96 : index
    %get3A_42 = tpu.vector_load %arg6[%get3A_40, %get3A_41] {strides = array<i32>} : memref<8x512xf32, #tpu.memory_space<vmem>>, vector<1x16xf32>,
    %get3A_43 = vector.shape_cast %get3A_42 : vector<1x16xf32> to vector<16xf32>
    %get3A_44 = arith.constant 0 : i32
    %get3A_45 = arith.index_cast %get3A_44 : i32 to index
    %get3A_46 = arith.constant 112 : index
    %get3A_47 = tpu.vector_load %arg6[%get3A_45, %get3A_46] {strides = array<i32>} : memref<8x512xf32, #tpu.memory_space<vmem>>, vector<1x16xf32>,
    %get3A_48 = vector.shape_cast %get3A_47 : vector<1x16xf32> to vector<16xf32>
    %get3A_49 = arith.constant 0 : i32
    %get3A_50 = arith.index_cast %get3A_49 : i32 to index
    %get3A_51 = arith.constant 128 : index
    %get3A_52 = tpu.vector_load %arg6[%get3A_50, %get3A_51] {strides = array<i32>} : memref<8x512xf32, #tpu.memory_space<vmem>>, vector<1x16xf32>,
    %get3A_53 = vector.shape_cast %get3A_52 : vector<1x16xf32> to vector<16xf32>
    %get3A_54 = arith.constant 0 : i32
    %get3A_55 = arith.index_cast %get3A_54 : i32 to index
    %get3A_56 = arith.constant 144 : index
    %get3A_57 = tpu.vector_load %arg6[%get3A_55, %get3A_56] {strides = array<i32>} : memref<8x512xf32, #tpu.memory_space<vmem>>, vector<1x16xf32>,
    %get3A_58 = vector.shape_cast %get3A_57 : vector<1x16xf32> to vector<16xf32>
    %get3A_59 = arith.constant 0 : i32
    %get3A_60 = arith.index_cast %get3A_59 : i32 to index
    %get3A_61 = arith.constant 160 : index
    %get3A_62 = tpu.vector_load %arg6[%get3A_60, %get3A_61] {strides = array<i32>} : memref<8x512xf32, #tpu.memory_space<vmem>>, vector<1x16xf32>,
    %get3A_63 = vector.shape_cast %get3A_62 : vector<1x16xf32> to vector<16xf32>
    %get3A_64 = arith.constant 0 : i32
    %get3A_65 = arith.index_cast %get3A_64 : i32 to index
    %get3A_66 = arith.constant 176 : index
    %get3A_67 = tpu.vector_load %arg6[%get3A_65, %get3A_66] {strides = array<i32>} : memref<8x512xf32, #tpu.memory_space<vmem>>, vector<1x16xf32>,
    %get3A_68 = vector.shape_cast %get3A_67 : vector<1x16xf32> to vector<16xf32>
    %get3A_69 = arith.constant 0 : i32
    %get3A_70 = arith.index_cast %get3A_69 : i32 to index
    %get3A_71 = arith.constant 192 : index
    %get3A_72 = tpu.vector_load %arg6[%get3A_70, %get3A_71] {strides = array<i32>} : memref<8x512xf32, #tpu.memory_space<vmem>>, vector<1x16xf32>,
    %get3A_73 = vector.shape_cast %get3A_72 : vector<1x16xf32> to vector<16xf32>
    %get3A_74 = arith.constant 0 : i32
    %get3A_75 = arith.index_cast %get3A_74 : i32 to index
    %get3A_76 = arith.constant 208 : index
    %get3A_77 = tpu.vector_load %arg6[%get3A_75, %get3A_76] {strides = array<i32>} : memref<8x512xf32, #tpu.memory_space<vmem>>, vector<1x16xf32>,
    %get3A_78 = vector.shape_cast %get3A_77 : vector<1x16xf32> to vector<16xf32>
    %get3A_79 = arith.constant 0 : i32
    %get3A_80 = arith.index_cast %get3A_79 : i32 to index
    %get3A_81 = arith.constant 224 : index
    %get3A_82 = tpu.vector_load %arg6[%get3A_80, %get3A_81] {strides = array<i32>} : memref<8x512xf32, #tpu.memory_space<vmem>>, vector<1x16xf32>,
    %get3A_83 = vector.shape_cast %get3A_82 : vector<1x16xf32> to vector<16xf32>
    %get3A_84 = arith.constant 0 : i32
    %get3A_85 = arith.index_cast %get3A_84 : i32 to index
    %get3A_86 = arith.constant 240 : index
    %get3A_87 = tpu.vector_load %arg6[%get3A_85, %get3A_86] {strides = array<i32>} : memref<8x512xf32, #tpu.memory_space<vmem>>, vector<1x16xf32>,
    %get3A_88 = vector.shape_cast %get3A_87 : vector<1x16xf32> to vector<16xf32>
    %get3A_89 = arith.constant 0 : i32
    %get3A_90 = arith.index_cast %get3A_89 : i32 to index
    %get3A_91 = arith.constant 256 : index
    %get3A_92 = tpu.vector_load %arg6[%get3A_90, %get3A_91] {strides = array<i32>} : memref<8x512xf32, #tpu.memory_space<vmem>>, vector<1x16xf32>,
    %get3A_93 = vector.shape_cast %get3A_92 : vector<1x16xf32> to vector<16xf32>
    %get3A_94 = arith.constant 0 : i32
    %get3A_95 = arith.index_cast %get3A_94 : i32 to index
    %get3A_96 = arith.constant 272 : index
    %get3A_97 = tpu.vector_load %arg6[%get3A_95, %get3A_96] {strides = array<i32>} : memref<8x512xf32, #tpu.memory_space<vmem>>, vector<1x16xf32>,
    %get3A_98 = vector.shape_cast %get3A_97 : vector<1x16xf32> to vector<16xf32>
    %get3A_99 = arith.constant 0 : i32
    %get3A_100 = arith.index_cast %get3A_99 : i32 to index
    %get3A_101 = arith.constant 288 : index
    %get3A_102 = tpu.vector_load %arg6[%get3A_100, %get3A_101] {strides = array<i32>} : memref<8x512xf32, #tpu.memory_space<vmem>>, vector<1x16xf32>,
    %get3A_103 = vector.shape_cast %get3A_102 : vector<1x16xf32> to vector<16xf32>
    %get3A_104 = arith.constant 0 : i32
    %get3A_105 = arith.index_cast %get3A_104 : i32 to index
    %get3A_106 = arith.constant 304 : index
    %get3A_107 = tpu.vector_load %arg6[%get3A_105, %get3A_106] {strides = array<i32>} : memref<8x512xf32, #tpu.memory_space<vmem>>, vector<1x16xf32>,
    %get3A_108 = vector.shape_cast %get3A_107 : vector<1x16xf32> to vector<16xf32>
    %get3A_109 = arith.constant 0 : i32
    %get3A_110 = arith.index_cast %get3A_109 : i32 to index
    %get3A_111 = arith.constant 320 : index
    %get3A_112 = tpu.vector_load %arg6[%get3A_110, %get3A_111] {strides = array<i32>} : memref<8x512xf32, #tpu.memory_space<vmem>>, vector<1x16xf32>,
    %get3A_113 = vector.shape_cast %get3A_112 : vector<1x16xf32> to vector<16xf32>
    %get3A_114 = arith.constant 0 : i32
    %get3A_115 = arith.index_cast %get3A_114 : i32 to index
    %get3A_116 = arith.constant 336 : index
    %get3A_117 = tpu.vector_load %arg6[%get3A_115, %get3A_116] {strides = array<i32>} : memref<8x512xf32, #tpu.memory_space<vmem>>, vector<1x16xf32>,
    %get3A_118 = vector.shape_cast %get3A_117 : vector<1x16xf32> to vector<16xf32>
    %get3A_119 = arith.constant 0 : i32
    %get3A_120 = arith.index_cast %get3A_119 : i32 to index
    %get3A_121 = arith.constant 352 : index
    %get3A_122 = tpu.vector_load %arg6[%get3A_120, %get3A_121] {strides = array<i32>} : memref<8x512xf32, #tpu.memory_space<vmem>>, vector<1x16xf32>,
    %get3A_123 = vector.shape_cast %get3A_122 : vector<1x16xf32> to vector<16xf32>
    %get3A_124 = arith.constant 0 : i32
    %get3A_125 = arith.index_cast %get3A_124 : i32 to index
    %get3A_126 = arith.constant 368 : index
    %get3A_127 = tpu.vector_load %arg6[%get3A_125, %get3A_126] {strides = array<i32>} : memref<8x512xf32, #tpu.memory_space<vmem>>, vector<1x16xf32>,
    %get3A_128 = vector.shape_cast %get3A_127 : vector<1x16xf32> to vector<16xf32>
    %get3A_129 = arith.constant 0 : i32
    %get3A_130 = arith.index_cast %get3A_129 : i32 to index
    %get3A_131 = arith.constant 384 : index
    %get3A_132 = tpu.vector_load %arg6[%get3A_130, %get3A_131] {strides = array<i32>} : memref<8x512xf32, #tpu.memory_space<vmem>>, vector<1x16xf32>,
    %get3A_133 = vector.shape_cast %get3A_132 : vector<1x16xf32> to vector<16xf32>
    %get3A_134 = arith.constant 0 : i32
    %get3A_135 = arith.index_cast %get3A_134 : i32 to index
    %get3A_136 = arith.constant 400 : index
    %get3A_137 = tpu.vector_load %arg6[%get3A_135, %get3A_136] {strides = array<i32>} : memref<8x512xf32, #tpu.memory_space<vmem>>, vector<1x16xf32>,
    %get3A_138 = vector.shape_cast %get3A_137 : vector<1x16xf32> to vector<16xf32>
    %get3A_139 = arith.constant 0 : i32
    %get3A_140 = arith.index_cast %get3A_139 : i32 to index
    %get3A_141 = arith.constant 416 : index
    %get3A_142 = tpu.vector_load %arg6[%get3A_140, %get3A_141] {strides = array<i32>} : memref<8x512xf32, #tpu.memory_space<vmem>>, vector<1x16xf32>,
    %get3A_143 = vector.shape_cast %get3A_142 : vector<1x16xf32> to vector<16xf32>
    %get3A_144 = arith.constant 0 : i32
    %get3A_145 = arith.index_cast %get3A_144 : i32 to index
    %get3A_146 = arith.constant 432 : index
    %get3A_147 = tpu.vector_load %arg6[%get3A_145, %get3A_146] {strides = array<i32>} : memref<8x512xf32, #tpu.memory_space<vmem>>, vector<1x16xf32>,
    %get3A_148 = vector.shape_cast %get3A_147 : vector<1x16xf32> to vector<16xf32>
    %get3A_149 = arith.constant 0 : i32
    %get3A_150 = arith.index_cast %get3A_149 : i32 to index
    %get3A_151 = arith.constant 448 : index
    %get3A_152 = tpu.vector_load %arg6[%get3A_150, %get3A_151] {strides = array<i32>} : memref<8x512xf32, #tpu.memory_space<vmem>>, vector<1x16xf32>,
    %get3A_153 = vector.shape_cast %get3A_152 : vector<1x16xf32> to vector<16xf32>
    %get3A_154 = arith.constant 0 : i32
    %get3A_155 = arith.index_cast %get3A_154 : i32 to index
    %get3A_156 = arith.constant 464 : index
    %get3A_157 = tpu.vector_load %arg6[%get3A_155, %get3A_156] {strides = array<i32>} : memref<8x512xf32, #tpu.memory_space<vmem>>, vector<1x16xf32>,
    %get3A_158 = vector.shape_cast %get3A_157 : vector<1x16xf32> to vector<16xf32>
    %get3A_159 = arith.constant 0 : i32
    %get3A_160 = arith.index_cast %get3A_159 : i32 to index
    %get3A_161 = arith.constant 480 : index
    %get3A_162 = tpu.vector_load %arg6[%get3A_160, %get3A_161] {strides = array<i32>} : memref<8x512xf32, #tpu.memory_space<vmem>>, vector<1x16xf32>,
    %get3A_163 = vector.shape_cast %get3A_162 : vector<1x16xf32> to vector<16xf32>
    %get3A_164 = arith.constant 0 : i32
    %get3A_165 = arith.index_cast %get3A_164 : i32 to index
    %get3A_166 = arith.constant 496 : index
    %get3A_167 = tpu.vector_load %arg6[%get3A_165, %get3A_166] {strides = array<i32>} : memref<8x512xf32, #tpu.memory_space<vmem>>, vector<1x16xf32>,
    %get3A_168 = vector.shape_cast %get3A_167 : vector<1x16xf32> to vector<16xf32>
    %scan3A = arith.constant 0 : i32
    %scan3A_169 = arith.constant 88 : i32
    %scan3A_170 = arith.addi %scan3A, %scan3A_169 : i32
    %scan3A_171 = arith.constant 1 : i32
    scf.for %scan3A_374 = %scan3A to %scan3A_170 step %scan3A_171  : i32 {
      %sub3A = arith.subi %scan3A_374, %add3A_9 : i32
      %jit3A = arith.constant 0 : i32
      %jit3A_375 = arith.constant 64 : i32
      %max3A = arith.maxsi %jit3A, %sub3A : i32
      %min3A = arith.minsi %jit3A_375, %max3A : i32
      %get3A_376 = arith.index_cast %min3A : i32 to index
      %get3A_377 = arith.constant 0 : index
      %get3A_378 = tpu.vector_load %arg5[%get3A_376, %get3A_377] {strides = array<i32>} : memref<65x512xf32, #tpu.memory_space<vmem>>, vector<1x16xf32>,
      %get3A_379 = vector.shape_cast %get3A_378 : vector<1x16xf32> to vector<16xf32>
      %add3A_380 = arith.addf %get3A_379, %get3A_13 : vector<16xf32>
      %swap3A = arith.index_cast %scan3A_374 : i32 to index
      %swap3A_381 = arith.constant 0 : index
      %swap3A_382 = tpu.vector_load %arg7[%swap3A, %swap3A_381] {strides = array<i32>} : memref<88x512xf32, #tpu.memory_space<vmem>>, vector<1x16xf32>,
      %swap3A_383 = vector.shape_cast %swap3A_382 : vector<1x16xf32> to vector<16xf32>
      %swap3A_384 = vector.shape_cast %add3A_380 : vector<16xf32> to vector<1x16xf32>
      tpu.vector_store %arg7[%swap3A, %swap3A_381], %swap3A_384 {strides = array<i32>} : memref<88x512xf32, #tpu.memory_space<vmem>>, vector<1x16xf32>,
      %get3A_385 = arith.index_cast %min3A : i32 to index
      %get3A_386 = arith.constant 16 : index
      %get3A_387 = tpu.vector_load %arg5[%get3A_385, %get3A_386] {strides = array<i32>} : memref<65x512xf32, #tpu.memory_space<vmem>>, vector<1x16xf32>,
      %get3A_388 = vector.shape_cast %get3A_387 : vector<1x16xf32> to vector<16xf32>
      %add3A_389 = arith.addf %get3A_388, %get3A_18 : vector<16xf32>
      %swap3A_390 = arith.index_cast %scan3A_374 : i32 to index
      %swap3A_391 = arith.constant 16 : index
      %swap3A_392 = tpu.vector_load %arg7[%swap3A_390, %swap3A_391] {strides = array<i32>} : memref<88x512xf32, #tpu.memory_space<vmem>>, vector<1x16xf32>,
      %swap3A_393 = vector.shape_cast %swap3A_392 : vector<1x16xf32> to vector<16xf32>
      %swap3A_394 = vector.shape_cast %add3A_389 : vector<16xf32> to vector<1x16xf32>
      tpu.vector_store %arg7[%swap3A_390, %swap3A_391], %swap3A_394 {strides = array<i32>} : memref<88x512xf32, #tpu.memory_space<vmem>>, vector<1x16xf32>,
      %get3A_395 = arith.index_cast %min3A : i32 to index
      %get3A_396 = arith.constant 32 : index
      %get3A_397 = tpu.vector_load %arg5[%get3A_395, %get3A_396] {strides = array<i32>} : memref<65x512xf32, #tpu.memory_space<vmem>>, vector<1x16xf32>,
      %get3A_398 = vector.shape_cast %get3A_397 : vector<1x16xf32> to vector<16xf32>
      %add3A_399 = arith.addf %get3A_398, %get3A_23 : vector<16xf32>
      %swap3A_400 = arith.index_cast %scan3A_374 : i32 to index
      %swap3A_401 = arith.constant 32 : index
      %swap3A_402 = tpu.vector_load %arg7[%swap3A_400, %swap3A_401] {strides = array<i32>} : memref<88x512xf32, #tpu.memory_space<vmem>>, vector<1x16xf32>,
      %swap3A_403 = vector.shape_cast %swap3A_402 : vector<1x16xf32> to vector<16xf32>
      %swap3A_404 = vector.shape_cast %add3A_399 : vector<16xf32> to vector<1x16xf32>
      tpu.vector_store %arg7[%swap3A_400, %swap3A_401], %swap3A_404 {strides = array<i32>} : memref<88x512xf32, #tpu.memory_space<vmem>>, vector<1x16xf32>,
      %get3A_405 = arith.index_cast %min3A : i32 to index
      %get3A_406 = arith.constant 48 : index
      %get3A_407 = tpu.vector_load %arg5[%get3A_405, %get3A_406] {strides = array<i32>} : memref<65x512xf32, #tpu.memory_space<vmem>>, vector<1x16xf32>,
      %get3A_408 = vector.shape_cast %get3A_407 : vector<1x16xf32> to vector<16xf32>
      %add3A_409 = arith.addf %get3A_408, %get3A_28 : vector<16xf32>
      %swap3A_410 = arith.index_cast %scan3A_374 : i32 to index
      %swap3A_411 = arith.constant 48 : index
      %swap3A_412 = tpu.vector_load %arg7[%swap3A_410, %swap3A_411] {strides = array<i32>} : memref<88x512xf32, #tpu.memory_space<vmem>>, vector<1x16xf32>,
      %swap3A_413 = vector.shape_cast %swap3A_412 : vector<1x16xf32> to vector<16xf32>
      %swap3A_414 = vector.shape_cast %add3A_409 : vector<16xf32> to vector<1x16xf32>
      tpu.vector_store %arg7[%swap3A_410, %swap3A_411], %swap3A_414 {strides = array<i32>} : memref<88x512xf32, #tpu.memory_space<vmem>>, vector<1x16xf32>,
      %get3A_415 = arith.index_cast %min3A : i32 to index
      %get3A_416 = arith.constant 64 : index
      %get3A_417 = tpu.vector_load %arg5[%get3A_415, %get3A_416] {strides = array<i32>} : memref<65x512xf32, #tpu.memory_space<vmem>>, vector<1x16xf32>,
      %get3A_418 = vector.shape_cast %get3A_417 : vector<1x16xf32> to vector<16xf32>
      %add3A_419 = arith.addf %get3A_418, %get3A_33 : vector<16xf32>
      %swap3A_420 = arith.index_cast %scan3A_374 : i32 to index
      %swap3A_421 = arith.constant 64 : index
      %swap3A_422 = tpu.vector_load %arg7[%swap3A_420, %swap3A_421] {strides = array<i32>} : memref<88x512xf32, #tpu.memory_space<vmem>>, vector<1x16xf32>,
      %swap3A_423 = vector.shape_cast %swap3A_422 : vector<1x16xf32> to vector<16xf32>
      %swap3A_424 = vector.shape_cast %add3A_419 : vector<16xf32> to vector<1x16xf32>
      tpu.vector_store %arg7[%swap3A_420, %swap3A_421], %swap3A_424 {strides = array<i32>} : memref<88x512xf32, #tpu.memory_space<vmem>>, vector<1x16xf32>,
      %get3A_425 = arith.index_cast %min3A : i32 to index
      %get3A_426 = arith.constant 80 : index
      %get3A_427 = tpu.vector_load %arg5[%get3A_425, %get3A_426] {strides = array<i32>} : memref<65x512xf32, #tpu.memory_space<vmem>>, vector<1x16xf32>,
      %get3A_428 = vector.shape_cast %get3A_427 : vector<1x16xf32> to vector<16xf32>
      %add3A_429 = arith.addf %get3A_428, %get3A_38 : vector<16xf32>
      %swap3A_430 = arith.index_cast %scan3A_374 : i32 to index
      %swap3A_431 = arith.constant 80 : index
      %swap3A_432 = tpu.vector_load %arg7[%swap3A_430, %swap3A_431] {strides = array<i32>} : memref<88x512xf32, #tpu.memory_space<vmem>>, vector<1x16xf32>,
      %swap3A_433 = vector.shape_cast %swap3A_432 : vector<1x16xf32> to vector<16xf32>
      %swap3A_434 = vector.shape_cast %add3A_429 : vector<16xf32> to vector<1x16xf32>
      tpu.vector_store %arg7[%swap3A_430, %swap3A_431], %swap3A_434 {strides = array<i32>} : memref<88x512xf32, #tpu.memory_space<vmem>>, vector<1x16xf32>,
      %get3A_435 = arith.index_cast %min3A : i32 to index
      %get3A_436 = arith.constant 96 : index
      %get3A_437 = tpu.vector_load %arg5[%get3A_435, %get3A_436] {strides = array<i32>} : memref<65x512xf32, #tpu.memory_space<vmem>>, vector<1x16xf32>,
      %get3A_438 = vector.shape_cast %get3A_437 : vector<1x16xf32> to vector<16xf32>
      %add3A_439 = arith.addf %get3A_438, %get3A_43 : vector<16xf32>
      %swap3A_440 = arith.index_cast %scan3A_374 : i32 to index
      %swap3A_441 = arith.constant 96 : index
      %swap3A_442 = tpu.vector_load %arg7[%swap3A_440, %swap3A_441] {strides = array<i32>} : memref<88x512xf32, #tpu.memory_space<vmem>>, vector<1x16xf32>,
      %swap3A_443 = vector.shape_cast %swap3A_442 : vector<1x16xf32> to vector<16xf32>
      %swap3A_444 = vector.shape_cast %add3A_439 : vector<16xf32> to vector<1x16xf32>
      tpu.vector_store %arg7[%swap3A_440, %swap3A_441], %swap3A_444 {strides = array<i32>} : memref<88x512xf32, #tpu.memory_space<vmem>>, vector<1x16xf32>,
      %get3A_445 = arith.index_cast %min3A : i32 to index
      %get3A_446 = arith.constant 112 : index
      %get3A_447 = tpu.vector_load %arg5[%get3A_445, %get3A_446] {strides = array<i32>} : memref<65x512xf32, #tpu.memory_space<vmem>>, vector<1x16xf32>,
      %get3A_448 = vector.shape_cast %get3A_447 : vector<1x16xf32> to vector<16xf32>
      %add3A_449 = arith.addf %get3A_448, %get3A_48 : vector<16xf32>
      %swap3A_450 = arith.index_cast %scan3A_374 : i32 to index
      %swap3A_451 = arith.constant 112 : index
      %swap3A_452 = tpu.vector_load %arg7[%swap3A_450, %swap3A_451] {strides = array<i32>} : memref<88x512xf32, #tpu.memory_space<vmem>>, vector<1x16xf32>,
      %swap3A_453 = vector.shape_cast %swap3A_452 : vector<1x16xf32> to vector<16xf32>
      %swap3A_454 = vector.shape_cast %add3A_449 : vector<16xf32> to vector<1x16xf32>
      tpu.vector_store %arg7[%swap3A_450, %swap3A_451], %swap3A_454 {strides = array<i32>} : memref<88x512xf32, #tpu.memory_space<vmem>>, vector<1x16xf32>,
      %get3A_455 = arith.index_cast %min3A : i32 to index
      %get3A_456 = arith.constant 128 : index
      %get3A_457 = tpu.vector_load %arg5[%get3A_455, %get3A_456] {strides = array<i32>} : memref<65x512xf32, #tpu.memory_space<vmem>>, vector<1x16xf32>,
      %get3A_458 = vector.shape_cast %get3A_457 : vector<1x16xf32> to vector<16xf32>
      %add3A_459 = arith.addf %get3A_458, %get3A_53 : vector<16xf32>
      %swap3A_460 = arith.index_cast %scan3A_374 : i32 to index
      %swap3A_461 = arith.constant 128 : index
      %swap3A_462 = tpu.vector_load %arg7[%swap3A_460, %swap3A_461] {strides = array<i32>} : memref<88x512xf32, #tpu.memory_space<vmem>>, vector<1x16xf32>,
      %swap3A_463 = vector.shape_cast %swap3A_462 : vector<1x16xf32> to vector<16xf32>
      %swap3A_464 = vector.shape_cast %add3A_459 : vector<16xf32> to vector<1x16xf32>
      tpu.vector_store %arg7[%swap3A_460, %swap3A_461], %swap3A_464 {strides = array<i32>} : memref<88x512xf32, #tpu.memory_space<vmem>>, vector<1x16xf32>,
      %get3A_465 = arith.index_cast %min3A : i32 to index
      %get3A_466 = arith.constant 144 : index
      %get3A_467 = tpu.vector_load %arg5[%get3A_465, %get3A_466] {strides = array<i32>} : memref<65x512xf32, #tpu.memory_space<vmem>>, vector<1x16xf32>,
      %get3A_468 = vector.shape_cast %get3A_467 : vector<1x16xf32> to vector<16xf32>
      %add3A_469 = arith.addf %get3A_468, %get3A_58 : vector<16xf32>
      %swap3A_470 = arith.index_cast %scan3A_374 : i32 to index
      %swap3A_471 = arith.constant 144 : index
      %swap3A_472 = tpu.vector_load %arg7[%swap3A_470, %swap3A_471] {strides = array<i32>} : memref<88x512xf32, #tpu.memory_space<vmem>>, vector<1x16xf32>,
      %swap3A_473 = vector.shape_cast %swap3A_472 : vector<1x16xf32> to vector<16xf32>
      %swap3A_474 = vector.shape_cast %add3A_469 : vector<16xf32> to vector<1x16xf32>
      tpu.vector_store %arg7[%swap3A_470, %swap3A_471], %swap3A_474 {strides = array<i32>} : memref<88x512xf32, #tpu.memory_space<vmem>>, vector<1x16xf32>,
      %get3A_475 = arith.index_cast %min3A : i32 to index
      %get3A_476 = arith.constant 160 : index
      %get3A_477 = tpu.vector_load %arg5[%get3A_475, %get3A_476] {strides = array<i32>} : memref<65x512xf32, #tpu.memory_space<vmem>>, vector<1x16xf32>,
      %get3A_478 = vector.shape_cast %get3A_477 : vector<1x16xf32> to vector<16xf32>
      %add3A_479 = arith.addf %get3A_478, %get3A_63 : vector<16xf32>
      %swap3A_480 = arith.index_cast %scan3A_374 : i32 to index
      %swap3A_481 = arith.constant 160 : index
      %swap3A_482 = tpu.vector_load %arg7[%swap3A_480, %swap3A_481] {strides = array<i32>} : memref<88x512xf32, #tpu.memory_space<vmem>>, vector<1x16xf32>,
      %swap3A_483 = vector.shape_cast %swap3A_482 : vector<1x16xf32> to vector<16xf32>
      %swap3A_484 = vector.shape_cast %add3A_479 : vector<16xf32> to vector<1x16xf32>
      tpu.vector_store %arg7[%swap3A_480, %swap3A_481], %swap3A_484 {strides = array<i32>} : memref<88x512xf32, #tpu.memory_space<vmem>>, vector<1x16xf32>,
      %get3A_485 = arith.index_cast %min3A : i32 to index
      %get3A_486 = arith.constant 176 : index
      %get3A_487 = tpu.vector_load %arg5[%get3A_485, %get3A_486] {strides = array<i32>} : memref<65x512xf32, #tpu.memory_space<vmem>>, vector<1x16xf32>,
      %get3A_488 = vector.shape_cast %get3A_487 : vector<1x16xf32> to vector<16xf32>
      %add3A_489 = arith.addf %get3A_488, %get3A_68 : vector<16xf32>
      %swap3A_490 = arith.index_cast %scan3A_374 : i32 to index
      %swap3A_491 = arith.constant 176 : index
      %swap3A_492 = tpu.vector_load %arg7[%swap3A_490, %swap3A_491] {strides = array<i32>} : memref<88x512xf32, #tpu.memory_space<vmem>>, vector<1x16xf32>,
      %swap3A_493 = vector.shape_cast %swap3A_492 : vector<1x16xf32> to vector<16xf32>
      %swap3A_494 = vector.shape_cast %add3A_489 : vector<16xf32> to vector<1x16xf32>
      tpu.vector_store %arg7[%swap3A_490, %swap3A_491], %swap3A_494 {strides = array<i32>} : memref<88x512xf32, #tpu.memory_space<vmem>>, vector<1x16xf32>,
      %get3A_495 = arith.index_cast %min3A : i32 to index
      %get3A_496 = arith.constant 192 : index
      %get3A_497 = tpu.vector_load %arg5[%get3A_495, %get3A_496] {strides = array<i32>} : memref<65x512xf32, #tpu.memory_space<vmem>>, vector<1x16xf32>,
      %get3A_498 = vector.shape_cast %get3A_497 : vector<1x16xf32> to vector<16xf32>
      %add3A_499 = arith.addf %get3A_498, %get3A_73 : vector<16xf32>
      %swap3A_500 = arith.index_cast %scan3A_374 : i32 to index
      %swap3A_501 = arith.constant 192 : index
      %swap3A_502 = tpu.vector_load %arg7[%swap3A_500, %swap3A_501] {strides = array<i32>} : memref<88x512xf32, #tpu.memory_space<vmem>>, vector<1x16xf32>,
      %swap3A_503 = vector.shape_cast %swap3A_502 : vector<1x16xf32> to vector<16xf32>
      %swap3A_504 = vector.shape_cast %add3A_499 : vector<16xf32> to vector<1x16xf32>
      tpu.vector_store %arg7[%swap3A_500, %swap3A_501], %swap3A_504 {strides = array<i32>} : memref<88x512xf32, #tpu.memory_space<vmem>>, vector<1x16xf32>,
      %get3A_505 = arith.index_cast %min3A : i32 to index
      %get3A_506 = arith.constant 208 : index
      %get3A_507 = tpu.vector_load %arg5[%get3A_505, %get3A_506] {strides = array<i32>} : memref<65x512xf32, #tpu.memory_space<vmem>>, vector<1x16xf32>,
      %get3A_508 = vector.shape_cast %get3A_507 : vector<1x16xf32> to vector<16xf32>
      %add3A_509 = arith.addf %get3A_508, %get3A_78 : vector<16xf32>
      %swap3A_510 = arith.index_cast %scan3A_374 : i32 to index
      %swap3A_511 = arith.constant 208 : index
      %swap3A_512 = tpu.vector_load %arg7[%swap3A_510, %swap3A_511] {strides = array<i32>} : memref<88x512xf32, #tpu.memory_space<vmem>>, vector<1x16xf32>,
      %swap3A_513 = vector.shape_cast %swap3A_512 : vector<1x16xf32> to vector<16xf32>
      %swap3A_514 = vector.shape_cast %add3A_509 : vector<16xf32> to vector<1x16xf32>
      tpu.vector_store %arg7[%swap3A_510, %swap3A_511], %swap3A_514 {strides = array<i32>} : memref<88x512xf32, #tpu.memory_space<vmem>>, vector<1x16xf32>,
      %get3A_515 = arith.index_cast %min3A : i32 to index
      %get3A_516 = arith.constant 224 : index
      %get3A_517 = tpu.vector_load %arg5[%get3A_515, %get3A_516] {strides = array<i32>} : memref<65x512xf32, #tpu.memory_space<vmem>>, vector<1x16xf32>,
      %get3A_518 = vector.shape_cast %get3A_517 : vector<1x16xf32> to vector<16xf32>
      %add3A_519 = arith.addf %get3A_518, %get3A_83 : vector<16xf32>
      %swap3A_520 = arith.index_cast %scan3A_374 : i32 to index
      %swap3A_521 = arith.constant 224 : index
      %swap3A_522 = tpu.vector_load %arg7[%swap3A_520, %swap3A_521] {strides = array<i32>} : memref<88x512xf32, #tpu.memory_space<vmem>>, vector<1x16xf32>,
      %swap3A_523 = vector.shape_cast %swap3A_522 : vector<1x16xf32> to vector<16xf32>
      %swap3A_524 = vector.shape_cast %add3A_519 : vector<16xf32> to vector<1x16xf32>
      tpu.vector_store %arg7[%swap3A_520, %swap3A_521], %swap3A_524 {strides = array<i32>} : memref<88x512xf32, #tpu.memory_space<vmem>>, vector<1x16xf32>,
      %get3A_525 = arith.index_cast %min3A : i32 to index
      %get3A_526 = arith.constant 240 : index
      %get3A_527 = tpu.vector_load %arg5[%get3A_525, %get3A_526] {strides = array<i32>} : memref<65x512xf32, #tpu.memory_space<vmem>>, vector<1x16xf32>,
      %get3A_528 = vector.shape_cast %get3A_527 : vector<1x16xf32> to vector<16xf32>
      %add3A_529 = arith.addf %get3A_528, %get3A_88 : vector<16xf32>
      %swap3A_530 = arith.index_cast %scan3A_374 : i32 to index
      %swap3A_531 = arith.constant 240 : index
      %swap3A_532 = tpu.vector_load %arg7[%swap3A_530, %swap3A_531] {strides = array<i32>} : memref<88x512xf32, #tpu.memory_space<vmem>>, vector<1x16xf32>,
      %swap3A_533 = vector.shape_cast %swap3A_532 : vector<1x16xf32> to vector<16xf32>
      %swap3A_534 = vector.shape_cast %add3A_529 : vector<16xf32> to vector<1x16xf32>
      tpu.vector_store %arg7[%swap3A_530, %swap3A_531], %swap3A_534 {strides = array<i32>} : memref<88x512xf32, #tpu.memory_space<vmem>>, vector<1x16xf32>,
      %get3A_535 = arith.index_cast %min3A : i32 to index
      %get3A_536 = arith.constant 256 : index
      %get3A_537 = tpu.vector_load %arg5[%get3A_535, %get3A_536] {strides = array<i32>} : memref<65x512xf32, #tpu.memory_space<vmem>>, vector<1x16xf32>,
      %get3A_538 = vector.shape_cast %get3A_537 : vector<1x16xf32> to vector<16xf32>
      %add3A_539 = arith.addf %get3A_538, %get3A_93 : vector<16xf32>
      %swap3A_540 = arith.index_cast %scan3A_374 : i32 to index
      %swap3A_541 = arith.constant 256 : index
      %swap3A_542 = tpu.vector_load %arg7[%swap3A_540, %swap3A_541] {strides = array<i32>} : memref<88x512xf32, #tpu.memory_space<vmem>>, vector<1x16xf32>,
      %swap3A_543 = vector.shape_cast %swap3A_542 : vector<1x16xf32> to vector<16xf32>
      %swap3A_544 = vector.shape_cast %add3A_539 : vector<16xf32> to vector<1x16xf32>
      tpu.vector_store %arg7[%swap3A_540, %swap3A_541], %swap3A_544 {strides = array<i32>} : memref<88x512xf32, #tpu.memory_space<vmem>>, vector<1x16xf32>,
      %get3A_545 = arith.index_cast %min3A : i32 to index
      %get3A_546 = arith.constant 272 : index
      %get3A_547 = tpu.vector_load %arg5[%get3A_545, %get3A_546] {strides = array<i32>} : memref<65x512xf32, #tpu.memory_space<vmem>>, vector<1x16xf32>,
      %get3A_548 = vector.shape_cast %get3A_547 : vector<1x16xf32> to vector<16xf32>
      %add3A_549 = arith.addf %get3A_548, %get3A_98 : vector<16xf32>
      %swap3A_550 = arith.index_cast %scan3A_374 : i32 to index
      %swap3A_551 = arith.constant 272 : index
      %swap3A_552 = tpu.vector_load %arg7[%swap3A_550, %swap3A_551] {strides = array<i32>} : memref<88x512xf32, #tpu.memory_space<vmem>>, vector<1x16xf32>,
      %swap3A_553 = vector.shape_cast %swap3A_552 : vector<1x16xf32> to vector<16xf32>
      %swap3A_554 = vector.shape_cast %add3A_549 : vector<16xf32> to vector<1x16xf32>
      tpu.vector_store %arg7[%swap3A_550, %swap3A_551], %swap3A_554 {strides = array<i32>} : memref<88x512xf32, #tpu.memory_space<vmem>>, vector<1x16xf32>,
      %get3A_555 = arith.index_cast %min3A : i32 to index
      %get3A_556 = arith.constant 288 : index
      %get3A_557 = tpu.vector_load %arg5[%get3A_555, %get3A_556] {strides = array<i32>} : memref<65x512xf32, #tpu.memory_space<vmem>>, vector<1x16xf32>,
      %get3A_558 = vector.shape_cast %get3A_557 : vector<1x16xf32> to vector<16xf32>
      %add3A_559 = arith.addf %get3A_558, %get3A_103 : vector<16xf32>
      %swap3A_560 = arith.index_cast %scan3A_374 : i32 to index
      %swap3A_561 = arith.constant 288 : index
      %swap3A_562 = tpu.vector_load %arg7[%swap3A_560, %swap3A_561] {strides = array<i32>} : memref<88x512xf32, #tpu.memory_space<vmem>>, vector<1x16xf32>,
      %swap3A_563 = vector.shape_cast %swap3A_562 : vector<1x16xf32> to vector<16xf32>
      %swap3A_564 = vector.shape_cast %add3A_559 : vector<16xf32> to vector<1x16xf32>
      tpu.vector_store %arg7[%swap3A_560, %swap3A_561], %swap3A_564 {strides = array<i32>} : memref<88x512xf32, #tpu.memory_space<vmem>>, vector<1x16xf32>,
      %get3A_565 = arith.index_cast %min3A : i32 to index
      %get3A_566 = arith.constant 304 : index
      %get3A_567 = tpu.vector_load %arg5[%get3A_565, %get3A_566] {strides = array<i32>} : memref<65x512xf32, #tpu.memory_space<vmem>>, vector<1x16xf32>,
      %get3A_568 = vector.shape_cast %get3A_567 : vector<1x16xf32> to vector<16xf32>
      %add3A_569 = arith.addf %get3A_568, %get3A_108 : vector<16xf32>
      %swap3A_570 = arith.index_cast %scan3A_374 : i32 to index
      %swap3A_571 = arith.constant 304 : index
      %swap3A_572 = tpu.vector_load %arg7[%swap3A_570, %swap3A_571] {strides = array<i32>} : memref<88x512xf32, #tpu.memory_space<vmem>>, vector<1x16xf32>,
      %swap3A_573 = vector.shape_cast %swap3A_572 : vector<1x16xf32> to vector<16xf32>
      %swap3A_574 = vector.shape_cast %add3A_569 : vector<16xf32> to vector<1x16xf32>
      tpu.vector_store %arg7[%swap3A_570, %swap3A_571], %swap3A_574 {strides = array<i32>} : memref<88x512xf32, #tpu.memory_space<vmem>>, vector<1x16xf32>,
      %get3A_575 = arith.index_cast %min3A : i32 to index
      %get3A_576 = arith.constant 320 : index
      %get3A_577 = tpu.vector_load %arg5[%get3A_575, %get3A_576] {strides = array<i32>} : memref<65x512xf32, #tpu.memory_space<vmem>>, vector<1x16xf32>,
      %get3A_578 = vector.shape_cast %get3A_577 : vector<1x16xf32> to vector<16xf32>
      %add3A_579 = arith.addf %get3A_578, %get3A_113 : vector<16xf32>
      %swap3A_580 = arith.index_cast %scan3A_374 : i32 to index
      %swap3A_581 = arith.constant 320 : index
      %swap3A_582 = tpu.vector_load %arg7[%swap3A_580, %swap3A_581] {strides = array<i32>} : memref<88x512xf32, #tpu.memory_space<vmem>>, vector<1x16xf32>,
      %swap3A_583 = vector.shape_cast %swap3A_582 : vector<1x16xf32> to vector<16xf32>
      %swap3A_584 = vector.shape_cast %add3A_579 : vector<16xf32> to vector<1x16xf32>
      tpu.vector_store %arg7[%swap3A_580, %swap3A_581], %swap3A_584 {strides = array<i32>} : memref<88x512xf32, #tpu.memory_space<vmem>>, vector<1x16xf32>,
      %get3A_585 = arith.index_cast %min3A : i32 to index
      %get3A_586 = arith.constant 336 : index
      %get3A_587 = tpu.vector_load %arg5[%get3A_585, %get3A_586] {strides = array<i32>} : memref<65x512xf32, #tpu.memory_space<vmem>>, vector<1x16xf32>,
      %get3A_588 = vector.shape_cast %get3A_587 : vector<1x16xf32> to vector<16xf32>
      %add3A_589 = arith.addf %get3A_588, %get3A_118 : vector<16xf32>
      %swap3A_590 = arith.index_cast %scan3A_374 : i32 to index
      %swap3A_591 = arith.constant 336 : index
      %swap3A_592 = tpu.vector_load %arg7[%swap3A_590, %swap3A_591] {strides = array<i32>} : memref<88x512xf32, #tpu.memory_space<vmem>>, vector<1x16xf32>,
      %swap3A_593 = vector.shape_cast %swap3A_592 : vector<1x16xf32> to vector<16xf32>
      %swap3A_594 = vector.shape_cast %add3A_589 : vector<16xf32> to vector<1x16xf32>
      tpu.vector_store %arg7[%swap3A_590, %swap3A_591], %swap3A_594 {strides = array<i32>} : memref<88x512xf32, #tpu.memory_space<vmem>>, vector<1x16xf32>,
      %get3A_595 = arith.index_cast %min3A : i32 to index
      %get3A_596 = arith.constant 352 : index
      %get3A_597 = tpu.vector_load %arg5[%get3A_595, %get3A_596] {strides = array<i32>} : memref<65x512xf32, #tpu.memory_space<vmem>>, vector<1x16xf32>,
      %get3A_598 = vector.shape_cast %get3A_597 : vector<1x16xf32> to vector<16xf32>
      %add3A_599 = arith.addf %get3A_598, %get3A_123 : vector<16xf32>
      %swap3A_600 = arith.index_cast %scan3A_374 : i32 to index
      %swap3A_601 = arith.constant 352 : index
      %swap3A_602 = tpu.vector_load %arg7[%swap3A_600, %swap3A_601] {strides = array<i32>} : memref<88x512xf32, #tpu.memory_space<vmem>>, vector<1x16xf32>,
      %swap3A_603 = vector.shape_cast %swap3A_602 : vector<1x16xf32> to vector<16xf32>
      %swap3A_604 = vector.shape_cast %add3A_599 : vector<16xf32> to vector<1x16xf32>
      tpu.vector_store %arg7[%swap3A_600, %swap3A_601], %swap3A_604 {strides = array<i32>} : memref<88x512xf32, #tpu.memory_space<vmem>>, vector<1x16xf32>,
      %get3A_605 = arith.index_cast %min3A : i32 to index
      %get3A_606 = arith.constant 368 : index
      %get3A_607 = tpu.vector_load %arg5[%get3A_605, %get3A_606] {strides = array<i32>} : memref<65x512xf32, #tpu.memory_space<vmem>>, vector<1x16xf32>,
      %get3A_608 = vector.shape_cast %get3A_607 : vector<1x16xf32> to vector<16xf32>
      %add3A_609 = arith.addf %get3A_608, %get3A_128 : vector<16xf32>
      %swap3A_610 = arith.index_cast %scan3A_374 : i32 to index
      %swap3A_611 = arith.constant 368 : index
      %swap3A_612 = tpu.vector_load %arg7[%swap3A_610, %swap3A_611] {strides = array<i32>} : memref<88x512xf32, #tpu.memory_space<vmem>>, vector<1x16xf32>,
      %swap3A_613 = vector.shape_cast %swap3A_612 : vector<1x16xf32> to vector<16xf32>
      %swap3A_614 = vector.shape_cast %add3A_609 : vector<16xf32> to vector<1x16xf32>
      tpu.vector_store %arg7[%swap3A_610, %swap3A_611], %swap3A_614 {strides = array<i32>} : memref<88x512xf32, #tpu.memory_space<vmem>>, vector<1x16xf32>,
      %get3A_615 = arith.index_cast %min3A : i32 to index
      %get3A_616 = arith.constant 384 : index
      %get3A_617 = tpu.vector_load %arg5[%get3A_615, %get3A_616] {strides = array<i32>} : memref<65x512xf32, #tpu.memory_space<vmem>>, vector<1x16xf32>,
      %get3A_618 = vector.shape_cast %get3A_617 : vector<1x16xf32> to vector<16xf32>
      %add3A_619 = arith.addf %get3A_618, %get3A_133 : vector<16xf32>
      %swap3A_620 = arith.index_cast %scan3A_374 : i32 to index
      %swap3A_621 = arith.constant 384 : index
      %swap3A_622 = tpu.vector_load %arg7[%swap3A_620, %swap3A_621] {strides = array<i32>} : memref<88x512xf32, #tpu.memory_space<vmem>>, vector<1x16xf32>,
      %swap3A_623 = vector.shape_cast %swap3A_622 : vector<1x16xf32> to vector<16xf32>
      %swap3A_624 = vector.shape_cast %add3A_619 : vector<16xf32> to vector<1x16xf32>
      tpu.vector_store %arg7[%swap3A_620, %swap3A_621], %swap3A_624 {strides = array<i32>} : memref<88x512xf32, #tpu.memory_space<vmem>>, vector<1x16xf32>,
      %get3A_625 = arith.index_cast %min3A : i32 to index
      %get3A_626 = arith.constant 400 : index
      %get3A_627 = tpu.vector_load %arg5[%get3A_625, %get3A_626] {strides = array<i32>} : memref<65x512xf32, #tpu.memory_space<vmem>>, vector<1x16xf32>,
      %get3A_628 = vector.shape_cast %get3A_627 : vector<1x16xf32> to vector<16xf32>
      %add3A_629 = arith.addf %get3A_628, %get3A_138 : vector<16xf32>
      %swap3A_630 = arith.index_cast %scan3A_374 : i32 to index
      %swap3A_631 = arith.constant 400 : index
      %swap3A_632 = tpu.vector_load %arg7[%swap3A_630, %swap3A_631] {strides = array<i32>} : memref<88x512xf32, #tpu.memory_space<vmem>>, vector<1x16xf32>,
      %swap3A_633 = vector.shape_cast %swap3A_632 : vector<1x16xf32> to vector<16xf32>
      %swap3A_634 = vector.shape_cast %add3A_629 : vector<16xf32> to vector<1x16xf32>
      tpu.vector_store %arg7[%swap3A_630, %swap3A_631], %swap3A_634 {strides = array<i32>} : memref<88x512xf32, #tpu.memory_space<vmem>>, vector<1x16xf32>,
      %get3A_635 = arith.index_cast %min3A : i32 to index
      %get3A_636 = arith.constant 416 : index
      %get3A_637 = tpu.vector_load %arg5[%get3A_635, %get3A_636] {strides = array<i32>} : memref<65x512xf32, #tpu.memory_space<vmem>>, vector<1x16xf32>,
      %get3A_638 = vector.shape_cast %get3A_637 : vector<1x16xf32> to vector<16xf32>
      %add3A_639 = arith.addf %get3A_638, %get3A_143 : vector<16xf32>
      %swap3A_640 = arith.index_cast %scan3A_374 : i32 to index
      %swap3A_641 = arith.constant 416 : index
      %swap3A_642 = tpu.vector_load %arg7[%swap3A_640, %swap3A_641] {strides = array<i32>} : memref<88x512xf32, #tpu.memory_space<vmem>>, vector<1x16xf32>,
      %swap3A_643 = vector.shape_cast %swap3A_642 : vector<1x16xf32> to vector<16xf32>
      %swap3A_644 = vector.shape_cast %add3A_639 : vector<16xf32> to vector<1x16xf32>
      tpu.vector_store %arg7[%swap3A_640, %swap3A_641], %swap3A_644 {strides = array<i32>} : memref<88x512xf32, #tpu.memory_space<vmem>>, vector<1x16xf32>,
      %get3A_645 = arith.index_cast %min3A : i32 to index
      %get3A_646 = arith.constant 432 : index
      %get3A_647 = tpu.vector_load %arg5[%get3A_645, %get3A_646] {strides = array<i32>} : memref<65x512xf32, #tpu.memory_space<vmem>>, vector<1x16xf32>,
      %get3A_648 = vector.shape_cast %get3A_647 : vector<1x16xf32> to vector<16xf32>
      %add3A_649 = arith.addf %get3A_648, %get3A_148 : vector<16xf32>
      %swap3A_650 = arith.index_cast %scan3A_374 : i32 to index
      %swap3A_651 = arith.constant 432 : index
      %swap3A_652 = tpu.vector_load %arg7[%swap3A_650, %swap3A_651] {strides = array<i32>} : memref<88x512xf32, #tpu.memory_space<vmem>>, vector<1x16xf32>,
      %swap3A_653 = vector.shape_cast %swap3A_652 : vector<1x16xf32> to vector<16xf32>
      %swap3A_654 = vector.shape_cast %add3A_649 : vector<16xf32> to vector<1x16xf32>
      tpu.vector_store %arg7[%swap3A_650, %swap3A_651], %swap3A_654 {strides = array<i32>} : memref<88x512xf32, #tpu.memory_space<vmem>>, vector<1x16xf32>,
      %get3A_655 = arith.index_cast %min3A : i32 to index
      %get3A_656 = arith.constant 448 : index
      %get3A_657 = tpu.vector_load %arg5[%get3A_655, %get3A_656] {strides = array<i32>} : memref<65x512xf32, #tpu.memory_space<vmem>>, vector<1x16xf32>,
      %get3A_658 = vector.shape_cast %get3A_657 : vector<1x16xf32> to vector<16xf32>
      %add3A_659 = arith.addf %get3A_658, %get3A_153 : vector<16xf32>
      %swap3A_660 = arith.index_cast %scan3A_374 : i32 to index
      %swap3A_661 = arith.constant 448 : index
      %swap3A_662 = tpu.vector_load %arg7[%swap3A_660, %swap3A_661] {strides = array<i32>} : memref<88x512xf32, #tpu.memory_space<vmem>>, vector<1x16xf32>,
      %swap3A_663 = vector.shape_cast %swap3A_662 : vector<1x16xf32> to vector<16xf32>
      %swap3A_664 = vector.shape_cast %add3A_659 : vector<16xf32> to vector<1x16xf32>
      tpu.vector_store %arg7[%swap3A_660, %swap3A_661], %swap3A_664 {strides = array<i32>} : memref<88x512xf32, #tpu.memory_space<vmem>>, vector<1x16xf32>,
      %get3A_665 = arith.index_cast %min3A : i32 to index
      %get3A_666 = arith.constant 464 : index
      %get3A_667 = tpu.vector_load %arg5[%get3A_665, %get3A_666] {strides = array<i32>} : memref<65x512xf32, #tpu.memory_space<vmem>>, vector<1x16xf32>,
      %get3A_668 = vector.shape_cast %get3A_667 : vector<1x16xf32> to vector<16xf32>
      %add3A_669 = arith.addf %get3A_668, %get3A_158 : vector<16xf32>
      %swap3A_670 = arith.index_cast %scan3A_374 : i32 to index
      %swap3A_671 = arith.constant 464 : index
      %swap3A_672 = tpu.vector_load %arg7[%swap3A_670, %swap3A_671] {strides = array<i32>} : memref<88x512xf32, #tpu.memory_space<vmem>>, vector<1x16xf32>,
      %swap3A_673 = vector.shape_cast %swap3A_672 : vector<1x16xf32> to vector<16xf32>
      %swap3A_674 = vector.shape_cast %add3A_669 : vector<16xf32> to vector<1x16xf32>
      tpu.vector_store %arg7[%swap3A_670, %swap3A_671], %swap3A_674 {strides = array<i32>} : memref<88x512xf32, #tpu.memory_space<vmem>>, vector<1x16xf32>,
      %get3A_675 = arith.index_cast %min3A : i32 to index
      %get3A_676 = arith.constant 480 : index
      %get3A_677 = tpu.vector_load %arg5[%get3A_675, %get3A_676] {strides = array<i32>} : memref<65x512xf32, #tpu.memory_space<vmem>>, vector<1x16xf32>,
      %get3A_678 = vector.shape_cast %get3A_677 : vector<1x16xf32> to vector<16xf32>
      %add3A_679 = arith.addf %get3A_678, %get3A_163 : vector<16xf32>
      %swap3A_680 = arith.index_cast %scan3A_374 : i32 to index
      %swap3A_681 = arith.constant 480 : index
      %swap3A_682 = tpu.vector_load %arg7[%swap3A_680, %swap3A_681] {strides = array<i32>} : memref<88x512xf32, #tpu.memory_space<vmem>>, vector<1x16xf32>,
      %swap3A_683 = vector.shape_cast %swap3A_682 : vector<1x16xf32> to vector<16xf32>
      %swap3A_684 = vector.shape_cast %add3A_679 : vector<16xf32> to vector<1x16xf32>
      tpu.vector_store %arg7[%swap3A_680, %swap3A_681], %swap3A_684 {strides = array<i32>} : memref<88x512xf32, #tpu.memory_space<vmem>>, vector<1x16xf32>,
      %get3A_685 = arith.index_cast %min3A : i32 to index
      %get3A_686 = arith.constant 496 : index
      %get3A_687 = tpu.vector_load %arg5[%get3A_685, %get3A_686] {strides = array<i32>} : memref<65x512xf32, #tpu.memory_space<vmem>>, vector<1x16xf32>,
      %get3A_688 = vector.shape_cast %get3A_687 : vector<1x16xf32> to vector<16xf32>
      %add3A_689 = arith.addf %get3A_688, %get3A_168 : vector<16xf32>
      %swap3A_690 = arith.index_cast %scan3A_374 : i32 to index
      %swap3A_691 = arith.constant 496 : index
      %swap3A_692 = tpu.vector_load %arg7[%swap3A_690, %swap3A_691] {strides = array<i32>} : memref<88x512xf32, #tpu.memory_space<vmem>>, vector<1x16xf32>,
      %swap3A_693 = vector.shape_cast %swap3A_692 : vector<1x16xf32> to vector<16xf32>
      %swap3A_694 = vector.shape_cast %add3A_689 : vector<16xf32> to vector<1x16xf32>
      tpu.vector_store %arg7[%swap3A_690, %swap3A_691], %swap3A_694 {strides = array<i32>} : memref<88x512xf32, #tpu.memory_space<vmem>>, vector<1x16xf32>,
    }
    %scan3A_172 = arith.constant 88 : i32
    %scan3A_173 = arith.constant 0 : i32
    %scan3A_174 = arith.constant 0 : i32
    %scan3A_175 = arith.constant 64 : i32
    %scan3A_176 = arith.addi %scan3A_174, %scan3A_175 : i32
    %scan3A_177 = arith.constant 1 : i32
    scf.for %scan3A_374 = %scan3A_174 to %scan3A_176 step %scan3A_177  : i32 {
      %add3A_375 = arith.constant 0 : i32
      %add3A_376 = arith.addi %add3A_4, %add3A_375 : i32
      %rem3A_377 = arith.constant 8 : i32
      %rem3A_378 = arith.remsi %add3A_376, %rem3A_377 : i32
      %add3A_379 = arith.constant 8 : i32
      %add3A_380 = arith.addi %add3A_379, %rem3A_378 : i32
      %mul3A_381 = arith.constant 8 : i32
      %mul3A_382 = arith.muli %mul3A_381, %scan3A_374 : i32
      %sub3A = arith.subi %mul3A_382, %add3A_376 : i32
      %add3A_383 = arith.constant 32 : i32
      %add3A_384 = arith.addi %sub3A, %add3A_383 : i32
      %add3A_385 = arith.addi %add3A_384, %add3A_380 : i32
      %jit3A = arith.constant 0 : i32
      %jit3A_386 = arith.constant 80 : i32
      %max3A = arith.maxsi %jit3A, %add3A_385 : i32
      %min3A = arith.minsi %jit3A_386, %max3A : i32
      %multiple_of3A = tpu.assume_multiple %min3A, 8 : i32
      %mul3A_387 = arith.constant 8 : i32
      %mul3A_388 = arith.muli %mul3A_387, %scan3A_374 : i32
      %multiple_of3A_389 = tpu.assume_multiple %mul3A_388, 8 : i32
      %dma_start3A = arith.constant 0 : i32
      %dma_start3A_390 = tpu.memref_slice %arg7[%multiple_of3A, %dma_start3A] : memref<88x512xf32, #tpu.memory_space<vmem>> -> memref<8x512xf32, #tpu.memory_space<vmem>>
      %dma_start3A_391 = arith.constant 0 : i32
      %dma_start3A_392 = tpu.memref_slice %arg4[%add3A_376, %multiple_of3A_389, %dma_start3A_391] : memref<512x512x512xf32, #tpu.memory_space<hbm>> -> memref<1x8x512xf32, #tpu.memory_space<hbm>>
      %dma_start3A_393 = tpu.memref_squeeze %dma_start3A_392 : memref<1x8x512xf32, #tpu.memory_space<hbm>> -> memref<8x512xf32, #tpu.memory_space<hbm>>
      %dma_start3A_394 = arith.constant 0 : i32
      %dma_start3A_395 = tpu.memref_slice %arg4[%add3A_376, %multiple_of3A_389, %dma_start3A_394] : memref<512x512x512xf32, #tpu.memory_space<hbm>> -> memref<1x8x512xf32, #tpu.memory_space<hbm>>
      %dma_start3A_396 = tpu.memref_squeeze %dma_start3A_395 : memref<1x8x512xf32, #tpu.memory_space<hbm>> -> memref<8x512xf32, #tpu.memory_space<hbm>>
      %dma_start3A_397 = arith.constant 0 : i32
      %dma_start3A_398 = tpu.memref_slice %arg7[%multiple_of3A, %dma_start3A_397] : memref<88x512xf32, #tpu.memory_space<vmem>> -> memref<8x512xf32, #tpu.memory_space<vmem>>
      tpu.enqueue_dma source(%dma_start3A_398 : memref<8x512xf32, #tpu.memory_space<vmem>>) target(%dma_start3A_396 : memref<8x512xf32, #tpu.memory_space<hbm>>) target_semaphore(%arg9 : memref<!tpu.dma_semaphore, #tpu.memory_space<semaphore_mem>>)
    }
    %scan3A_178 = arith.constant 64 : i32
    %add3A_179 = arith.constant 1 : i32
    %add3A_180 = arith.addi %add3A_4, %add3A_179 : i32
    %rem3A_181 = arith.constant 8 : i32
    %rem3A_182 = arith.remsi %add3A_180, %rem3A_181 : i32
    %add3A_183 = arith.constant 8 : i32
    %add3A_184 = arith.addi %add3A_183, %rem3A_182 : i32
    %get3A_185 = arith.constant 1 : i32
    %get3A_186 = arith.index_cast %get3A_185 : i32 to index
    %get3A_187 = arith.constant 0 : index
    %get3A_188 = tpu.vector_load %arg6[%get3A_186, %get3A_187] {strides = array<i32>} : memref<8x512xf32, #tpu.memory_space<vmem>>, vector<1x16xf32>,
    %get3A_189 = vector.shape_cast %get3A_188 : vector<1x16xf32> to vector<16xf32>
    %get3A_190 = arith.constant 1 : i32
    %get3A_191 = arith.index_cast %get3A_190 : i32 to index
    %get3A_192 = arith.constant 16 : index
    %get3A_193 = tpu.vector_load %arg6[%get3A_191, %get3A_192] {strides = array<i32>} : memref<8x512xf32, #tpu.memory_space<vmem>>, vector<1x16xf32>,
    %get3A_194 = vector.shape_cast %get3A_193 : vector<1x16xf32> to vector<16xf32>
    %get3A_195 = arith.constant 1 : i32
    %get3A_196 = arith.index_cast %get3A_195 : i32 to index
    %get3A_197 = arith.constant 32 : index
    %get3A_198 = tpu.vector_load %arg6[%get3A_196, %get3A_197] {strides = array<i32>} : memref<8x512xf32, #tpu.memory_space<vmem>>, vector<1x16xf32>,
    %get3A_199 = vector.shape_cast %get3A_198 : vector<1x16xf32> to vector<16xf32>
    %get3A_200 = arith.constant 1 : i32
    %get3A_201 = arith.index_cast %get3A_200 : i32 to index
    %get3A_202 = arith.constant 48 : index
    %get3A_203 = tpu.vector_load %arg6[%get3A_201, %get3A_202] {strides = array<i32>} : memref<8x512xf32, #tpu.memory_space<vmem>>, vector<1x16xf32>,
    %get3A_204 = vector.shape_cast %get3A_203 : vector<1x16xf32> to vector<16xf32>
    %get3A_205 = arith.constant 1 : i32
    %get3A_206 = arith.index_cast %get3A_205 : i32 to index
    %get3A_207 = arith.constant 64 : index
    %get3A_208 = tpu.vector_load %arg6[%get3A_206, %get3A_207] {strides = array<i32>} : memref<8x512xf32, #tpu.memory_space<vmem>>, vector<1x16xf32>,
    %get3A_209 = vector.shape_cast %get3A_208 : vector<1x16xf32> to vector<16xf32>
    %get3A_210 = arith.constant 1 : i32
    %get3A_211 = arith.index_cast %get3A_210 : i32 to index
    %get3A_212 = arith.constant 80 : index
    %get3A_213 = tpu.vector_load %arg6[%get3A_211, %get3A_212] {strides = array<i32>} : memref<8x512xf32, #tpu.memory_space<vmem>>, vector<1x16xf32>,
    %get3A_214 = vector.shape_cast %get3A_213 : vector<1x16xf32> to vector<16xf32>
    %get3A_215 = arith.constant 1 : i32
    %get3A_216 = arith.index_cast %get3A_215 : i32 to index
    %get3A_217 = arith.constant 96 : index
    %get3A_218 = tpu.vector_load %arg6[%get3A_216, %get3A_217] {strides = array<i32>} : memref<8x512xf32, #tpu.memory_space<vmem>>, vector<1x16xf32>,
    %get3A_219 = vector.shape_cast %get3A_218 : vector<1x16xf32> to vector<16xf32>
    %get3A_220 = arith.constant 1 : i32
    %get3A_221 = arith.index_cast %get3A_220 : i32 to index
    %get3A_222 = arith.constant 112 : index
    %get3A_223 = tpu.vector_load %arg6[%get3A_221, %get3A_222] {strides = array<i32>} : memref<8x512xf32, #tpu.memory_space<vmem>>, vector<1x16xf32>,
    %get3A_224 = vector.shape_cast %get3A_223 : vector<1x16xf32> to vector<16xf32>
    %get3A_225 = arith.constant 1 : i32
    %get3A_226 = arith.index_cast %get3A_225 : i32 to index
    %get3A_227 = arith.constant 128 : index
    %get3A_228 = tpu.vector_load %arg6[%get3A_226, %get3A_227] {strides = array<i32>} : memref<8x512xf32, #tpu.memory_space<vmem>>, vector<1x16xf32>,
    %get3A_229 = vector.shape_cast %get3A_228 : vector<1x16xf32> to vector<16xf32>
    %get3A_230 = arith.constant 1 : i32
    %get3A_231 = arith.index_cast %get3A_230 : i32 to index
    %get3A_232 = arith.constant 144 : index
    %get3A_233 = tpu.vector_load %arg6[%get3A_231, %get3A_232] {strides = array<i32>} : memref<8x512xf32, #tpu.memory_space<vmem>>, vector<1x16xf32>,
    %get3A_234 = vector.shape_cast %get3A_233 : vector<1x16xf32> to vector<16xf32>
    %get3A_235 = arith.constant 1 : i32
    %get3A_236 = arith.index_cast %get3A_235 : i32 to index
    %get3A_237 = arith.constant 160 : index
    %get3A_238 = tpu.vector_load %arg6[%get3A_236, %get3A_237] {strides = array<i32>} : memref<8x512xf32, #tpu.memory_space<vmem>>, vector<1x16xf32>,
    %get3A_239 = vector.shape_cast %get3A_238 : vector<1x16xf32> to vector<16xf32>
    %get3A_240 = arith.constant 1 : i32
    %get3A_241 = arith.index_cast %get3A_240 : i32 to index
    %get3A_242 = arith.constant 176 : index
    %get3A_243 = tpu.vector_load %arg6[%get3A_241, %get3A_242] {strides = array<i32>} : memref<8x512xf32, #tpu.memory_space<vmem>>, vector<1x16xf32>,
    %get3A_244 = vector.shape_cast %get3A_243 : vector<1x16xf32> to vector<16xf32>
    %get3A_245 = arith.constant 1 : i32
    %get3A_246 = arith.index_cast %get3A_245 : i32 to index
    %get3A_247 = arith.constant 192 : index
    %get3A_248 = tpu.vector_load %arg6[%get3A_246, %get3A_247] {strides = array<i32>} : memref<8x512xf32, #tpu.memory_space<vmem>>, vector<1x16xf32>,
    %get3A_249 = vector.shape_cast %get3A_248 : vector<1x16xf32> to vector<16xf32>
    %get3A_250 = arith.constant 1 : i32
    %get3A_251 = arith.index_cast %get3A_250 : i32 to index
    %get3A_252 = arith.constant 208 : index
    %get3A_253 = tpu.vector_load %arg6[%get3A_251, %get3A_252] {strides = array<i32>} : memref<8x512xf32, #tpu.memory_space<vmem>>, vector<1x16xf32>,
    %get3A_254 = vector.shape_cast %get3A_253 : vector<1x16xf32> to vector<16xf32>
    %get3A_255 = arith.constant 1 : i32
    %get3A_256 = arith.index_cast %get3A_255 : i32 to index
    %get3A_257 = arith.constant 224 : index
    %get3A_258 = tpu.vector_load %arg6[%get3A_256, %get3A_257] {strides = array<i32>} : memref<8x512xf32, #tpu.memory_space<vmem>>, vector<1x16xf32>,
    %get3A_259 = vector.shape_cast %get3A_258 : vector<1x16xf32> to vector<16xf32>
    %get3A_260 = arith.constant 1 : i32
    %get3A_261 = arith.index_cast %get3A_260 : i32 to index
    %get3A_262 = arith.constant 240 : index
    %get3A_263 = tpu.vector_load %arg6[%get3A_261, %get3A_262] {strides = array<i32>} : memref<8x512xf32, #tpu.memory_space<vmem>>, vector<1x16xf32>,
    %get3A_264 = vector.shape_cast %get3A_263 : vector<1x16xf32> to vector<16xf32>
    %get3A_265 = arith.constant 1 : i32
    %get3A_266 = arith.index_cast %get3A_265 : i32 to index
    %get3A_267 = arith.constant 256 : index
    %get3A_268 = tpu.vector_load %arg6[%get3A_266, %get3A_267] {strides = array<i32>} : memref<8x512xf32, #tpu.memory_space<vmem>>, vector<1x16xf32>,
    %get3A_269 = vector.shape_cast %get3A_268 : vector<1x16xf32> to vector<16xf32>
    %get3A_270 = arith.constant 1 : i32
    %get3A_271 = arith.index_cast %get3A_270 : i32 to index
    %get3A_272 = arith.constant 272 : index
    %get3A_273 = tpu.vector_load %arg6[%get3A_271, %get3A_272] {strides = array<i32>} : memref<8x512xf32, #tpu.memory_space<vmem>>, vector<1x16xf32>,
    %get3A_274 = vector.shape_cast %get3A_273 : vector<1x16xf32> to vector<16xf32>
    %get3A_275 = arith.constant 1 : i32
    %get3A_276 = arith.index_cast %get3A_275 : i32 to index
    %get3A_277 = arith.constant 288 : index
    %get3A_278 = tpu.vector_load %arg6[%get3A_276, %get3A_277] {strides = array<i32>} : memref<8x512xf32, #tpu.memory_space<vmem>>, vector<1x16xf32>,
    %get3A_279 = vector.shape_cast %get3A_278 : vector<1x16xf32> to vector<16xf32>
    %get3A_280 = arith.constant 1 : i32
    %get3A_281 = arith.index_cast %get3A_280 : i32 to index
    %get3A_282 = arith.constant 304 : index
    %get3A_283 = tpu.vector_load %arg6[%get3A_281, %get3A_282] {strides = array<i32>} : memref<8x512xf32, #tpu.memory_space<vmem>>, vector<1x16xf32>,
    %get3A_284 = vector.shape_cast %get3A_283 : vector<1x16xf32> to vector<16xf32>
    %get3A_285 = arith.constant 1 : i32
    %get3A_286 = arith.index_cast %get3A_285 : i32 to index
    %get3A_287 = arith.constant 320 : index
    %get3A_288 = tpu.vector_load %arg6[%get3A_286, %get3A_287] {strides = array<i32>} : memref<8x512xf32, #tpu.memory_space<vmem>>, vector<1x16xf32>,
    %get3A_289 = vector.shape_cast %get3A_288 : vector<1x16xf32> to vector<16xf32>
    %get3A_290 = arith.constant 1 : i32
    %get3A_291 = arith.index_cast %get3A_290 : i32 to index
    %get3A_292 = arith.constant 336 : index
    %get3A_293 = tpu.vector_load %arg6[%get3A_291, %get3A_292] {strides = array<i32>} : memref<8x512xf32, #tpu.memory_space<vmem>>, vector<1x16xf32>,
    %get3A_294 = vector.shape_cast %get3A_293 : vector<1x16xf32> to vector<16xf32>
    %get3A_295 = arith.constant 1 : i32
    %get3A_296 = arith.index_cast %get3A_295 : i32 to index
    %get3A_297 = arith.constant 352 : index
    %get3A_298 = tpu.vector_load %arg6[%get3A_296, %get3A_297] {strides = array<i32>} : memref<8x512xf32, #tpu.memory_space<vmem>>, vector<1x16xf32>,
    %get3A_299 = vector.shape_cast %get3A_298 : vector<1x16xf32> to vector<16xf32>
    %get3A_300 = arith.constant 1 : i32
    %get3A_301 = arith.index_cast %get3A_300 : i32 to index
    %get3A_302 = arith.constant 368 : index
    %get3A_303 = tpu.vector_load %arg6[%get3A_301, %get3A_302] {strides = array<i32>} : memref<8x512xf32, #tpu.memory_space<vmem>>, vector<1x16xf32>,
    %get3A_304 = vector.shape_cast %get3A_303 : vector<1x16xf32> to vector<16xf32>
    %get3A_305 = arith.constant 1 : i32
    %get3A_306 = arith.index_cast %get3A_305 : i32 to index
    %get3A_307 = arith.constant 384 : index
    %get3A_308 = tpu.vector_load %arg6[%get3A_306, %get3A_307] {strides = array<i32>} : memref<8x512xf32, #tpu.memory_space<vmem>>, vector<1x16xf32>,
    %get3A_309 = vector.shape_cast %get3A_308 : vector<1x16xf32> to vector<16xf32>
    %get3A_310 = arith.constant 1 : i32
    %get3A_311 = arith.index_cast %get3A_310 : i32 to index
    %get3A_312 = arith.constant 400 : index
    %get3A_313 = tpu.vector_load %arg6[%get3A_311, %get3A_312] {strides = array<i32>} : memref<8x512xf32, #tpu.memory_space<vmem>>, vector<1x16xf32>,
    %get3A_314 = vector.shape_cast %get3A_313 : vector<1x16xf32> to vector<16xf32>
    %get3A_315 = arith.constant 1 : i32
    %get3A_316 = arith.index_cast %get3A_315 : i32 to index
    %get3A_317 = arith.constant 416 : index
    %get3A_318 = tpu.vector_load %arg6[%get3A_316, %get3A_317] {strides = array<i32>} : memref<8x512xf32, #tpu.memory_space<vmem>>, vector<1x16xf32>,
    %get3A_319 = vector.shape_cast %get3A_318 : vector<1x16xf32> to vector<16xf32>
    %get3A_320 = arith.constant 1 : i32
    %get3A_321 = arith.index_cast %get3A_320 : i32 to index
    %get3A_322 = arith.constant 432 : index
    %get3A_323 = tpu.vector_load %arg6[%get3A_321, %get3A_322] {strides = array<i32>} : memref<8x512xf32, #tpu.memory_space<vmem>>, vector<1x16xf32>,
    %get3A_324 = vector.shape_cast %get3A_323 : vector<1x16xf32> to vector<16xf32>
    %get3A_325 = arith.constant 1 : i32
    %get3A_326 = arith.index_cast %get3A_325 : i32 to index
    %get3A_327 = arith.constant 448 : index
    %get3A_328 = tpu.vector_load %arg6[%get3A_326, %get3A_327] {strides = array<i32>} : memref<8x512xf32, #tpu.memory_space<vmem>>, vector<1x16xf32>,
    %get3A_329 = vector.shape_cast %get3A_328 : vector<1x16xf32> to vector<16xf32>
    %get3A_330 = arith.constant 1 : i32
    %get3A_331 = arith.index_cast %get3A_330 : i32 to index
    %get3A_332 = arith.constant 464 : index
    %get3A_333 = tpu.vector_load %arg6[%get3A_331, %get3A_332] {strides = array<i32>} : memref<8x512xf32, #tpu.memory_space<vmem>>, vector<1x16xf32>,
    %get3A_334 = vector.shape_cast %get3A_333 : vector<1x16xf32> to vector<16xf32>
    %get3A_335 = arith.constant 1 : i32
    %get3A_336 = arith.index_cast %get3A_335 : i32 to index
    %get3A_337 = arith.constant 480 : index
    %get3A_338 = tpu.vector_load %arg6[%get3A_336, %get3A_337] {strides = array<i32>} : memref<8x512xf32, #tpu.memory_space<vmem>>, vector<1x16xf32>,
    %get3A_339 = vector.shape_cast %get3A_338 : vector<1x16xf32> to vector<16xf32>
    %get3A_340 = arith.constant 1 : i32
    %get3A_341 = arith.index_cast %get3A_340 : i32 to index
    %get3A_342 = arith.constant 496 : index
    %get3A_343 = tpu.vector_load %arg6[%get3A_341, %get3A_342] {strides = array<i32>} : memref<8x512xf32, #tpu.memory_space<vmem>>, vector<1x16xf32>,
    %get3A_344 = vector.shape_cast %get3A_343 : vector<1x16xf32> to vector<16xf32>
    %scan3A_345 = arith.constant 0 : i32
    %scan3A_346 = arith.constant 88 : i32
    %scan3A_347 = arith.addi %scan3A_345, %scan3A_346 : i32
    %scan3A_348 = arith.constant 1 : i32
    scf.for %scan3A_374 = %scan3A_345 to %scan3A_347 step %scan3A_348  : i32 {
      %sub3A = arith.subi %scan3A_374, %add3A_184 : i32
      %jit3A = arith.constant 0 : i32
      %jit3A_375 = arith.constant 64 : i32
      %max3A = arith.maxsi %jit3A, %sub3A : i32
      %min3A = arith.minsi %jit3A_375, %max3A : i32
      %get3A_376 = arith.index_cast %min3A : i32 to index
      %get3A_377 = arith.constant 0 : index
      %get3A_378 = tpu.vector_load %arg5[%get3A_376, %get3A_377] {strides = array<i32>} : memref<65x512xf32, #tpu.memory_space<vmem>>, vector<1x16xf32>,
      %get3A_379 = vector.shape_cast %get3A_378 : vector<1x16xf32> to vector<16xf32>
      %add3A_380 = arith.addf %get3A_379, %get3A_189 : vector<16xf32>
      %swap3A = arith.index_cast %scan3A_374 : i32 to index
      %swap3A_381 = arith.constant 0 : index
      %swap3A_382 = tpu.vector_load %arg8[%swap3A, %swap3A_381] {strides = array<i32>} : memref<88x512xf32, #tpu.memory_space<vmem>>, vector<1x16xf32>,
      %swap3A_383 = vector.shape_cast %swap3A_382 : vector<1x16xf32> to vector<16xf32>
      %swap3A_384 = vector.shape_cast %add3A_380 : vector<16xf32> to vector<1x16xf32>
      tpu.vector_store %arg8[%swap3A, %swap3A_381], %swap3A_384 {strides = array<i32>} : memref<88x512xf32, #tpu.memory_space<vmem>>, vector<1x16xf32>,
      %get3A_385 = arith.index_cast %min3A : i32 to index
      %get3A_386 = arith.constant 16 : index
      %get3A_387 = tpu.vector_load %arg5[%get3A_385, %get3A_386] {strides = array<i32>} : memref<65x512xf32, #tpu.memory_space<vmem>>, vector<1x16xf32>,
      %get3A_388 = vector.shape_cast %get3A_387 : vector<1x16xf32> to vector<16xf32>
      %add3A_389 = arith.addf %get3A_388, %get3A_194 : vector<16xf32>
      %swap3A_390 = arith.index_cast %scan3A_374 : i32 to index
      %swap3A_391 = arith.constant 16 : index
      %swap3A_392 = tpu.vector_load %arg8[%swap3A_390, %swap3A_391] {strides = array<i32>} : memref<88x512xf32, #tpu.memory_space<vmem>>, vector<1x16xf32>,
      %swap3A_393 = vector.shape_cast %swap3A_392 : vector<1x16xf32> to vector<16xf32>
      %swap3A_394 = vector.shape_cast %add3A_389 : vector<16xf32> to vector<1x16xf32>
      tpu.vector_store %arg8[%swap3A_390, %swap3A_391], %swap3A_394 {strides = array<i32>} : memref<88x512xf32, #tpu.memory_space<vmem>>, vector<1x16xf32>,
      %get3A_395 = arith.index_cast %min3A : i32 to index
      %get3A_396 = arith.constant 32 : index
      %get3A_397 = tpu.vector_load %arg5[%get3A_395, %get3A_396] {strides = array<i32>} : memref<65x512xf32, #tpu.memory_space<vmem>>, vector<1x16xf32>,
      %get3A_398 = vector.shape_cast %get3A_397 : vector<1x16xf32> to vector<16xf32>
      %add3A_399 = arith.addf %get3A_398, %get3A_199 : vector<16xf32>
      %swap3A_400 = arith.index_cast %scan3A_374 : i32 to index
      %swap3A_401 = arith.constant 32 : index
      %swap3A_402 = tpu.vector_load %arg8[%swap3A_400, %swap3A_401] {strides = array<i32>} : memref<88x512xf32, #tpu.memory_space<vmem>>, vector<1x16xf32>,
      %swap3A_403 = vector.shape_cast %swap3A_402 : vector<1x16xf32> to vector<16xf32>
      %swap3A_404 = vector.shape_cast %add3A_399 : vector<16xf32> to vector<1x16xf32>
      tpu.vector_store %arg8[%swap3A_400, %swap3A_401], %swap3A_404 {strides = array<i32>} : memref<88x512xf32, #tpu.memory_space<vmem>>, vector<1x16xf32>,
      %get3A_405 = arith.index_cast %min3A : i32 to index
      %get3A_406 = arith.constant 48 : index
      %get3A_407 = tpu.vector_load %arg5[%get3A_405, %get3A_406] {strides = array<i32>} : memref<65x512xf32, #tpu.memory_space<vmem>>, vector<1x16xf32>,
      %get3A_408 = vector.shape_cast %get3A_407 : vector<1x16xf32> to vector<16xf32>
      %add3A_409 = arith.addf %get3A_408, %get3A_204 : vector<16xf32>
      %swap3A_410 = arith.index_cast %scan3A_374 : i32 to index
      %swap3A_411 = arith.constant 48 : index
      %swap3A_412 = tpu.vector_load %arg8[%swap3A_410, %swap3A_411] {strides = array<i32>} : memref<88x512xf32, #tpu.memory_space<vmem>>, vector<1x16xf32>,
      %swap3A_413 = vector.shape_cast %swap3A_412 : vector<1x16xf32> to vector<16xf32>
      %swap3A_414 = vector.shape_cast %add3A_409 : vector<16xf32> to vector<1x16xf32>
      tpu.vector_store %arg8[%swap3A_410, %swap3A_411], %swap3A_414 {strides = array<i32>} : memref<88x512xf32, #tpu.memory_space<vmem>>, vector<1x16xf32>,
      %get3A_415 = arith.index_cast %min3A : i32 to index
      %get3A_416 = arith.constant 64 : index
      %get3A_417 = tpu.vector_load %arg5[%get3A_415, %get3A_416] {strides = array<i32>} : memref<65x512xf32, #tpu.memory_space<vmem>>, vector<1x16xf32>,
      %get3A_418 = vector.shape_cast %get3A_417 : vector<1x16xf32> to vector<16xf32>
      %add3A_419 = arith.addf %get3A_418, %get3A_209 : vector<16xf32>
      %swap3A_420 = arith.index_cast %scan3A_374 : i32 to index
      %swap3A_421 = arith.constant 64 : index
      %swap3A_422 = tpu.vector_load %arg8[%swap3A_420, %swap3A_421] {strides = array<i32>} : memref<88x512xf32, #tpu.memory_space<vmem>>, vector<1x16xf32>,
      %swap3A_423 = vector.shape_cast %swap3A_422 : vector<1x16xf32> to vector<16xf32>
      %swap3A_424 = vector.shape_cast %add3A_419 : vector<16xf32> to vector<1x16xf32>
      tpu.vector_store %arg8[%swap3A_420, %swap3A_421], %swap3A_424 {strides = array<i32>} : memref<88x512xf32, #tpu.memory_space<vmem>>, vector<1x16xf32>,
      %get3A_425 = arith.index_cast %min3A : i32 to index
      %get3A_426 = arith.constant 80 : index
      %get3A_427 = tpu.vector_load %arg5[%get3A_425, %get3A_426] {strides = array<i32>} : memref<65x512xf32, #tpu.memory_space<vmem>>, vector<1x16xf32>,
      %get3A_428 = vector.shape_cast %get3A_427 : vector<1x16xf32> to vector<16xf32>
      %add3A_429 = arith.addf %get3A_428, %get3A_214 : vector<16xf32>
      %swap3A_430 = arith.index_cast %scan3A_374 : i32 to index
      %swap3A_431 = arith.constant 80 : index
      %swap3A_432 = tpu.vector_load %arg8[%swap3A_430, %swap3A_431] {strides = array<i32>} : memref<88x512xf32, #tpu.memory_space<vmem>>, vector<1x16xf32>,
      %swap3A_433 = vector.shape_cast %swap3A_432 : vector<1x16xf32> to vector<16xf32>
      %swap3A_434 = vector.shape_cast %add3A_429 : vector<16xf32> to vector<1x16xf32>
      tpu.vector_store %arg8[%swap3A_430, %swap3A_431], %swap3A_434 {strides = array<i32>} : memref<88x512xf32, #tpu.memory_space<vmem>>, vector<1x16xf32>,
      %get3A_435 = arith.index_cast %min3A : i32 to index
      %get3A_436 = arith.constant 96 : index
      %get3A_437 = tpu.vector_load %arg5[%get3A_435, %get3A_436] {strides = array<i32>} : memref<65x512xf32, #tpu.memory_space<vmem>>, vector<1x16xf32>,
      %get3A_438 = vector.shape_cast %get3A_437 : vector<1x16xf32> to vector<16xf32>
      %add3A_439 = arith.addf %get3A_438, %get3A_219 : vector<16xf32>
      %swap3A_440 = arith.index_cast %scan3A_374 : i32 to index
      %swap3A_441 = arith.constant 96 : index
      %swap3A_442 = tpu.vector_load %arg8[%swap3A_440, %swap3A_441] {strides = array<i32>} : memref<88x512xf32, #tpu.memory_space<vmem>>, vector<1x16xf32>,
      %swap3A_443 = vector.shape_cast %swap3A_442 : vector<1x16xf32> to vector<16xf32>
      %swap3A_444 = vector.shape_cast %add3A_439 : vector<16xf32> to vector<1x16xf32>
      tpu.vector_store %arg8[%swap3A_440, %swap3A_441], %swap3A_444 {strides = array<i32>} : memref<88x512xf32, #tpu.memory_space<vmem>>, vector<1x16xf32>,
      %get3A_445 = arith.index_cast %min3A : i32 to index
      %get3A_446 = arith.constant 112 : index
      %get3A_447 = tpu.vector_load %arg5[%get3A_445, %get3A_446] {strides = array<i32>} : memref<65x512xf32, #tpu.memory_space<vmem>>, vector<1x16xf32>,
      %get3A_448 = vector.shape_cast %get3A_447 : vector<1x16xf32> to vector<16xf32>
      %add3A_449 = arith.addf %get3A_448, %get3A_224 : vector<16xf32>
      %swap3A_450 = arith.index_cast %scan3A_374 : i32 to index
      %swap3A_451 = arith.constant 112 : index
      %swap3A_452 = tpu.vector_load %arg8[%swap3A_450, %swap3A_451] {strides = array<i32>} : memref<88x512xf32, #tpu.memory_space<vmem>>, vector<1x16xf32>,
      %swap3A_453 = vector.shape_cast %swap3A_452 : vector<1x16xf32> to vector<16xf32>
      %swap3A_454 = vector.shape_cast %add3A_449 : vector<16xf32> to vector<1x16xf32>
      tpu.vector_store %arg8[%swap3A_450, %swap3A_451], %swap3A_454 {strides = array<i32>} : memref<88x512xf32, #tpu.memory_space<vmem>>, vector<1x16xf32>,
      %get3A_455 = arith.index_cast %min3A : i32 to index
      %get3A_456 = arith.constant 128 : index
      %get3A_457 = tpu.vector_load %arg5[%get3A_455, %get3A_456] {strides = array<i32>} : memref<65x512xf32, #tpu.memory_space<vmem>>, vector<1x16xf32>,
      %get3A_458 = vector.shape_cast %get3A_457 : vector<1x16xf32> to vector<16xf32>
      %add3A_459 = arith.addf %get3A_458, %get3A_229 : vector<16xf32>
      %swap3A_460 = arith.index_cast %scan3A_374 : i32 to index
      %swap3A_461 = arith.constant 128 : index
      %swap3A_462 = tpu.vector_load %arg8[%swap3A_460, %swap3A_461] {strides = array<i32>} : memref<88x512xf32, #tpu.memory_space<vmem>>, vector<1x16xf32>,
      %swap3A_463 = vector.shape_cast %swap3A_462 : vector<1x16xf32> to vector<16xf32>
      %swap3A_464 = vector.shape_cast %add3A_459 : vector<16xf32> to vector<1x16xf32>
      tpu.vector_store %arg8[%swap3A_460, %swap3A_461], %swap3A_464 {strides = array<i32>} : memref<88x512xf32, #tpu.memory_space<vmem>>, vector<1x16xf32>,
      %get3A_465 = arith.index_cast %min3A : i32 to index
      %get3A_466 = arith.constant 144 : index
      %get3A_467 = tpu.vector_load %arg5[%get3A_465, %get3A_466] {strides = array<i32>} : memref<65x512xf32, #tpu.memory_space<vmem>>, vector<1x16xf32>,
      %get3A_468 = vector.shape_cast %get3A_467 : vector<1x16xf32> to vector<16xf32>
      %add3A_469 = arith.addf %get3A_468, %get3A_234 : vector<16xf32>
      %swap3A_470 = arith.index_cast %scan3A_374 : i32 to index
      %swap3A_471 = arith.constant 144 : index
      %swap3A_472 = tpu.vector_load %arg8[%swap3A_470, %swap3A_471] {strides = array<i32>} : memref<88x512xf32, #tpu.memory_space<vmem>>, vector<1x16xf32>,
      %swap3A_473 = vector.shape_cast %swap3A_472 : vector<1x16xf32> to vector<16xf32>
      %swap3A_474 = vector.shape_cast %add3A_469 : vector<16xf32> to vector<1x16xf32>
      tpu.vector_store %arg8[%swap3A_470, %swap3A_471], %swap3A_474 {strides = array<i32>} : memref<88x512xf32, #tpu.memory_space<vmem>>, vector<1x16xf32>,
      %get3A_475 = arith.index_cast %min3A : i32 to index
      %get3A_476 = arith.constant 160 : index
      %get3A_477 = tpu.vector_load %arg5[%get3A_475, %get3A_476] {strides = array<i32>} : memref<65x512xf32, #tpu.memory_space<vmem>>, vector<1x16xf32>,
      %get3A_478 = vector.shape_cast %get3A_477 : vector<1x16xf32> to vector<16xf32>
      %add3A_479 = arith.addf %get3A_478, %get3A_239 : vector<16xf32>
      %swap3A_480 = arith.index_cast %scan3A_374 : i32 to index
      %swap3A_481 = arith.constant 160 : index
      %swap3A_482 = tpu.vector_load %arg8[%swap3A_480, %swap3A_481] {strides = array<i32>} : memref<88x512xf32, #tpu.memory_space<vmem>>, vector<1x16xf32>,
      %swap3A_483 = vector.shape_cast %swap3A_482 : vector<1x16xf32> to vector<16xf32>
      %swap3A_484 = vector.shape_cast %add3A_479 : vector<16xf32> to vector<1x16xf32>
      tpu.vector_store %arg8[%swap3A_480, %swap3A_481], %swap3A_484 {strides = array<i32>} : memref<88x512xf32, #tpu.memory_space<vmem>>, vector<1x16xf32>,
      %get3A_485 = arith.index_cast %min3A : i32 to index
      %get3A_486 = arith.constant 176 : index
      %get3A_487 = tpu.vector_load %arg5[%get3A_485, %get3A_486] {strides = array<i32>} : memref<65x512xf32, #tpu.memory_space<vmem>>, vector<1x16xf32>,
      %get3A_488 = vector.shape_cast %get3A_487 : vector<1x16xf32> to vector<16xf32>
      %add3A_489 = arith.addf %get3A_488, %get3A_244 : vector<16xf32>
      %swap3A_490 = arith.index_cast %scan3A_374 : i32 to index
      %swap3A_491 = arith.constant 176 : index
      %swap3A_492 = tpu.vector_load %arg8[%swap3A_490, %swap3A_491] {strides = array<i32>} : memref<88x512xf32, #tpu.memory_space<vmem>>, vector<1x16xf32>,
      %swap3A_493 = vector.shape_cast %swap3A_492 : vector<1x16xf32> to vector<16xf32>
      %swap3A_494 = vector.shape_cast %add3A_489 : vector<16xf32> to vector<1x16xf32>
      tpu.vector_store %arg8[%swap3A_490, %swap3A_491], %swap3A_494 {strides = array<i32>} : memref<88x512xf32, #tpu.memory_space<vmem>>, vector<1x16xf32>,
      %get3A_495 = arith.index_cast %min3A : i32 to index
      %get3A_496 = arith.constant 192 : index
      %get3A_497 = tpu.vector_load %arg5[%get3A_495, %get3A_496] {strides = array<i32>} : memref<65x512xf32, #tpu.memory_space<vmem>>, vector<1x16xf32>,
      %get3A_498 = vector.shape_cast %get3A_497 : vector<1x16xf32> to vector<16xf32>
      %add3A_499 = arith.addf %get3A_498, %get3A_249 : vector<16xf32>
      %swap3A_500 = arith.index_cast %scan3A_374 : i32 to index
      %swap3A_501 = arith.constant 192 : index
      %swap3A_502 = tpu.vector_load %arg8[%swap3A_500, %swap3A_501] {strides = array<i32>} : memref<88x512xf32, #tpu.memory_space<vmem>>, vector<1x16xf32>,
      %swap3A_503 = vector.shape_cast %swap3A_502 : vector<1x16xf32> to vector<16xf32>
      %swap3A_504 = vector.shape_cast %add3A_499 : vector<16xf32> to vector<1x16xf32>
      tpu.vector_store %arg8[%swap3A_500, %swap3A_501], %swap3A_504 {strides = array<i32>} : memref<88x512xf32, #tpu.memory_space<vmem>>, vector<1x16xf32>,
      %get3A_505 = arith.index_cast %min3A : i32 to index
      %get3A_506 = arith.constant 208 : index
      %get3A_507 = tpu.vector_load %arg5[%get3A_505, %get3A_506] {strides = array<i32>} : memref<65x512xf32, #tpu.memory_space<vmem>>, vector<1x16xf32>,
      %get3A_508 = vector.shape_cast %get3A_507 : vector<1x16xf32> to vector<16xf32>
      %add3A_509 = arith.addf %get3A_508, %get3A_254 : vector<16xf32>
      %swap3A_510 = arith.index_cast %scan3A_374 : i32 to index
      %swap3A_511 = arith.constant 208 : index
      %swap3A_512 = tpu.vector_load %arg8[%swap3A_510, %swap3A_511] {strides = array<i32>} : memref<88x512xf32, #tpu.memory_space<vmem>>, vector<1x16xf32>,
      %swap3A_513 = vector.shape_cast %swap3A_512 : vector<1x16xf32> to vector<16xf32>
      %swap3A_514 = vector.shape_cast %add3A_509 : vector<16xf32> to vector<1x16xf32>
      tpu.vector_store %arg8[%swap3A_510, %swap3A_511], %swap3A_514 {strides = array<i32>} : memref<88x512xf32, #tpu.memory_space<vmem>>, vector<1x16xf32>,
      %get3A_515 = arith.index_cast %min3A : i32 to index
      %get3A_516 = arith.constant 224 : index
      %get3A_517 = tpu.vector_load %arg5[%get3A_515, %get3A_516] {strides = array<i32>} : memref<65x512xf32, #tpu.memory_space<vmem>>, vector<1x16xf32>,
      %get3A_518 = vector.shape_cast %get3A_517 : vector<1x16xf32> to vector<16xf32>
      %add3A_519 = arith.addf %get3A_518, %get3A_259 : vector<16xf32>
      %swap3A_520 = arith.index_cast %scan3A_374 : i32 to index
      %swap3A_521 = arith.constant 224 : index
      %swap3A_522 = tpu.vector_load %arg8[%swap3A_520, %swap3A_521] {strides = array<i32>} : memref<88x512xf32, #tpu.memory_space<vmem>>, vector<1x16xf32>,
      %swap3A_523 = vector.shape_cast %swap3A_522 : vector<1x16xf32> to vector<16xf32>
      %swap3A_524 = vector.shape_cast %add3A_519 : vector<16xf32> to vector<1x16xf32>
      tpu.vector_store %arg8[%swap3A_520, %swap3A_521], %swap3A_524 {strides = array<i32>} : memref<88x512xf32, #tpu.memory_space<vmem>>, vector<1x16xf32>,
      %get3A_525 = arith.index_cast %min3A : i32 to index
      %get3A_526 = arith.constant 240 : index
      %get3A_527 = tpu.vector_load %arg5[%get3A_525, %get3A_526] {strides = array<i32>} : memref<65x512xf32, #tpu.memory_space<vmem>>, vector<1x16xf32>,
      %get3A_528 = vector.shape_cast %get3A_527 : vector<1x16xf32> to vector<16xf32>
      %add3A_529 = arith.addf %get3A_528, %get3A_264 : vector<16xf32>
      %swap3A_530 = arith.index_cast %scan3A_374 : i32 to index
      %swap3A_531 = arith.constant 240 : index
      %swap3A_532 = tpu.vector_load %arg8[%swap3A_530, %swap3A_531] {strides = array<i32>} : memref<88x512xf32, #tpu.memory_space<vmem>>, vector<1x16xf32>,
      %swap3A_533 = vector.shape_cast %swap3A_532 : vector<1x16xf32> to vector<16xf32>
      %swap3A_534 = vector.shape_cast %add3A_529 : vector<16xf32> to vector<1x16xf32>
      tpu.vector_store %arg8[%swap3A_530, %swap3A_531], %swap3A_534 {strides = array<i32>} : memref<88x512xf32, #tpu.memory_space<vmem>>, vector<1x16xf32>,
      %get3A_535 = arith.index_cast %min3A : i32 to index
      %get3A_536 = arith.constant 256 : index
      %get3A_537 = tpu.vector_load %arg5[%get3A_535, %get3A_536] {strides = array<i32>} : memref<65x512xf32, #tpu.memory_space<vmem>>, vector<1x16xf32>,
      %get3A_538 = vector.shape_cast %get3A_537 : vector<1x16xf32> to vector<16xf32>
      %add3A_539 = arith.addf %get3A_538, %get3A_269 : vector<16xf32>
      %swap3A_540 = arith.index_cast %scan3A_374 : i32 to index
      %swap3A_541 = arith.constant 256 : index
      %swap3A_542 = tpu.vector_load %arg8[%swap3A_540, %swap3A_541] {strides = array<i32>} : memref<88x512xf32, #tpu.memory_space<vmem>>, vector<1x16xf32>,
      %swap3A_543 = vector.shape_cast %swap3A_542 : vector<1x16xf32> to vector<16xf32>
      %swap3A_544 = vector.shape_cast %add3A_539 : vector<16xf32> to vector<1x16xf32>
      tpu.vector_store %arg8[%swap3A_540, %swap3A_541], %swap3A_544 {strides = array<i32>} : memref<88x512xf32, #tpu.memory_space<vmem>>, vector<1x16xf32>,
      %get3A_545 = arith.index_cast %min3A : i32 to index
      %get3A_546 = arith.constant 272 : index
      %get3A_547 = tpu.vector_load %arg5[%get3A_545, %get3A_546] {strides = array<i32>} : memref<65x512xf32, #tpu.memory_space<vmem>>, vector<1x16xf32>,
      %get3A_548 = vector.shape_cast %get3A_547 : vector<1x16xf32> to vector<16xf32>
      %add3A_549 = arith.addf %get3A_548, %get3A_274 : vector<16xf32>
      %swap3A_550 = arith.index_cast %scan3A_374 : i32 to index
      %swap3A_551 = arith.constant 272 : index
      %swap3A_552 = tpu.vector_load %arg8[%swap3A_550, %swap3A_551] {strides = array<i32>} : memref<88x512xf32, #tpu.memory_space<vmem>>, vector<1x16xf32>,
      %swap3A_553 = vector.shape_cast %swap3A_552 : vector<1x16xf32> to vector<16xf32>
      %swap3A_554 = vector.shape_cast %add3A_549 : vector<16xf32> to vector<1x16xf32>
      tpu.vector_store %arg8[%swap3A_550, %swap3A_551], %swap3A_554 {strides = array<i32>} : memref<88x512xf32, #tpu.memory_space<vmem>>, vector<1x16xf32>,
      %get3A_555 = arith.index_cast %min3A : i32 to index
      %get3A_556 = arith.constant 288 : index
      %get3A_557 = tpu.vector_load %arg5[%get3A_555, %get3A_556] {strides = array<i32>} : memref<65x512xf32, #tpu.memory_space<vmem>>, vector<1x16xf32>,
      %get3A_558 = vector.shape_cast %get3A_557 : vector<1x16xf32> to vector<16xf32>
      %add3A_559 = arith.addf %get3A_558, %get3A_279 : vector<16xf32>
      %swap3A_560 = arith.index_cast %scan3A_374 : i32 to index
      %swap3A_561 = arith.constant 288 : index
      %swap3A_562 = tpu.vector_load %arg8[%swap3A_560, %swap3A_561] {strides = array<i32>} : memref<88x512xf32, #tpu.memory_space<vmem>>, vector<1x16xf32>,
      %swap3A_563 = vector.shape_cast %swap3A_562 : vector<1x16xf32> to vector<16xf32>
      %swap3A_564 = vector.shape_cast %add3A_559 : vector<16xf32> to vector<1x16xf32>
      tpu.vector_store %arg8[%swap3A_560, %swap3A_561], %swap3A_564 {strides = array<i32>} : memref<88x512xf32, #tpu.memory_space<vmem>>, vector<1x16xf32>,
      %get3A_565 = arith.index_cast %min3A : i32 to index
      %get3A_566 = arith.constant 304 : index
      %get3A_567 = tpu.vector_load %arg5[%get3A_565, %get3A_566] {strides = array<i32>} : memref<65x512xf32, #tpu.memory_space<vmem>>, vector<1x16xf32>,
      %get3A_568 = vector.shape_cast %get3A_567 : vector<1x16xf32> to vector<16xf32>
      %add3A_569 = arith.addf %get3A_568, %get3A_284 : vector<16xf32>
      %swap3A_570 = arith.index_cast %scan3A_374 : i32 to index
      %swap3A_571 = arith.constant 304 : index
      %swap3A_572 = tpu.vector_load %arg8[%swap3A_570, %swap3A_571] {strides = array<i32>} : memref<88x512xf32, #tpu.memory_space<vmem>>, vector<1x16xf32>,
      %swap3A_573 = vector.shape_cast %swap3A_572 : vector<1x16xf32> to vector<16xf32>
      %swap3A_574 = vector.shape_cast %add3A_569 : vector<16xf32> to vector<1x16xf32>
      tpu.vector_store %arg8[%swap3A_570, %swap3A_571], %swap3A_574 {strides = array<i32>} : memref<88x512xf32, #tpu.memory_space<vmem>>, vector<1x16xf32>,
      %get3A_575 = arith.index_cast %min3A : i32 to index
      %get3A_576 = arith.constant 320 : index
      %get3A_577 = tpu.vector_load %arg5[%get3A_575, %get3A_576] {strides = array<i32>} : memref<65x512xf32, #tpu.memory_space<vmem>>, vector<1x16xf32>,
      %get3A_578 = vector.shape_cast %get3A_577 : vector<1x16xf32> to vector<16xf32>
      %add3A_579 = arith.addf %get3A_578, %get3A_289 : vector<16xf32>
      %swap3A_580 = arith.index_cast %scan3A_374 : i32 to index
      %swap3A_581 = arith.constant 320 : index
      %swap3A_582 = tpu.vector_load %arg8[%swap3A_580, %swap3A_581] {strides = array<i32>} : memref<88x512xf32, #tpu.memory_space<vmem>>, vector<1x16xf32>,
      %swap3A_583 = vector.shape_cast %swap3A_582 : vector<1x16xf32> to vector<16xf32>
      %swap3A_584 = vector.shape_cast %add3A_579 : vector<16xf32> to vector<1x16xf32>
      tpu.vector_store %arg8[%swap3A_580, %swap3A_581], %swap3A_584 {strides = array<i32>} : memref<88x512xf32, #tpu.memory_space<vmem>>, vector<1x16xf32>,
      %get3A_585 = arith.index_cast %min3A : i32 to index
      %get3A_586 = arith.constant 336 : index
      %get3A_587 = tpu.vector_load %arg5[%get3A_585, %get3A_586] {strides = array<i32>} : memref<65x512xf32, #tpu.memory_space<vmem>>, vector<1x16xf32>,
      %get3A_588 = vector.shape_cast %get3A_587 : vector<1x16xf32> to vector<16xf32>
      %add3A_589 = arith.addf %get3A_588, %get3A_294 : vector<16xf32>
      %swap3A_590 = arith.index_cast %scan3A_374 : i32 to index
      %swap3A_591 = arith.constant 336 : index
      %swap3A_592 = tpu.vector_load %arg8[%swap3A_590, %swap3A_591] {strides = array<i32>} : memref<88x512xf32, #tpu.memory_space<vmem>>, vector<1x16xf32>,
      %swap3A_593 = vector.shape_cast %swap3A_592 : vector<1x16xf32> to vector<16xf32>
      %swap3A_594 = vector.shape_cast %add3A_589 : vector<16xf32> to vector<1x16xf32>
      tpu.vector_store %arg8[%swap3A_590, %swap3A_591], %swap3A_594 {strides = array<i32>} : memref<88x512xf32, #tpu.memory_space<vmem>>, vector<1x16xf32>,
      %get3A_595 = arith.index_cast %min3A : i32 to index
      %get3A_596 = arith.constant 352 : index
      %get3A_597 = tpu.vector_load %arg5[%get3A_595, %get3A_596] {strides = array<i32>} : memref<65x512xf32, #tpu.memory_space<vmem>>, vector<1x16xf32>,
      %get3A_598 = vector.shape_cast %get3A_597 : vector<1x16xf32> to vector<16xf32>
      %add3A_599 = arith.addf %get3A_598, %get3A_299 : vector<16xf32>
      %swap3A_600 = arith.index_cast %scan3A_374 : i32 to index
      %swap3A_601 = arith.constant 352 : index
      %swap3A_602 = tpu.vector_load %arg8[%swap3A_600, %swap3A_601] {strides = array<i32>} : memref<88x512xf32, #tpu.memory_space<vmem>>, vector<1x16xf32>,
      %swap3A_603 = vector.shape_cast %swap3A_602 : vector<1x16xf32> to vector<16xf32>
      %swap3A_604 = vector.shape_cast %add3A_599 : vector<16xf32> to vector<1x16xf32>
      tpu.vector_store %arg8[%swap3A_600, %swap3A_601], %swap3A_604 {strides = array<i32>} : memref<88x512xf32, #tpu.memory_space<vmem>>, vector<1x16xf32>,
      %get3A_605 = arith.index_cast %min3A : i32 to index
      %get3A_606 = arith.constant 368 : index
      %get3A_607 = tpu.vector_load %arg5[%get3A_605, %get3A_606] {strides = array<i32>} : memref<65x512xf32, #tpu.memory_space<vmem>>, vector<1x16xf32>,
      %get3A_608 = vector.shape_cast %get3A_607 : vector<1x16xf32> to vector<16xf32>
      %add3A_609 = arith.addf %get3A_608, %get3A_304 : vector<16xf32>
      %swap3A_610 = arith.index_cast %scan3A_374 : i32 to index
      %swap3A_611 = arith.constant 368 : index
      %swap3A_612 = tpu.vector_load %arg8[%swap3A_610, %swap3A_611] {strides = array<i32>} : memref<88x512xf32, #tpu.memory_space<vmem>>, vector<1x16xf32>,
      %swap3A_613 = vector.shape_cast %swap3A_612 : vector<1x16xf32> to vector<16xf32>
      %swap3A_614 = vector.shape_cast %add3A_609 : vector<16xf32> to vector<1x16xf32>
      tpu.vector_store %arg8[%swap3A_610, %swap3A_611], %swap3A_614 {strides = array<i32>} : memref<88x512xf32, #tpu.memory_space<vmem>>, vector<1x16xf32>,
      %get3A_615 = arith.index_cast %min3A : i32 to index
      %get3A_616 = arith.constant 384 : index
      %get3A_617 = tpu.vector_load %arg5[%get3A_615, %get3A_616] {strides = array<i32>} : memref<65x512xf32, #tpu.memory_space<vmem>>, vector<1x16xf32>,
      %get3A_618 = vector.shape_cast %get3A_617 : vector<1x16xf32> to vector<16xf32>
      %add3A_619 = arith.addf %get3A_618, %get3A_309 : vector<16xf32>
      %swap3A_620 = arith.index_cast %scan3A_374 : i32 to index
      %swap3A_621 = arith.constant 384 : index
      %swap3A_622 = tpu.vector_load %arg8[%swap3A_620, %swap3A_621] {strides = array<i32>} : memref<88x512xf32, #tpu.memory_space<vmem>>, vector<1x16xf32>,
      %swap3A_623 = vector.shape_cast %swap3A_622 : vector<1x16xf32> to vector<16xf32>
      %swap3A_624 = vector.shape_cast %add3A_619 : vector<16xf32> to vector<1x16xf32>
      tpu.vector_store %arg8[%swap3A_620, %swap3A_621], %swap3A_624 {strides = array<i32>} : memref<88x512xf32, #tpu.memory_space<vmem>>, vector<1x16xf32>,
      %get3A_625 = arith.index_cast %min3A : i32 to index
      %get3A_626 = arith.constant 400 : index
      %get3A_627 = tpu.vector_load %arg5[%get3A_625, %get3A_626] {strides = array<i32>} : memref<65x512xf32, #tpu.memory_space<vmem>>, vector<1x16xf32>,
      %get3A_628 = vector.shape_cast %get3A_627 : vector<1x16xf32> to vector<16xf32>
      %add3A_629 = arith.addf %get3A_628, %get3A_314 : vector<16xf32>
      %swap3A_630 = arith.index_cast %scan3A_374 : i32 to index
      %swap3A_631 = arith.constant 400 : index
      %swap3A_632 = tpu.vector_load %arg8[%swap3A_630, %swap3A_631] {strides = array<i32>} : memref<88x512xf32, #tpu.memory_space<vmem>>, vector<1x16xf32>,
      %swap3A_633 = vector.shape_cast %swap3A_632 : vector<1x16xf32> to vector<16xf32>
      %swap3A_634 = vector.shape_cast %add3A_629 : vector<16xf32> to vector<1x16xf32>
      tpu.vector_store %arg8[%swap3A_630, %swap3A_631], %swap3A_634 {strides = array<i32>} : memref<88x512xf32, #tpu.memory_space<vmem>>, vector<1x16xf32>,
      %get3A_635 = arith.index_cast %min3A : i32 to index
      %get3A_636 = arith.constant 416 : index
      %get3A_637 = tpu.vector_load %arg5[%get3A_635, %get3A_636] {strides = array<i32>} : memref<65x512xf32, #tpu.memory_space<vmem>>, vector<1x16xf32>,
      %get3A_638 = vector.shape_cast %get3A_637 : vector<1x16xf32> to vector<16xf32>
      %add3A_639 = arith.addf %get3A_638, %get3A_319 : vector<16xf32>
      %swap3A_640 = arith.index_cast %scan3A_374 : i32 to index
      %swap3A_641 = arith.constant 416 : index
      %swap3A_642 = tpu.vector_load %arg8[%swap3A_640, %swap3A_641] {strides = array<i32>} : memref<88x512xf32, #tpu.memory_space<vmem>>, vector<1x16xf32>,
      %swap3A_643 = vector.shape_cast %swap3A_642 : vector<1x16xf32> to vector<16xf32>
      %swap3A_644 = vector.shape_cast %add3A_639 : vector<16xf32> to vector<1x16xf32>
      tpu.vector_store %arg8[%swap3A_640, %swap3A_641], %swap3A_644 {strides = array<i32>} : memref<88x512xf32, #tpu.memory_space<vmem>>, vector<1x16xf32>,
      %get3A_645 = arith.index_cast %min3A : i32 to index
      %get3A_646 = arith.constant 432 : index
      %get3A_647 = tpu.vector_load %arg5[%get3A_645, %get3A_646] {strides = array<i32>} : memref<65x512xf32, #tpu.memory_space<vmem>>, vector<1x16xf32>,
      %get3A_648 = vector.shape_cast %get3A_647 : vector<1x16xf32> to vector<16xf32>
      %add3A_649 = arith.addf %get3A_648, %get3A_324 : vector<16xf32>
      %swap3A_650 = arith.index_cast %scan3A_374 : i32 to index
      %swap3A_651 = arith.constant 432 : index
      %swap3A_652 = tpu.vector_load %arg8[%swap3A_650, %swap3A_651] {strides = array<i32>} : memref<88x512xf32, #tpu.memory_space<vmem>>, vector<1x16xf32>,
      %swap3A_653 = vector.shape_cast %swap3A_652 : vector<1x16xf32> to vector<16xf32>
      %swap3A_654 = vector.shape_cast %add3A_649 : vector<16xf32> to vector<1x16xf32>
      tpu.vector_store %arg8[%swap3A_650, %swap3A_651], %swap3A_654 {strides = array<i32>} : memref<88x512xf32, #tpu.memory_space<vmem>>, vector<1x16xf32>,
      %get3A_655 = arith.index_cast %min3A : i32 to index
      %get3A_656 = arith.constant 448 : index
      %get3A_657 = tpu.vector_load %arg5[%get3A_655, %get3A_656] {strides = array<i32>} : memref<65x512xf32, #tpu.memory_space<vmem>>, vector<1x16xf32>,
      %get3A_658 = vector.shape_cast %get3A_657 : vector<1x16xf32> to vector<16xf32>
      %add3A_659 = arith.addf %get3A_658, %get3A_329 : vector<16xf32>
      %swap3A_660 = arith.index_cast %scan3A_374 : i32 to index
      %swap3A_661 = arith.constant 448 : index
      %swap3A_662 = tpu.vector_load %arg8[%swap3A_660, %swap3A_661] {strides = array<i32>} : memref<88x512xf32, #tpu.memory_space<vmem>>, vector<1x16xf32>,
      %swap3A_663 = vector.shape_cast %swap3A_662 : vector<1x16xf32> to vector<16xf32>
      %swap3A_664 = vector.shape_cast %add3A_659 : vector<16xf32> to vector<1x16xf32>
      tpu.vector_store %arg8[%swap3A_660, %swap3A_661], %swap3A_664 {strides = array<i32>} : memref<88x512xf32, #tpu.memory_space<vmem>>, vector<1x16xf32>,
      %get3A_665 = arith.index_cast %min3A : i32 to index
      %get3A_666 = arith.constant 464 : index
      %get3A_667 = tpu.vector_load %arg5[%get3A_665, %get3A_666] {strides = array<i32>} : memref<65x512xf32, #tpu.memory_space<vmem>>, vector<1x16xf32>,
      %get3A_668 = vector.shape_cast %get3A_667 : vector<1x16xf32> to vector<16xf32>
      %add3A_669 = arith.addf %get3A_668, %get3A_334 : vector<16xf32>
      %swap3A_670 = arith.index_cast %scan3A_374 : i32 to index
      %swap3A_671 = arith.constant 464 : index
      %swap3A_672 = tpu.vector_load %arg8[%swap3A_670, %swap3A_671] {strides = array<i32>} : memref<88x512xf32, #tpu.memory_space<vmem>>, vector<1x16xf32>,
      %swap3A_673 = vector.shape_cast %swap3A_672 : vector<1x16xf32> to vector<16xf32>
      %swap3A_674 = vector.shape_cast %add3A_669 : vector<16xf32> to vector<1x16xf32>
      tpu.vector_store %arg8[%swap3A_670, %swap3A_671], %swap3A_674 {strides = array<i32>} : memref<88x512xf32, #tpu.memory_space<vmem>>, vector<1x16xf32>,
      %get3A_675 = arith.index_cast %min3A : i32 to index
      %get3A_676 = arith.constant 480 : index
      %get3A_677 = tpu.vector_load %arg5[%get3A_675, %get3A_676] {strides = array<i32>} : memref<65x512xf32, #tpu.memory_space<vmem>>, vector<1x16xf32>,
      %get3A_678 = vector.shape_cast %get3A_677 : vector<1x16xf32> to vector<16xf32>
      %add3A_679 = arith.addf %get3A_678, %get3A_339 : vector<16xf32>
      %swap3A_680 = arith.index_cast %scan3A_374 : i32 to index
      %swap3A_681 = arith.constant 480 : index
      %swap3A_682 = tpu.vector_load %arg8[%swap3A_680, %swap3A_681] {strides = array<i32>} : memref<88x512xf32, #tpu.memory_space<vmem>>, vector<1x16xf32>,
      %swap3A_683 = vector.shape_cast %swap3A_682 : vector<1x16xf32> to vector<16xf32>
      %swap3A_684 = vector.shape_cast %add3A_679 : vector<16xf32> to vector<1x16xf32>
      tpu.vector_store %arg8[%swap3A_680, %swap3A_681], %swap3A_684 {strides = array<i32>} : memref<88x512xf32, #tpu.memory_space<vmem>>, vector<1x16xf32>,
      %get3A_685 = arith.index_cast %min3A : i32 to index
      %get3A_686 = arith.constant 496 : index
      %get3A_687 = tpu.vector_load %arg5[%get3A_685, %get3A_686] {strides = array<i32>} : memref<65x512xf32, #tpu.memory_space<vmem>>, vector<1x16xf32>,
      %get3A_688 = vector.shape_cast %get3A_687 : vector<1x16xf32> to vector<16xf32>
      %add3A_689 = arith.addf %get3A_688, %get3A_344 : vector<16xf32>
      %swap3A_690 = arith.index_cast %scan3A_374 : i32 to index
      %swap3A_691 = arith.constant 496 : index
      %swap3A_692 = tpu.vector_load %arg8[%swap3A_690, %swap3A_691] {strides = array<i32>} : memref<88x512xf32, #tpu.memory_space<vmem>>, vector<1x16xf32>,
      %swap3A_693 = vector.shape_cast %swap3A_692 : vector<1x16xf32> to vector<16xf32>
      %swap3A_694 = vector.shape_cast %add3A_689 : vector<16xf32> to vector<1x16xf32>
      tpu.vector_store %arg8[%swap3A_690, %swap3A_691], %swap3A_694 {strides = array<i32>} : memref<88x512xf32, #tpu.memory_space<vmem>>, vector<1x16xf32>,
    }
    %scan3A_349 = arith.constant 88 : i32
    %scan3A_350 = arith.constant 0 : i32
    %scan3A_351 = arith.constant 0 : i32
    %scan3A_352 = arith.constant 64 : i32
    %scan3A_353 = arith.addi %scan3A_351, %scan3A_352 : i32
    %scan3A_354 = arith.constant 1 : i32
    scf.for %scan3A_374 = %scan3A_351 to %scan3A_353 step %scan3A_354  : i32 {
      %add3A_375 = arith.constant 1 : i32
      %add3A_376 = arith.addi %add3A_4, %add3A_375 : i32
      %rem3A_377 = arith.constant 8 : i32
      %rem3A_378 = arith.remsi %add3A_376, %rem3A_377 : i32
      %add3A_379 = arith.constant 8 : i32
      %add3A_380 = arith.addi %add3A_379, %rem3A_378 : i32
      %mul3A_381 = arith.constant 8 : i32
      %mul3A_382 = arith.muli %mul3A_381, %scan3A_374 : i32
      %sub3A = arith.subi %mul3A_382, %add3A_376 : i32
      %add3A_383 = arith.constant 32 : i32
      %add3A_384 = arith.addi %sub3A, %add3A_383 : i32
      %add3A_385 = arith.addi %add3A_384, %add3A_380 : i32
      %jit3A = arith.constant 0 : i32
      %jit3A_386 = arith.constant 80 : i32
      %max3A = arith.maxsi %jit3A, %add3A_385 : i32
      %min3A = arith.minsi %jit3A_386, %max3A : i32
      %multiple_of3A = tpu.assume_multiple %min3A, 8 : i32
      %mul3A_387 = arith.constant 8 : i32
      %mul3A_388 = arith.muli %mul3A_387, %scan3A_374 : i32
      %multiple_of3A_389 = tpu.assume_multiple %mul3A_388, 8 : i32
      %dma_start3A = arith.constant 0 : i32
      %dma_start3A_390 = tpu.memref_slice %arg8[%multiple_of3A, %dma_start3A] : memref<88x512xf32, #tpu.memory_space<vmem>> -> memref<8x512xf32, #tpu.memory_space<vmem>>
      %dma_start3A_391 = arith.constant 0 : i32
      %dma_start3A_392 = tpu.memref_slice %arg4[%add3A_376, %multiple_of3A_389, %dma_start3A_391] : memref<512x512x512xf32, #tpu.memory_space<hbm>> -> memref<1x8x512xf32, #tpu.memory_space<hbm>>
      %dma_start3A_393 = tpu.memref_squeeze %dma_start3A_392 : memref<1x8x512xf32, #tpu.memory_space<hbm>> -> memref<8x512xf32, #tpu.memory_space<hbm>>
      %dma_start3A_394 = arith.constant 0 : i32
      %dma_start3A_395 = tpu.memref_slice %arg4[%add3A_376, %multiple_of3A_389, %dma_start3A_394] : memref<512x512x512xf32, #tpu.memory_space<hbm>> -> memref<1x8x512xf32, #tpu.memory_space<hbm>>
      %dma_start3A_396 = tpu.memref_squeeze %dma_start3A_395 : memref<1x8x512xf32, #tpu.memory_space<hbm>> -> memref<8x512xf32, #tpu.memory_space<hbm>>
      %dma_start3A_397 = arith.constant 0 : i32
      %dma_start3A_398 = tpu.memref_slice %arg8[%multiple_of3A, %dma_start3A_397] : memref<88x512xf32, #tpu.memory_space<vmem>> -> memref<8x512xf32, #tpu.memory_space<vmem>>
      tpu.enqueue_dma source(%dma_start3A_398 : memref<8x512xf32, #tpu.memory_space<vmem>>) target(%dma_start3A_396 : memref<8x512xf32, #tpu.memory_space<hbm>>) target_semaphore(%arg10 : memref<!tpu.dma_semaphore, #tpu.memory_space<semaphore_mem>>)
    }
    %scan3A_355 = arith.constant 64 : i32
    %scan3A_356 = arith.constant 0 : i32
    %scan3A_357 = arith.constant 0 : i32
    %scan3A_358 = arith.constant 3 : i32
    %scan3A_359 = arith.addi %scan3A_357, %scan3A_358 : i32
    %scan3A_360 = arith.constant 1 : i32
    scf.for %scan3A_374 = %scan3A_357 to %scan3A_359 step %scan3A_360  : i32 {
      %mul3A_375 = arith.constant 2 : i32
      %mul3A_376 = arith.muli %mul3A_375, %scan3A_374 : i32
      %add3A_377 = arith.constant 2 : i32
      %add3A_378 = arith.addi %add3A_377, %mul3A_376 : i32
      %sub3A = arith.constant 2 : i32
      %sub3A_379 = arith.subi %add3A_378, %sub3A : i32
      %scan3A_380 = arith.constant 0 : i32
      %scan3A_381 = arith.constant 0 : i32
      %scan3A_382 = arith.constant 64 : i32
      %scan3A_383 = arith.addi %scan3A_381, %scan3A_382 : i32
      %scan3A_384 = arith.constant 1 : i32
      scf.for %scan3A_684 = %scan3A_381 to %scan3A_383 step %scan3A_384  : i32 {
        %add3A_685 = arith.addi %add3A_4, %sub3A_379 : i32
        %rem3A_686 = arith.constant 8 : i32
        %rem3A_687 = arith.remsi %add3A_685, %rem3A_686 : i32
        %add3A_688 = arith.constant 8 : i32
        %add3A_689 = arith.addi %add3A_688, %rem3A_687 : i32
        %mul3A_690 = arith.constant 8 : i32
        %mul3A_691 = arith.muli %mul3A_690, %scan3A_684 : i32
        %sub3A_692 = arith.subi %mul3A_691, %add3A_685 : i32
        %add3A_693 = arith.constant 32 : i32
        %add3A_694 = arith.addi %sub3A_692, %add3A_693 : i32
        %add3A_695 = arith.addi %add3A_694, %add3A_689 : i32
        %jit3A = arith.constant 0 : i32
        %jit3A_696 = arith.constant 80 : i32
        %max3A = arith.maxsi %jit3A, %add3A_695 : i32
        %min3A = arith.minsi %jit3A_696, %max3A : i32
        %multiple_of3A = tpu.assume_multiple %min3A, 8 : i32
        %mul3A_697 = arith.constant 8 : i32
        %mul3A_698 = arith.muli %mul3A_697, %scan3A_684 : i32
        %multiple_of3A_699 = tpu.assume_multiple %mul3A_698, 8 : i32
        %dma_wait3A = arith.constant 0 : i32
        %dma_wait3A_700 = tpu.memref_slice %arg7[%multiple_of3A, %dma_wait3A] : memref<88x512xf32, #tpu.memory_space<vmem>> -> memref<8x512xf32, #tpu.memory_space<vmem>>
        %dma_wait3A_701 = arith.constant 0 : i32
        %dma_wait3A_702 = tpu.memref_slice %arg4[%add3A_685, %multiple_of3A_699, %dma_wait3A_701] : memref<512x512x512xf32, #tpu.memory_space<hbm>> -> memref<1x8x512xf32, #tpu.memory_space<hbm>>
        %dma_wait3A_703 = tpu.memref_squeeze %dma_wait3A_702 : memref<1x8x512xf32, #tpu.memory_space<hbm>> -> memref<8x512xf32, #tpu.memory_space<hbm>>
        %dma_wait3A_704 = arith.constant 0 : i32
        %dma_wait3A_705 = tpu.memref_slice %arg4[%add3A_685, %multiple_of3A_699, %dma_wait3A_704] : memref<512x512x512xf32, #tpu.memory_space<hbm>> -> memref<1x8x512xf32, #tpu.memory_space<hbm>>
        %dma_wait3A_706 = tpu.memref_squeeze %dma_wait3A_705 : memref<1x8x512xf32, #tpu.memory_space<hbm>> -> memref<8x512xf32, #tpu.memory_space<hbm>>
        %dma_wait3A_707 = arith.constant 0 : i32
        %dma_wait3A_708 = tpu.memref_slice %arg7[%multiple_of3A, %dma_wait3A_707] : memref<88x512xf32, #tpu.memory_space<vmem>> -> memref<8x512xf32, #tpu.memory_space<vmem>>
        tpu.wait_dma2 semaphore(%arg9 : memref<!tpu.dma_semaphore, #tpu.memory_space<semaphore_mem>>) src(%dma_wait3A_708 : memref<8x512xf32, #tpu.memory_space<vmem>>) dst(%dma_wait3A_706 : memref<8x512xf32, #tpu.memory_space<hbm>>)
      }
      %scan3A_385 = arith.constant 64 : i32
      %add3A_386 = arith.addi %add3A_4, %add3A_378 : i32
      %rem3A_387 = arith.constant 8 : i32
      %rem3A_388 = arith.remsi %add3A_386, %rem3A_387 : i32
      %add3A_389 = arith.constant 8 : i32
      %add3A_390 = arith.addi %add3A_389, %rem3A_388 : i32
      %get3A_391 = arith.index_cast %add3A_378 : i32 to index
      %get3A_392 = arith.constant 0 : index
      %get3A_393 = tpu.vector_load %arg6[%get3A_391, %get3A_392] {strides = array<i32>} : memref<8x512xf32, #tpu.memory_space<vmem>>, vector<1x16xf32>,
      %get3A_394 = vector.shape_cast %get3A_393 : vector<1x16xf32> to vector<16xf32>
      %get3A_395 = arith.index_cast %add3A_378 : i32 to index
      %get3A_396 = arith.constant 16 : index
      %get3A_397 = tpu.vector_load %arg6[%get3A_395, %get3A_396] {strides = array<i32>} : memref<8x512xf32, #tpu.memory_space<vmem>>, vector<1x16xf32>,
      %get3A_398 = vector.shape_cast %get3A_397 : vector<1x16xf32> to vector<16xf32>
      %get3A_399 = arith.index_cast %add3A_378 : i32 to index
      %get3A_400 = arith.constant 32 : index
      %get3A_401 = tpu.vector_load %arg6[%get3A_399, %get3A_400] {strides = array<i32>} : memref<8x512xf32, #tpu.memory_space<vmem>>, vector<1x16xf32>,
      %get3A_402 = vector.shape_cast %get3A_401 : vector<1x16xf32> to vector<16xf32>
      %get3A_403 = arith.index_cast %add3A_378 : i32 to index
      %get3A_404 = arith.constant 48 : index
      %get3A_405 = tpu.vector_load %arg6[%get3A_403, %get3A_404] {strides = array<i32>} : memref<8x512xf32, #tpu.memory_space<vmem>>, vector<1x16xf32>,
      %get3A_406 = vector.shape_cast %get3A_405 : vector<1x16xf32> to vector<16xf32>
      %get3A_407 = arith.index_cast %add3A_378 : i32 to index
      %get3A_408 = arith.constant 64 : index
      %get3A_409 = tpu.vector_load %arg6[%get3A_407, %get3A_408] {strides = array<i32>} : memref<8x512xf32, #tpu.memory_space<vmem>>, vector<1x16xf32>,
      %get3A_410 = vector.shape_cast %get3A_409 : vector<1x16xf32> to vector<16xf32>
      %get3A_411 = arith.index_cast %add3A_378 : i32 to index
      %get3A_412 = arith.constant 80 : index
      %get3A_413 = tpu.vector_load %arg6[%get3A_411, %get3A_412] {strides = array<i32>} : memref<8x512xf32, #tpu.memory_space<vmem>>, vector<1x16xf32>,
      %get3A_414 = vector.shape_cast %get3A_413 : vector<1x16xf32> to vector<16xf32>
      %get3A_415 = arith.index_cast %add3A_378 : i32 to index
      %get3A_416 = arith.constant 96 : index
      %get3A_417 = tpu.vector_load %arg6[%get3A_415, %get3A_416] {strides = array<i32>} : memref<8x512xf32, #tpu.memory_space<vmem>>, vector<1x16xf32>,
      %get3A_418 = vector.shape_cast %get3A_417 : vector<1x16xf32> to vector<16xf32>
      %get3A_419 = arith.index_cast %add3A_378 : i32 to index
      %get3A_420 = arith.constant 112 : index
      %get3A_421 = tpu.vector_load %arg6[%get3A_419, %get3A_420] {strides = array<i32>} : memref<8x512xf32, #tpu.memory_space<vmem>>, vector<1x16xf32>,
      %get3A_422 = vector.shape_cast %get3A_421 : vector<1x16xf32> to vector<16xf32>
      %get3A_423 = arith.index_cast %add3A_378 : i32 to index
      %get3A_424 = arith.constant 128 : index
      %get3A_425 = tpu.vector_load %arg6[%get3A_423, %get3A_424] {strides = array<i32>} : memref<8x512xf32, #tpu.memory_space<vmem>>, vector<1x16xf32>,
      %get3A_426 = vector.shape_cast %get3A_425 : vector<1x16xf32> to vector<16xf32>
      %get3A_427 = arith.index_cast %add3A_378 : i32 to index
      %get3A_428 = arith.constant 144 : index
      %get3A_429 = tpu.vector_load %arg6[%get3A_427, %get3A_428] {strides = array<i32>} : memref<8x512xf32, #tpu.memory_space<vmem>>, vector<1x16xf32>,
      %get3A_430 = vector.shape_cast %get3A_429 : vector<1x16xf32> to vector<16xf32>
      %get3A_431 = arith.index_cast %add3A_378 : i32 to index
      %get3A_432 = arith.constant 160 : index
      %get3A_433 = tpu.vector_load %arg6[%get3A_431, %get3A_432] {strides = array<i32>} : memref<8x512xf32, #tpu.memory_space<vmem>>, vector<1x16xf32>,
      %get3A_434 = vector.shape_cast %get3A_433 : vector<1x16xf32> to vector<16xf32>
      %get3A_435 = arith.index_cast %add3A_378 : i32 to index
      %get3A_436 = arith.constant 176 : index
      %get3A_437 = tpu.vector_load %arg6[%get3A_435, %get3A_436] {strides = array<i32>} : memref<8x512xf32, #tpu.memory_space<vmem>>, vector<1x16xf32>,
      %get3A_438 = vector.shape_cast %get3A_437 : vector<1x16xf32> to vector<16xf32>
      %get3A_439 = arith.index_cast %add3A_378 : i32 to index
      %get3A_440 = arith.constant 192 : index
      %get3A_441 = tpu.vector_load %arg6[%get3A_439, %get3A_440] {strides = array<i32>} : memref<8x512xf32, #tpu.memory_space<vmem>>, vector<1x16xf32>,
      %get3A_442 = vector.shape_cast %get3A_441 : vector<1x16xf32> to vector<16xf32>
      %get3A_443 = arith.index_cast %add3A_378 : i32 to index
      %get3A_444 = arith.constant 208 : index
      %get3A_445 = tpu.vector_load %arg6[%get3A_443, %get3A_444] {strides = array<i32>} : memref<8x512xf32, #tpu.memory_space<vmem>>, vector<1x16xf32>,
      %get3A_446 = vector.shape_cast %get3A_445 : vector<1x16xf32> to vector<16xf32>
      %get3A_447 = arith.index_cast %add3A_378 : i32 to index
      %get3A_448 = arith.constant 224 : index
      %get3A_449 = tpu.vector_load %arg6[%get3A_447, %get3A_448] {strides = array<i32>} : memref<8x512xf32, #tpu.memory_space<vmem>>, vector<1x16xf32>,
      %get3A_450 = vector.shape_cast %get3A_449 : vector<1x16xf32> to vector<16xf32>
      %get3A_451 = arith.index_cast %add3A_378 : i32 to index
      %get3A_452 = arith.constant 240 : index
      %get3A_453 = tpu.vector_load %arg6[%get3A_451, %get3A_452] {strides = array<i32>} : memref<8x512xf32, #tpu.memory_space<vmem>>, vector<1x16xf32>,
      %get3A_454 = vector.shape_cast %get3A_453 : vector<1x16xf32> to vector<16xf32>
      %get3A_455 = arith.index_cast %add3A_378 : i32 to index
      %get3A_456 = arith.constant 256 : index
      %get3A_457 = tpu.vector_load %arg6[%get3A_455, %get3A_456] {strides = array<i32>} : memref<8x512xf32, #tpu.memory_space<vmem>>, vector<1x16xf32>,
      %get3A_458 = vector.shape_cast %get3A_457 : vector<1x16xf32> to vector<16xf32>
      %get3A_459 = arith.index_cast %add3A_378 : i32 to index
      %get3A_460 = arith.constant 272 : index
      %get3A_461 = tpu.vector_load %arg6[%get3A_459, %get3A_460] {strides = array<i32>} : memref<8x512xf32, #tpu.memory_space<vmem>>, vector<1x16xf32>,
      %get3A_462 = vector.shape_cast %get3A_461 : vector<1x16xf32> to vector<16xf32>
      %get3A_463 = arith.index_cast %add3A_378 : i32 to index
      %get3A_464 = arith.constant 288 : index
      %get3A_465 = tpu.vector_load %arg6[%get3A_463, %get3A_464] {strides = array<i32>} : memref<8x512xf32, #tpu.memory_space<vmem>>, vector<1x16xf32>,
      %get3A_466 = vector.shape_cast %get3A_465 : vector<1x16xf32> to vector<16xf32>
      %get3A_467 = arith.index_cast %add3A_378 : i32 to index
      %get3A_468 = arith.constant 304 : index
      %get3A_469 = tpu.vector_load %arg6[%get3A_467, %get3A_468] {strides = array<i32>} : memref<8x512xf32, #tpu.memory_space<vmem>>, vector<1x16xf32>,
      %get3A_470 = vector.shape_cast %get3A_469 : vector<1x16xf32> to vector<16xf32>
      %get3A_471 = arith.index_cast %add3A_378 : i32 to index
      %get3A_472 = arith.constant 320 : index
      %get3A_473 = tpu.vector_load %arg6[%get3A_471, %get3A_472] {strides = array<i32>} : memref<8x512xf32, #tpu.memory_space<vmem>>, vector<1x16xf32>,
      %get3A_474 = vector.shape_cast %get3A_473 : vector<1x16xf32> to vector<16xf32>
      %get3A_475 = arith.index_cast %add3A_378 : i32 to index
      %get3A_476 = arith.constant 336 : index
      %get3A_477 = tpu.vector_load %arg6[%get3A_475, %get3A_476] {strides = array<i32>} : memref<8x512xf32, #tpu.memory_space<vmem>>, vector<1x16xf32>,
      %get3A_478 = vector.shape_cast %get3A_477 : vector<1x16xf32> to vector<16xf32>
      %get3A_479 = arith.index_cast %add3A_378 : i32 to index
      %get3A_480 = arith.constant 352 : index
      %get3A_481 = tpu.vector_load %arg6[%get3A_479, %get3A_480] {strides = array<i32>} : memref<8x512xf32, #tpu.memory_space<vmem>>, vector<1x16xf32>,
      %get3A_482 = vector.shape_cast %get3A_481 : vector<1x16xf32> to vector<16xf32>
      %get3A_483 = arith.index_cast %add3A_378 : i32 to index
      %get3A_484 = arith.constant 368 : index
      %get3A_485 = tpu.vector_load %arg6[%get3A_483, %get3A_484] {strides = array<i32>} : memref<8x512xf32, #tpu.memory_space<vmem>>, vector<1x16xf32>,
      %get3A_486 = vector.shape_cast %get3A_485 : vector<1x16xf32> to vector<16xf32>
      %get3A_487 = arith.index_cast %add3A_378 : i32 to index
      %get3A_488 = arith.constant 384 : index
      %get3A_489 = tpu.vector_load %arg6[%get3A_487, %get3A_488] {strides = array<i32>} : memref<8x512xf32, #tpu.memory_space<vmem>>, vector<1x16xf32>,
      %get3A_490 = vector.shape_cast %get3A_489 : vector<1x16xf32> to vector<16xf32>
      %get3A_491 = arith.index_cast %add3A_378 : i32 to index
      %get3A_492 = arith.constant 400 : index
      %get3A_493 = tpu.vector_load %arg6[%get3A_491, %get3A_492] {strides = array<i32>} : memref<8x512xf32, #tpu.memory_space<vmem>>, vector<1x16xf32>,
      %get3A_494 = vector.shape_cast %get3A_493 : vector<1x16xf32> to vector<16xf32>
      %get3A_495 = arith.index_cast %add3A_378 : i32 to index
      %get3A_496 = arith.constant 416 : index
      %get3A_497 = tpu.vector_load %arg6[%get3A_495, %get3A_496] {strides = array<i32>} : memref<8x512xf32, #tpu.memory_space<vmem>>, vector<1x16xf32>,
      %get3A_498 = vector.shape_cast %get3A_497 : vector<1x16xf32> to vector<16xf32>
      %get3A_499 = arith.index_cast %add3A_378 : i32 to index
      %get3A_500 = arith.constant 432 : index
      %get3A_501 = tpu.vector_load %arg6[%get3A_499, %get3A_500] {strides = array<i32>} : memref<8x512xf32, #tpu.memory_space<vmem>>, vector<1x16xf32>,
      %get3A_502 = vector.shape_cast %get3A_501 : vector<1x16xf32> to vector<16xf32>
      %get3A_503 = arith.index_cast %add3A_378 : i32 to index
      %get3A_504 = arith.constant 448 : index
      %get3A_505 = tpu.vector_load %arg6[%get3A_503, %get3A_504] {strides = array<i32>} : memref<8x512xf32, #tpu.memory_space<vmem>>, vector<1x16xf32>,
      %get3A_506 = vector.shape_cast %get3A_505 : vector<1x16xf32> to vector<16xf32>
      %get3A_507 = arith.index_cast %add3A_378 : i32 to index
      %get3A_508 = arith.constant 464 : index
      %get3A_509 = tpu.vector_load %arg6[%get3A_507, %get3A_508] {strides = array<i32>} : memref<8x512xf32, #tpu.memory_space<vmem>>, vector<1x16xf32>,
      %get3A_510 = vector.shape_cast %get3A_509 : vector<1x16xf32> to vector<16xf32>
      %get3A_511 = arith.index_cast %add3A_378 : i32 to index
      %get3A_512 = arith.constant 480 : index
      %get3A_513 = tpu.vector_load %arg6[%get3A_511, %get3A_512] {strides = array<i32>} : memref<8x512xf32, #tpu.memory_space<vmem>>, vector<1x16xf32>,
      %get3A_514 = vector.shape_cast %get3A_513 : vector<1x16xf32> to vector<16xf32>
      %get3A_515 = arith.index_cast %add3A_378 : i32 to index
      %get3A_516 = arith.constant 496 : index
      %get3A_517 = tpu.vector_load %arg6[%get3A_515, %get3A_516] {strides = array<i32>} : memref<8x512xf32, #tpu.memory_space<vmem>>, vector<1x16xf32>,
      %get3A_518 = vector.shape_cast %get3A_517 : vector<1x16xf32> to vector<16xf32>
      %scan3A_519 = arith.constant 0 : i32
      %scan3A_520 = arith.constant 88 : i32
      %scan3A_521 = arith.addi %scan3A_519, %scan3A_520 : i32
      %scan3A_522 = arith.constant 1 : i32
      scf.for %scan3A_684 = %scan3A_519 to %scan3A_521 step %scan3A_522  : i32 {
        %sub3A_685 = arith.subi %scan3A_684, %add3A_390 : i32
        %jit3A = arith.constant 0 : i32
        %jit3A_686 = arith.constant 64 : i32
        %max3A = arith.maxsi %jit3A, %sub3A_685 : i32
        %min3A = arith.minsi %jit3A_686, %max3A : i32
        %get3A_687 = arith.index_cast %min3A : i32 to index
        %get3A_688 = arith.constant 0 : index
        %get3A_689 = tpu.vector_load %arg5[%get3A_687, %get3A_688] {strides = array<i32>} : memref<65x512xf32, #tpu.memory_space<vmem>>, vector<1x16xf32>,
        %get3A_690 = vector.shape_cast %get3A_689 : vector<1x16xf32> to vector<16xf32>
        %add3A_691 = arith.addf %get3A_690, %get3A_394 : vector<16xf32>
        %swap3A = arith.index_cast %scan3A_684 : i32 to index
        %swap3A_692 = arith.constant 0 : index
        %swap3A_693 = tpu.vector_load %arg7[%swap3A, %swap3A_692] {strides = array<i32>} : memref<88x512xf32, #tpu.memory_space<vmem>>, vector<1x16xf32>,
        %swap3A_694 = vector.shape_cast %swap3A_693 : vector<1x16xf32> to vector<16xf32>
        %swap3A_695 = vector.shape_cast %add3A_691 : vector<16xf32> to vector<1x16xf32>
        tpu.vector_store %arg7[%swap3A, %swap3A_692], %swap3A_695 {strides = array<i32>} : memref<88x512xf32, #tpu.memory_space<vmem>>, vector<1x16xf32>,
        %get3A_696 = arith.index_cast %min3A : i32 to index
        %get3A_697 = arith.constant 16 : index
        %get3A_698 = tpu.vector_load %arg5[%get3A_696, %get3A_697] {strides = array<i32>} : memref<65x512xf32, #tpu.memory_space<vmem>>, vector<1x16xf32>,
        %get3A_699 = vector.shape_cast %get3A_698 : vector<1x16xf32> to vector<16xf32>
        %add3A_700 = arith.addf %get3A_699, %get3A_398 : vector<16xf32>
        %swap3A_701 = arith.index_cast %scan3A_684 : i32 to index
        %swap3A_702 = arith.constant 16 : index
        %swap3A_703 = tpu.vector_load %arg7[%swap3A_701, %swap3A_702] {strides = array<i32>} : memref<88x512xf32, #tpu.memory_space<vmem>>, vector<1x16xf32>,
        %swap3A_704 = vector.shape_cast %swap3A_703 : vector<1x16xf32> to vector<16xf32>
        %swap3A_705 = vector.shape_cast %add3A_700 : vector<16xf32> to vector<1x16xf32>
        tpu.vector_store %arg7[%swap3A_701, %swap3A_702], %swap3A_705 {strides = array<i32>} : memref<88x512xf32, #tpu.memory_space<vmem>>, vector<1x16xf32>,
        %get3A_706 = arith.index_cast %min3A : i32 to index
        %get3A_707 = arith.constant 32 : index
        %get3A_708 = tpu.vector_load %arg5[%get3A_706, %get3A_707] {strides = array<i32>} : memref<65x512xf32, #tpu.memory_space<vmem>>, vector<1x16xf32>,
        %get3A_709 = vector.shape_cast %get3A_708 : vector<1x16xf32> to vector<16xf32>
        %add3A_710 = arith.addf %get3A_709, %get3A_402 : vector<16xf32>
        %swap3A_711 = arith.index_cast %scan3A_684 : i32 to index
        %swap3A_712 = arith.constant 32 : index
        %swap3A_713 = tpu.vector_load %arg7[%swap3A_711, %swap3A_712] {strides = array<i32>} : memref<88x512xf32, #tpu.memory_space<vmem>>, vector<1x16xf32>,
        %swap3A_714 = vector.shape_cast %swap3A_713 : vector<1x16xf32> to vector<16xf32>
        %swap3A_715 = vector.shape_cast %add3A_710 : vector<16xf32> to vector<1x16xf32>
        tpu.vector_store %arg7[%swap3A_711, %swap3A_712], %swap3A_715 {strides = array<i32>} : memref<88x512xf32, #tpu.memory_space<vmem>>, vector<1x16xf32>,
        %get3A_716 = arith.index_cast %min3A : i32 to index
        %get3A_717 = arith.constant 48 : index
        %get3A_718 = tpu.vector_load %arg5[%get3A_716, %get3A_717] {strides = array<i32>} : memref<65x512xf32, #tpu.memory_space<vmem>>, vector<1x16xf32>,
        %get3A_719 = vector.shape_cast %get3A_718 : vector<1x16xf32> to vector<16xf32>
        %add3A_720 = arith.addf %get3A_719, %get3A_406 : vector<16xf32>
        %swap3A_721 = arith.index_cast %scan3A_684 : i32 to index
        %swap3A_722 = arith.constant 48 : index
        %swap3A_723 = tpu.vector_load %arg7[%swap3A_721, %swap3A_722] {strides = array<i32>} : memref<88x512xf32, #tpu.memory_space<vmem>>, vector<1x16xf32>,
        %swap3A_724 = vector.shape_cast %swap3A_723 : vector<1x16xf32> to vector<16xf32>
        %swap3A_725 = vector.shape_cast %add3A_720 : vector<16xf32> to vector<1x16xf32>
        tpu.vector_store %arg7[%swap3A_721, %swap3A_722], %swap3A_725 {strides = array<i32>} : memref<88x512xf32, #tpu.memory_space<vmem>>, vector<1x16xf32>,
        %get3A_726 = arith.index_cast %min3A : i32 to index
        %get3A_727 = arith.constant 64 : index
        %get3A_728 = tpu.vector_load %arg5[%get3A_726, %get3A_727] {strides = array<i32>} : memref<65x512xf32, #tpu.memory_space<vmem>>, vector<1x16xf32>,
        %get3A_729 = vector.shape_cast %get3A_728 : vector<1x16xf32> to vector<16xf32>
        %add3A_730 = arith.addf %get3A_729, %get3A_410 : vector<16xf32>
        %swap3A_731 = arith.index_cast %scan3A_684 : i32 to index
        %swap3A_732 = arith.constant 64 : index
        %swap3A_733 = tpu.vector_load %arg7[%swap3A_731, %swap3A_732] {strides = array<i32>} : memref<88x512xf32, #tpu.memory_space<vmem>>, vector<1x16xf32>,
        %swap3A_734 = vector.shape_cast %swap3A_733 : vector<1x16xf32> to vector<16xf32>
        %swap3A_735 = vector.shape_cast %add3A_730 : vector<16xf32> to vector<1x16xf32>
        tpu.vector_store %arg7[%swap3A_731, %swap3A_732], %swap3A_735 {strides = array<i32>} : memref<88x512xf32, #tpu.memory_space<vmem>>, vector<1x16xf32>,
        %get3A_736 = arith.index_cast %min3A : i32 to index
        %get3A_737 = arith.constant 80 : index
        %get3A_738 = tpu.vector_load %arg5[%get3A_736, %get3A_737] {strides = array<i32>} : memref<65x512xf32, #tpu.memory_space<vmem>>, vector<1x16xf32>,
        %get3A_739 = vector.shape_cast %get3A_738 : vector<1x16xf32> to vector<16xf32>
        %add3A_740 = arith.addf %get3A_739, %get3A_414 : vector<16xf32>
        %swap3A_741 = arith.index_cast %scan3A_684 : i32 to index
        %swap3A_742 = arith.constant 80 : index
        %swap3A_743 = tpu.vector_load %arg7[%swap3A_741, %swap3A_742] {strides = array<i32>} : memref<88x512xf32, #tpu.memory_space<vmem>>, vector<1x16xf32>,
        %swap3A_744 = vector.shape_cast %swap3A_743 : vector<1x16xf32> to vector<16xf32>
        %swap3A_745 = vector.shape_cast %add3A_740 : vector<16xf32> to vector<1x16xf32>
        tpu.vector_store %arg7[%swap3A_741, %swap3A_742], %swap3A_745 {strides = array<i32>} : memref<88x512xf32, #tpu.memory_space<vmem>>, vector<1x16xf32>,
        %get3A_746 = arith.index_cast %min3A : i32 to index
        %get3A_747 = arith.constant 96 : index
        %get3A_748 = tpu.vector_load %arg5[%get3A_746, %get3A_747] {strides = array<i32>} : memref<65x512xf32, #tpu.memory_space<vmem>>, vector<1x16xf32>,
        %get3A_749 = vector.shape_cast %get3A_748 : vector<1x16xf32> to vector<16xf32>
        %add3A_750 = arith.addf %get3A_749, %get3A_418 : vector<16xf32>
        %swap3A_751 = arith.index_cast %scan3A_684 : i32 to index
        %swap3A_752 = arith.constant 96 : index
        %swap3A_753 = tpu.vector_load %arg7[%swap3A_751, %swap3A_752] {strides = array<i32>} : memref<88x512xf32, #tpu.memory_space<vmem>>, vector<1x16xf32>,
        %swap3A_754 = vector.shape_cast %swap3A_753 : vector<1x16xf32> to vector<16xf32>
        %swap3A_755 = vector.shape_cast %add3A_750 : vector<16xf32> to vector<1x16xf32>
        tpu.vector_store %arg7[%swap3A_751, %swap3A_752], %swap3A_755 {strides = array<i32>} : memref<88x512xf32, #tpu.memory_space<vmem>>, vector<1x16xf32>,
        %get3A_756 = arith.index_cast %min3A : i32 to index
        %get3A_757 = arith.constant 112 : index
        %get3A_758 = tpu.vector_load %arg5[%get3A_756, %get3A_757] {strides = array<i32>} : memref<65x512xf32, #tpu.memory_space<vmem>>, vector<1x16xf32>,
        %get3A_759 = vector.shape_cast %get3A_758 : vector<1x16xf32> to vector<16xf32>
        %add3A_760 = arith.addf %get3A_759, %get3A_422 : vector<16xf32>
        %swap3A_761 = arith.index_cast %scan3A_684 : i32 to index
        %swap3A_762 = arith.constant 112 : index
        %swap3A_763 = tpu.vector_load %arg7[%swap3A_761, %swap3A_762] {strides = array<i32>} : memref<88x512xf32, #tpu.memory_space<vmem>>, vector<1x16xf32>,
        %swap3A_764 = vector.shape_cast %swap3A_763 : vector<1x16xf32> to vector<16xf32>
        %swap3A_765 = vector.shape_cast %add3A_760 : vector<16xf32> to vector<1x16xf32>
        tpu.vector_store %arg7[%swap3A_761, %swap3A_762], %swap3A_765 {strides = array<i32>} : memref<88x512xf32, #tpu.memory_space<vmem>>, vector<1x16xf32>,
        %get3A_766 = arith.index_cast %min3A : i32 to index
        %get3A_767 = arith.constant 128 : index
        %get3A_768 = tpu.vector_load %arg5[%get3A_766, %get3A_767] {strides = array<i32>} : memref<65x512xf32, #tpu.memory_space<vmem>>, vector<1x16xf32>,
        %get3A_769 = vector.shape_cast %get3A_768 : vector<1x16xf32> to vector<16xf32>
        %add3A_770 = arith.addf %get3A_769, %get3A_426 : vector<16xf32>
        %swap3A_771 = arith.index_cast %scan3A_684 : i32 to index
        %swap3A_772 = arith.constant 128 : index
        %swap3A_773 = tpu.vector_load %arg7[%swap3A_771, %swap3A_772] {strides = array<i32>} : memref<88x512xf32, #tpu.memory_space<vmem>>, vector<1x16xf32>,
        %swap3A_774 = vector.shape_cast %swap3A_773 : vector<1x16xf32> to vector<16xf32>
        %swap3A_775 = vector.shape_cast %add3A_770 : vector<16xf32> to vector<1x16xf32>
        tpu.vector_store %arg7[%swap3A_771, %swap3A_772], %swap3A_775 {strides = array<i32>} : memref<88x512xf32, #tpu.memory_space<vmem>>, vector<1x16xf32>,
        %get3A_776 = arith.index_cast %min3A : i32 to index
        %get3A_777 = arith.constant 144 : index
        %get3A_778 = tpu.vector_load %arg5[%get3A_776, %get3A_777] {strides = array<i32>} : memref<65x512xf32, #tpu.memory_space<vmem>>, vector<1x16xf32>,
        %get3A_779 = vector.shape_cast %get3A_778 : vector<1x16xf32> to vector<16xf32>
        %add3A_780 = arith.addf %get3A_779, %get3A_430 : vector<16xf32>
        %swap3A_781 = arith.index_cast %scan3A_684 : i32 to index
        %swap3A_782 = arith.constant 144 : index
        %swap3A_783 = tpu.vector_load %arg7[%swap3A_781, %swap3A_782] {strides = array<i32>} : memref<88x512xf32, #tpu.memory_space<vmem>>, vector<1x16xf32>,
        %swap3A_784 = vector.shape_cast %swap3A_783 : vector<1x16xf32> to vector<16xf32>
        %swap3A_785 = vector.shape_cast %add3A_780 : vector<16xf32> to vector<1x16xf32>
        tpu.vector_store %arg7[%swap3A_781, %swap3A_782], %swap3A_785 {strides = array<i32>} : memref<88x512xf32, #tpu.memory_space<vmem>>, vector<1x16xf32>,
        %get3A_786 = arith.index_cast %min3A : i32 to index
        %get3A_787 = arith.constant 160 : index
        %get3A_788 = tpu.vector_load %arg5[%get3A_786, %get3A_787] {strides = array<i32>} : memref<65x512xf32, #tpu.memory_space<vmem>>, vector<1x16xf32>,
        %get3A_789 = vector.shape_cast %get3A_788 : vector<1x16xf32> to vector<16xf32>
        %add3A_790 = arith.addf %get3A_789, %get3A_434 : vector<16xf32>
        %swap3A_791 = arith.index_cast %scan3A_684 : i32 to index
        %swap3A_792 = arith.constant 160 : index
        %swap3A_793 = tpu.vector_load %arg7[%swap3A_791, %swap3A_792] {strides = array<i32>} : memref<88x512xf32, #tpu.memory_space<vmem>>, vector<1x16xf32>,
        %swap3A_794 = vector.shape_cast %swap3A_793 : vector<1x16xf32> to vector<16xf32>
        %swap3A_795 = vector.shape_cast %add3A_790 : vector<16xf32> to vector<1x16xf32>
        tpu.vector_store %arg7[%swap3A_791, %swap3A_792], %swap3A_795 {strides = array<i32>} : memref<88x512xf32, #tpu.memory_space<vmem>>, vector<1x16xf32>,
        %get3A_796 = arith.index_cast %min3A : i32 to index
        %get3A_797 = arith.constant 176 : index
        %get3A_798 = tpu.vector_load %arg5[%get3A_796, %get3A_797] {strides = array<i32>} : memref<65x512xf32, #tpu.memory_space<vmem>>, vector<1x16xf32>,
        %get3A_799 = vector.shape_cast %get3A_798 : vector<1x16xf32> to vector<16xf32>
        %add3A_800 = arith.addf %get3A_799, %get3A_438 : vector<16xf32>
        %swap3A_801 = arith.index_cast %scan3A_684 : i32 to index
        %swap3A_802 = arith.constant 176 : index
        %swap3A_803 = tpu.vector_load %arg7[%swap3A_801, %swap3A_802] {strides = array<i32>} : memref<88x512xf32, #tpu.memory_space<vmem>>, vector<1x16xf32>,
        %swap3A_804 = vector.shape_cast %swap3A_803 : vector<1x16xf32> to vector<16xf32>
        %swap3A_805 = vector.shape_cast %add3A_800 : vector<16xf32> to vector<1x16xf32>
        tpu.vector_store %arg7[%swap3A_801, %swap3A_802], %swap3A_805 {strides = array<i32>} : memref<88x512xf32, #tpu.memory_space<vmem>>, vector<1x16xf32>,
        %get3A_806 = arith.index_cast %min3A : i32 to index
        %get3A_807 = arith.constant 192 : index
        %get3A_808 = tpu.vector_load %arg5[%get3A_806, %get3A_807] {strides = array<i32>} : memref<65x512xf32, #tpu.memory_space<vmem>>, vector<1x16xf32>,
        %get3A_809 = vector.shape_cast %get3A_808 : vector<1x16xf32> to vector<16xf32>
        %add3A_810 = arith.addf %get3A_809, %get3A_442 : vector<16xf32>
        %swap3A_811 = arith.index_cast %scan3A_684 : i32 to index
        %swap3A_812 = arith.constant 192 : index
        %swap3A_813 = tpu.vector_load %arg7[%swap3A_811, %swap3A_812] {strides = array<i32>} : memref<88x512xf32, #tpu.memory_space<vmem>>, vector<1x16xf32>,
        %swap3A_814 = vector.shape_cast %swap3A_813 : vector<1x16xf32> to vector<16xf32>
        %swap3A_815 = vector.shape_cast %add3A_810 : vector<16xf32> to vector<1x16xf32>
        tpu.vector_store %arg7[%swap3A_811, %swap3A_812], %swap3A_815 {strides = array<i32>} : memref<88x512xf32, #tpu.memory_space<vmem>>, vector<1x16xf32>,
        %get3A_816 = arith.index_cast %min3A : i32 to index
        %get3A_817 = arith.constant 208 : index
        %get3A_818 = tpu.vector_load %arg5[%get3A_816, %get3A_817] {strides = array<i32>} : memref<65x512xf32, #tpu.memory_space<vmem>>, vector<1x16xf32>,
        %get3A_819 = vector.shape_cast %get3A_818 : vector<1x16xf32> to vector<16xf32>
        %add3A_820 = arith.addf %get3A_819, %get3A_446 : vector<16xf32>
        %swap3A_821 = arith.index_cast %scan3A_684 : i32 to index
        %swap3A_822 = arith.constant 208 : index
        %swap3A_823 = tpu.vector_load %arg7[%swap3A_821, %swap3A_822] {strides = array<i32>} : memref<88x512xf32, #tpu.memory_space<vmem>>, vector<1x16xf32>,
        %swap3A_824 = vector.shape_cast %swap3A_823 : vector<1x16xf32> to vector<16xf32>
        %swap3A_825 = vector.shape_cast %add3A_820 : vector<16xf32> to vector<1x16xf32>
        tpu.vector_store %arg7[%swap3A_821, %swap3A_822], %swap3A_825 {strides = array<i32>} : memref<88x512xf32, #tpu.memory_space<vmem>>, vector<1x16xf32>,
        %get3A_826 = arith.index_cast %min3A : i32 to index
        %get3A_827 = arith.constant 224 : index
        %get3A_828 = tpu.vector_load %arg5[%get3A_826, %get3A_827] {strides = array<i32>} : memref<65x512xf32, #tpu.memory_space<vmem>>, vector<1x16xf32>,
        %get3A_829 = vector.shape_cast %get3A_828 : vector<1x16xf32> to vector<16xf32>
        %add3A_830 = arith.addf %get3A_829, %get3A_450 : vector<16xf32>
        %swap3A_831 = arith.index_cast %scan3A_684 : i32 to index
        %swap3A_832 = arith.constant 224 : index
        %swap3A_833 = tpu.vector_load %arg7[%swap3A_831, %swap3A_832] {strides = array<i32>} : memref<88x512xf32, #tpu.memory_space<vmem>>, vector<1x16xf32>,
        %swap3A_834 = vector.shape_cast %swap3A_833 : vector<1x16xf32> to vector<16xf32>
        %swap3A_835 = vector.shape_cast %add3A_830 : vector<16xf32> to vector<1x16xf32>
        tpu.vector_store %arg7[%swap3A_831, %swap3A_832], %swap3A_835 {strides = array<i32>} : memref<88x512xf32, #tpu.memory_space<vmem>>, vector<1x16xf32>,
        %get3A_836 = arith.index_cast %min3A : i32 to index
        %get3A_837 = arith.constant 240 : index
        %get3A_838 = tpu.vector_load %arg5[%get3A_836, %get3A_837] {strides = array<i32>} : memref<65x512xf32, #tpu.memory_space<vmem>>, vector<1x16xf32>,
        %get3A_839 = vector.shape_cast %get3A_838 : vector<1x16xf32> to vector<16xf32>
        %add3A_840 = arith.addf %get3A_839, %get3A_454 : vector<16xf32>
        %swap3A_841 = arith.index_cast %scan3A_684 : i32 to index
        %swap3A_842 = arith.constant 240 : index
        %swap3A_843 = tpu.vector_load %arg7[%swap3A_841, %swap3A_842] {strides = array<i32>} : memref<88x512xf32, #tpu.memory_space<vmem>>, vector<1x16xf32>,
        %swap3A_844 = vector.shape_cast %swap3A_843 : vector<1x16xf32> to vector<16xf32>
        %swap3A_845 = vector.shape_cast %add3A_840 : vector<16xf32> to vector<1x16xf32>
        tpu.vector_store %arg7[%swap3A_841, %swap3A_842], %swap3A_845 {strides = array<i32>} : memref<88x512xf32, #tpu.memory_space<vmem>>, vector<1x16xf32>,
        %get3A_846 = arith.index_cast %min3A : i32 to index
        %get3A_847 = arith.constant 256 : index
        %get3A_848 = tpu.vector_load %arg5[%get3A_846, %get3A_847] {strides = array<i32>} : memref<65x512xf32, #tpu.memory_space<vmem>>, vector<1x16xf32>,
        %get3A_849 = vector.shape_cast %get3A_848 : vector<1x16xf32> to vector<16xf32>
        %add3A_850 = arith.addf %get3A_849, %get3A_458 : vector<16xf32>
        %swap3A_851 = arith.index_cast %scan3A_684 : i32 to index
        %swap3A_852 = arith.constant 256 : index
        %swap3A_853 = tpu.vector_load %arg7[%swap3A_851, %swap3A_852] {strides = array<i32>} : memref<88x512xf32, #tpu.memory_space<vmem>>, vector<1x16xf32>,
        %swap3A_854 = vector.shape_cast %swap3A_853 : vector<1x16xf32> to vector<16xf32>
        %swap3A_855 = vector.shape_cast %add3A_850 : vector<16xf32> to vector<1x16xf32>
        tpu.vector_store %arg7[%swap3A_851, %swap3A_852], %swap3A_855 {strides = array<i32>} : memref<88x512xf32, #tpu.memory_space<vmem>>, vector<1x16xf32>,
        %get3A_856 = arith.index_cast %min3A : i32 to index
        %get3A_857 = arith.constant 272 : index
        %get3A_858 = tpu.vector_load %arg5[%get3A_856, %get3A_857] {strides = array<i32>} : memref<65x512xf32, #tpu.memory_space<vmem>>, vector<1x16xf32>,
        %get3A_859 = vector.shape_cast %get3A_858 : vector<1x16xf32> to vector<16xf32>
        %add3A_860 = arith.addf %get3A_859, %get3A_462 : vector<16xf32>
        %swap3A_861 = arith.index_cast %scan3A_684 : i32 to index
        %swap3A_862 = arith.constant 272 : index
        %swap3A_863 = tpu.vector_load %arg7[%swap3A_861, %swap3A_862] {strides = array<i32>} : memref<88x512xf32, #tpu.memory_space<vmem>>, vector<1x16xf32>,
        %swap3A_864 = vector.shape_cast %swap3A_863 : vector<1x16xf32> to vector<16xf32>
        %swap3A_865 = vector.shape_cast %add3A_860 : vector<16xf32> to vector<1x16xf32>
        tpu.vector_store %arg7[%swap3A_861, %swap3A_862], %swap3A_865 {strides = array<i32>} : memref<88x512xf32, #tpu.memory_space<vmem>>, vector<1x16xf32>,
        %get3A_866 = arith.index_cast %min3A : i32 to index
        %get3A_867 = arith.constant 288 : index
        %get3A_868 = tpu.vector_load %arg5[%get3A_866, %get3A_867] {strides = array<i32>} : memref<65x512xf32, #tpu.memory_space<vmem>>, vector<1x16xf32>,
        %get3A_869 = vector.shape_cast %get3A_868 : vector<1x16xf32> to vector<16xf32>
        %add3A_870 = arith.addf %get3A_869, %get3A_466 : vector<16xf32>
        %swap3A_871 = arith.index_cast %scan3A_684 : i32 to index
        %swap3A_872 = arith.constant 288 : index
        %swap3A_873 = tpu.vector_load %arg7[%swap3A_871, %swap3A_872] {strides = array<i32>} : memref<88x512xf32, #tpu.memory_space<vmem>>, vector<1x16xf32>,
        %swap3A_874 = vector.shape_cast %swap3A_873 : vector<1x16xf32> to vector<16xf32>
        %swap3A_875 = vector.shape_cast %add3A_870 : vector<16xf32> to vector<1x16xf32>
        tpu.vector_store %arg7[%swap3A_871, %swap3A_872], %swap3A_875 {strides = array<i32>} : memref<88x512xf32, #tpu.memory_space<vmem>>, vector<1x16xf32>,
        %get3A_876 = arith.index_cast %min3A : i32 to index
        %get3A_877 = arith.constant 304 : index
        %get3A_878 = tpu.vector_load %arg5[%get3A_876, %get3A_877] {strides = array<i32>} : memref<65x512xf32, #tpu.memory_space<vmem>>, vector<1x16xf32>,
        %get3A_879 = vector.shape_cast %get3A_878 : vector<1x16xf32> to vector<16xf32>
        %add3A_880 = arith.addf %get3A_879, %get3A_470 : vector<16xf32>
        %swap3A_881 = arith.index_cast %scan3A_684 : i32 to index
        %swap3A_882 = arith.constant 304 : index
        %swap3A_883 = tpu.vector_load %arg7[%swap3A_881, %swap3A_882] {strides = array<i32>} : memref<88x512xf32, #tpu.memory_space<vmem>>, vector<1x16xf32>,
        %swap3A_884 = vector.shape_cast %swap3A_883 : vector<1x16xf32> to vector<16xf32>
        %swap3A_885 = vector.shape_cast %add3A_880 : vector<16xf32> to vector<1x16xf32>
        tpu.vector_store %arg7[%swap3A_881, %swap3A_882], %swap3A_885 {strides = array<i32>} : memref<88x512xf32, #tpu.memory_space<vmem>>, vector<1x16xf32>,
        %get3A_886 = arith.index_cast %min3A : i32 to index
        %get3A_887 = arith.constant 320 : index
        %get3A_888 = tpu.vector_load %arg5[%get3A_886, %get3A_887] {strides = array<i32>} : memref<65x512xf32, #tpu.memory_space<vmem>>, vector<1x16xf32>,
        %get3A_889 = vector.shape_cast %get3A_888 : vector<1x16xf32> to vector<16xf32>
        %add3A_890 = arith.addf %get3A_889, %get3A_474 : vector<16xf32>
        %swap3A_891 = arith.index_cast %scan3A_684 : i32 to index
        %swap3A_892 = arith.constant 320 : index
        %swap3A_893 = tpu.vector_load %arg7[%swap3A_891, %swap3A_892] {strides = array<i32>} : memref<88x512xf32, #tpu.memory_space<vmem>>, vector<1x16xf32>,
        %swap3A_894 = vector.shape_cast %swap3A_893 : vector<1x16xf32> to vector<16xf32>
        %swap3A_895 = vector.shape_cast %add3A_890 : vector<16xf32> to vector<1x16xf32>
        tpu.vector_store %arg7[%swap3A_891, %swap3A_892], %swap3A_895 {strides = array<i32>} : memref<88x512xf32, #tpu.memory_space<vmem>>, vector<1x16xf32>,
        %get3A_896 = arith.index_cast %min3A : i32 to index
        %get3A_897 = arith.constant 336 : index
        %get3A_898 = tpu.vector_load %arg5[%get3A_896, %get3A_897] {strides = array<i32>} : memref<65x512xf32, #tpu.memory_space<vmem>>, vector<1x16xf32>,
        %get3A_899 = vector.shape_cast %get3A_898 : vector<1x16xf32> to vector<16xf32>
        %add3A_900 = arith.addf %get3A_899, %get3A_478 : vector<16xf32>
        %swap3A_901 = arith.index_cast %scan3A_684 : i32 to index
        %swap3A_902 = arith.constant 336 : index
        %swap3A_903 = tpu.vector_load %arg7[%swap3A_901, %swap3A_902] {strides = array<i32>} : memref<88x512xf32, #tpu.memory_space<vmem>>, vector<1x16xf32>,
        %swap3A_904 = vector.shape_cast %swap3A_903 : vector<1x16xf32> to vector<16xf32>
        %swap3A_905 = vector.shape_cast %add3A_900 : vector<16xf32> to vector<1x16xf32>
        tpu.vector_store %arg7[%swap3A_901, %swap3A_902], %swap3A_905 {strides = array<i32>} : memref<88x512xf32, #tpu.memory_space<vmem>>, vector<1x16xf32>,
        %get3A_906 = arith.index_cast %min3A : i32 to index
        %get3A_907 = arith.constant 352 : index
        %get3A_908 = tpu.vector_load %arg5[%get3A_906, %get3A_907] {strides = array<i32>} : memref<65x512xf32, #tpu.memory_space<vmem>>, vector<1x16xf32>,
        %get3A_909 = vector.shape_cast %get3A_908 : vector<1x16xf32> to vector<16xf32>
        %add3A_910 = arith.addf %get3A_909, %get3A_482 : vector<16xf32>
        %swap3A_911 = arith.index_cast %scan3A_684 : i32 to index
        %swap3A_912 = arith.constant 352 : index
        %swap3A_913 = tpu.vector_load %arg7[%swap3A_911, %swap3A_912] {strides = array<i32>} : memref<88x512xf32, #tpu.memory_space<vmem>>, vector<1x16xf32>,
        %swap3A_914 = vector.shape_cast %swap3A_913 : vector<1x16xf32> to vector<16xf32>
        %swap3A_915 = vector.shape_cast %add3A_910 : vector<16xf32> to vector<1x16xf32>
        tpu.vector_store %arg7[%swap3A_911, %swap3A_912], %swap3A_915 {strides = array<i32>} : memref<88x512xf32, #tpu.memory_space<vmem>>, vector<1x16xf32>,
        %get3A_916 = arith.index_cast %min3A : i32 to index
        %get3A_917 = arith.constant 368 : index
        %get3A_918 = tpu.vector_load %arg5[%get3A_916, %get3A_917] {strides = array<i32>} : memref<65x512xf32, #tpu.memory_space<vmem>>, vector<1x16xf32>,
        %get3A_919 = vector.shape_cast %get3A_918 : vector<1x16xf32> to vector<16xf32>
        %add3A_920 = arith.addf %get3A_919, %get3A_486 : vector<16xf32>
        %swap3A_921 = arith.index_cast %scan3A_684 : i32 to index
        %swap3A_922 = arith.constant 368 : index
        %swap3A_923 = tpu.vector_load %arg7[%swap3A_921, %swap3A_922] {strides = array<i32>} : memref<88x512xf32, #tpu.memory_space<vmem>>, vector<1x16xf32>,
        %swap3A_924 = vector.shape_cast %swap3A_923 : vector<1x16xf32> to vector<16xf32>
        %swap3A_925 = vector.shape_cast %add3A_920 : vector<16xf32> to vector<1x16xf32>
        tpu.vector_store %arg7[%swap3A_921, %swap3A_922], %swap3A_925 {strides = array<i32>} : memref<88x512xf32, #tpu.memory_space<vmem>>, vector<1x16xf32>,
        %get3A_926 = arith.index_cast %min3A : i32 to index
        %get3A_927 = arith.constant 384 : index
        %get3A_928 = tpu.vector_load %arg5[%get3A_926, %get3A_927] {strides = array<i32>} : memref<65x512xf32, #tpu.memory_space<vmem>>, vector<1x16xf32>,
        %get3A_929 = vector.shape_cast %get3A_928 : vector<1x16xf32> to vector<16xf32>
        %add3A_930 = arith.addf %get3A_929, %get3A_490 : vector<16xf32>
        %swap3A_931 = arith.index_cast %scan3A_684 : i32 to index
        %swap3A_932 = arith.constant 384 : index
        %swap3A_933 = tpu.vector_load %arg7[%swap3A_931, %swap3A_932] {strides = array<i32>} : memref<88x512xf32, #tpu.memory_space<vmem>>, vector<1x16xf32>,
        %swap3A_934 = vector.shape_cast %swap3A_933 : vector<1x16xf32> to vector<16xf32>
        %swap3A_935 = vector.shape_cast %add3A_930 : vector<16xf32> to vector<1x16xf32>
        tpu.vector_store %arg7[%swap3A_931, %swap3A_932], %swap3A_935 {strides = array<i32>} : memref<88x512xf32, #tpu.memory_space<vmem>>, vector<1x16xf32>,
        %get3A_936 = arith.index_cast %min3A : i32 to index
        %get3A_937 = arith.constant 400 : index
        %get3A_938 = tpu.vector_load %arg5[%get3A_936, %get3A_937] {strides = array<i32>} : memref<65x512xf32, #tpu.memory_space<vmem>>, vector<1x16xf32>,
        %get3A_939 = vector.shape_cast %get3A_938 : vector<1x16xf32> to vector<16xf32>
        %add3A_940 = arith.addf %get3A_939, %get3A_494 : vector<16xf32>
        %swap3A_941 = arith.index_cast %scan3A_684 : i32 to index
        %swap3A_942 = arith.constant 400 : index
        %swap3A_943 = tpu.vector_load %arg7[%swap3A_941, %swap3A_942] {strides = array<i32>} : memref<88x512xf32, #tpu.memory_space<vmem>>, vector<1x16xf32>,
        %swap3A_944 = vector.shape_cast %swap3A_943 : vector<1x16xf32> to vector<16xf32>
        %swap3A_945 = vector.shape_cast %add3A_940 : vector<16xf32> to vector<1x16xf32>
        tpu.vector_store %arg7[%swap3A_941, %swap3A_942], %swap3A_945 {strides = array<i32>} : memref<88x512xf32, #tpu.memory_space<vmem>>, vector<1x16xf32>,
        %get3A_946 = arith.index_cast %min3A : i32 to index
        %get3A_947 = arith.constant 416 : index
        %get3A_948 = tpu.vector_load %arg5[%get3A_946, %get3A_947] {strides = array<i32>} : memref<65x512xf32, #tpu.memory_space<vmem>>, vector<1x16xf32>,
        %get3A_949 = vector.shape_cast %get3A_948 : vector<1x16xf32> to vector<16xf32>
        %add3A_950 = arith.addf %get3A_949, %get3A_498 : vector<16xf32>
        %swap3A_951 = arith.index_cast %scan3A_684 : i32 to index
        %swap3A_952 = arith.constant 416 : index
        %swap3A_953 = tpu.vector_load %arg7[%swap3A_951, %swap3A_952] {strides = array<i32>} : memref<88x512xf32, #tpu.memory_space<vmem>>, vector<1x16xf32>,
        %swap3A_954 = vector.shape_cast %swap3A_953 : vector<1x16xf32> to vector<16xf32>
        %swap3A_955 = vector.shape_cast %add3A_950 : vector<16xf32> to vector<1x16xf32>
        tpu.vector_store %arg7[%swap3A_951, %swap3A_952], %swap3A_955 {strides = array<i32>} : memref<88x512xf32, #tpu.memory_space<vmem>>, vector<1x16xf32>,
        %get3A_956 = arith.index_cast %min3A : i32 to index
        %get3A_957 = arith.constant 432 : index
        %get3A_958 = tpu.vector_load %arg5[%get3A_956, %get3A_957] {strides = array<i32>} : memref<65x512xf32, #tpu.memory_space<vmem>>, vector<1x16xf32>,
        %get3A_959 = vector.shape_cast %get3A_958 : vector<1x16xf32> to vector<16xf32>
        %add3A_960 = arith.addf %get3A_959, %get3A_502 : vector<16xf32>
        %swap3A_961 = arith.index_cast %scan3A_684 : i32 to index
        %swap3A_962 = arith.constant 432 : index
        %swap3A_963 = tpu.vector_load %arg7[%swap3A_961, %swap3A_962] {strides = array<i32>} : memref<88x512xf32, #tpu.memory_space<vmem>>, vector<1x16xf32>,
        %swap3A_964 = vector.shape_cast %swap3A_963 : vector<1x16xf32> to vector<16xf32>
        %swap3A_965 = vector.shape_cast %add3A_960 : vector<16xf32> to vector<1x16xf32>
        tpu.vector_store %arg7[%swap3A_961, %swap3A_962], %swap3A_965 {strides = array<i32>} : memref<88x512xf32, #tpu.memory_space<vmem>>, vector<1x16xf32>,
        %get3A_966 = arith.index_cast %min3A : i32 to index
        %get3A_967 = arith.constant 448 : index
        %get3A_968 = tpu.vector_load %arg5[%get3A_966, %get3A_967] {strides = array<i32>} : memref<65x512xf32, #tpu.memory_space<vmem>>, vector<1x16xf32>,
        %get3A_969 = vector.shape_cast %get3A_968 : vector<1x16xf32> to vector<16xf32>
        %add3A_970 = arith.addf %get3A_969, %get3A_506 : vector<16xf32>
        %swap3A_971 = arith.index_cast %scan3A_684 : i32 to index
        %swap3A_972 = arith.constant 448 : index
        %swap3A_973 = tpu.vector_load %arg7[%swap3A_971, %swap3A_972] {strides = array<i32>} : memref<88x512xf32, #tpu.memory_space<vmem>>, vector<1x16xf32>,
        %swap3A_974 = vector.shape_cast %swap3A_973 : vector<1x16xf32> to vector<16xf32>
        %swap3A_975 = vector.shape_cast %add3A_970 : vector<16xf32> to vector<1x16xf32>
        tpu.vector_store %arg7[%swap3A_971, %swap3A_972], %swap3A_975 {strides = array<i32>} : memref<88x512xf32, #tpu.memory_space<vmem>>, vector<1x16xf32>,
        %get3A_976 = arith.index_cast %min3A : i32 to index
        %get3A_977 = arith.constant 464 : index
        %get3A_978 = tpu.vector_load %arg5[%get3A_976, %get3A_977] {strides = array<i32>} : memref<65x512xf32, #tpu.memory_space<vmem>>, vector<1x16xf32>,
        %get3A_979 = vector.shape_cast %get3A_978 : vector<1x16xf32> to vector<16xf32>
        %add3A_980 = arith.addf %get3A_979, %get3A_510 : vector<16xf32>
        %swap3A_981 = arith.index_cast %scan3A_684 : i32 to index
        %swap3A_982 = arith.constant 464 : index
        %swap3A_983 = tpu.vector_load %arg7[%swap3A_981, %swap3A_982] {strides = array<i32>} : memref<88x512xf32, #tpu.memory_space<vmem>>, vector<1x16xf32>,
        %swap3A_984 = vector.shape_cast %swap3A_983 : vector<1x16xf32> to vector<16xf32>
        %swap3A_985 = vector.shape_cast %add3A_980 : vector<16xf32> to vector<1x16xf32>
        tpu.vector_store %arg7[%swap3A_981, %swap3A_982], %swap3A_985 {strides = array<i32>} : memref<88x512xf32, #tpu.memory_space<vmem>>, vector<1x16xf32>,
        %get3A_986 = arith.index_cast %min3A : i32 to index
        %get3A_987 = arith.constant 480 : index
        %get3A_988 = tpu.vector_load %arg5[%get3A_986, %get3A_987] {strides = array<i32>} : memref<65x512xf32, #tpu.memory_space<vmem>>, vector<1x16xf32>,
        %get3A_989 = vector.shape_cast %get3A_988 : vector<1x16xf32> to vector<16xf32>
        %add3A_990 = arith.addf %get3A_989, %get3A_514 : vector<16xf32>
        %swap3A_991 = arith.index_cast %scan3A_684 : i32 to index
        %swap3A_992 = arith.constant 480 : index
        %swap3A_993 = tpu.vector_load %arg7[%swap3A_991, %swap3A_992] {strides = array<i32>} : memref<88x512xf32, #tpu.memory_space<vmem>>, vector<1x16xf32>,
        %swap3A_994 = vector.shape_cast %swap3A_993 : vector<1x16xf32> to vector<16xf32>
        %swap3A_995 = vector.shape_cast %add3A_990 : vector<16xf32> to vector<1x16xf32>
        tpu.vector_store %arg7[%swap3A_991, %swap3A_992], %swap3A_995 {strides = array<i32>} : memref<88x512xf32, #tpu.memory_space<vmem>>, vector<1x16xf32>,
        %get3A_996 = arith.index_cast %min3A : i32 to index
        %get3A_997 = arith.constant 496 : index
        %get3A_998 = tpu.vector_load %arg5[%get3A_996, %get3A_997] {strides = array<i32>} : memref<65x512xf32, #tpu.memory_space<vmem>>, vector<1x16xf32>,
        %get3A_999 = vector.shape_cast %get3A_998 : vector<1x16xf32> to vector<16xf32>
        %add3A_1000 = arith.addf %get3A_999, %get3A_518 : vector<16xf32>
        %swap3A_1001 = arith.index_cast %scan3A_684 : i32 to index
        %swap3A_1002 = arith.constant 496 : index
        %swap3A_1003 = tpu.vector_load %arg7[%swap3A_1001, %swap3A_1002] {strides = array<i32>} : memref<88x512xf32, #tpu.memory_space<vmem>>, vector<1x16xf32>,
        %swap3A_1004 = vector.shape_cast %swap3A_1003 : vector<1x16xf32> to vector<16xf32>
        %swap3A_1005 = vector.shape_cast %add3A_1000 : vector<16xf32> to vector<1x16xf32>
        tpu.vector_store %arg7[%swap3A_1001, %swap3A_1002], %swap3A_1005 {strides = array<i32>} : memref<88x512xf32, #tpu.memory_space<vmem>>, vector<1x16xf32>,
      }
      %scan3A_523 = arith.constant 88 : i32
      %scan3A_524 = arith.constant 0 : i32
      %scan3A_525 = arith.constant 0 : i32
      %scan3A_526 = arith.constant 64 : i32
      %scan3A_527 = arith.addi %scan3A_525, %scan3A_526 : i32
      %scan3A_528 = arith.constant 1 : i32
      scf.for %scan3A_684 = %scan3A_525 to %scan3A_527 step %scan3A_528  : i32 {
        %add3A_685 = arith.addi %add3A_4, %add3A_378 : i32
        %rem3A_686 = arith.constant 8 : i32
        %rem3A_687 = arith.remsi %add3A_685, %rem3A_686 : i32
        %add3A_688 = arith.constant 8 : i32
        %add3A_689 = arith.addi %add3A_688, %rem3A_687 : i32
        %mul3A_690 = arith.constant 8 : i32
        %mul3A_691 = arith.muli %mul3A_690, %scan3A_684 : i32
        %sub3A_692 = arith.subi %mul3A_691, %add3A_685 : i32
        %add3A_693 = arith.constant 32 : i32
        %add3A_694 = arith.addi %sub3A_692, %add3A_693 : i32
        %add3A_695 = arith.addi %add3A_694, %add3A_689 : i32
        %jit3A = arith.constant 0 : i32
        %jit3A_696 = arith.constant 80 : i32
        %max3A = arith.maxsi %jit3A, %add3A_695 : i32
        %min3A = arith.minsi %jit3A_696, %max3A : i32
        %multiple_of3A = tpu.assume_multiple %min3A, 8 : i32
        %mul3A_697 = arith.constant 8 : i32
        %mul3A_698 = arith.muli %mul3A_697, %scan3A_684 : i32
        %multiple_of3A_699 = tpu.assume_multiple %mul3A_698, 8 : i32
        %dma_start3A = arith.constant 0 : i32
        %dma_start3A_700 = tpu.memref_slice %arg7[%multiple_of3A, %dma_start3A] : memref<88x512xf32, #tpu.memory_space<vmem>> -> memref<8x512xf32, #tpu.memory_space<vmem>>
        %dma_start3A_701 = arith.constant 0 : i32
        %dma_start3A_702 = tpu.memref_slice %arg4[%add3A_685, %multiple_of3A_699, %dma_start3A_701] : memref<512x512x512xf32, #tpu.memory_space<hbm>> -> memref<1x8x512xf32, #tpu.memory_space<hbm>>
        %dma_start3A_703 = tpu.memref_squeeze %dma_start3A_702 : memref<1x8x512xf32, #tpu.memory_space<hbm>> -> memref<8x512xf32, #tpu.memory_space<hbm>>
        %dma_start3A_704 = arith.constant 0 : i32
        %dma_start3A_705 = tpu.memref_slice %arg4[%add3A_685, %multiple_of3A_699, %dma_start3A_704] : memref<512x512x512xf32, #tpu.memory_space<hbm>> -> memref<1x8x512xf32, #tpu.memory_space<hbm>>
        %dma_start3A_706 = tpu.memref_squeeze %dma_start3A_705 : memref<1x8x512xf32, #tpu.memory_space<hbm>> -> memref<8x512xf32, #tpu.memory_space<hbm>>
        %dma_start3A_707 = arith.constant 0 : i32
        %dma_start3A_708 = tpu.memref_slice %arg7[%multiple_of3A, %dma_start3A_707] : memref<88x512xf32, #tpu.memory_space<vmem>> -> memref<8x512xf32, #tpu.memory_space<vmem>>
        tpu.enqueue_dma source(%dma_start3A_708 : memref<8x512xf32, #tpu.memory_space<vmem>>) target(%dma_start3A_706 : memref<8x512xf32, #tpu.memory_space<hbm>>) target_semaphore(%arg9 : memref<!tpu.dma_semaphore, #tpu.memory_space<semaphore_mem>>)
      }
      %scan3A_529 = arith.constant 64 : i32
      %add3A_530 = arith.constant 1 : i32
      %add3A_531 = arith.addi %add3A_378, %add3A_530 : i32
      %sub3A_532 = arith.constant 2 : i32
      %sub3A_533 = arith.subi %add3A_531, %sub3A_532 : i32
      %scan3A_534 = arith.constant 0 : i32
      %scan3A_535 = arith.constant 0 : i32
      %scan3A_536 = arith.constant 64 : i32
      %scan3A_537 = arith.addi %scan3A_535, %scan3A_536 : i32
      %scan3A_538 = arith.constant 1 : i32
      scf.for %scan3A_684 = %scan3A_535 to %scan3A_537 step %scan3A_538  : i32 {
        %add3A_685 = arith.addi %add3A_4, %sub3A_533 : i32
        %rem3A_686 = arith.constant 8 : i32
        %rem3A_687 = arith.remsi %add3A_685, %rem3A_686 : i32
        %add3A_688 = arith.constant 8 : i32
        %add3A_689 = arith.addi %add3A_688, %rem3A_687 : i32
        %mul3A_690 = arith.constant 8 : i32
        %mul3A_691 = arith.muli %mul3A_690, %scan3A_684 : i32
        %sub3A_692 = arith.subi %mul3A_691, %add3A_685 : i32
        %add3A_693 = arith.constant 32 : i32
        %add3A_694 = arith.addi %sub3A_692, %add3A_693 : i32
        %add3A_695 = arith.addi %add3A_694, %add3A_689 : i32
        %jit3A = arith.constant 0 : i32
        %jit3A_696 = arith.constant 80 : i32
        %max3A = arith.maxsi %jit3A, %add3A_695 : i32
        %min3A = arith.minsi %jit3A_696, %max3A : i32
        %multiple_of3A = tpu.assume_multiple %min3A, 8 : i32
        %mul3A_697 = arith.constant 8 : i32
        %mul3A_698 = arith.muli %mul3A_697, %scan3A_684 : i32
        %multiple_of3A_699 = tpu.assume_multiple %mul3A_698, 8 : i32
        %dma_wait3A = arith.constant 0 : i32
        %dma_wait3A_700 = tpu.memref_slice %arg8[%multiple_of3A, %dma_wait3A] : memref<88x512xf32, #tpu.memory_space<vmem>> -> memref<8x512xf32, #tpu.memory_space<vmem>>
        %dma_wait3A_701 = arith.constant 0 : i32
        %dma_wait3A_702 = tpu.memref_slice %arg4[%add3A_685, %multiple_of3A_699, %dma_wait3A_701] : memref<512x512x512xf32, #tpu.memory_space<hbm>> -> memref<1x8x512xf32, #tpu.memory_space<hbm>>
        %dma_wait3A_703 = tpu.memref_squeeze %dma_wait3A_702 : memref<1x8x512xf32, #tpu.memory_space<hbm>> -> memref<8x512xf32, #tpu.memory_space<hbm>>
        %dma_wait3A_704 = arith.constant 0 : i32
        %dma_wait3A_705 = tpu.memref_slice %arg4[%add3A_685, %multiple_of3A_699, %dma_wait3A_704] : memref<512x512x512xf32, #tpu.memory_space<hbm>> -> memref<1x8x512xf32, #tpu.memory_space<hbm>>
        %dma_wait3A_706 = tpu.memref_squeeze %dma_wait3A_705 : memref<1x8x512xf32, #tpu.memory_space<hbm>> -> memref<8x512xf32, #tpu.memory_space<hbm>>
        %dma_wait3A_707 = arith.constant 0 : i32
        %dma_wait3A_708 = tpu.memref_slice %arg8[%multiple_of3A, %dma_wait3A_707] : memref<88x512xf32, #tpu.memory_space<vmem>> -> memref<8x512xf32, #tpu.memory_space<vmem>>
        tpu.wait_dma2 semaphore(%arg10 : memref<!tpu.dma_semaphore, #tpu.memory_space<semaphore_mem>>) src(%dma_wait3A_708 : memref<8x512xf32, #tpu.memory_space<vmem>>) dst(%dma_wait3A_706 : memref<8x512xf32, #tpu.memory_space<hbm>>)
      }
      %scan3A_539 = arith.constant 64 : i32
      %add3A_540 = arith.addi %add3A_4, %add3A_531 : i32
      %rem3A_541 = arith.constant 8 : i32
      %rem3A_542 = arith.remsi %add3A_540, %rem3A_541 : i32
      %add3A_543 = arith.constant 8 : i32
      %add3A_544 = arith.addi %add3A_543, %rem3A_542 : i32
      %get3A_545 = arith.index_cast %add3A_531 : i32 to index
      %get3A_546 = arith.constant 0 : index
      %get3A_547 = tpu.vector_load %arg6[%get3A_545, %get3A_546] {strides = array<i32>} : memref<8x512xf32, #tpu.memory_space<vmem>>, vector<1x16xf32>,
      %get3A_548 = vector.shape_cast %get3A_547 : vector<1x16xf32> to vector<16xf32>
      %get3A_549 = arith.index_cast %add3A_531 : i32 to index
      %get3A_550 = arith.constant 16 : index
      %get3A_551 = tpu.vector_load %arg6[%get3A_549, %get3A_550] {strides = array<i32>} : memref<8x512xf32, #tpu.memory_space<vmem>>, vector<1x16xf32>,
      %get3A_552 = vector.shape_cast %get3A_551 : vector<1x16xf32> to vector<16xf32>
      %get3A_553 = arith.index_cast %add3A_531 : i32 to index
      %get3A_554 = arith.constant 32 : index
      %get3A_555 = tpu.vector_load %arg6[%get3A_553, %get3A_554] {strides = array<i32>} : memref<8x512xf32, #tpu.memory_space<vmem>>, vector<1x16xf32>,
      %get3A_556 = vector.shape_cast %get3A_555 : vector<1x16xf32> to vector<16xf32>
      %get3A_557 = arith.index_cast %add3A_531 : i32 to index
      %get3A_558 = arith.constant 48 : index
      %get3A_559 = tpu.vector_load %arg6[%get3A_557, %get3A_558] {strides = array<i32>} : memref<8x512xf32, #tpu.memory_space<vmem>>, vector<1x16xf32>,
      %get3A_560 = vector.shape_cast %get3A_559 : vector<1x16xf32> to vector<16xf32>
      %get3A_561 = arith.index_cast %add3A_531 : i32 to index
      %get3A_562 = arith.constant 64 : index
      %get3A_563 = tpu.vector_load %arg6[%get3A_561, %get3A_562] {strides = array<i32>} : memref<8x512xf32, #tpu.memory_space<vmem>>, vector<1x16xf32>,
      %get3A_564 = vector.shape_cast %get3A_563 : vector<1x16xf32> to vector<16xf32>
      %get3A_565 = arith.index_cast %add3A_531 : i32 to index
      %get3A_566 = arith.constant 80 : index
      %get3A_567 = tpu.vector_load %arg6[%get3A_565, %get3A_566] {strides = array<i32>} : memref<8x512xf32, #tpu.memory_space<vmem>>, vector<1x16xf32>,
      %get3A_568 = vector.shape_cast %get3A_567 : vector<1x16xf32> to vector<16xf32>
      %get3A_569 = arith.index_cast %add3A_531 : i32 to index
      %get3A_570 = arith.constant 96 : index
      %get3A_571 = tpu.vector_load %arg6[%get3A_569, %get3A_570] {strides = array<i32>} : memref<8x512xf32, #tpu.memory_space<vmem>>, vector<1x16xf32>,
      %get3A_572 = vector.shape_cast %get3A_571 : vector<1x16xf32> to vector<16xf32>
      %get3A_573 = arith.index_cast %add3A_531 : i32 to index
      %get3A_574 = arith.constant 112 : index
      %get3A_575 = tpu.vector_load %arg6[%get3A_573, %get3A_574] {strides = array<i32>} : memref<8x512xf32, #tpu.memory_space<vmem>>, vector<1x16xf32>,
      %get3A_576 = vector.shape_cast %get3A_575 : vector<1x16xf32> to vector<16xf32>
      %get3A_577 = arith.index_cast %add3A_531 : i32 to index
      %get3A_578 = arith.constant 128 : index
      %get3A_579 = tpu.vector_load %arg6[%get3A_577, %get3A_578] {strides = array<i32>} : memref<8x512xf32, #tpu.memory_space<vmem>>, vector<1x16xf32>,
      %get3A_580 = vector.shape_cast %get3A_579 : vector<1x16xf32> to vector<16xf32>
      %get3A_581 = arith.index_cast %add3A_531 : i32 to index
      %get3A_582 = arith.constant 144 : index
      %get3A_583 = tpu.vector_load %arg6[%get3A_581, %get3A_582] {strides = array<i32>} : memref<8x512xf32, #tpu.memory_space<vmem>>, vector<1x16xf32>,
      %get3A_584 = vector.shape_cast %get3A_583 : vector<1x16xf32> to vector<16xf32>
      %get3A_585 = arith.index_cast %add3A_531 : i32 to index
      %get3A_586 = arith.constant 160 : index
      %get3A_587 = tpu.vector_load %arg6[%get3A_585, %get3A_586] {strides = array<i32>} : memref<8x512xf32, #tpu.memory_space<vmem>>, vector<1x16xf32>,
      %get3A_588 = vector.shape_cast %get3A_587 : vector<1x16xf32> to vector<16xf32>
      %get3A_589 = arith.index_cast %add3A_531 : i32 to index
      %get3A_590 = arith.constant 176 : index
      %get3A_591 = tpu.vector_load %arg6[%get3A_589, %get3A_590] {strides = array<i32>} : memref<8x512xf32, #tpu.memory_space<vmem>>, vector<1x16xf32>,
      %get3A_592 = vector.shape_cast %get3A_591 : vector<1x16xf32> to vector<16xf32>
      %get3A_593 = arith.index_cast %add3A_531 : i32 to index
      %get3A_594 = arith.constant 192 : index
      %get3A_595 = tpu.vector_load %arg6[%get3A_593, %get3A_594] {strides = array<i32>} : memref<8x512xf32, #tpu.memory_space<vmem>>, vector<1x16xf32>,
      %get3A_596 = vector.shape_cast %get3A_595 : vector<1x16xf32> to vector<16xf32>
      %get3A_597 = arith.index_cast %add3A_531 : i32 to index
      %get3A_598 = arith.constant 208 : index
      %get3A_599 = tpu.vector_load %arg6[%get3A_597, %get3A_598] {strides = array<i32>} : memref<8x512xf32, #tpu.memory_space<vmem>>, vector<1x16xf32>,
      %get3A_600 = vector.shape_cast %get3A_599 : vector<1x16xf32> to vector<16xf32>
      %get3A_601 = arith.index_cast %add3A_531 : i32 to index
      %get3A_602 = arith.constant 224 : index
      %get3A_603 = tpu.vector_load %arg6[%get3A_601, %get3A_602] {strides = array<i32>} : memref<8x512xf32, #tpu.memory_space<vmem>>, vector<1x16xf32>,
      %get3A_604 = vector.shape_cast %get3A_603 : vector<1x16xf32> to vector<16xf32>
      %get3A_605 = arith.index_cast %add3A_531 : i32 to index
      %get3A_606 = arith.constant 240 : index
      %get3A_607 = tpu.vector_load %arg6[%get3A_605, %get3A_606] {strides = array<i32>} : memref<8x512xf32, #tpu.memory_space<vmem>>, vector<1x16xf32>,
      %get3A_608 = vector.shape_cast %get3A_607 : vector<1x16xf32> to vector<16xf32>
      %get3A_609 = arith.index_cast %add3A_531 : i32 to index
      %get3A_610 = arith.constant 256 : index
      %get3A_611 = tpu.vector_load %arg6[%get3A_609, %get3A_610] {strides = array<i32>} : memref<8x512xf32, #tpu.memory_space<vmem>>, vector<1x16xf32>,
      %get3A_612 = vector.shape_cast %get3A_611 : vector<1x16xf32> to vector<16xf32>
      %get3A_613 = arith.index_cast %add3A_531 : i32 to index
      %get3A_614 = arith.constant 272 : index
      %get3A_615 = tpu.vector_load %arg6[%get3A_613, %get3A_614] {strides = array<i32>} : memref<8x512xf32, #tpu.memory_space<vmem>>, vector<1x16xf32>,
      %get3A_616 = vector.shape_cast %get3A_615 : vector<1x16xf32> to vector<16xf32>
      %get3A_617 = arith.index_cast %add3A_531 : i32 to index
      %get3A_618 = arith.constant 288 : index
      %get3A_619 = tpu.vector_load %arg6[%get3A_617, %get3A_618] {strides = array<i32>} : memref<8x512xf32, #tpu.memory_space<vmem>>, vector<1x16xf32>,
      %get3A_620 = vector.shape_cast %get3A_619 : vector<1x16xf32> to vector<16xf32>
      %get3A_621 = arith.index_cast %add3A_531 : i32 to index
      %get3A_622 = arith.constant 304 : index
      %get3A_623 = tpu.vector_load %arg6[%get3A_621, %get3A_622] {strides = array<i32>} : memref<8x512xf32, #tpu.memory_space<vmem>>, vector<1x16xf32>,
      %get3A_624 = vector.shape_cast %get3A_623 : vector<1x16xf32> to vector<16xf32>
      %get3A_625 = arith.index_cast %add3A_531 : i32 to index
      %get3A_626 = arith.constant 320 : index
      %get3A_627 = tpu.vector_load %arg6[%get3A_625, %get3A_626] {strides = array<i32>} : memref<8x512xf32, #tpu.memory_space<vmem>>, vector<1x16xf32>,
      %get3A_628 = vector.shape_cast %get3A_627 : vector<1x16xf32> to vector<16xf32>
      %get3A_629 = arith.index_cast %add3A_531 : i32 to index
      %get3A_630 = arith.constant 336 : index
      %get3A_631 = tpu.vector_load %arg6[%get3A_629, %get3A_630] {strides = array<i32>} : memref<8x512xf32, #tpu.memory_space<vmem>>, vector<1x16xf32>,
      %get3A_632 = vector.shape_cast %get3A_631 : vector<1x16xf32> to vector<16xf32>
      %get3A_633 = arith.index_cast %add3A_531 : i32 to index
      %get3A_634 = arith.constant 352 : index
      %get3A_635 = tpu.vector_load %arg6[%get3A_633, %get3A_634] {strides = array<i32>} : memref<8x512xf32, #tpu.memory_space<vmem>>, vector<1x16xf32>,
      %get3A_636 = vector.shape_cast %get3A_635 : vector<1x16xf32> to vector<16xf32>
      %get3A_637 = arith.index_cast %add3A_531 : i32 to index
      %get3A_638 = arith.constant 368 : index
      %get3A_639 = tpu.vector_load %arg6[%get3A_637, %get3A_638] {strides = array<i32>} : memref<8x512xf32, #tpu.memory_space<vmem>>, vector<1x16xf32>,
      %get3A_640 = vector.shape_cast %get3A_639 : vector<1x16xf32> to vector<16xf32>
      %get3A_641 = arith.index_cast %add3A_531 : i32 to index
      %get3A_642 = arith.constant 384 : index
      %get3A_643 = tpu.vector_load %arg6[%get3A_641, %get3A_642] {strides = array<i32>} : memref<8x512xf32, #tpu.memory_space<vmem>>, vector<1x16xf32>,
      %get3A_644 = vector.shape_cast %get3A_643 : vector<1x16xf32> to vector<16xf32>
      %get3A_645 = arith.index_cast %add3A_531 : i32 to index
      %get3A_646 = arith.constant 400 : index
      %get3A_647 = tpu.vector_load %arg6[%get3A_645, %get3A_646] {strides = array<i32>} : memref<8x512xf32, #tpu.memory_space<vmem>>, vector<1x16xf32>,
      %get3A_648 = vector.shape_cast %get3A_647 : vector<1x16xf32> to vector<16xf32>
      %get3A_649 = arith.index_cast %add3A_531 : i32 to index
      %get3A_650 = arith.constant 416 : index
      %get3A_651 = tpu.vector_load %arg6[%get3A_649, %get3A_650] {strides = array<i32>} : memref<8x512xf32, #tpu.memory_space<vmem>>, vector<1x16xf32>,
      %get3A_652 = vector.shape_cast %get3A_651 : vector<1x16xf32> to vector<16xf32>
      %get3A_653 = arith.index_cast %add3A_531 : i32 to index
      %get3A_654 = arith.constant 432 : index
      %get3A_655 = tpu.vector_load %arg6[%get3A_653, %get3A_654] {strides = array<i32>} : memref<8x512xf32, #tpu.memory_space<vmem>>, vector<1x16xf32>,
      %get3A_656 = vector.shape_cast %get3A_655 : vector<1x16xf32> to vector<16xf32>
      %get3A_657 = arith.index_cast %add3A_531 : i32 to index
      %get3A_658 = arith.constant 448 : index
      %get3A_659 = tpu.vector_load %arg6[%get3A_657, %get3A_658] {strides = array<i32>} : memref<8x512xf32, #tpu.memory_space<vmem>>, vector<1x16xf32>,
      %get3A_660 = vector.shape_cast %get3A_659 : vector<1x16xf32> to vector<16xf32>
      %get3A_661 = arith.index_cast %add3A_531 : i32 to index
      %get3A_662 = arith.constant 464 : index
      %get3A_663 = tpu.vector_load %arg6[%get3A_661, %get3A_662] {strides = array<i32>} : memref<8x512xf32, #tpu.memory_space<vmem>>, vector<1x16xf32>,
      %get3A_664 = vector.shape_cast %get3A_663 : vector<1x16xf32> to vector<16xf32>
      %get3A_665 = arith.index_cast %add3A_531 : i32 to index
      %get3A_666 = arith.constant 480 : index
      %get3A_667 = tpu.vector_load %arg6[%get3A_665, %get3A_666] {strides = array<i32>} : memref<8x512xf32, #tpu.memory_space<vmem>>, vector<1x16xf32>,
      %get3A_668 = vector.shape_cast %get3A_667 : vector<1x16xf32> to vector<16xf32>
      %get3A_669 = arith.index_cast %add3A_531 : i32 to index
      %get3A_670 = arith.constant 496 : index
      %get3A_671 = tpu.vector_load %arg6[%get3A_669, %get3A_670] {strides = array<i32>} : memref<8x512xf32, #tpu.memory_space<vmem>>, vector<1x16xf32>,
      %get3A_672 = vector.shape_cast %get3A_671 : vector<1x16xf32> to vector<16xf32>
      %scan3A_673 = arith.constant 0 : i32
      %scan3A_674 = arith.constant 88 : i32
      %scan3A_675 = arith.addi %scan3A_673, %scan3A_674 : i32
      %scan3A_676 = arith.constant 1 : i32
      scf.for %scan3A_684 = %scan3A_673 to %scan3A_675 step %scan3A_676  : i32 {
        %sub3A_685 = arith.subi %scan3A_684, %add3A_544 : i32
        %jit3A = arith.constant 0 : i32
        %jit3A_686 = arith.constant 64 : i32
        %max3A = arith.maxsi %jit3A, %sub3A_685 : i32
        %min3A = arith.minsi %jit3A_686, %max3A : i32
        %get3A_687 = arith.index_cast %min3A : i32 to index
        %get3A_688 = arith.constant 0 : index
        %get3A_689 = tpu.vector_load %arg5[%get3A_687, %get3A_688] {strides = array<i32>} : memref<65x512xf32, #tpu.memory_space<vmem>>, vector<1x16xf32>,
        %get3A_690 = vector.shape_cast %get3A_689 : vector<1x16xf32> to vector<16xf32>
        %add3A_691 = arith.addf %get3A_690, %get3A_548 : vector<16xf32>
        %swap3A = arith.index_cast %scan3A_684 : i32 to index
        %swap3A_692 = arith.constant 0 : index
        %swap3A_693 = tpu.vector_load %arg8[%swap3A, %swap3A_692] {strides = array<i32>} : memref<88x512xf32, #tpu.memory_space<vmem>>, vector<1x16xf32>,
        %swap3A_694 = vector.shape_cast %swap3A_693 : vector<1x16xf32> to vector<16xf32>
        %swap3A_695 = vector.shape_cast %add3A_691 : vector<16xf32> to vector<1x16xf32>
        tpu.vector_store %arg8[%swap3A, %swap3A_692], %swap3A_695 {strides = array<i32>} : memref<88x512xf32, #tpu.memory_space<vmem>>, vector<1x16xf32>,
        %get3A_696 = arith.index_cast %min3A : i32 to index
        %get3A_697 = arith.constant 16 : index
        %get3A_698 = tpu.vector_load %arg5[%get3A_696, %get3A_697] {strides = array<i32>} : memref<65x512xf32, #tpu.memory_space<vmem>>, vector<1x16xf32>,
        %get3A_699 = vector.shape_cast %get3A_698 : vector<1x16xf32> to vector<16xf32>
        %add3A_700 = arith.addf %get3A_699, %get3A_552 : vector<16xf32>
        %swap3A_701 = arith.index_cast %scan3A_684 : i32 to index
        %swap3A_702 = arith.constant 16 : index
        %swap3A_703 = tpu.vector_load %arg8[%swap3A_701, %swap3A_702] {strides = array<i32>} : memref<88x512xf32, #tpu.memory_space<vmem>>, vector<1x16xf32>,
        %swap3A_704 = vector.shape_cast %swap3A_703 : vector<1x16xf32> to vector<16xf32>
        %swap3A_705 = vector.shape_cast %add3A_700 : vector<16xf32> to vector<1x16xf32>
        tpu.vector_store %arg8[%swap3A_701, %swap3A_702], %swap3A_705 {strides = array<i32>} : memref<88x512xf32, #tpu.memory_space<vmem>>, vector<1x16xf32>,
        %get3A_706 = arith.index_cast %min3A : i32 to index
        %get3A_707 = arith.constant 32 : index
        %get3A_708 = tpu.vector_load %arg5[%get3A_706, %get3A_707] {strides = array<i32>} : memref<65x512xf32, #tpu.memory_space<vmem>>, vector<1x16xf32>,
        %get3A_709 = vector.shape_cast %get3A_708 : vector<1x16xf32> to vector<16xf32>
        %add3A_710 = arith.addf %get3A_709, %get3A_556 : vector<16xf32>
        %swap3A_711 = arith.index_cast %scan3A_684 : i32 to index
        %swap3A_712 = arith.constant 32 : index
        %swap3A_713 = tpu.vector_load %arg8[%swap3A_711, %swap3A_712] {strides = array<i32>} : memref<88x512xf32, #tpu.memory_space<vmem>>, vector<1x16xf32>,
        %swap3A_714 = vector.shape_cast %swap3A_713 : vector<1x16xf32> to vector<16xf32>
        %swap3A_715 = vector.shape_cast %add3A_710 : vector<16xf32> to vector<1x16xf32>
        tpu.vector_store %arg8[%swap3A_711, %swap3A_712], %swap3A_715 {strides = array<i32>} : memref<88x512xf32, #tpu.memory_space<vmem>>, vector<1x16xf32>,
        %get3A_716 = arith.index_cast %min3A : i32 to index
        %get3A_717 = arith.constant 48 : index
        %get3A_718 = tpu.vector_load %arg5[%get3A_716, %get3A_717] {strides = array<i32>} : memref<65x512xf32, #tpu.memory_space<vmem>>, vector<1x16xf32>,
        %get3A_719 = vector.shape_cast %get3A_718 : vector<1x16xf32> to vector<16xf32>
        %add3A_720 = arith.addf %get3A_719, %get3A_560 : vector<16xf32>
        %swap3A_721 = arith.index_cast %scan3A_684 : i32 to index
        %swap3A_722 = arith.constant 48 : index
        %swap3A_723 = tpu.vector_load %arg8[%swap3A_721, %swap3A_722] {strides = array<i32>} : memref<88x512xf32, #tpu.memory_space<vmem>>, vector<1x16xf32>,
        %swap3A_724 = vector.shape_cast %swap3A_723 : vector<1x16xf32> to vector<16xf32>
        %swap3A_725 = vector.shape_cast %add3A_720 : vector<16xf32> to vector<1x16xf32>
        tpu.vector_store %arg8[%swap3A_721, %swap3A_722], %swap3A_725 {strides = array<i32>} : memref<88x512xf32, #tpu.memory_space<vmem>>, vector<1x16xf32>,
        %get3A_726 = arith.index_cast %min3A : i32 to index
        %get3A_727 = arith.constant 64 : index
        %get3A_728 = tpu.vector_load %arg5[%get3A_726, %get3A_727] {strides = array<i32>} : memref<65x512xf32, #tpu.memory_space<vmem>>, vector<1x16xf32>,
        %get3A_729 = vector.shape_cast %get3A_728 : vector<1x16xf32> to vector<16xf32>
        %add3A_730 = arith.addf %get3A_729, %get3A_564 : vector<16xf32>
        %swap3A_731 = arith.index_cast %scan3A_684 : i32 to index
        %swap3A_732 = arith.constant 64 : index
        %swap3A_733 = tpu.vector_load %arg8[%swap3A_731, %swap3A_732] {strides = array<i32>} : memref<88x512xf32, #tpu.memory_space<vmem>>, vector<1x16xf32>,
        %swap3A_734 = vector.shape_cast %swap3A_733 : vector<1x16xf32> to vector<16xf32>
        %swap3A_735 = vector.shape_cast %add3A_730 : vector<16xf32> to vector<1x16xf32>
        tpu.vector_store %arg8[%swap3A_731, %swap3A_732], %swap3A_735 {strides = array<i32>} : memref<88x512xf32, #tpu.memory_space<vmem>>, vector<1x16xf32>,
        %get3A_736 = arith.index_cast %min3A : i32 to index
        %get3A_737 = arith.constant 80 : index
        %get3A_738 = tpu.vector_load %arg5[%get3A_736, %get3A_737] {strides = array<i32>} : memref<65x512xf32, #tpu.memory_space<vmem>>, vector<1x16xf32>,
        %get3A_739 = vector.shape_cast %get3A_738 : vector<1x16xf32> to vector<16xf32>
        %add3A_740 = arith.addf %get3A_739, %get3A_568 : vector<16xf32>
        %swap3A_741 = arith.index_cast %scan3A_684 : i32 to index
        %swap3A_742 = arith.constant 80 : index
        %swap3A_743 = tpu.vector_load %arg8[%swap3A_741, %swap3A_742] {strides = array<i32>} : memref<88x512xf32, #tpu.memory_space<vmem>>, vector<1x16xf32>,
        %swap3A_744 = vector.shape_cast %swap3A_743 : vector<1x16xf32> to vector<16xf32>
        %swap3A_745 = vector.shape_cast %add3A_740 : vector<16xf32> to vector<1x16xf32>
        tpu.vector_store %arg8[%swap3A_741, %swap3A_742], %swap3A_745 {strides = array<i32>} : memref<88x512xf32, #tpu.memory_space<vmem>>, vector<1x16xf32>,
        %get3A_746 = arith.index_cast %min3A : i32 to index
        %get3A_747 = arith.constant 96 : index
        %get3A_748 = tpu.vector_load %arg5[%get3A_746, %get3A_747] {strides = array<i32>} : memref<65x512xf32, #tpu.memory_space<vmem>>, vector<1x16xf32>,
        %get3A_749 = vector.shape_cast %get3A_748 : vector<1x16xf32> to vector<16xf32>
        %add3A_750 = arith.addf %get3A_749, %get3A_572 : vector<16xf32>
        %swap3A_751 = arith.index_cast %scan3A_684 : i32 to index
        %swap3A_752 = arith.constant 96 : index
        %swap3A_753 = tpu.vector_load %arg8[%swap3A_751, %swap3A_752] {strides = array<i32>} : memref<88x512xf32, #tpu.memory_space<vmem>>, vector<1x16xf32>,
        %swap3A_754 = vector.shape_cast %swap3A_753 : vector<1x16xf32> to vector<16xf32>
        %swap3A_755 = vector.shape_cast %add3A_750 : vector<16xf32> to vector<1x16xf32>
        tpu.vector_store %arg8[%swap3A_751, %swap3A_752], %swap3A_755 {strides = array<i32>} : memref<88x512xf32, #tpu.memory_space<vmem>>, vector<1x16xf32>,
        %get3A_756 = arith.index_cast %min3A : i32 to index
        %get3A_757 = arith.constant 112 : index
        %get3A_758 = tpu.vector_load %arg5[%get3A_756, %get3A_757] {strides = array<i32>} : memref<65x512xf32, #tpu.memory_space<vmem>>, vector<1x16xf32>,
        %get3A_759 = vector.shape_cast %get3A_758 : vector<1x16xf32> to vector<16xf32>
        %add3A_760 = arith.addf %get3A_759, %get3A_576 : vector<16xf32>
        %swap3A_761 = arith.index_cast %scan3A_684 : i32 to index
        %swap3A_762 = arith.constant 112 : index
        %swap3A_763 = tpu.vector_load %arg8[%swap3A_761, %swap3A_762] {strides = array<i32>} : memref<88x512xf32, #tpu.memory_space<vmem>>, vector<1x16xf32>,
        %swap3A_764 = vector.shape_cast %swap3A_763 : vector<1x16xf32> to vector<16xf32>
        %swap3A_765 = vector.shape_cast %add3A_760 : vector<16xf32> to vector<1x16xf32>
        tpu.vector_store %arg8[%swap3A_761, %swap3A_762], %swap3A_765 {strides = array<i32>} : memref<88x512xf32, #tpu.memory_space<vmem>>, vector<1x16xf32>,
        %get3A_766 = arith.index_cast %min3A : i32 to index
        %get3A_767 = arith.constant 128 : index
        %get3A_768 = tpu.vector_load %arg5[%get3A_766, %get3A_767] {strides = array<i32>} : memref<65x512xf32, #tpu.memory_space<vmem>>, vector<1x16xf32>,
        %get3A_769 = vector.shape_cast %get3A_768 : vector<1x16xf32> to vector<16xf32>
        %add3A_770 = arith.addf %get3A_769, %get3A_580 : vector<16xf32>
        %swap3A_771 = arith.index_cast %scan3A_684 : i32 to index
        %swap3A_772 = arith.constant 128 : index
        %swap3A_773 = tpu.vector_load %arg8[%swap3A_771, %swap3A_772] {strides = array<i32>} : memref<88x512xf32, #tpu.memory_space<vmem>>, vector<1x16xf32>,
        %swap3A_774 = vector.shape_cast %swap3A_773 : vector<1x16xf32> to vector<16xf32>
        %swap3A_775 = vector.shape_cast %add3A_770 : vector<16xf32> to vector<1x16xf32>
        tpu.vector_store %arg8[%swap3A_771, %swap3A_772], %swap3A_775 {strides = array<i32>} : memref<88x512xf32, #tpu.memory_space<vmem>>, vector<1x16xf32>,
        %get3A_776 = arith.index_cast %min3A : i32 to index
        %get3A_777 = arith.constant 144 : index
        %get3A_778 = tpu.vector_load %arg5[%get3A_776, %get3A_777] {strides = array<i32>} : memref<65x512xf32, #tpu.memory_space<vmem>>, vector<1x16xf32>,
        %get3A_779 = vector.shape_cast %get3A_778 : vector<1x16xf32> to vector<16xf32>
        %add3A_780 = arith.addf %get3A_779, %get3A_584 : vector<16xf32>
        %swap3A_781 = arith.index_cast %scan3A_684 : i32 to index
        %swap3A_782 = arith.constant 144 : index
        %swap3A_783 = tpu.vector_load %arg8[%swap3A_781, %swap3A_782] {strides = array<i32>} : memref<88x512xf32, #tpu.memory_space<vmem>>, vector<1x16xf32>,
        %swap3A_784 = vector.shape_cast %swap3A_783 : vector<1x16xf32> to vector<16xf32>
        %swap3A_785 = vector.shape_cast %add3A_780 : vector<16xf32> to vector<1x16xf32>
        tpu.vector_store %arg8[%swap3A_781, %swap3A_782], %swap3A_785 {strides = array<i32>} : memref<88x512xf32, #tpu.memory_space<vmem>>, vector<1x16xf32>,
        %get3A_786 = arith.index_cast %min3A : i32 to index
        %get3A_787 = arith.constant 160 : index
        %get3A_788 = tpu.vector_load %arg5[%get3A_786, %get3A_787] {strides = array<i32>} : memref<65x512xf32, #tpu.memory_space<vmem>>, vector<1x16xf32>,
        %get3A_789 = vector.shape_cast %get3A_788 : vector<1x16xf32> to vector<16xf32>
        %add3A_790 = arith.addf %get3A_789, %get3A_588 : vector<16xf32>
        %swap3A_791 = arith.index_cast %scan3A_684 : i32 to index
        %swap3A_792 = arith.constant 160 : index
        %swap3A_793 = tpu.vector_load %arg8[%swap3A_791, %swap3A_792] {strides = array<i32>} : memref<88x512xf32, #tpu.memory_space<vmem>>, vector<1x16xf32>,
        %swap3A_794 = vector.shape_cast %swap3A_793 : vector<1x16xf32> to vector<16xf32>
        %swap3A_795 = vector.shape_cast %add3A_790 : vector<16xf32> to vector<1x16xf32>
        tpu.vector_store %arg8[%swap3A_791, %swap3A_792], %swap3A_795 {strides = array<i32>} : memref<88x512xf32, #tpu.memory_space<vmem>>, vector<1x16xf32>,
        %get3A_796 = arith.index_cast %min3A : i32 to index
        %get3A_797 = arith.constant 176 : index
        %get3A_798 = tpu.vector_load %arg5[%get3A_796, %get3A_797] {strides = array<i32>} : memref<65x512xf32, #tpu.memory_space<vmem>>, vector<1x16xf32>,
        %get3A_799 = vector.shape_cast %get3A_798 : vector<1x16xf32> to vector<16xf32>
        %add3A_800 = arith.addf %get3A_799, %get3A_592 : vector<16xf32>
        %swap3A_801 = arith.index_cast %scan3A_684 : i32 to index
        %swap3A_802 = arith.constant 176 : index
        %swap3A_803 = tpu.vector_load %arg8[%swap3A_801, %swap3A_802] {strides = array<i32>} : memref<88x512xf32, #tpu.memory_space<vmem>>, vector<1x16xf32>,
        %swap3A_804 = vector.shape_cast %swap3A_803 : vector<1x16xf32> to vector<16xf32>
        %swap3A_805 = vector.shape_cast %add3A_800 : vector<16xf32> to vector<1x16xf32>
        tpu.vector_store %arg8[%swap3A_801, %swap3A_802], %swap3A_805 {strides = array<i32>} : memref<88x512xf32, #tpu.memory_space<vmem>>, vector<1x16xf32>,
        %get3A_806 = arith.index_cast %min3A : i32 to index
        %get3A_807 = arith.constant 192 : index
        %get3A_808 = tpu.vector_load %arg5[%get3A_806, %get3A_807] {strides = array<i32>} : memref<65x512xf32, #tpu.memory_space<vmem>>, vector<1x16xf32>,
        %get3A_809 = vector.shape_cast %get3A_808 : vector<1x16xf32> to vector<16xf32>
        %add3A_810 = arith.addf %get3A_809, %get3A_596 : vector<16xf32>
        %swap3A_811 = arith.index_cast %scan3A_684 : i32 to index
        %swap3A_812 = arith.constant 192 : index
        %swap3A_813 = tpu.vector_load %arg8[%swap3A_811, %swap3A_812] {strides = array<i32>} : memref<88x512xf32, #tpu.memory_space<vmem>>, vector<1x16xf32>,
        %swap3A_814 = vector.shape_cast %swap3A_813 : vector<1x16xf32> to vector<16xf32>
        %swap3A_815 = vector.shape_cast %add3A_810 : vector<16xf32> to vector<1x16xf32>
        tpu.vector_store %arg8[%swap3A_811, %swap3A_812], %swap3A_815 {strides = array<i32>} : memref<88x512xf32, #tpu.memory_space<vmem>>, vector<1x16xf32>,
        %get3A_816 = arith.index_cast %min3A : i32 to index
        %get3A_817 = arith.constant 208 : index
        %get3A_818 = tpu.vector_load %arg5[%get3A_816, %get3A_817] {strides = array<i32>} : memref<65x512xf32, #tpu.memory_space<vmem>>, vector<1x16xf32>,
        %get3A_819 = vector.shape_cast %get3A_818 : vector<1x16xf32> to vector<16xf32>
        %add3A_820 = arith.addf %get3A_819, %get3A_600 : vector<16xf32>
        %swap3A_821 = arith.index_cast %scan3A_684 : i32 to index
        %swap3A_822 = arith.constant 208 : index
        %swap3A_823 = tpu.vector_load %arg8[%swap3A_821, %swap3A_822] {strides = array<i32>} : memref<88x512xf32, #tpu.memory_space<vmem>>, vector<1x16xf32>,
        %swap3A_824 = vector.shape_cast %swap3A_823 : vector<1x16xf32> to vector<16xf32>
        %swap3A_825 = vector.shape_cast %add3A_820 : vector<16xf32> to vector<1x16xf32>
        tpu.vector_store %arg8[%swap3A_821, %swap3A_822], %swap3A_825 {strides = array<i32>} : memref<88x512xf32, #tpu.memory_space<vmem>>, vector<1x16xf32>,
        %get3A_826 = arith.index_cast %min3A : i32 to index
        %get3A_827 = arith.constant 224 : index
        %get3A_828 = tpu.vector_load %arg5[%get3A_826, %get3A_827] {strides = array<i32>} : memref<65x512xf32, #tpu.memory_space<vmem>>, vector<1x16xf32>,
        %get3A_829 = vector.shape_cast %get3A_828 : vector<1x16xf32> to vector<16xf32>
        %add3A_830 = arith.addf %get3A_829, %get3A_604 : vector<16xf32>
        %swap3A_831 = arith.index_cast %scan3A_684 : i32 to index
        %swap3A_832 = arith.constant 224 : index
        %swap3A_833 = tpu.vector_load %arg8[%swap3A_831, %swap3A_832] {strides = array<i32>} : memref<88x512xf32, #tpu.memory_space<vmem>>, vector<1x16xf32>,
        %swap3A_834 = vector.shape_cast %swap3A_833 : vector<1x16xf32> to vector<16xf32>
        %swap3A_835 = vector.shape_cast %add3A_830 : vector<16xf32> to vector<1x16xf32>
        tpu.vector_store %arg8[%swap3A_831, %swap3A_832], %swap3A_835 {strides = array<i32>} : memref<88x512xf32, #tpu.memory_space<vmem>>, vector<1x16xf32>,
        %get3A_836 = arith.index_cast %min3A : i32 to index
        %get3A_837 = arith.constant 240 : index
        %get3A_838 = tpu.vector_load %arg5[%get3A_836, %get3A_837] {strides = array<i32>} : memref<65x512xf32, #tpu.memory_space<vmem>>, vector<1x16xf32>,
        %get3A_839 = vector.shape_cast %get3A_838 : vector<1x16xf32> to vector<16xf32>
        %add3A_840 = arith.addf %get3A_839, %get3A_608 : vector<16xf32>
        %swap3A_841 = arith.index_cast %scan3A_684 : i32 to index
        %swap3A_842 = arith.constant 240 : index
        %swap3A_843 = tpu.vector_load %arg8[%swap3A_841, %swap3A_842] {strides = array<i32>} : memref<88x512xf32, #tpu.memory_space<vmem>>, vector<1x16xf32>,
        %swap3A_844 = vector.shape_cast %swap3A_843 : vector<1x16xf32> to vector<16xf32>
        %swap3A_845 = vector.shape_cast %add3A_840 : vector<16xf32> to vector<1x16xf32>
        tpu.vector_store %arg8[%swap3A_841, %swap3A_842], %swap3A_845 {strides = array<i32>} : memref<88x512xf32, #tpu.memory_space<vmem>>, vector<1x16xf32>,
        %get3A_846 = arith.index_cast %min3A : i32 to index
        %get3A_847 = arith.constant 256 : index
        %get3A_848 = tpu.vector_load %arg5[%get3A_846, %get3A_847] {strides = array<i32>} : memref<65x512xf32, #tpu.memory_space<vmem>>, vector<1x16xf32>,
        %get3A_849 = vector.shape_cast %get3A_848 : vector<1x16xf32> to vector<16xf32>
        %add3A_850 = arith.addf %get3A_849, %get3A_612 : vector<16xf32>
        %swap3A_851 = arith.index_cast %scan3A_684 : i32 to index
        %swap3A_852 = arith.constant 256 : index
        %swap3A_853 = tpu.vector_load %arg8[%swap3A_851, %swap3A_852] {strides = array<i32>} : memref<88x512xf32, #tpu.memory_space<vmem>>, vector<1x16xf32>,
        %swap3A_854 = vector.shape_cast %swap3A_853 : vector<1x16xf32> to vector<16xf32>
        %swap3A_855 = vector.shape_cast %add3A_850 : vector<16xf32> to vector<1x16xf32>
        tpu.vector_store %arg8[%swap3A_851, %swap3A_852], %swap3A_855 {strides = array<i32>} : memref<88x512xf32, #tpu.memory_space<vmem>>, vector<1x16xf32>,
        %get3A_856 = arith.index_cast %min3A : i32 to index
        %get3A_857 = arith.constant 272 : index
        %get3A_858 = tpu.vector_load %arg5[%get3A_856, %get3A_857] {strides = array<i32>} : memref<65x512xf32, #tpu.memory_space<vmem>>, vector<1x16xf32>,
        %get3A_859 = vector.shape_cast %get3A_858 : vector<1x16xf32> to vector<16xf32>
        %add3A_860 = arith.addf %get3A_859, %get3A_616 : vector<16xf32>
        %swap3A_861 = arith.index_cast %scan3A_684 : i32 to index
        %swap3A_862 = arith.constant 272 : index
        %swap3A_863 = tpu.vector_load %arg8[%swap3A_861, %swap3A_862] {strides = array<i32>} : memref<88x512xf32, #tpu.memory_space<vmem>>, vector<1x16xf32>,
        %swap3A_864 = vector.shape_cast %swap3A_863 : vector<1x16xf32> to vector<16xf32>
        %swap3A_865 = vector.shape_cast %add3A_860 : vector<16xf32> to vector<1x16xf32>
        tpu.vector_store %arg8[%swap3A_861, %swap3A_862], %swap3A_865 {strides = array<i32>} : memref<88x512xf32, #tpu.memory_space<vmem>>, vector<1x16xf32>,
        %get3A_866 = arith.index_cast %min3A : i32 to index
        %get3A_867 = arith.constant 288 : index
        %get3A_868 = tpu.vector_load %arg5[%get3A_866, %get3A_867] {strides = array<i32>} : memref<65x512xf32, #tpu.memory_space<vmem>>, vector<1x16xf32>,
        %get3A_869 = vector.shape_cast %get3A_868 : vector<1x16xf32> to vector<16xf32>
        %add3A_870 = arith.addf %get3A_869, %get3A_620 : vector<16xf32>
        %swap3A_871 = arith.index_cast %scan3A_684 : i32 to index
        %swap3A_872 = arith.constant 288 : index
        %swap3A_873 = tpu.vector_load %arg8[%swap3A_871, %swap3A_872] {strides = array<i32>} : memref<88x512xf32, #tpu.memory_space<vmem>>, vector<1x16xf32>,
        %swap3A_874 = vector.shape_cast %swap3A_873 : vector<1x16xf32> to vector<16xf32>
        %swap3A_875 = vector.shape_cast %add3A_870 : vector<16xf32> to vector<1x16xf32>
        tpu.vector_store %arg8[%swap3A_871, %swap3A_872], %swap3A_875 {strides = array<i32>} : memref<88x512xf32, #tpu.memory_space<vmem>>, vector<1x16xf32>,
        %get3A_876 = arith.index_cast %min3A : i32 to index
        %get3A_877 = arith.constant 304 : index
        %get3A_878 = tpu.vector_load %arg5[%get3A_876, %get3A_877] {strides = array<i32>} : memref<65x512xf32, #tpu.memory_space<vmem>>, vector<1x16xf32>,
        %get3A_879 = vector.shape_cast %get3A_878 : vector<1x16xf32> to vector<16xf32>
        %add3A_880 = arith.addf %get3A_879, %get3A_624 : vector<16xf32>
        %swap3A_881 = arith.index_cast %scan3A_684 : i32 to index
        %swap3A_882 = arith.constant 304 : index
        %swap3A_883 = tpu.vector_load %arg8[%swap3A_881, %swap3A_882] {strides = array<i32>} : memref<88x512xf32, #tpu.memory_space<vmem>>, vector<1x16xf32>,
        %swap3A_884 = vector.shape_cast %swap3A_883 : vector<1x16xf32> to vector<16xf32>
        %swap3A_885 = vector.shape_cast %add3A_880 : vector<16xf32> to vector<1x16xf32>
        tpu.vector_store %arg8[%swap3A_881, %swap3A_882], %swap3A_885 {strides = array<i32>} : memref<88x512xf32, #tpu.memory_space<vmem>>, vector<1x16xf32>,
        %get3A_886 = arith.index_cast %min3A : i32 to index
        %get3A_887 = arith.constant 320 : index
        %get3A_888 = tpu.vector_load %arg5[%get3A_886, %get3A_887] {strides = array<i32>} : memref<65x512xf32, #tpu.memory_space<vmem>>, vector<1x16xf32>,
        %get3A_889 = vector.shape_cast %get3A_888 : vector<1x16xf32> to vector<16xf32>
        %add3A_890 = arith.addf %get3A_889, %get3A_628 : vector<16xf32>
        %swap3A_891 = arith.index_cast %scan3A_684 : i32 to index
        %swap3A_892 = arith.constant 320 : index
        %swap3A_893 = tpu.vector_load %arg8[%swap3A_891, %swap3A_892] {strides = array<i32>} : memref<88x512xf32, #tpu.memory_space<vmem>>, vector<1x16xf32>,
        %swap3A_894 = vector.shape_cast %swap3A_893 : vector<1x16xf32> to vector<16xf32>
        %swap3A_895 = vector.shape_cast %add3A_890 : vector<16xf32> to vector<1x16xf32>
        tpu.vector_store %arg8[%swap3A_891, %swap3A_892], %swap3A_895 {strides = array<i32>} : memref<88x512xf32, #tpu.memory_space<vmem>>, vector<1x16xf32>,
        %get3A_896 = arith.index_cast %min3A : i32 to index
        %get3A_897 = arith.constant 336 : index
        %get3A_898 = tpu.vector_load %arg5[%get3A_896, %get3A_897] {strides = array<i32>} : memref<65x512xf32, #tpu.memory_space<vmem>>, vector<1x16xf32>,
        %get3A_899 = vector.shape_cast %get3A_898 : vector<1x16xf32> to vector<16xf32>
        %add3A_900 = arith.addf %get3A_899, %get3A_632 : vector<16xf32>
        %swap3A_901 = arith.index_cast %scan3A_684 : i32 to index
        %swap3A_902 = arith.constant 336 : index
        %swap3A_903 = tpu.vector_load %arg8[%swap3A_901, %swap3A_902] {strides = array<i32>} : memref<88x512xf32, #tpu.memory_space<vmem>>, vector<1x16xf32>,
        %swap3A_904 = vector.shape_cast %swap3A_903 : vector<1x16xf32> to vector<16xf32>
        %swap3A_905 = vector.shape_cast %add3A_900 : vector<16xf32> to vector<1x16xf32>
        tpu.vector_store %arg8[%swap3A_901, %swap3A_902], %swap3A_905 {strides = array<i32>} : memref<88x512xf32, #tpu.memory_space<vmem>>, vector<1x16xf32>,
        %get3A_906 = arith.index_cast %min3A : i32 to index
        %get3A_907 = arith.constant 352 : index
        %get3A_908 = tpu.vector_load %arg5[%get3A_906, %get3A_907] {strides = array<i32>} : memref<65x512xf32, #tpu.memory_space<vmem>>, vector<1x16xf32>,
        %get3A_909 = vector.shape_cast %get3A_908 : vector<1x16xf32> to vector<16xf32>
        %add3A_910 = arith.addf %get3A_909, %get3A_636 : vector<16xf32>
        %swap3A_911 = arith.index_cast %scan3A_684 : i32 to index
        %swap3A_912 = arith.constant 352 : index
        %swap3A_913 = tpu.vector_load %arg8[%swap3A_911, %swap3A_912] {strides = array<i32>} : memref<88x512xf32, #tpu.memory_space<vmem>>, vector<1x16xf32>,
        %swap3A_914 = vector.shape_cast %swap3A_913 : vector<1x16xf32> to vector<16xf32>
        %swap3A_915 = vector.shape_cast %add3A_910 : vector<16xf32> to vector<1x16xf32>
        tpu.vector_store %arg8[%swap3A_911, %swap3A_912], %swap3A_915 {strides = array<i32>} : memref<88x512xf32, #tpu.memory_space<vmem>>, vector<1x16xf32>,
        %get3A_916 = arith.index_cast %min3A : i32 to index
        %get3A_917 = arith.constant 368 : index
        %get3A_918 = tpu.vector_load %arg5[%get3A_916, %get3A_917] {strides = array<i32>} : memref<65x512xf32, #tpu.memory_space<vmem>>, vector<1x16xf32>,
        %get3A_919 = vector.shape_cast %get3A_918 : vector<1x16xf32> to vector<16xf32>
        %add3A_920 = arith.addf %get3A_919, %get3A_640 : vector<16xf32>
        %swap3A_921 = arith.index_cast %scan3A_684 : i32 to index
        %swap3A_922 = arith.constant 368 : index
        %swap3A_923 = tpu.vector_load %arg8[%swap3A_921, %swap3A_922] {strides = array<i32>} : memref<88x512xf32, #tpu.memory_space<vmem>>, vector<1x16xf32>,
        %swap3A_924 = vector.shape_cast %swap3A_923 : vector<1x16xf32> to vector<16xf32>
        %swap3A_925 = vector.shape_cast %add3A_920 : vector<16xf32> to vector<1x16xf32>
        tpu.vector_store %arg8[%swap3A_921, %swap3A_922], %swap3A_925 {strides = array<i32>} : memref<88x512xf32, #tpu.memory_space<vmem>>, vector<1x16xf32>,
        %get3A_926 = arith.index_cast %min3A : i32 to index
        %get3A_927 = arith.constant 384 : index
        %get3A_928 = tpu.vector_load %arg5[%get3A_926, %get3A_927] {strides = array<i32>} : memref<65x512xf32, #tpu.memory_space<vmem>>, vector<1x16xf32>,
        %get3A_929 = vector.shape_cast %get3A_928 : vector<1x16xf32> to vector<16xf32>
        %add3A_930 = arith.addf %get3A_929, %get3A_644 : vector<16xf32>
        %swap3A_931 = arith.index_cast %scan3A_684 : i32 to index
        %swap3A_932 = arith.constant 384 : index
        %swap3A_933 = tpu.vector_load %arg8[%swap3A_931, %swap3A_932] {strides = array<i32>} : memref<88x512xf32, #tpu.memory_space<vmem>>, vector<1x16xf32>,
        %swap3A_934 = vector.shape_cast %swap3A_933 : vector<1x16xf32> to vector<16xf32>
        %swap3A_935 = vector.shape_cast %add3A_930 : vector<16xf32> to vector<1x16xf32>
        tpu.vector_store %arg8[%swap3A_931, %swap3A_932], %swap3A_935 {strides = array<i32>} : memref<88x512xf32, #tpu.memory_space<vmem>>, vector<1x16xf32>,
        %get3A_936 = arith.index_cast %min3A : i32 to index
        %get3A_937 = arith.constant 400 : index
        %get3A_938 = tpu.vector_load %arg5[%get3A_936, %get3A_937] {strides = array<i32>} : memref<65x512xf32, #tpu.memory_space<vmem>>, vector<1x16xf32>,
        %get3A_939 = vector.shape_cast %get3A_938 : vector<1x16xf32> to vector<16xf32>
        %add3A_940 = arith.addf %get3A_939, %get3A_648 : vector<16xf32>
        %swap3A_941 = arith.index_cast %scan3A_684 : i32 to index
        %swap3A_942 = arith.constant 400 : index
        %swap3A_943 = tpu.vector_load %arg8[%swap3A_941, %swap3A_942] {strides = array<i32>} : memref<88x512xf32, #tpu.memory_space<vmem>>, vector<1x16xf32>,
        %swap3A_944 = vector.shape_cast %swap3A_943 : vector<1x16xf32> to vector<16xf32>
        %swap3A_945 = vector.shape_cast %add3A_940 : vector<16xf32> to vector<1x16xf32>
        tpu.vector_store %arg8[%swap3A_941, %swap3A_942], %swap3A_945 {strides = array<i32>} : memref<88x512xf32, #tpu.memory_space<vmem>>, vector<1x16xf32>,
        %get3A_946 = arith.index_cast %min3A : i32 to index
        %get3A_947 = arith.constant 416 : index
        %get3A_948 = tpu.vector_load %arg5[%get3A_946, %get3A_947] {strides = array<i32>} : memref<65x512xf32, #tpu.memory_space<vmem>>, vector<1x16xf32>,
        %get3A_949 = vector.shape_cast %get3A_948 : vector<1x16xf32> to vector<16xf32>
        %add3A_950 = arith.addf %get3A_949, %get3A_652 : vector<16xf32>
        %swap3A_951 = arith.index_cast %scan3A_684 : i32 to index
        %swap3A_952 = arith.constant 416 : index
        %swap3A_953 = tpu.vector_load %arg8[%swap3A_951, %swap3A_952] {strides = array<i32>} : memref<88x512xf32, #tpu.memory_space<vmem>>, vector<1x16xf32>,
        %swap3A_954 = vector.shape_cast %swap3A_953 : vector<1x16xf32> to vector<16xf32>
        %swap3A_955 = vector.shape_cast %add3A_950 : vector<16xf32> to vector<1x16xf32>
        tpu.vector_store %arg8[%swap3A_951, %swap3A_952], %swap3A_955 {strides = array<i32>} : memref<88x512xf32, #tpu.memory_space<vmem>>, vector<1x16xf32>,
        %get3A_956 = arith.index_cast %min3A : i32 to index
        %get3A_957 = arith.constant 432 : index
        %get3A_958 = tpu.vector_load %arg5[%get3A_956, %get3A_957] {strides = array<i32>} : memref<65x512xf32, #tpu.memory_space<vmem>>, vector<1x16xf32>,
        %get3A_959 = vector.shape_cast %get3A_958 : vector<1x16xf32> to vector<16xf32>
        %add3A_960 = arith.addf %get3A_959, %get3A_656 : vector<16xf32>
        %swap3A_961 = arith.index_cast %scan3A_684 : i32 to index
        %swap3A_962 = arith.constant 432 : index
        %swap3A_963 = tpu.vector_load %arg8[%swap3A_961, %swap3A_962] {strides = array<i32>} : memref<88x512xf32, #tpu.memory_space<vmem>>, vector<1x16xf32>,
        %swap3A_964 = vector.shape_cast %swap3A_963 : vector<1x16xf32> to vector<16xf32>
        %swap3A_965 = vector.shape_cast %add3A_960 : vector<16xf32> to vector<1x16xf32>
        tpu.vector_store %arg8[%swap3A_961, %swap3A_962], %swap3A_965 {strides = array<i32>} : memref<88x512xf32, #tpu.memory_space<vmem>>, vector<1x16xf32>,
        %get3A_966 = arith.index_cast %min3A : i32 to index
        %get3A_967 = arith.constant 448 : index
        %get3A_968 = tpu.vector_load %arg5[%get3A_966, %get3A_967] {strides = array<i32>} : memref<65x512xf32, #tpu.memory_space<vmem>>, vector<1x16xf32>,
        %get3A_969 = vector.shape_cast %get3A_968 : vector<1x16xf32> to vector<16xf32>
        %add3A_970 = arith.addf %get3A_969, %get3A_660 : vector<16xf32>
        %swap3A_971 = arith.index_cast %scan3A_684 : i32 to index
        %swap3A_972 = arith.constant 448 : index
        %swap3A_973 = tpu.vector_load %arg8[%swap3A_971, %swap3A_972] {strides = array<i32>} : memref<88x512xf32, #tpu.memory_space<vmem>>, vector<1x16xf32>,
        %swap3A_974 = vector.shape_cast %swap3A_973 : vector<1x16xf32> to vector<16xf32>
        %swap3A_975 = vector.shape_cast %add3A_970 : vector<16xf32> to vector<1x16xf32>
        tpu.vector_store %arg8[%swap3A_971, %swap3A_972], %swap3A_975 {strides = array<i32>} : memref<88x512xf32, #tpu.memory_space<vmem>>, vector<1x16xf32>,
        %get3A_976 = arith.index_cast %min3A : i32 to index
        %get3A_977 = arith.constant 464 : index
        %get3A_978 = tpu.vector_load %arg5[%get3A_976, %get3A_977] {strides = array<i32>} : memref<65x512xf32, #tpu.memory_space<vmem>>, vector<1x16xf32>,
        %get3A_979 = vector.shape_cast %get3A_978 : vector<1x16xf32> to vector<16xf32>
        %add3A_980 = arith.addf %get3A_979, %get3A_664 : vector<16xf32>
        %swap3A_981 = arith.index_cast %scan3A_684 : i32 to index
        %swap3A_982 = arith.constant 464 : index
        %swap3A_983 = tpu.vector_load %arg8[%swap3A_981, %swap3A_982] {strides = array<i32>} : memref<88x512xf32, #tpu.memory_space<vmem>>, vector<1x16xf32>,
        %swap3A_984 = vector.shape_cast %swap3A_983 : vector<1x16xf32> to vector<16xf32>
        %swap3A_985 = vector.shape_cast %add3A_980 : vector<16xf32> to vector<1x16xf32>
        tpu.vector_store %arg8[%swap3A_981, %swap3A_982], %swap3A_985 {strides = array<i32>} : memref<88x512xf32, #tpu.memory_space<vmem>>, vector<1x16xf32>,
        %get3A_986 = arith.index_cast %min3A : i32 to index
        %get3A_987 = arith.constant 480 : index
        %get3A_988 = tpu.vector_load %arg5[%get3A_986, %get3A_987] {strides = array<i32>} : memref<65x512xf32, #tpu.memory_space<vmem>>, vector<1x16xf32>,
        %get3A_989 = vector.shape_cast %get3A_988 : vector<1x16xf32> to vector<16xf32>
        %add3A_990 = arith.addf %get3A_989, %get3A_668 : vector<16xf32>
        %swap3A_991 = arith.index_cast %scan3A_684 : i32 to index
        %swap3A_992 = arith.constant 480 : index
        %swap3A_993 = tpu.vector_load %arg8[%swap3A_991, %swap3A_992] {strides = array<i32>} : memref<88x512xf32, #tpu.memory_space<vmem>>, vector<1x16xf32>,
        %swap3A_994 = vector.shape_cast %swap3A_993 : vector<1x16xf32> to vector<16xf32>
        %swap3A_995 = vector.shape_cast %add3A_990 : vector<16xf32> to vector<1x16xf32>
        tpu.vector_store %arg8[%swap3A_991, %swap3A_992], %swap3A_995 {strides = array<i32>} : memref<88x512xf32, #tpu.memory_space<vmem>>, vector<1x16xf32>,
        %get3A_996 = arith.index_cast %min3A : i32 to index
        %get3A_997 = arith.constant 496 : index
        %get3A_998 = tpu.vector_load %arg5[%get3A_996, %get3A_997] {strides = array<i32>} : memref<65x512xf32, #tpu.memory_space<vmem>>, vector<1x16xf32>,
        %get3A_999 = vector.shape_cast %get3A_998 : vector<1x16xf32> to vector<16xf32>
        %add3A_1000 = arith.addf %get3A_999, %get3A_672 : vector<16xf32>
        %swap3A_1001 = arith.index_cast %scan3A_684 : i32 to index
        %swap3A_1002 = arith.constant 496 : index
        %swap3A_1003 = tpu.vector_load %arg8[%swap3A_1001, %swap3A_1002] {strides = array<i32>} : memref<88x512xf32, #tpu.memory_space<vmem>>, vector<1x16xf32>,
        %swap3A_1004 = vector.shape_cast %swap3A_1003 : vector<1x16xf32> to vector<16xf32>
        %swap3A_1005 = vector.shape_cast %add3A_1000 : vector<16xf32> to vector<1x16xf32>
        tpu.vector_store %arg8[%swap3A_1001, %swap3A_1002], %swap3A_1005 {strides = array<i32>} : memref<88x512xf32, #tpu.memory_space<vmem>>, vector<1x16xf32>,
      }
      %scan3A_677 = arith.constant 88 : i32
      %scan3A_678 = arith.constant 0 : i32
      %scan3A_679 = arith.constant 0 : i32
      %scan3A_680 = arith.constant 64 : i32
      %scan3A_681 = arith.addi %scan3A_679, %scan3A_680 : i32
      %scan3A_682 = arith.constant 1 : i32
      scf.for %scan3A_684 = %scan3A_679 to %scan3A_681 step %scan3A_682  : i32 {
        %add3A_685 = arith.addi %add3A_4, %add3A_531 : i32
        %rem3A_686 = arith.constant 8 : i32
        %rem3A_687 = arith.remsi %add3A_685, %rem3A_686 : i32
        %add3A_688 = arith.constant 8 : i32
        %add3A_689 = arith.addi %add3A_688, %rem3A_687 : i32
        %mul3A_690 = arith.constant 8 : i32
        %mul3A_691 = arith.muli %mul3A_690, %scan3A_684 : i32
        %sub3A_692 = arith.subi %mul3A_691, %add3A_685 : i32
        %add3A_693 = arith.constant 32 : i32
        %add3A_694 = arith.addi %sub3A_692, %add3A_693 : i32
        %add3A_695 = arith.addi %add3A_694, %add3A_689 : i32
        %jit3A = arith.constant 0 : i32
        %jit3A_696 = arith.constant 80 : i32
        %max3A = arith.maxsi %jit3A, %add3A_695 : i32
        %min3A = arith.minsi %jit3A_696, %max3A : i32
        %multiple_of3A = tpu.assume_multiple %min3A, 8 : i32
        %mul3A_697 = arith.constant 8 : i32
        %mul3A_698 = arith.muli %mul3A_697, %scan3A_684 : i32
        %multiple_of3A_699 = tpu.assume_multiple %mul3A_698, 8 : i32
        %dma_start3A = arith.constant 0 : i32
        %dma_start3A_700 = tpu.memref_slice %arg8[%multiple_of3A, %dma_start3A] : memref<88x512xf32, #tpu.memory_space<vmem>> -> memref<8x512xf32, #tpu.memory_space<vmem>>
        %dma_start3A_701 = arith.constant 0 : i32
        %dma_start3A_702 = tpu.memref_slice %arg4[%add3A_685, %multiple_of3A_699, %dma_start3A_701] : memref<512x512x512xf32, #tpu.memory_space<hbm>> -> memref<1x8x512xf32, #tpu.memory_space<hbm>>
        %dma_start3A_703 = tpu.memref_squeeze %dma_start3A_702 : memref<1x8x512xf32, #tpu.memory_space<hbm>> -> memref<8x512xf32, #tpu.memory_space<hbm>>
        %dma_start3A_704 = arith.constant 0 : i32
        %dma_start3A_705 = tpu.memref_slice %arg4[%add3A_685, %multiple_of3A_699, %dma_start3A_704] : memref<512x512x512xf32, #tpu.memory_space<hbm>> -> memref<1x8x512xf32, #tpu.memory_space<hbm>>
        %dma_start3A_706 = tpu.memref_squeeze %dma_start3A_705 : memref<1x8x512xf32, #tpu.memory_space<hbm>> -> memref<8x512xf32, #tpu.memory_space<hbm>>
        %dma_start3A_707 = arith.constant 0 : i32
        %dma_start3A_708 = tpu.memref_slice %arg8[%multiple_of3A, %dma_start3A_707] : memref<88x512xf32, #tpu.memory_space<vmem>> -> memref<8x512xf32, #tpu.memory_space<vmem>>
        tpu.enqueue_dma source(%dma_start3A_708 : memref<8x512xf32, #tpu.memory_space<vmem>>) target(%dma_start3A_706 : memref<8x512xf32, #tpu.memory_space<hbm>>) target_semaphore(%arg10 : memref<!tpu.dma_semaphore, #tpu.memory_space<semaphore_mem>>)
      }
      %scan3A_683 = arith.constant 64 : i32
    }
    %scan3A_361 = arith.constant 3 : i32
    %scan3A_362 = arith.constant 0 : i32
    %scan3A_363 = arith.constant 0 : i32
    %scan3A_364 = arith.constant 64 : i32
    %scan3A_365 = arith.addi %scan3A_363, %scan3A_364 : i32
    %scan3A_366 = arith.constant 1 : i32
    scf.for %scan3A_374 = %scan3A_363 to %scan3A_365 step %scan3A_366  : i32 {
      %add3A_375 = arith.constant 6 : i32
      %add3A_376 = arith.addi %add3A_4, %add3A_375 : i32
      %rem3A_377 = arith.constant 8 : i32
      %rem3A_378 = arith.remsi %add3A_376, %rem3A_377 : i32
      %add3A_379 = arith.constant 8 : i32
      %add3A_380 = arith.addi %add3A_379, %rem3A_378 : i32
      %mul3A_381 = arith.constant 8 : i32
      %mul3A_382 = arith.muli %mul3A_381, %scan3A_374 : i32
      %sub3A = arith.subi %mul3A_382, %add3A_376 : i32
      %add3A_383 = arith.constant 32 : i32
      %add3A_384 = arith.addi %sub3A, %add3A_383 : i32
      %add3A_385 = arith.addi %add3A_384, %add3A_380 : i32
      %jit3A = arith.constant 0 : i32
      %jit3A_386 = arith.constant 80 : i32
      %max3A = arith.maxsi %jit3A, %add3A_385 : i32
      %min3A = arith.minsi %jit3A_386, %max3A : i32
      %multiple_of3A = tpu.assume_multiple %min3A, 8 : i32
      %mul3A_387 = arith.constant 8 : i32
      %mul3A_388 = arith.muli %mul3A_387, %scan3A_374 : i32
      %multiple_of3A_389 = tpu.assume_multiple %mul3A_388, 8 : i32
      %dma_wait3A = arith.constant 0 : i32
      %dma_wait3A_390 = tpu.memref_slice %arg7[%multiple_of3A, %dma_wait3A] : memref<88x512xf32, #tpu.memory_space<vmem>> -> memref<8x512xf32, #tpu.memory_space<vmem>>
      %dma_wait3A_391 = arith.constant 0 : i32
      %dma_wait3A_392 = tpu.memref_slice %arg4[%add3A_376, %multiple_of3A_389, %dma_wait3A_391] : memref<512x512x512xf32, #tpu.memory_space<hbm>> -> memref<1x8x512xf32, #tpu.memory_space<hbm>>
      %dma_wait3A_393 = tpu.memref_squeeze %dma_wait3A_392 : memref<1x8x512xf32, #tpu.memory_space<hbm>> -> memref<8x512xf32, #tpu.memory_space<hbm>>
      %dma_wait3A_394 = arith.constant 0 : i32
      %dma_wait3A_395 = tpu.memref_slice %arg4[%add3A_376, %multiple_of3A_389, %dma_wait3A_394] : memref<512x512x512xf32, #tpu.memory_space<hbm>> -> memref<1x8x512xf32, #tpu.memory_space<hbm>>
      %dma_wait3A_396 = tpu.memref_squeeze %dma_wait3A_395 : memref<1x8x512xf32, #tpu.memory_space<hbm>> -> memref<8x512xf32, #tpu.memory_space<hbm>>
      %dma_wait3A_397 = arith.constant 0 : i32
      %dma_wait3A_398 = tpu.memref_slice %arg7[%multiple_of3A, %dma_wait3A_397] : memref<88x512xf32, #tpu.memory_space<vmem>> -> memref<8x512xf32, #tpu.memory_space<vmem>>
      tpu.wait_dma2 semaphore(%arg9 : memref<!tpu.dma_semaphore, #tpu.memory_space<semaphore_mem>>) src(%dma_wait3A_398 : memref<8x512xf32, #tpu.memory_space<vmem>>) dst(%dma_wait3A_396 : memref<8x512xf32, #tpu.memory_space<hbm>>)
    }
    %scan3A_367 = arith.constant 64 : i32
    %scan3A_368 = arith.constant 0 : i32
    %scan3A_369 = arith.constant 0 : i32
    %scan3A_370 = arith.constant 64 : i32
    %scan3A_371 = arith.addi %scan3A_369, %scan3A_370 : i32
    %scan3A_372 = arith.constant 1 : i32
    scf.for %scan3A_374 = %scan3A_369 to %scan3A_371 step %scan3A_372  : i32 {
      %add3A_375 = arith.constant 7 : i32
      %add3A_376 = arith.addi %add3A_4, %add3A_375 : i32
      %rem3A_377 = arith.constant 8 : i32
      %rem3A_378 = arith.remsi %add3A_376, %rem3A_377 : i32
      %add3A_379 = arith.constant 8 : i32
      %add3A_380 = arith.addi %add3A_379, %rem3A_378 : i32
      %mul3A_381 = arith.constant 8 : i32
      %mul3A_382 = arith.muli %mul3A_381, %scan3A_374 : i32
      %sub3A = arith.subi %mul3A_382, %add3A_376 : i32
      %add3A_383 = arith.constant 32 : i32
      %add3A_384 = arith.addi %sub3A, %add3A_383 : i32
      %add3A_385 = arith.addi %add3A_384, %add3A_380 : i32
      %jit3A = arith.constant 0 : i32
      %jit3A_386 = arith.constant 80 : i32
      %max3A = arith.maxsi %jit3A, %add3A_385 : i32
      %min3A = arith.minsi %jit3A_386, %max3A : i32
      %multiple_of3A = tpu.assume_multiple %min3A, 8 : i32
      %mul3A_387 = arith.constant 8 : i32
      %mul3A_388 = arith.muli %mul3A_387, %scan3A_374 : i32
      %multiple_of3A_389 = tpu.assume_multiple %mul3A_388, 8 : i32
      %dma_wait3A = arith.constant 0 : i32
      %dma_wait3A_390 = tpu.memref_slice %arg8[%multiple_of3A, %dma_wait3A] : memref<88x512xf32, #tpu.memory_space<vmem>> -> memref<8x512xf32, #tpu.memory_space<vmem>>
      %dma_wait3A_391 = arith.constant 0 : i32
      %dma_wait3A_392 = tpu.memref_slice %arg4[%add3A_376, %multiple_of3A_389, %dma_wait3A_391] : memref<512x512x512xf32, #tpu.memory_space<hbm>> -> memref<1x8x512xf32, #tpu.memory_space<hbm>>
      %dma_wait3A_393 = tpu.memref_squeeze %dma_wait3A_392 : memref<1x8x512xf32, #tpu.memory_space<hbm>> -> memref<8x512xf32, #tpu.memory_space<hbm>>
      %dma_wait3A_394 = arith.constant 0 : i32
      %dma_wait3A_395 = tpu.memref_slice %arg4[%add3A_376, %multiple_of3A_389, %dma_wait3A_394] : memref<512x512x512xf32, #tpu.memory_space<hbm>> -> memref<1x8x512xf32, #tpu.memory_space<hbm>>
      %dma_wait3A_396 = tpu.memref_squeeze %dma_wait3A_395 : memref<1x8x512xf32, #tpu.memory_space<hbm>> -> memref<8x512xf32, #tpu.memory_space<hbm>>
      %dma_wait3A_397 = arith.constant 0 : i32
      %dma_wait3A_398 = tpu.memref_slice %arg8[%multiple_of3A, %dma_wait3A_397] : memref<88x512xf32, #tpu.memory_space<vmem>> -> memref<8x512xf32, #tpu.memory_space<vmem>>
      tpu.wait_dma2 semaphore(%arg10 : memref<!tpu.dma_semaphore, #tpu.memory_space<semaphore_mem>>) src(%dma_wait3A_398 : memref<8x512xf32, #tpu.memory_space<vmem>>) dst(%dma_wait3A_396 : memref<8x512xf32, #tpu.memory_space<hbm>>)
    }
    %scan3A_373 = arith.constant 64 : i32
    return
  }
}

module attributes {stable_mosaic.version = 14 : i64} {
  func.func @_build_b_body(%arg0: memref<65x512xf32, #tpu.memory_space<vmem>>, %arg1: memref<1024x512xf32, #tpu.memory_space<vmem>>) attributes {dimension_semantics = [], scalar_prefetch = 0 : i64, scratch_operands = 0 : i64, tpu.core_type = #tpu.core_type<tc>} {
    %get3A = arith.constant 0 : index
    %get3A_0 = arith.constant 0 : index
    %get3A_1 = vector.load %arg0[%get3A, %get3A_0] : memref<65x512xf32, #tpu.memory_space<vmem>>, vector<1x512xf32>
    %broadcast_in_dim3A = vector.shape_cast %get3A_1 : vector<1x512xf32> to vector<1x512xf32>
    %broadcast_in_dim3A_2 = vector.broadcast %broadcast_in_dim3A : vector<1x512xf32> to vector<480x512xf32>
    %swap3A = arith.constant 0 : index
    %swap3A_3 = arith.constant 0 : index
    %swap3A_4 = vector.load %arg1[%swap3A, %swap3A_3] : memref<1024x512xf32, #tpu.memory_space<vmem>>, vector<480x512xf32>
    tpu.vector_store %arg1[%swap3A, %swap3A_3], %broadcast_in_dim3A_2 {strides = array<i32>} : memref<1024x512xf32, #tpu.memory_space<vmem>>, vector<480x512xf32>,
    %get3A_5 = arith.constant 1 : index
    %get3A_6 = arith.constant 0 : index
    %get3A_7 = vector.load %arg0[%get3A_5, %get3A_6] : memref<65x512xf32, #tpu.memory_space<vmem>>, vector<64x512xf32>
    %swap3A_8 = arith.constant 480 : index
    %swap3A_9 = arith.constant 0 : index
    %swap3A_10 = vector.load %arg1[%swap3A_8, %swap3A_9] : memref<1024x512xf32, #tpu.memory_space<vmem>>, vector<64x512xf32>
    tpu.vector_store %arg1[%swap3A_8, %swap3A_9], %get3A_7 {strides = array<i32>} : memref<1024x512xf32, #tpu.memory_space<vmem>>, vector<64x512xf32>,
    %get3A_11 = arith.constant 64 : index
    %get3A_12 = arith.constant 0 : index
    %get3A_13 = vector.load %arg0[%get3A_11, %get3A_12] : memref<65x512xf32, #tpu.memory_space<vmem>>, vector<1x512xf32>
    %broadcast_in_dim3A_14 = vector.shape_cast %get3A_13 : vector<1x512xf32> to vector<1x512xf32>
    %broadcast_in_dim3A_15 = vector.broadcast %broadcast_in_dim3A_14 : vector<1x512xf32> to vector<480x512xf32>
    %swap3A_16 = arith.constant 544 : index
    %swap3A_17 = arith.constant 0 : index
    %swap3A_18 = vector.load %arg1[%swap3A_16, %swap3A_17] : memref<1024x512xf32, #tpu.memory_space<vmem>>, vector<480x512xf32>
    tpu.vector_store %arg1[%swap3A_16, %swap3A_17], %broadcast_in_dim3A_15 {strides = array<i32>} : memref<1024x512xf32, #tpu.memory_space<vmem>>, vector<480x512xf32>,
    return
  }
}

module attributes {stable_mosaic.version = 14 : i64} {
  func.func @_tc_body(%arg0: i32, %arg1: memref<1024x512xf32, #tpu.memory_space<vmem>>, %arg2: memref<8x1x512xf32, #tpu.memory_space<vmem>>, %arg3: memref<512x512x512xf32, #tpu.memory_space<hbm>>, %arg4: memref<8x512x512xf32, #tpu.memory_space<vmem>>) attributes {dimension_semantics = [#tpu.dimension_semantics<arbitrary>], iteration_bounds = array<i64: 32>, scalar_prefetch = 0 : i64, scratch_operands = 0 : i64, tpu.core_type = #tpu.core_type<tc>, window_params = [{pipeline_mode = #tpu.pipeline_mode<synchronous>, transform_indices = @transform_0, window_bounds = array<i64: 1024, 512>}, {transform_indices = @transform_1, window_bounds = array<i64: 8, 1, 512>}, {}, {transform_indices = @transform_3, window_bounds = array<i64: 8, 512, 512>}]} {
    %sub3A = arith.constant 63 : i32
    %sub3A_0 = arith.subi %sub3A, %arg0 : i32
    %mul3A = arith.constant 8 : i32
    %mul3A_1 = arith.muli %mul3A, %sub3A_0 : i32
    %multiple_of3A = tpu.assume_multiple %mul3A_1, 8 : i32
    %get3A = arith.index_cast %multiple_of3A : i32 to index
    %get3A_2 = arith.constant 0 : index
    %get3A_3 = vector.load %arg1[%get3A, %get3A_2] : memref<1024x512xf32, #tpu.memory_space<vmem>>, vector<520x512xf32>
    %slice3A = vector.extract_strided_slice %get3A_3 {offsets = [7, 0], sizes = [512, 512], strides = [1, 1]} : vector<520x512xf32> to vector<512x512xf32>
    %get3A_4 = arith.constant 0 : index
    %get3A_5 = arith.constant 0 : index
    %get3A_6 = arith.constant 0 : index
    %get3A_7 = vector.load %arg2[%get3A_4, %get3A_5, %get3A_6] : memref<8x1x512xf32, #tpu.memory_space<vmem>>, vector<1x1x512xf32>
    %get3A_8 = vector.shape_cast %get3A_7 : vector<1x1x512xf32> to vector<1x512xf32>
    %add3A = vector.broadcast %get3A_8 : vector<1x512xf32> to vector<512x512xf32>
    %add3A_9 = arith.addf %slice3A, %add3A : vector<512x512xf32>
    %swap3A = arith.constant 0 : index
    %swap3A_10 = arith.constant 0 : index
    %swap3A_11 = arith.constant 0 : index
    %swap3A_12 = vector.load %arg4[%swap3A, %swap3A_10, %swap3A_11] : memref<8x512x512xf32, #tpu.memory_space<vmem>>, vector<1x512x512xf32>
    %swap3A_13 = vector.shape_cast %swap3A_12 : vector<1x512x512xf32> to vector<512x512xf32>
    %swap3A_14 = vector.shape_cast %add3A_9 : vector<512x512xf32> to vector<1x512x512xf32>
    tpu.vector_store %arg4[%swap3A, %swap3A_10, %swap3A_11], %swap3A_14 {strides = array<i32>} : memref<8x512x512xf32, #tpu.memory_space<vmem>>, vector<1x512x512xf32>,
    %slice3A_15 = vector.extract_strided_slice %get3A_3 {offsets = [6, 0], sizes = [512, 512], strides = [1, 1]} : vector<520x512xf32> to vector<512x512xf32>
    %get3A_16 = arith.constant 1 : index
    %get3A_17 = arith.constant 0 : index
    %get3A_18 = arith.constant 0 : index
    %get3A_19 = vector.load %arg2[%get3A_16, %get3A_17, %get3A_18] : memref<8x1x512xf32, #tpu.memory_space<vmem>>, vector<1x1x512xf32>
    %get3A_20 = vector.shape_cast %get3A_19 : vector<1x1x512xf32> to vector<1x512xf32>
    %add3A_21 = vector.broadcast %get3A_20 : vector<1x512xf32> to vector<512x512xf32>
    %add3A_22 = arith.addf %slice3A_15, %add3A_21 : vector<512x512xf32>
    %swap3A_23 = arith.constant 1 : index
    %swap3A_24 = arith.constant 0 : index
    %swap3A_25 = arith.constant 0 : index
    %swap3A_26 = vector.load %arg4[%swap3A_23, %swap3A_24, %swap3A_25] : memref<8x512x512xf32, #tpu.memory_space<vmem>>, vector<1x512x512xf32>
    %swap3A_27 = vector.shape_cast %swap3A_26 : vector<1x512x512xf32> to vector<512x512xf32>
    %swap3A_28 = vector.shape_cast %add3A_22 : vector<512x512xf32> to vector<1x512x512xf32>
    tpu.vector_store %arg4[%swap3A_23, %swap3A_24, %swap3A_25], %swap3A_28 {strides = array<i32>} : memref<8x512x512xf32, #tpu.memory_space<vmem>>, vector<1x512x512xf32>,
    %slice3A_29 = vector.extract_strided_slice %get3A_3 {offsets = [5, 0], sizes = [512, 512], strides = [1, 1]} : vector<520x512xf32> to vector<512x512xf32>
    %get3A_30 = arith.constant 2 : index
    %get3A_31 = arith.constant 0 : index
    %get3A_32 = arith.constant 0 : index
    %get3A_33 = vector.load %arg2[%get3A_30, %get3A_31, %get3A_32] : memref<8x1x512xf32, #tpu.memory_space<vmem>>, vector<1x1x512xf32>
    %get3A_34 = vector.shape_cast %get3A_33 : vector<1x1x512xf32> to vector<1x512xf32>
    %add3A_35 = vector.broadcast %get3A_34 : vector<1x512xf32> to vector<512x512xf32>
    %add3A_36 = arith.addf %slice3A_29, %add3A_35 : vector<512x512xf32>
    %swap3A_37 = arith.constant 2 : index
    %swap3A_38 = arith.constant 0 : index
    %swap3A_39 = arith.constant 0 : index
    %swap3A_40 = vector.load %arg4[%swap3A_37, %swap3A_38, %swap3A_39] : memref<8x512x512xf32, #tpu.memory_space<vmem>>, vector<1x512x512xf32>
    %swap3A_41 = vector.shape_cast %swap3A_40 : vector<1x512x512xf32> to vector<512x512xf32>
    %swap3A_42 = vector.shape_cast %add3A_36 : vector<512x512xf32> to vector<1x512x512xf32>
    tpu.vector_store %arg4[%swap3A_37, %swap3A_38, %swap3A_39], %swap3A_42 {strides = array<i32>} : memref<8x512x512xf32, #tpu.memory_space<vmem>>, vector<1x512x512xf32>,
    %slice3A_43 = vector.extract_strided_slice %get3A_3 {offsets = [4, 0], sizes = [512, 512], strides = [1, 1]} : vector<520x512xf32> to vector<512x512xf32>
    %get3A_44 = arith.constant 3 : index
    %get3A_45 = arith.constant 0 : index
    %get3A_46 = arith.constant 0 : index
    %get3A_47 = vector.load %arg2[%get3A_44, %get3A_45, %get3A_46] : memref<8x1x512xf32, #tpu.memory_space<vmem>>, vector<1x1x512xf32>
    %get3A_48 = vector.shape_cast %get3A_47 : vector<1x1x512xf32> to vector<1x512xf32>
    %add3A_49 = vector.broadcast %get3A_48 : vector<1x512xf32> to vector<512x512xf32>
    %add3A_50 = arith.addf %slice3A_43, %add3A_49 : vector<512x512xf32>
    %swap3A_51 = arith.constant 3 : index
    %swap3A_52 = arith.constant 0 : index
    %swap3A_53 = arith.constant 0 : index
    %swap3A_54 = vector.load %arg4[%swap3A_51, %swap3A_52, %swap3A_53] : memref<8x512x512xf32, #tpu.memory_space<vmem>>, vector<1x512x512xf32>
    %swap3A_55 = vector.shape_cast %swap3A_54 : vector<1x512x512xf32> to vector<512x512xf32>
    %swap3A_56 = vector.shape_cast %add3A_50 : vector<512x512xf32> to vector<1x512x512xf32>
    tpu.vector_store %arg4[%swap3A_51, %swap3A_52, %swap3A_53], %swap3A_56 {strides = array<i32>} : memref<8x512x512xf32, #tpu.memory_space<vmem>>, vector<1x512x512xf32>,
    %slice3A_57 = vector.extract_strided_slice %get3A_3 {offsets = [3, 0], sizes = [512, 512], strides = [1, 1]} : vector<520x512xf32> to vector<512x512xf32>
    %get3A_58 = arith.constant 4 : index
    %get3A_59 = arith.constant 0 : index
    %get3A_60 = arith.constant 0 : index
    %get3A_61 = vector.load %arg2[%get3A_58, %get3A_59, %get3A_60] : memref<8x1x512xf32, #tpu.memory_space<vmem>>, vector<1x1x512xf32>
    %get3A_62 = vector.shape_cast %get3A_61 : vector<1x1x512xf32> to vector<1x512xf32>
    %add3A_63 = vector.broadcast %get3A_62 : vector<1x512xf32> to vector<512x512xf32>
    %add3A_64 = arith.addf %slice3A_57, %add3A_63 : vector<512x512xf32>
    %swap3A_65 = arith.constant 4 : index
    %swap3A_66 = arith.constant 0 : index
    %swap3A_67 = arith.constant 0 : index
    %swap3A_68 = vector.load %arg4[%swap3A_65, %swap3A_66, %swap3A_67] : memref<8x512x512xf32, #tpu.memory_space<vmem>>, vector<1x512x512xf32>
    %swap3A_69 = vector.shape_cast %swap3A_68 : vector<1x512x512xf32> to vector<512x512xf32>
    %swap3A_70 = vector.shape_cast %add3A_64 : vector<512x512xf32> to vector<1x512x512xf32>
    tpu.vector_store %arg4[%swap3A_65, %swap3A_66, %swap3A_67], %swap3A_70 {strides = array<i32>} : memref<8x512x512xf32, #tpu.memory_space<vmem>>, vector<1x512x512xf32>,
    %slice3A_71 = vector.extract_strided_slice %get3A_3 {offsets = [2, 0], sizes = [512, 512], strides = [1, 1]} : vector<520x512xf32> to vector<512x512xf32>
    %get3A_72 = arith.constant 5 : index
    %get3A_73 = arith.constant 0 : index
    %get3A_74 = arith.constant 0 : index
    %get3A_75 = vector.load %arg2[%get3A_72, %get3A_73, %get3A_74] : memref<8x1x512xf32, #tpu.memory_space<vmem>>, vector<1x1x512xf32>
    %get3A_76 = vector.shape_cast %get3A_75 : vector<1x1x512xf32> to vector<1x512xf32>
    %add3A_77 = vector.broadcast %get3A_76 : vector<1x512xf32> to vector<512x512xf32>
    %add3A_78 = arith.addf %slice3A_71, %add3A_77 : vector<512x512xf32>
    %swap3A_79 = arith.constant 5 : index
    %swap3A_80 = arith.constant 0 : index
    %swap3A_81 = arith.constant 0 : index
    %swap3A_82 = vector.load %arg4[%swap3A_79, %swap3A_80, %swap3A_81] : memref<8x512x512xf32, #tpu.memory_space<vmem>>, vector<1x512x512xf32>
    %swap3A_83 = vector.shape_cast %swap3A_82 : vector<1x512x512xf32> to vector<512x512xf32>
    %swap3A_84 = vector.shape_cast %add3A_78 : vector<512x512xf32> to vector<1x512x512xf32>
    tpu.vector_store %arg4[%swap3A_79, %swap3A_80, %swap3A_81], %swap3A_84 {strides = array<i32>} : memref<8x512x512xf32, #tpu.memory_space<vmem>>, vector<1x512x512xf32>,
    %slice3A_85 = vector.extract_strided_slice %get3A_3 {offsets = [1, 0], sizes = [512, 512], strides = [1, 1]} : vector<520x512xf32> to vector<512x512xf32>
    %get3A_86 = arith.constant 6 : index
    %get3A_87 = arith.constant 0 : index
    %get3A_88 = arith.constant 0 : index
    %get3A_89 = vector.load %arg2[%get3A_86, %get3A_87, %get3A_88] : memref<8x1x512xf32, #tpu.memory_space<vmem>>, vector<1x1x512xf32>
    %get3A_90 = vector.shape_cast %get3A_89 : vector<1x1x512xf32> to vector<1x512xf32>
    %add3A_91 = vector.broadcast %get3A_90 : vector<1x512xf32> to vector<512x512xf32>
    %add3A_92 = arith.addf %slice3A_85, %add3A_91 : vector<512x512xf32>
    %swap3A_93 = arith.constant 6 : index
    %swap3A_94 = arith.constant 0 : index
    %swap3A_95 = arith.constant 0 : index
    %swap3A_96 = vector.load %arg4[%swap3A_93, %swap3A_94, %swap3A_95] : memref<8x512x512xf32, #tpu.memory_space<vmem>>, vector<1x512x512xf32>
    %swap3A_97 = vector.shape_cast %swap3A_96 : vector<1x512x512xf32> to vector<512x512xf32>
    %swap3A_98 = vector.shape_cast %add3A_92 : vector<512x512xf32> to vector<1x512x512xf32>
    tpu.vector_store %arg4[%swap3A_93, %swap3A_94, %swap3A_95], %swap3A_98 {strides = array<i32>} : memref<8x512x512xf32, #tpu.memory_space<vmem>>, vector<1x512x512xf32>,
    %slice3A_99 = vector.extract_strided_slice %get3A_3 {offsets = [0, 0], sizes = [512, 512], strides = [1, 1]} : vector<520x512xf32> to vector<512x512xf32>
    %get3A_100 = arith.constant 7 : index
    %get3A_101 = arith.constant 0 : index
    %get3A_102 = arith.constant 0 : index
    %get3A_103 = vector.load %arg2[%get3A_100, %get3A_101, %get3A_102] : memref<8x1x512xf32, #tpu.memory_space<vmem>>, vector<1x1x512xf32>
    %get3A_104 = vector.shape_cast %get3A_103 : vector<1x1x512xf32> to vector<1x512xf32>
    %add3A_105 = vector.broadcast %get3A_104 : vector<1x512xf32> to vector<512x512xf32>
    %add3A_106 = arith.addf %slice3A_99, %add3A_105 : vector<512x512xf32>
    %swap3A_107 = arith.constant 7 : index
    %swap3A_108 = arith.constant 0 : index
    %swap3A_109 = arith.constant 0 : index
    %swap3A_110 = vector.load %arg4[%swap3A_107, %swap3A_108, %swap3A_109] : memref<8x512x512xf32, #tpu.memory_space<vmem>>, vector<1x512x512xf32>
    %swap3A_111 = vector.shape_cast %swap3A_110 : vector<1x512x512xf32> to vector<512x512xf32>
    %swap3A_112 = vector.shape_cast %add3A_106 : vector<512x512xf32> to vector<1x512x512xf32>
    tpu.vector_store %arg4[%swap3A_107, %swap3A_108, %swap3A_109], %swap3A_112 {strides = array<i32>} : memref<8x512x512xf32, #tpu.memory_space<vmem>>, vector<1x512x512xf32>,
    return
  }
  func.func @transform_0(%arg0: i32) -> (i32, i32) {
    %c0_i32 = arith.constant 0 : i32
    %c0_i32_0 = arith.constant 0 : i32
    %c0_i32_1 = arith.constant 0 : i32
    return %c0_i32, %c0_i32_0 : i32, i32
  }
  func.func @transform_1(%arg0: i32) -> (i32, i32, i32) {
    %c0_i32 = arith.constant 0 : i32
    %c0_i32_0 = arith.constant 0 : i32
    %c0_i32_1 = arith.constant 0 : i32
    return %arg0, %c0_i32, %c0_i32_0 : i32, i32, i32
  }
  func.func @transform_3(%arg0: i32) -> (i32, i32, i32) {
    %c0_i32 = arith.constant 0 : i32
    %c0_i32_0 = arith.constant 0 : i32
    %c0_i32_1 = arith.constant 0 : i32
    return %arg0, %c0_i32, %c0_i32_0 : i32, i32, i32
  }
}

</mosaic_0001>

<sc_bundles>
// kernel: kernel.5.cloned.1.call-start
scs
__scs_entry_jumppad:
0x0: {  	(pc) =	sbr.rel $0x88, $3  }
0x1: {  	(tag) =	ssettag $0x0;
	lr =	simm.s32 $0x1  }
0x2: {  	[smem:$0x3F9F] =	sst lr;
	_ =	strace $0xD0000000  }
0x3: {  	_ = 	snop  }
0x4: {  	_ = 	snop  }
0x5: {  	_ = 	snop  }
0x6: {  	_ = 	snop  }
0x7: {  	_ = 	snop  }
__scs_overlays_trampoline_lowered:
0x8: {  	[smem:$0x3FAE] =	sst s0  }
0x9: {  	[smem:$0x3FAF] =	sst s1  }
0xa: {  	[smem:$0x3FB0] =	sst s2  }
0xb: {  	[smem:$0x3FB1] =	sst s3  }
0xc: {  	[smem:$0x3FB2] =	sst s4  }
0xd: {  	[smem:$0x3FB3] =	sst s5  }
0xe: {  	[smem:$0x3FB4] =	sst s6  }
0xf: {  	[smem:$0x3FB5] =	sst s7  }
0x10: {  	[smem:$0x3FB6] =	sst s8  }
0x11: {  	[smem:$0x3FB7] =	sst s9;
	s0 =	simm.s32 @!p0 $0x0  }
0x12: {  	s1 =	sld [smem:$0x3F9D];
	s0 =	simm.s32 @p0 $0x1  }
0x13: {  	[smem:$0x3FB8] =	sst s0;
	s0 =	simm.s32 @!p1 $0x0  }
0x14: {  	s2 =	sld [smem:$0x3F9C];
	s0 =	simm.s32 @p1 $0x1  }
0x15: {  	[smem:$0x3FB9] =	sst s0;
	s0 =	simm.s32 @!p2 $0x0  }
0x16: {  	s3 =	sld [smem:$0x3FDB];
	s0 =	simm.s32 @p2 $0x1  }
0x17: {  	s4 =	simm.s32 $0x1BF5;
	[smem:$0x3FBB] =	sst s0  }
0x18: {  	s0 =	sld [smem:$0x3F9E];
	_ =	swait.ge [sflag:s4], $0x0  }
0x19: {  	s7 =	sld [smem:$0x3F9F]  }
0x1a: {  	s8 =	sadd.s32 $0xFFFFE003, lr  }
0x1b: {  	s9 =	sadd.s32 $0xFFFFFEF7, lr;
	s5 =	simm.s32 $0xFFFFFFFF;
	p2 =	slt.u32 s8, $0xFFFFF086  }
0x1c: {  	p1 =	slt.u32 s9, $0xF7A;
	s5 =	simm.s32 @!p2 $0x0  }
0x1d: {  	s5 =	simm.s32 @p1 $0x1;
	p0 =	seq.s32 s7, s2  }
0x1e: {  	s7 =	smul.u32 @!p0 $0xF7A, s2;
	p2 =	seq.s32 @!p0 s5, $0x0  }
0x1f: {  	s9 =	smul.u32 $0xF7A, s1;
	s8 =	simm.s32 @!p0 $0x1BF5;
	p2 =	por !p2, p0  }
0x20: {  	[sflag:s8] =	ssyncset.s32 @!p0 $0xFFFFF086;
	s6 =	sadd.s32 @!p0 s3, s7;
	s7 =	simm.s32 @!p0 $0x108  }
0x21: {  	s3 =	sadd.s32 s3, s9;
	s6 =	sadd.s32 @!p0 $0x88, s6;
	s7 =	simm.s32 @p2 $0x1082  }
0x22: {  	[simem:s7], [sflag:s8] =	dma.local @!p0 [hbm:s6], $0xF7A  }
0x23: {  	s9 =	sor.u32 $0xD0000000, s2;
	s6 =	simm.s32 $0x108;
	_ =	swait.ge @!p0 [sflag:s8], $0x0  }
0x24: {  	s3 =	sadd.s32 $0x88, s3;
	s6 =	simm.s32 @!p1 $0x1082;
	[sflag:s4] =	ssyncset.s32 $0xFFFFF086  }
0x25: {  	[simem:s6], [sflag:s4] =	dma.local [hbm:s3], $0xF7A  }
0x26: {  	[smem:$0x3F9F] =	sst s1;
	(tag) =	ssettag s2;
	_ =	strace s9  }
0x27: {  	s1 =	sld [smem:$0x3FAF]  }
0x28: {  	s2 =	sld [smem:$0x3FB0]  }
0x29: {  	s4 =	sld [smem:$0x3FB2]  }
0x2a: {  	p0 =	seq.s32 s5, $0x0;
	s5 =	sld [smem:$0x3FB3]  }
0x2b: {  	s6 =	sld [smem:$0x3FB4]  }
0x2c: {  	s7 =	sld [smem:$0x3FB5]  }
0x2d: {  	s3 =	simm.s32 $0x108;
	s8 =	sld [smem:$0x3FB6]  }
0x2e: {  	s3 =	simm.s32 @!p0 $0x1082;
	s9 =	sld [smem:$0x3FB7]  }
0x2f: {  	lr =	sadd.s32 s0, s3;
	s0 =	sld [smem:$0x3FAE]  }
0x30: {  	s3 =	sld [smem:$0x3FB1]  }
0x31: {  	[smem:$0x3FBA] =	sst s10  }
0x32: {  	s10 =	sld [smem:$0x3FB8];
	_ =	sdelay $0x3  }
0x33: {  	p0 =	seq.s32 s10, $0x1;
	s10 =	sld [smem:$0x3FBA];
	_ =	sdelay $0x3  }
0x34: {  	[smem:$0x3FBA] =	sst s10  }
0x35: {  	s10 =	sld [smem:$0x3FB9];
	_ =	sdelay $0x3  }
0x36: {  	p1 =	seq.s32 s10, $0x1;
	s10 =	sld [smem:$0x3FBA];
	_ =	sdelay $0x3  }
0x37: {  	[smem:$0x3FBA] =	sst s10  }
0x38: {  	s10 =	sld [smem:$0x3FBB]  }
0x39: {  	_ = 	snop;
	(pc) =	sbr.ind lr, $3  }
0x3a: {  	_ = 	snop  }
0x3b: {  	_ = 	snop  }
0x3c: {  	p2 =	seq.s32 s10, $0x1;
	s10 =	sld [smem:$0x3FBA]  }
0x3d: {  	_ =	shalt  }
0x3e: {  	_ =	shalt  }
0x3f: {  	_ =	shalt  }
0x40: {  	_ =	shalt  }
0x41: {  	_ =	shalt  }
0x42: {  	_ =	shalt  }
0x43: {  	_ =	shalt  }
0x44: {  	_ =	shalt  }
0x45: {  	_ =	shalt  }
0x46: {  	_ =	shalt  }
0x47: {  	_ =	shalt  }
0x48: {  	_ =	shalt  }
0x49: {  	_ =	shalt  }
0x4a: {  	_ =	shalt  }
0x4b: {  	_ =	shalt  }
0x4c: {  	_ =	shalt  }
0x4d: {  	_ =	shalt  }
0x4e: {  	_ =	shalt  }
0x4f: {  	_ =	shalt  }
0x50: {  	_ =	shalt  }
0x51: {  	_ =	shalt  }
0x52: {  	_ =	shalt  }
0x53: {  	_ =	shalt  }
0x54: {  	_ =	shalt  }
0x55: {  	_ =	shalt  }
0x56: {  	_ =	shalt  }
0x57: {  	_ =	shalt  }
0x58: {  	_ =	shalt  }
0x59: {  	_ =	shalt  }
0x5a: {  	_ =	shalt  }
0x5b: {  	_ =	shalt  }
0x5c: {  	_ =	shalt  }
0x5d: {  	_ =	shalt  }
0x5e: {  	_ =	shalt  }
0x5f: {  	_ =	shalt  }
0x60: {  	_ =	shalt  }
0x61: {  	_ =	shalt  }
0x62: {  	_ =	shalt  }
0x63: {  	_ =	shalt  }
0x64: {  	_ =	shalt  }
0x65: {  	_ =	shalt  }
0x66: {  	_ =	shalt  }
0x67: {  	_ =	shalt  }
0x68: {  	_ =	shalt  }
0x69: {  	_ =	shalt  }
0x6a: {  	_ =	shalt  }
0x6b: {  	_ =	shalt  }
0x6c: {  	_ =	shalt  }
0x6d: {  	_ =	shalt  }
0x6e: {  	_ =	shalt  }
0x6f: {  	_ =	shalt  }
0x70: {  	_ =	shalt  }
0x71: {  	_ =	shalt  }
0x72: {  	_ =	shalt  }
0x73: {  	_ =	shalt  }
0x74: {  	_ =	shalt  }
0x75: {  	_ =	shalt  }
0x76: {  	_ =	shalt  }
0x77: {  	_ =	shalt  }
0x78: {  	_ =	shalt  }
0x79: {  	_ =	shalt  }
0x7a: {  	_ =	shalt  }
0x7b: {  	_ =	shalt  }
0x7c: {  	_ =	shalt  }
0x7d: {  	_ =	shalt  }
0x7e: {  	_ =	shalt  }
0x7f: {  	_ =	shalt  }
0x80: {  	_ =	shalt  }
0x81: {  	_ =	shalt  }
0x82: {  	_ =	shalt  }
0x83: {  	_ =	shalt  }
0x84: {  	_ =	shalt  }
0x85: {  	_ =	shalt  }
0x86: {  	_ =	shalt  }
0x87: {  	_ =	shalt  }
.Lfunc_end0:
.L_simem_size_0:
called_computation_lowered:
.L_overlay_start_0:
0x88: {  	s2 =	sld [smem:$0x3FD9]  }
0x89: {  	s3 =	sld [smem:$0x3FFE];
	_ =	sdelay $0x1  }
0x8a: {  	s1 =	srdreg.scid  }
0x8b: {  	s0 =	sand.u32 $0x1, s1  }
0x8c: {  	s17 =	sshll.u32 s0, $0xA;
	s2 =	sadd.s32 s3, s2  }
0x8d: {  	s2 =	sadd.s32 s2, s17  }
0x8e: {  	[smem:$0x3FC6] =	sst s2  }
0x8f: {  	_ = 	snop  }
0x90: {  	s2 =	sld [smem:$0x3FC8]  }
0x91: {  	s18 =	sld [smem:$0x3FD0];
	(tm) =	ssettm $0x1  }
0x92: {  	s4 =	sld [smem:$0x3FFB];
	_ =	sdelay $0x3  }
0x93: {  	_ =	strace s4  }
0x94: {  	s4 =	sld [smem:$0x3FFC];
	_ =	sdelay $0x3  }
0x95: {  	_ =	strace s4  }
0x96: {  	s4 =	sld [smem:$0x3FFD];
	_ =	sdelay $0x3  }
0x97: {  	_ =	strace s4  }
0x98: {  	_ =	strace $0x8FFFFFFF  }
0x99: {  	s19 =	sld [smem:$0x3FDB];
	_ =	sdelay $0x1  }
0x9a: {  	s5 =	simm.s32 $_scs_section_size  }
0x9b: {  	s6 =	simm.s32 $_size__tile_overlayer_lowered;
	s7 =	simm.s32 $_tile_overlayer_lowered  }
0x9c: {  	s22 =	simm.s32 $0x1BFF;
	s21 =	sshll.u32 s7, $0x1;
	s4 =	sadd.s32 s5, s19  }
0x9d: {  	s8 =	simm.s32 $0x0;
	s20 =	sshll.u32 s6, $0x1;
	s6 =	sadd.s32 s21, s4  }
0x9e: {  	[timem:s8], [sflag:s22] =	dma.local [hbm:s6], s20  }
0x9f: {  	_ =	swait.ge [sflag:s22], s20  }
0xa0: {  	s5 =	ssub.s32 $0x0, s20;
	[sflag:s22] =	ssyncset.done $0x0  }
0xa1: {  	[sflag:s22] =	ssyncadd.s32 s5;
	_ =	sdelay $0x1  }
0xa2: {  	s23 =	simm.s32 $0x1B8B  }
0xa3: {  	_ =	swait.ge [sflag:s23], $0x1  }
0xa4: {  	[sflag:s23] =	ssyncset.done $0x0  }
0xa5: {  	s25 =	simm.s32 $0x1B8E;
	s24 =	sld [smem:$0x3FFE];
	[sflag:s23] =	ssyncadd.s32 $0xFFFFFFFF  }
0xa6: {  	s26 =	simm.s32 $execute0_lowered;
	[smem:$0x3FD2] =	sst s25  }
0xa7: {  	s6 =	sshll.u32 s26, $0x1;
	_ =	strace $0x80000046;
	[dreg:$0x1] =	wrdreg $0xFFFFFFFF  }
0xa8: {  	s28 =	simm.s32 $_size_execute0_lowered;
	s4 =	sadd.s32 s4, s6;
	[dreg:$0x0] =	wrdreg $0x0  }
0xa9: {  	s6 =	sshll.u32 s28, $0x1;
	[dreg:$0x2] =	wrdreg s4  }
0xaa: {  	[dreg:$0x3] =	wrdreg s6  }
0xab: {  	[dreg:$0x4] =	wrdreg $0xC0  }
0xac: {  	_ =	task [dreg:s8], $0x5FFFF  }
0xad: {  	[dreg:$0x1] =	wrdreg $0xFFFFFFFF  }
0xae: {  	[dreg:$0x0] =	wrdreg $0x60  }
0xaf: {  	[dreg:$0x2] =	wrdreg s2  }
0xb0: {  	[dreg:$0x3] =	wrdreg s24  }
0xb1: {  	[dreg:$0x4] =	wrdreg s18  }
0xb2: {  	[dreg:$0x5] =	wrdreg $0x9  }
0xb3: {  	_ =	task.clear_ibuf [dreg:s8], $0x6FFFF;
	_ =	strace $0x90000046  }
0xb4: {  	s29 =	simm.s32 $0x9;
	_ =	strace $0x80000048  }
0xb5: {  	_ =	swait.ge [sflag:s29], $0x1  }
0xb6: {  	[sflag:s29] =	ssyncadd.s32 $0xFFFFFFFF  }
0xb7: {  	_ =	strace $0x90000048  }
0xb8: {  	_ =	sfence  }
0xb9: {  	s30 =	sld [smem:$0x0];
	_ =	sdelay $0x2  }
0xba: {  	s31 =	sshll.u32 s1, $0xD;
	s1 =	sshrl.u32 s1, $0x2  }
0xbb: {  	s3 =	sand.u32 $0x4000, s31;
	s1 =	sadd.s32 s1, s30  }
0xbc: {  	s0 =	sor.u32 s3, s0;
	s1 =	sshll.u32 s1, $0x11  }
0xbd: {  	s0 =	sor.u32 s1, s0  }
0xbe: {  	s0 =	sadd.s32 $0x8F2B, s0  }
0xbf: {  	[sflag:s0] =	ssyncadd.remote.s32 $0x1  }
0xc0: {  	_ =	sfence.sel $0xFFFF  }
0xc1: {  	[dreg:$0x0] =	wrdreg $0xFFFFFFFF;
	(pc) =	sbr.abs _section_cstart, $3  }
0xc2: {  	[dreg:$0x1] =	wrdreg $0xFFFFFFFF  }
0xc3: {  	_ =	task.clear_ibuf [dreg:s8], $0x2FFFF;
	_ =	strace $0x9FFFFFFF  }
0xc4: {  	(tm) =	ssettm $0x7FFFFFFF  }
0xc5: {  	_ =	shalt  }
tec
execute0_lowered:
.L_overlay_start_1:
0x0: {  	(tag) =	ssettag $0x1  }
0x1: {  	s1 =	rddreg [dreg:$0x0]  }
0x2: {  	s0 =	rddreg [dreg:$0x1]  }
0x3: {  	s4 =	rddreg [dreg:$0x2]  }
0x4: {  	s5 =	srdreg.scid;
	s3 =	simm.s32 $0x0;
	s2 =	stileid.u32  }
0x5: {  	s14 =	simm.s32 $0x3;
	s15 =	simm.s32 $0x9000;
	s16 =	simm.s32 $0x1  }
0x6: {  	s17 =	simm.s32 $0x2;
	s18 =	simm.s32 $0x0;
	s5 =	sand.u32 $0x1, s5  }
0x7: {  	[smem:$0x7FF] =	sst s3;
	s6 =	sshll.u32 s2, $0x4;
	s8 =	sshll.u32 s2, $0x13  }
0x8: {  	s7 =	sshll.u32 s5, $0x3;
	_ =	strace $0x80000047;
	s30 =	ssub.s32 $0x2, s5  }
0x9: {  	s4 =	sadd.s32 s8, s4;
	s5 =	sshll.u32 s5, $0x12;
	s13 =	sor.u32 s7, s6  }
0xa: {  	s9 =	sshrl.u32 s30, $0x1;
	s12 =	sadd.s32 s5, s4;
	s6 =	sshll.u32 s13, $0x6  }
0xb: {  	s31 =	ssub.s32 s30, s9;
	s7 =	ssub.s32 $0x0, s13;
	s8 =	sadd.s32 $0x808000, s12  }
0xc: {  	s9 =	sxor.u32 $0xFFFFFEFF, s13;
	s10 =	sadd.s32 $0x810000, s12;
	s11 =	ssub.s32 $0xFFFFFF1E, s13  }
0xd: {  	s13 =	ssub.s32 $0xFFFFFF1D, s13;
	s0 =	sadd.s32 s6, s0;
	s5 =	smax.u32 s31, $0x1  }
0xe: {  	s6 =	sadd.s32 $0x800000, s12;
	s12 =	sadd.s32 $0x818000, s12;
	s4 =	sadd.s32 $0x4800, s0  }
.LBB2_1:
0xf: {  	[tilespmem:s3], [sflag:$0x3] =	stream.linear.gather [hbm4b:s1+s3], $0x9000, $0x38;
	v63 =	vld [tilespmem:$0x0]  }
0x10: {  	_ =	swait.ge [sflag:s14], $0x9000  }
0x11: {  	[sflag:s14] =	ssyncset.done $0x0  }
0x12: {  	[sflag:s14] =	ssyncadd.s32 $0xFFFF7000  }
0x13: {  	[tilespmem:s15], [sflag:$0x3] =	stream.linear.gather [hbm4b:s4+s3], $0x1000, $0x38;
	v63 =	vld [tilespmem:$0x0]  }
0x14: {  	_ =	swait.ge [sflag:s14], $0x1000  }
0x15: {  	[sflag:s14] =	ssyncset.done $0x0  }
0x16: {  	[sflag:s14] =	ssyncadd.s32 $0xFFFFF000  }
0x17: {  	v31 =	vld [tilespmem:$0x9000]  }
0x18: {  	v30 =	vld [tilespmem:$0x9010]  }
0x19: {  	v29 =	vld [tilespmem:$0x9020]  }
0x1a: {  	v28 =	vld [tilespmem:$0x9030]  }
0x1b: {  	v27 =	vld [tilespmem:$0x9040]  }
0x1c: {  	v26 =	vld [tilespmem:$0x9050]  }
0x1d: {  	v25 =	vld [tilespmem:$0x9060]  }
0x1e: {  	v24 =	vld [tilespmem:$0x9070]  }
0x1f: {  	v23 =	vld [tilespmem:$0x9400]  }
0x20: {  	v22 =	vld [tilespmem:$0x9410]  }
0x21: {  	v21 =	vld [tilespmem:$0x9420]  }
0x22: {  	v20 =	vld [tilespmem:$0x9430]  }
0x23: {  	v19 =	vld [tilespmem:$0x9440]  }
0x24: {  	v18 =	vld [tilespmem:$0x9450]  }
0x25: {  	v17 =	vld [tilespmem:$0x9460]  }
0x26: {  	v16 =	vld [tilespmem:$0x9470]  }
0x27: {  	v15 =	vld [tilespmem:$0x9800]  }
0x28: {  	v14 =	vld [tilespmem:$0x9810]  }
0x29: {  	v13 =	vld [tilespmem:$0x9820]  }
0x2a: {  	s0 =	smax.u32 s3, $0x8;
	v12 =	vld [tilespmem:$0x9830]  }
0x2b: {  	s0 =	smin.u32 s0, $0x48;
	v11 =	vld [tilespmem:$0x9840]  }
0x2c: {  	s0 =	sadd.s32 $0xFFFFFFF8, s0;
	v10 =	vld [tilespmem:$0x9850]  }
0x2d: {  	s19 =	sshll.u32 s0, $0x9;
	s0 =	sshll.u32 s0, $0x7;
	v9 =	vld [tilespmem:$0x9860]  }
0x2e: {  	s19 =	sand.u32 $0xF000, s19;
	s0 =	sand.u32 $0x380, s0;
	v5 =	vld [tilespmem:$0x9870]  }
0x2f: {  	s0 =	sor.u32 s0, s19;
	v6 =	vld [tilespmem:$0x9C00]  }
0x30: {  	v0 =	vld [tilespmem:s0+$0x0]  }
0x31: {  	v7 =	vld [tilespmem:$0x9C10]  }
0x32: {  	v8 =	vld [tilespmem:$0x9C20]  }
0x33: {  	v4 =	vld [tilespmem:$0x9C30]  }
0x34: {  	v3 =	vld [tilespmem:$0x9C40]  }
0x35: {  	s30 =	sand.u32 $0xF000, s3;
	s20 =	sand.u32 $0x380, s3;
	v2 =	vld [tilespmem:$0x9C50];
	v32 =	vadd.f32 v0, v31  }
0x36: {  	s19 =	sor.u32 s20, s30;
	v1 =	vld [tilespmem:$0x9C60]  }
0x37: {  	v0 =	vld [tilespmem:$0x9C70];
	[tilespmem:s19+$0xA000] =	vst v32  }
0x38: {  	v32 =	vld [tilespmem:s0+$0x10];
	_ =	sdelay $0x4  }
0x39: {  	v32 =	vadd.f32 v32, v30;
	_ =	sdelay $0x1  }
0x3a: {  	[tilespmem:s19+$0xA010] =	vst v32  }
0x3b: {  	v32 =	vld [tilespmem:s0+$0x20];
	_ =	sdelay $0x4  }
0x3c: {  	v32 =	vadd.f32 v32, v29;
	_ =	sdelay $0x1  }
0x3d: {  	[tilespmem:s19+$0xA020] =	vst v32  }
0x3e: {  	v32 =	vld [tilespmem:s0+$0x30];
	_ =	sdelay $0x4  }
0x3f: {  	v32 =	vadd.f32 v32, v28;
	_ =	sdelay $0x1  }
0x40: {  	[tilespmem:s19+$0xA030] =	vst v32  }
0x41: {  	v32 =	vld [tilespmem:s0+$0x40];
	_ =	sdelay $0x4  }
0x42: {  	v32 =	vadd.f32 v32, v27;
	_ =	sdelay $0x1  }
0x43: {  	[tilespmem:s19+$0xA040] =	vst v32  }
0x44: {  	v32 =	vld [tilespmem:s0+$0x50];
	_ =	sdelay $0x4  }
0x45: {  	v32 =	vadd.f32 v32, v26;
	_ =	sdelay $0x1  }
0x46: {  	[tilespmem:s19+$0xA050] =	vst v32  }
0x47: {  	v32 =	vld [tilespmem:s0+$0x60];
	_ =	sdelay $0x4  }
0x48: {  	v32 =	vadd.f32 v32, v25;
	_ =	sdelay $0x1  }
0x49: {  	[tilespmem:s19+$0xA060] =	vst v32  }
0x4a: {  	v32 =	vld [tilespmem:s0+$0x70];
	_ =	sdelay $0x4  }
0x4b: {  	v32 =	vadd.f32 v32, v24;
	_ =	sdelay $0x1  }
0x4c: {  	[tilespmem:s19+$0xA070] =	vst v32  }
0x4d: {  	v32 =	vld [tilespmem:s0+$0x400];
	_ =	sdelay $0x4  }
0x4e: {  	v32 =	vadd.f32 v32, v23;
	_ =	sdelay $0x1  }
0x4f: {  	[tilespmem:s19+$0xA400] =	vst v32  }
0x50: {  	v32 =	vld [tilespmem:s0+$0x410];
	_ =	sdelay $0x4  }
0x51: {  	v32 =	vadd.f32 v32, v22;
	_ =	sdelay $0x1  }
0x52: {  	[tilespmem:s19+$0xA410] =	vst v32  }
0x53: {  	v32 =	vld [tilespmem:s0+$0x420];
	_ =	sdelay $0x4  }
0x54: {  	v32 =	vadd.f32 v32, v21;
	_ =	sdelay $0x1  }
0x55: {  	[tilespmem:s19+$0xA420] =	vst v32  }
0x56: {  	v32 =	vld [tilespmem:s0+$0x430];
	_ =	sdelay $0x4  }
0x57: {  	v32 =	vadd.f32 v32, v20;
	_ =	sdelay $0x1  }
0x58: {  	[tilespmem:s19+$0xA430] =	vst v32  }
0x59: {  	v32 =	vld [tilespmem:s0+$0x440];
	_ =	sdelay $0x4  }
0x5a: {  	v32 =	vadd.f32 v32, v19;
	_ =	sdelay $0x1  }
0x5b: {  	[tilespmem:s19+$0xA440] =	vst v32  }
0x5c: {  	v32 =	vld [tilespmem:s0+$0x450];
	_ =	sdelay $0x4  }
0x5d: {  	v32 =	vadd.f32 v32, v18;
	_ =	sdelay $0x1  }
0x5e: {  	[tilespmem:s19+$0xA450] =	vst v32  }
0x5f: {  	v32 =	vld [tilespmem:s0+$0x460];
	_ =	sdelay $0x4  }
0x60: {  	v32 =	vadd.f32 v32, v17;
	_ =	sdelay $0x1  }
0x61: {  	[tilespmem:s19+$0xA460] =	vst v32  }
0x62: {  	v32 =	vld [tilespmem:s0+$0x470];
	_ =	sdelay $0x4  }
0x63: {  	v32 =	vadd.f32 v32, v16;
	_ =	sdelay $0x1  }
0x64: {  	[tilespmem:s19+$0xA470] =	vst v32  }
0x65: {  	v32 =	vld [tilespmem:s0+$0x800];
	_ =	sdelay $0x4  }
0x66: {  	v32 =	vadd.f32 v32, v15;
	_ =	sdelay $0x1  }
0x67: {  	[tilespmem:s19+$0xA800] =	vst v32  }
0x68: {  	v32 =	vld [tilespmem:s0+$0x810];
	_ =	sdelay $0x4  }
0x69: {  	v32 =	vadd.f32 v32, v14;
	_ =	sdelay $0x1  }
0x6a: {  	[tilespmem:s19+$0xA810] =	vst v32  }
0x6b: {  	v32 =	vld [tilespmem:s0+$0x820];
	_ =	sdelay $0x4  }
0x6c: {  	v32 =	vadd.f32 v32, v13;
	_ =	sdelay $0x1  }
0x6d: {  	[tilespmem:s19+$0xA820] =	vst v32  }
0x6e: {  	v32 =	vld [tilespmem:s0+$0x830];
	_ =	sdelay $0x4  }
0x6f: {  	v32 =	vadd.f32 v32, v12;
	_ =	sdelay $0x1  }
0x70: {  	[tilespmem:s19+$0xA830] =	vst v32  }
0x71: {  	v32 =	vld [tilespmem:s0+$0x840];
	_ =	sdelay $0x4  }
0x72: {  	v32 =	vadd.f32 v32, v11;
	_ =	sdelay $0x1  }
0x73: {  	[tilespmem:s19+$0xA840] =	vst v32  }
0x74: {  	v32 =	vld [tilespmem:s0+$0x850];
	_ =	sdelay $0x4  }
0x75: {  	v32 =	vadd.f32 v32, v10;
	_ =	sdelay $0x1  }
0x76: {  	[tilespmem:s19+$0xA850] =	vst v32  }
0x77: {  	v32 =	vld [tilespmem:s0+$0x860];
	_ =	sdelay $0x4  }
0x78: {  	v32 =	vadd.f32 v32, v9;
	_ =	sdelay $0x1  }
0x79: {  	[tilespmem:s19+$0xA860] =	vst v32  }
0x7a: {  	v32 =	vld [tilespmem:s0+$0x870];
	_ =	sdelay $0x4  }
0x7b: {  	v32 =	vadd.f32 v32, v5;
	_ =	sdelay $0x1  }
0x7c: {  	[tilespmem:s19+$0xA870] =	vst v32  }
0x7d: {  	v32 =	vld [tilespmem:s0+$0xC00];
	_ =	sdelay $0x4  }
0x7e: {  	v32 =	vadd.f32 v32, v6;
	_ =	sdelay $0x1  }
0x7f: {  	[tilespmem:s19+$0xAC00] =	vst v32  }
0x80: {  	v32 =	vld [tilespmem:s0+$0xC10];
	_ =	sdelay $0x4  }
0x81: {  	v32 =	vadd.f32 v32, v7;
	_ =	sdelay $0x1  }
0x82: {  	[tilespmem:s19+$0xAC10] =	vst v32  }
0x83: {  	v32 =	vld [tilespmem:s0+$0xC20];
	_ =	sdelay $0x4  }
0x84: {  	v32 =	vadd.f32 v32, v8;
	_ =	sdelay $0x1  }
0x85: {  	[tilespmem:s19+$0xAC20] =	vst v32  }
0x86: {  	v32 =	vld [tilespmem:s0+$0xC30];
	_ =	sdelay $0x4  }
0x87: {  	v32 =	vadd.f32 v32, v4;
	_ =	sdelay $0x1  }
0x88: {  	[tilespmem:s19+$0xAC30] =	vst v32  }
0x89: {  	v32 =	vld [tilespmem:s0+$0xC40];
	_ =	sdelay $0x4  }
0x8a: {  	v32 =	vadd.f32 v32, v3;
	_ =	sdelay $0x1  }
0x8b: {  	[tilespmem:s19+$0xAC40] =	vst v32  }
0x8c: {  	v32 =	vld [tilespmem:s0+$0xC50];
	_ =	sdelay $0x4  }
0x8d: {  	v32 =	vadd.f32 v32, v2;
	_ =	sdelay $0x1  }
0x8e: {  	[tilespmem:s19+$0xAC50] =	vst v32  }
0x8f: {  	v32 =	vld [tilespmem:s0+$0xC60];
	_ =	sdelay $0x4  }
0x90: {  	v32 =	vadd.f32 v32, v1;
	_ =	sdelay $0x1  }
0x91: {  	[tilespmem:s19+$0xAC60] =	vst v32  }
0x92: {  	v32 =	vld [tilespmem:s0+$0xC70]  }
0x93: {  	s31 =	simm.s32 $0x1;
	s22 =	simm.s32 $0x2  }
0x94: {  	s21 =	simm.s32 $0x0;
	s23 =	smax.u32 s31, $0x8;
	s20 =	simm.s32 $0x0  }
.LBB2_2:
0x95: {  	p0 =	sne.s32 s22, $0x57;
	s0 =	smin.u32 s23, $0x48  }
0x96: {  	s0 =	sadd.s32 $0xFFFFFFF8, s0  }
0x97: {  	s23 =	sshll.u32 s0, $0x9;
	s0 =	sshll.u32 s0, $0x7;
	v32 =	vadd.f32 v32, v0  }
0x98: {  	s23 =	sand.u32 $0xF000, s23;
	s0 =	sand.u32 $0x380, s0  }
0x99: {  	s23 =	sor.u32 s0, s23;
	[tilespmem:s19+$0xAC70] =	vst v32  }
0x9a: {  	v32 =	vld [tilespmem:s23+$0x0];
	_ =	sdelay $0x3  }
0x9b: {  	s20 =	sadd.s32 $0x80, s20;
	s21 =	sadd.s32 $0x200, s21  }
0x9c: {  	s0 =	sand.u32 $0xF000, s21;
	s19 =	sand.u32 $0x380, s20;
	v32 =	vadd.f32 v32, v31  }
0x9d: {  	s19 =	sor.u32 s19, s0  }
0x9e: {  	[tilespmem:s19+$0xA000] =	vst v32  }
0x9f: {  	v32 =	vld [tilespmem:s23+$0x10];
	_ =	sdelay $0x4  }
0xa0: {  	v32 =	vadd.f32 v32, v30;
	_ =	sdelay $0x1  }
0xa1: {  	[tilespmem:s19+$0xA010] =	vst v32  }
0xa2: {  	v32 =	vld [tilespmem:s23+$0x20];
	_ =	sdelay $0x4  }
0xa3: {  	v32 =	vadd.f32 v32, v29;
	_ =	sdelay $0x1  }
0xa4: {  	[tilespmem:s19+$0xA020] =	vst v32  }
0xa5: {  	v32 =	vld [tilespmem:s23+$0x30];
	_ =	sdelay $0x4  }
0xa6: {  	v32 =	vadd.f32 v32, v28;
	_ =	sdelay $0x1  }
0xa7: {  	[tilespmem:s19+$0xA030] =	vst v32  }
0xa8: {  	v32 =	vld [tilespmem:s23+$0x40];
	_ =	sdelay $0x4  }
0xa9: {  	v32 =	vadd.f32 v32, v27;
	_ =	sdelay $0x1  }
0xaa: {  	[tilespmem:s19+$0xA040] =	vst v32  }
0xab: {  	v32 =	vld [tilespmem:s23+$0x50];
	_ =	sdelay $0x4  }
0xac: {  	v32 =	vadd.f32 v32, v26;
	_ =	sdelay $0x1  }
0xad: {  	[tilespmem:s19+$0xA050] =	vst v32  }
0xae: {  	v32 =	vld [tilespmem:s23+$0x60];
	_ =	sdelay $0x4  }
0xaf: {  	v32 =	vadd.f32 v32, v25;
	_ =	sdelay $0x1  }
0xb0: {  	[tilespmem:s19+$0xA060] =	vst v32  }
0xb1: {  	v32 =	vld [tilespmem:s23+$0x70];
	_ =	sdelay $0x4  }
0xb2: {  	v32 =	vadd.f32 v32, v24;
	_ =	sdelay $0x1  }
0xb3: {  	[tilespmem:s19+$0xA070] =	vst v32  }
0xb4: {  	v32 =	vld [tilespmem:s23+$0x400];
	_ =	sdelay $0x4  }
0xb5: {  	v32 =	vadd.f32 v32, v23;
	_ =	sdelay $0x1  }
0xb6: {  	[tilespmem:s19+$0xA400] =	vst v32  }
0xb7: {  	v32 =	vld [tilespmem:s23+$0x410];
	_ =	sdelay $0x4  }
0xb8: {  	v32 =	vadd.f32 v32, v22;
	_ =	sdelay $0x1  }
0xb9: {  	[tilespmem:s19+$0xA410] =	vst v32  }
0xba: {  	v32 =	vld [tilespmem:s23+$0x420];
	_ =	sdelay $0x4  }
0xbb: {  	v32 =	vadd.f32 v32, v21;
	_ =	sdelay $0x1  }
0xbc: {  	[tilespmem:s19+$0xA420] =	vst v32  }
0xbd: {  	v32 =	vld [tilespmem:s23+$0x430];
	_ =	sdelay $0x4  }
0xbe: {  	v32 =	vadd.f32 v32, v20;
	_ =	sdelay $0x1  }
0xbf: {  	[tilespmem:s19+$0xA430] =	vst v32  }
0xc0: {  	v32 =	vld [tilespmem:s23+$0x440];
	_ =	sdelay $0x4  }
0xc1: {  	v32 =	vadd.f32 v32, v19;
	_ =	sdelay $0x1  }
0xc2: {  	[tilespmem:s19+$0xA440] =	vst v32  }
0xc3: {  	v32 =	vld [tilespmem:s23+$0x450];
	_ =	sdelay $0x4  }
0xc4: {  	v32 =	vadd.f32 v32, v18;
	_ =	sdelay $0x1  }
0xc5: {  	[tilespmem:s19+$0xA450] =	vst v32  }
0xc6: {  	v32 =	vld [tilespmem:s23+$0x460];
	_ =	sdelay $0x4  }
0xc7: {  	v32 =	vadd.f32 v32, v17;
	_ =	sdelay $0x1  }
0xc8: {  	[tilespmem:s19+$0xA460] =	vst v32  }
0xc9: {  	v32 =	vld [tilespmem:s23+$0x470];
	_ =	sdelay $0x4  }
0xca: {  	v32 =	vadd.f32 v32, v16;
	_ =	sdelay $0x1  }
0xcb: {  	[tilespmem:s19+$0xA470] =	vst v32  }
0xcc: {  	v32 =	vld [tilespmem:s23+$0x800];
	_ =	sdelay $0x4  }
0xcd: {  	v32 =	vadd.f32 v32, v15;
	_ =	sdelay $0x1  }
0xce: {  	[tilespmem:s19+$0xA800] =	vst v32  }
0xcf: {  	v32 =	vld [tilespmem:s23+$0x810];
	_ =	sdelay $0x4  }
0xd0: {  	v32 =	vadd.f32 v32, v14;
	_ =	sdelay $0x1  }
0xd1: {  	[tilespmem:s19+$0xA810] =	vst v32  }
0xd2: {  	v32 =	vld [tilespmem:s23+$0x820];
	_ =	sdelay $0x4  }
0xd3: {  	v32 =	vadd.f32 v32, v13;
	_ =	sdelay $0x1  }
0xd4: {  	[tilespmem:s19+$0xA820] =	vst v32  }
0xd5: {  	v32 =	vld [tilespmem:s23+$0x830];
	_ =	sdelay $0x4  }
0xd6: {  	v32 =	vadd.f32 v32, v12;
	_ =	sdelay $0x1  }
0xd7: {  	[tilespmem:s19+$0xA830] =	vst v32  }
0xd8: {  	v32 =	vld [tilespmem:s23+$0x840];
	_ =	sdelay $0x4  }
0xd9: {  	v32 =	vadd.f32 v32, v11;
	_ =	sdelay $0x1  }
0xda: {  	[tilespmem:s19+$0xA840] =	vst v32  }
0xdb: {  	v32 =	vld [tilespmem:s23+$0x850];
	_ =	sdelay $0x4  }
0xdc: {  	v32 =	vadd.f32 v32, v10;
	_ =	sdelay $0x1  }
0xdd: {  	[tilespmem:s19+$0xA850] =	vst v32  }
0xde: {  	v32 =	vld [tilespmem:s23+$0x860];
	_ =	sdelay $0x4  }
0xdf: {  	v32 =	vadd.f32 v32, v9;
	_ =	sdelay $0x1  }
0xe0: {  	[tilespmem:s19+$0xA860] =	vst v32  }
0xe1: {  	v32 =	vld [tilespmem:s23+$0x870];
	_ =	sdelay $0x4  }
0xe2: {  	v32 =	vadd.f32 v32, v5;
	_ =	sdelay $0x1  }
0xe3: {  	[tilespmem:s19+$0xA870] =	vst v32  }
0xe4: {  	v32 =	vld [tilespmem:s23+$0xC00];
	_ =	sdelay $0x4  }
0xe5: {  	v32 =	vadd.f32 v32, v6;
	_ =	sdelay $0x1  }
0xe6: {  	[tilespmem:s19+$0xAC00] =	vst v32  }
0xe7: {  	v32 =	vld [tilespmem:s23+$0xC10];
	_ =	sdelay $0x4  }
0xe8: {  	v32 =	vadd.f32 v32, v7;
	_ =	sdelay $0x1  }
0xe9: {  	[tilespmem:s19+$0xAC10] =	vst v32  }
0xea: {  	v32 =	vld [tilespmem:s23+$0xC20];
	_ =	sdelay $0x4  }
0xeb: {  	v32 =	vadd.f32 v32, v8;
	_ =	sdelay $0x1  }
0xec: {  	[tilespmem:s19+$0xAC20] =	vst v32  }
0xed: {  	v32 =	vld [tilespmem:s23+$0xC30];
	_ =	sdelay $0x4  }
0xee: {  	v32 =	vadd.f32 v32, v4;
	_ =	sdelay $0x1  }
0xef: {  	[tilespmem:s19+$0xAC30] =	vst v32  }
0xf0: {  	v32 =	vld [tilespmem:s23+$0xC40];
	_ =	sdelay $0x4  }
0xf1: {  	v32 =	vadd.f32 v32, v3;
	_ =	sdelay $0x1  }
0xf2: {  	[tilespmem:s19+$0xAC40] =	vst v32  }
0xf3: {  	v32 =	vld [tilespmem:s23+$0xC50];
	_ =	sdelay $0x4  }
0xf4: {  	v32 =	vadd.f32 v32, v2;
	_ =	sdelay $0x1  }
0xf5: {  	[tilespmem:s19+$0xAC50] =	vst v32  }
0xf6: {  	v32 =	vld [tilespmem:s23+$0xC60];
	_ =	sdelay $0x4  }
0xf7: {  	v32 =	vadd.f32 v32, v1  }
.Ltmp0:
0xf8: {  	(pc) =	sbr.rel @p0 .LBB2_2-.Ltmp0, $3  }
0xf9: {  	[tilespmem:s19+$0xAC60] =	vst v32  }
0xfa: {  	v32 =	vld [tilespmem:s23+$0xC70];
	_ =	sdelay $0x1  }
0xfb: {  	s23 =	smax.u32 s22, $0x8;
	s22 =	sadd.s32 $0x1, s22  }
0xfc: {  	s0 =	smin.u32 s23, $0x48  }
0xfd: {  	s0 =	sadd.s32 $0xFFFFFFF8, s0  }
0xfe: {  	s22 =	sshll.u32 s0, $0x9;
	s0 =	sshll.u32 s0, $0x7;
	v32 =	vadd.f32 v32, v0  }
0xff: {  	s22 =	sand.u32 $0xF000, s22;
	s0 =	sand.u32 $0x380, s0  }
0x100: {  	s22 =	sor.u32 s0, s22;
	[tilespmem:s19+$0xAC70] =	vst v32  }
0x101: {  	v32 =	vld [tilespmem:s22+$0x0];
	_ =	sdelay $0x3  }
0x102: {  	s28 =	sadd.s32 $0x80, s20;
	s29 =	sadd.s32 $0x200, s21  }
0x103: {  	s19 =	sand.u32 $0xF000, s29;
	s0 =	sand.u32 $0x380, s28;
	v31 =	vadd.f32 v32, v31  }
0x104: {  	s0 =	sor.u32 s0, s19  }
0x105: {  	[tilespmem:s0+$0xA000] =	vst v31  }
0x106: {  	v31 =	vld [tilespmem:s22+$0x10];
	_ =	sdelay $0x4  }
0x107: {  	v30 =	vadd.f32 v31, v30;
	_ =	sdelay $0x1  }
0x108: {  	[tilespmem:s0+$0xA010] =	vst v30  }
0x109: {  	v30 =	vld [tilespmem:s22+$0x20];
	_ =	sdelay $0x4  }
0x10a: {  	v29 =	vadd.f32 v30, v29;
	_ =	sdelay $0x1  }
0x10b: {  	[tilespmem:s0+$0xA020] =	vst v29  }
0x10c: {  	v29 =	vld [tilespmem:s22+$0x30];
	_ =	sdelay $0x4  }
0x10d: {  	v28 =	vadd.f32 v29, v28;
	_ =	sdelay $0x1  }
0x10e: {  	[tilespmem:s0+$0xA030] =	vst v28  }
0x10f: {  	v28 =	vld [tilespmem:s22+$0x40];
	_ =	sdelay $0x4  }
0x110: {  	v27 =	vadd.f32 v28, v27;
	_ =	sdelay $0x1  }
0x111: {  	[tilespmem:s0+$0xA040] =	vst v27  }
0x112: {  	v27 =	vld [tilespmem:s22+$0x50];
	_ =	sdelay $0x4  }
0x113: {  	v26 =	vadd.f32 v27, v26;
	_ =	sdelay $0x1  }
0x114: {  	[tilespmem:s0+$0xA050] =	vst v26  }
0x115: {  	v26 =	vld [tilespmem:s22+$0x60];
	_ =	sdelay $0x4  }
0x116: {  	v25 =	vadd.f32 v26, v25;
	_ =	sdelay $0x1  }
0x117: {  	[tilespmem:s0+$0xA060] =	vst v25  }
0x118: {  	v25 =	vld [tilespmem:s22+$0x70];
	_ =	sdelay $0x4  }
0x119: {  	v24 =	vadd.f32 v25, v24;
	_ =	sdelay $0x1  }
0x11a: {  	[tilespmem:s0+$0xA070] =	vst v24  }
0x11b: {  	v24 =	vld [tilespmem:s22+$0x400];
	_ =	sdelay $0x4  }
0x11c: {  	v23 =	vadd.f32 v24, v23;
	_ =	sdelay $0x1  }
0x11d: {  	[tilespmem:s0+$0xA400] =	vst v23  }
0x11e: {  	v23 =	vld [tilespmem:s22+$0x410];
	_ =	sdelay $0x4  }
0x11f: {  	v22 =	vadd.f32 v23, v22;
	_ =	sdelay $0x1  }
0x120: {  	[tilespmem:s0+$0xA410] =	vst v22  }
0x121: {  	v22 =	vld [tilespmem:s22+$0x420];
	_ =	sdelay $0x4  }
0x122: {  	v21 =	vadd.f32 v22, v21;
	_ =	sdelay $0x1  }
0x123: {  	[tilespmem:s0+$0xA420] =	vst v21  }
0x124: {  	v21 =	vld [tilespmem:s22+$0x430];
	_ =	sdelay $0x4  }
0x125: {  	v20 =	vadd.f32 v21, v20;
	_ =	sdelay $0x1  }
0x126: {  	[tilespmem:s0+$0xA430] =	vst v20  }
0x127: {  	v20 =	vld [tilespmem:s22+$0x440];
	_ =	sdelay $0x4  }
0x128: {  	v19 =	vadd.f32 v20, v19;
	_ =	sdelay $0x1  }
0x129: {  	[tilespmem:s0+$0xA440] =	vst v19  }
0x12a: {  	v19 =	vld [tilespmem:s22+$0x450];
	_ =	sdelay $0x4  }
0x12b: {  	v18 =	vadd.f32 v19, v18;
	_ =	sdelay $0x1  }
0x12c: {  	[tilespmem:s0+$0xA450] =	vst v18  }
0x12d: {  	v18 =	vld [tilespmem:s22+$0x460];
	_ =	sdelay $0x4  }
0x12e: {  	v17 =	vadd.f32 v18, v17;
	_ =	sdelay $0x1  }
0x12f: {  	[tilespmem:s0+$0xA460] =	vst v17  }
0x130: {  	v17 =	vld [tilespmem:s22+$0x470];
	_ =	sdelay $0x4  }
0x131: {  	v16 =	vadd.f32 v17, v16;
	_ =	sdelay $0x1  }
0x132: {  	[tilespmem:s0+$0xA470] =	vst v16  }
0x133: {  	v16 =	vld [tilespmem:s22+$0x800];
	_ =	sdelay $0x4  }
0x134: {  	v15 =	vadd.f32 v16, v15;
	_ =	sdelay $0x1  }
0x135: {  	[tilespmem:s0+$0xA800] =	vst v15  }
0x136: {  	v15 =	vld [tilespmem:s22+$0x810];
	_ =	sdelay $0x4  }
0x137: {  	v14 =	vadd.f32 v15, v14;
	_ =	sdelay $0x1  }
0x138: {  	[tilespmem:s0+$0xA810] =	vst v14  }
0x139: {  	v14 =	vld [tilespmem:s22+$0x820];
	_ =	sdelay $0x4  }
0x13a: {  	v13 =	vadd.f32 v14, v13;
	_ =	sdelay $0x1  }
0x13b: {  	[tilespmem:s0+$0xA820] =	vst v13  }
0x13c: {  	v13 =	vld [tilespmem:s22+$0x830];
	_ =	sdelay $0x4  }
0x13d: {  	v12 =	vadd.f32 v13, v12;
	_ =	sdelay $0x1  }
0x13e: {  	[tilespmem:s0+$0xA830] =	vst v12  }
0x13f: {  	v12 =	vld [tilespmem:s22+$0x840];
	_ =	sdelay $0x4  }
0x140: {  	v11 =	vadd.f32 v12, v11;
	_ =	sdelay $0x1  }
0x141: {  	[tilespmem:s0+$0xA840] =	vst v11  }
0x142: {  	v11 =	vld [tilespmem:s22+$0x850];
	_ =	sdelay $0x4  }
0x143: {  	v10 =	vadd.f32 v11, v10;
	_ =	sdelay $0x1  }
0x144: {  	[tilespmem:s0+$0xA850] =	vst v10  }
0x145: {  	v10 =	vld [tilespmem:s22+$0x860];
	_ =	sdelay $0x4  }
0x146: {  	v9 =	vadd.f32 v10, v9;
	_ =	sdelay $0x1  }
0x147: {  	[tilespmem:s0+$0xA860] =	vst v9  }
0x148: {  	v9 =	vld [tilespmem:s22+$0x870];
	_ =	sdelay $0x4  }
0x149: {  	v5 =	vadd.f32 v9, v5;
	_ =	sdelay $0x1  }
0x14a: {  	[tilespmem:s0+$0xA870] =	vst v5  }
0x14b: {  	v5 =	vld [tilespmem:s22+$0xC00];
	_ =	sdelay $0x4  }
0x14c: {  	v5 =	vadd.f32 v5, v6;
	_ =	sdelay $0x1  }
0x14d: {  	[tilespmem:s0+$0xAC00] =	vst v5  }
0x14e: {  	v5 =	vld [tilespmem:s22+$0xC10];
	_ =	sdelay $0x4  }
0x14f: {  	v5 =	vadd.f32 v5, v7;
	_ =	sdelay $0x1  }
0x150: {  	[tilespmem:s0+$0xAC10] =	vst v5  }
0x151: {  	v5 =	vld [tilespmem:s22+$0xC20];
	_ =	sdelay $0x4  }
0x152: {  	v5 =	vadd.f32 v5, v8;
	_ =	sdelay $0x1  }
0x153: {  	[tilespmem:s0+$0xAC20] =	vst v5  }
0x154: {  	v5 =	vld [tilespmem:s22+$0xC30];
	_ =	sdelay $0x4  }
0x155: {  	v4 =	vadd.f32 v5, v4;
	_ =	sdelay $0x1  }
0x156: {  	[tilespmem:s0+$0xAC30] =	vst v4  }
0x157: {  	v4 =	vld [tilespmem:s22+$0xC40];
	_ =	sdelay $0x4  }
0x158: {  	v3 =	vadd.f32 v4, v3;
	_ =	sdelay $0x1  }
0x159: {  	[tilespmem:s0+$0xAC40] =	vst v3  }
0x15a: {  	v3 =	vld [tilespmem:s22+$0xC50];
	_ =	sdelay $0x4  }
0x15b: {  	v2 =	vadd.f32 v3, v2;
	_ =	sdelay $0x1  }
0x15c: {  	[tilespmem:s0+$0xAC50] =	vst v2  }
0x15d: {  	v2 =	vld [tilespmem:s22+$0xC60];
	_ =	sdelay $0x4  }
0x15e: {  	v1 =	vadd.f32 v2, v1  }
0x15f: {  	s19 =	sadd.s32 $0xFFFFFF00, s7  }
0x160: {  	p0 =	sgt.s32 s19, $0xFFFFFFD8;
	[tilespmem:s0+$0xAC60] =	vst v1  }
0x161: {  	s19 =	simm.s32 @!p0 $0xFFFFFFD8;
	v1 =	vld [tilespmem:s22+$0xC70]  }
0x162: {  	p0 =	slt.s32 s19, $0x28  }
0x163: {  	s19 =	simm.s32 @!p0 $0x28  }
0x164: {  	s19 =	sshll.u32 s19, $0x9  }
0x165: {  	s30 =	sadd.s32 $0x5000, s19;
	s19 =	sadd.s32 $0xFFFFFF08, s7  }
0x166: {  	s20 =	sand.u32 $0xF000, s30;
	p0 =	sgt.s32 s19, $0xFFFFFFD8;
	v62 =	vadd.f32 v1, v0  }
0x167: {  	s31 =	sadd.s32 $0xA000, s20;
	s19 =	simm.s32 @!p0 $0xFFFFFFD8  }
0x168: {  	s20 =	simm.s32 $0xFFFFFF10;
	p0 =	slt.s32 s19, $0x28;
	[tilespmem:s0+$0xAC70] =	vst v62;
	s0 =	smov.u32 s6  }
0x169: {  	[hbm4b:s6+s3] =	stream.linear.scatter [tilespmem:s31], [sflag:$0x1], $0x1000, $0x38;
	v63 =	vld [tilespmem:$0x0]  }
.LBB2_4:
0x16a: {  	s21 =	sadd.s32 s20, s7;
	s19 =	simm.s32 @!p0 $0x28;
	p1 =	sne.s32 s20, $0xF8  }
.Ltmp1:
0x16b: {  	p0 =	sgt.s32 s21, $0xFFFFFFD8;
	s19 =	sshll.u32 s19, $0x9;
	(pc) =	sbr.rel @p1 .LBB2_4-.Ltmp1, $4  }
0x16c: {  	s20 =	sadd.s32 $0x8, s20;
	s22 =	sadd.s32 $0x5000, s19;
	s19 =	smov.u32 s21  }
0x16d: {  	s19 =	simm.s32 @!p0 $0xFFFFFFD8;
	s21 =	sand.u32 $0xF000, s22  }
0x16e: {  	s0 =	sadd.s32 $0x200, s0;
	p0 =	slt.s32 s19, $0x28;
	s21 =	sadd.s32 $0xA000, s21  }
0x16f: {  	[hbm4b:s0+s3] =	stream.linear.scatter [tilespmem:s21], [sflag:$0x1], $0x1000, $0x38;
	v63 =	vld [tilespmem:$0x0]  }
0x170: {  	s19 =	simm.s32 @!p0 $0x28  }
0x171: {  	s19 =	sshll.u32 s19, $0x9  }
0x172: {  	s19 =	sadd.s32 $0x5000, s19  }
0x173: {  	s19 =	sand.u32 $0xF000, s19  }
0x174: {  	s0 =	sadd.s32 $0x200, s0;
	s19 =	sadd.s32 $0xA000, s19  }
0x175: {  	[hbm4b:s0+s3] =	stream.linear.scatter [tilespmem:s19], [sflag:$0x1], $0x1000, $0x38;
	v63 =	vld [tilespmem:$0x0]  }
0x176: {  	v31 =	vld [tilespmem:$0x9080]  }
0x177: {  	v30 =	vld [tilespmem:$0x9090]  }
0x178: {  	v29 =	vld [tilespmem:$0x90A0]  }
0x179: {  	v28 =	vld [tilespmem:$0x90B0]  }
0x17a: {  	v27 =	vld [tilespmem:$0x90C0]  }
0x17b: {  	v26 =	vld [tilespmem:$0x90D0]  }
0x17c: {  	v25 =	vld [tilespmem:$0x90E0]  }
0x17d: {  	v24 =	vld [tilespmem:$0x90F0]  }
0x17e: {  	v23 =	vld [tilespmem:$0x9480]  }
0x17f: {  	v22 =	vld [tilespmem:$0x9490]  }
0x180: {  	v21 =	vld [tilespmem:$0x94A0]  }
0x181: {  	v20 =	vld [tilespmem:$0x94B0]  }
0x182: {  	v19 =	vld [tilespmem:$0x94C0]  }
0x183: {  	v18 =	vld [tilespmem:$0x94D0]  }
0x184: {  	v17 =	vld [tilespmem:$0x94E0]  }
0x185: {  	v16 =	vld [tilespmem:$0x94F0]  }
0x186: {  	v15 =	vld [tilespmem:$0x9880]  }
0x187: {  	v14 =	vld [tilespmem:$0x9890]  }
0x188: {  	s19 =	simm.s32 $0x0;
	v13 =	vld [tilespmem:$0x98A0]  }
0x189: {  	v12 =	vld [tilespmem:$0x98B0];
	s26 =	smax.u32 s19, $0x9  }
0x18a: {  	v11 =	vld [tilespmem:$0x98C0];
	s0 =	smin.u32 s26, $0x49  }
0x18b: {  	v10 =	vld [tilespmem:$0x98D0];
	s0 =	sadd.s32 $0xFFFFFFF7, s0  }
0x18c: {  	v9 =	vld [tilespmem:$0x98E0];
	s20 =	sshll.u32 s0, $0x9;
	s0 =	sshll.u32 s0, $0x7  }
0x18d: {  	v5 =	vld [tilespmem:$0x98F0];
	s20 =	sand.u32 $0xF000, s20;
	s0 =	sand.u32 $0x380, s0  }
0x18e: {  	v6 =	vld [tilespmem:$0x9C80];
	s0 =	sor.u32 s0, s20  }
0x18f: {  	v0 =	vld [tilespmem:s0+$0x0]  }
0x190: {  	v7 =	vld [tilespmem:$0x9C90]  }
0x191: {  	v8 =	vld [tilespmem:$0x9CA0]  }
0x192: {  	v4 =	vld [tilespmem:$0x9CB0]  }
0x193: {  	v3 =	vld [tilespmem:$0x9CC0]  }
0x194: {  	v2 =	vld [tilespmem:$0x9CD0];
	s28 =	sand.u32 $0xF000, s19;
	s21 =	sand.u32 $0x380, s19;
	v32 =	vadd.f32 v0, v31  }
0x195: {  	v1 =	vld [tilespmem:$0x9CE0];
	s20 =	sor.u32 s21, s28  }
0x196: {  	v0 =	vld [tilespmem:$0x9CF0];
	[tilespmem:s20+$0x15000] =	vst v32  }
0x197: {  	v32 =	vld [tilespmem:s0+$0x10];
	_ =	sdelay $0x4  }
0x198: {  	v32 =	vadd.f32 v32, v30  }
0x199: {  	s20 =	sadd.s32 $0x15000, s20  }
0x19a: {  	[tilespmem:s20+$0x10] =	vst v32  }
0x19b: {  	v32 =	vld [tilespmem:s0+$0x20];
	_ =	sdelay $0x4  }
0x19c: {  	v32 =	vadd.f32 v32, v29;
	_ =	sdelay $0x1  }
0x19d: {  	[tilespmem:s20+$0x20] =	vst v32  }
0x19e: {  	v32 =	vld [tilespmem:s0+$0x30];
	_ =	sdelay $0x4  }
0x19f: {  	v32 =	vadd.f32 v32, v28;
	_ =	sdelay $0x1  }
0x1a0: {  	[tilespmem:s20+$0x30] =	vst v32  }
0x1a1: {  	v32 =	vld [tilespmem:s0+$0x40];
	_ =	sdelay $0x4  }
0x1a2: {  	v32 =	vadd.f32 v32, v27;
	_ =	sdelay $0x1  }
0x1a3: {  	[tilespmem:s20+$0x40] =	vst v32  }
0x1a4: {  	v32 =	vld [tilespmem:s0+$0x50];
	_ =	sdelay $0x4  }
0x1a5: {  	v32 =	vadd.f32 v32, v26;
	_ =	sdelay $0x1  }
0x1a6: {  	[tilespmem:s20+$0x50] =	vst v32  }
0x1a7: {  	v32 =	vld [tilespmem:s0+$0x60];
	_ =	sdelay $0x4  }
0x1a8: {  	v32 =	vadd.f32 v32, v25;
	_ =	sdelay $0x1  }
0x1a9: {  	[tilespmem:s20+$0x60] =	vst v32  }
0x1aa: {  	v32 =	vld [tilespmem:s0+$0x70];
	_ =	sdelay $0x4  }
0x1ab: {  	v32 =	vadd.f32 v32, v24;
	_ =	sdelay $0x1  }
0x1ac: {  	[tilespmem:s20+$0x70] =	vst v32  }
0x1ad: {  	v32 =	vld [tilespmem:s0+$0x400];
	_ =	sdelay $0x4  }
0x1ae: {  	v32 =	vadd.f32 v32, v23;
	_ =	sdelay $0x1  }
0x1af: {  	[tilespmem:s20+$0x400] =	vst v32  }
0x1b0: {  	v32 =	vld [tilespmem:s0+$0x410];
	_ =	sdelay $0x4  }
0x1b1: {  	v32 =	vadd.f32 v32, v22;
	_ =	sdelay $0x1  }
0x1b2: {  	[tilespmem:s20+$0x410] =	vst v32  }
0x1b3: {  	v32 =	vld [tilespmem:s0+$0x420];
	_ =	sdelay $0x4  }
0x1b4: {  	v32 =	vadd.f32 v32, v21;
	_ =	sdelay $0x1  }
0x1b5: {  	[tilespmem:s20+$0x420] =	vst v32  }
0x1b6: {  	v32 =	vld [tilespmem:s0+$0x430];
	_ =	sdelay $0x4  }
0x1b7: {  	v32 =	vadd.f32 v32, v20;
	_ =	sdelay $0x1  }
0x1b8: {  	[tilespmem:s20+$0x430] =	vst v32  }
0x1b9: {  	v32 =	vld [tilespmem:s0+$0x440];
	_ =	sdelay $0x4  }
0x1ba: {  	v32 =	vadd.f32 v32, v19;
	_ =	sdelay $0x1  }
0x1bb: {  	[tilespmem:s20+$0x440] =	vst v32  }
0x1bc: {  	v32 =	vld [tilespmem:s0+$0x450];
	_ =	sdelay $0x4  }
0x1bd: {  	v32 =	vadd.f32 v32, v18;
	_ =	sdelay $0x1  }
0x1be: {  	[tilespmem:s20+$0x450] =	vst v32  }
0x1bf: {  	v32 =	vld [tilespmem:s0+$0x460];
	_ =	sdelay $0x4  }
0x1c0: {  	v32 =	vadd.f32 v32, v17;
	_ =	sdelay $0x1  }
0x1c1: {  	[tilespmem:s20+$0x460] =	vst v32  }
0x1c2: {  	v32 =	vld [tilespmem:s0+$0x470];
	_ =	sdelay $0x4  }
0x1c3: {  	v32 =	vadd.f32 v32, v16;
	_ =	sdelay $0x1  }
0x1c4: {  	[tilespmem:s20+$0x470] =	vst v32  }
0x1c5: {  	v32 =	vld [tilespmem:s0+$0x800];
	_ =	sdelay $0x4  }
0x1c6: {  	v32 =	vadd.f32 v32, v15;
	_ =	sdelay $0x1  }
0x1c7: {  	[tilespmem:s20+$0x800] =	vst v32  }
0x1c8: {  	v32 =	vld [tilespmem:s0+$0x810];
	_ =	sdelay $0x4  }
0x1c9: {  	v32 =	vadd.f32 v32, v14;
	_ =	sdelay $0x1  }
0x1ca: {  	[tilespmem:s20+$0x810] =	vst v32  }
0x1cb: {  	v32 =	vld [tilespmem:s0+$0x820];
	_ =	sdelay $0x4  }
0x1cc: {  	v32 =	vadd.f32 v32, v13;
	_ =	sdelay $0x1  }
0x1cd: {  	[tilespmem:s20+$0x820] =	vst v32  }
0x1ce: {  	v32 =	vld [tilespmem:s0+$0x830];
	_ =	sdelay $0x4  }
0x1cf: {  	v32 =	vadd.f32 v32, v12;
	_ =	sdelay $0x1  }
0x1d0: {  	[tilespmem:s20+$0x830] =	vst v32  }
0x1d1: {  	v32 =	vld [tilespmem:s0+$0x840];
	_ =	sdelay $0x4  }
0x1d2: {  	v32 =	vadd.f32 v32, v11;
	_ =	sdelay $0x1  }
0x1d3: {  	[tilespmem:s20+$0x840] =	vst v32  }
0x1d4: {  	v32 =	vld [tilespmem:s0+$0x850];
	_ =	sdelay $0x4  }
0x1d5: {  	v32 =	vadd.f32 v32, v10;
	_ =	sdelay $0x1  }
0x1d6: {  	[tilespmem:s20+$0x850] =	vst v32  }
0x1d7: {  	v32 =	vld [tilespmem:s0+$0x860];
	_ =	sdelay $0x4  }
0x1d8: {  	v32 =	vadd.f32 v32, v9;
	_ =	sdelay $0x1  }
0x1d9: {  	[tilespmem:s20+$0x860] =	vst v32  }
0x1da: {  	v32 =	vld [tilespmem:s0+$0x870];
	_ =	sdelay $0x4  }
0x1db: {  	v32 =	vadd.f32 v32, v5;
	_ =	sdelay $0x1  }
0x1dc: {  	[tilespmem:s20+$0x870] =	vst v32  }
0x1dd: {  	v32 =	vld [tilespmem:s0+$0xC00];
	_ =	sdelay $0x4  }
0x1de: {  	v32 =	vadd.f32 v32, v6;
	_ =	sdelay $0x1  }
0x1df: {  	[tilespmem:s20+$0xC00] =	vst v32  }
0x1e0: {  	v32 =	vld [tilespmem:s0+$0xC10];
	_ =	sdelay $0x4  }
0x1e1: {  	v32 =	vadd.f32 v32, v7;
	_ =	sdelay $0x1  }
0x1e2: {  	[tilespmem:s20+$0xC10] =	vst v32  }
0x1e3: {  	v32 =	vld [tilespmem:s0+$0xC20];
	_ =	sdelay $0x4  }
0x1e4: {  	v32 =	vadd.f32 v32, v8;
	_ =	sdelay $0x1  }
0x1e5: {  	[tilespmem:s20+$0xC20] =	vst v32  }
0x1e6: {  	v32 =	vld [tilespmem:s0+$0xC30];
	_ =	sdelay $0x4  }
0x1e7: {  	v32 =	vadd.f32 v32, v4;
	_ =	sdelay $0x1  }
0x1e8: {  	[tilespmem:s20+$0xC30] =	vst v32  }
0x1e9: {  	v32 =	vld [tilespmem:s0+$0xC40];
	_ =	sdelay $0x4  }
0x1ea: {  	v32 =	vadd.f32 v32, v3;
	_ =	sdelay $0x1  }
0x1eb: {  	[tilespmem:s20+$0xC40] =	vst v32  }
0x1ec: {  	v32 =	vld [tilespmem:s0+$0xC50];
	_ =	sdelay $0x4  }
0x1ed: {  	v32 =	vadd.f32 v32, v2;
	_ =	sdelay $0x1  }
0x1ee: {  	[tilespmem:s20+$0xC50] =	vst v32  }
0x1ef: {  	v32 =	vld [tilespmem:s0+$0xC60];
	_ =	sdelay $0x4  }
0x1f0: {  	v32 =	vadd.f32 v32, v1;
	_ =	sdelay $0x1  }
0x1f1: {  	[tilespmem:s20+$0xC60] =	vst v32  }
0x1f2: {  	s29 =	simm.s32 $0x1;
	v32 =	vld [tilespmem:s0+$0xC70]  }
0x1f3: {  	s30 =	smax.u32 s29, $0x9  }
0x1f4: {  	s0 =	smin.u32 s30, $0x49  }
0x1f5: {  	s31 =	sadd.s32 $0xFFFFFFF7, s0  }
0x1f6: {  	s0 =	simm.s32 $0x2;
	s22 =	sshll.u32 s31, $0x9;
	s21 =	sshll.u32 s31, $0x7  }
0x1f7: {  	s23 =	sand.u32 $0xF000, s22;
	s24 =	sand.u32 $0x380, s21;
	s21 =	simm.s32 $0x200;
	v32 =	vadd.f32 v32, v0  }
.LBB2_6:
0x1f8: {  	s24 =	sor.u32 s24, s23  }
0x1f9: {  	[tilespmem:s20+$0xC70] =	vst v32;
	s19 =	sadd.s32 $0x80, s19;
	s23 =	smov.u32 s0;
	s22 =	sadd.s32 $0x1, s0  }
0x1fa: {  	p0 =	sne.s32 s0, $0x57;
	v32 =	vld [tilespmem:s24+$0x0];
	_ =	sdelay $0x4  }
0x1fb: {  	s0 =	sand.u32 $0xF000, s21;
	s20 =	sand.u32 $0x380, s19;
	v32 =	vadd.f32 v32, v31  }
0x1fc: {  	s0 =	sor.u32 s20, s0  }
0x1fd: {  	[tilespmem:s0+$0x15000] =	vst v32  }
0x1fe: {  	v32 =	vld [tilespmem:s24+$0x10];
	_ =	sdelay $0x4  }
0x1ff: {  	v32 =	vadd.f32 v32, v30  }
0x200: {  	s20 =	sadd.s32 $0x15000, s0  }
0x201: {  	[tilespmem:s20+$0x10] =	vst v32  }
0x202: {  	v32 =	vld [tilespmem:s24+$0x20];
	_ =	sdelay $0x4  }
0x203: {  	v32 =	vadd.f32 v32, v29;
	_ =	sdelay $0x1  }
0x204: {  	[tilespmem:s20+$0x20] =	vst v32  }
0x205: {  	v32 =	vld [tilespmem:s24+$0x30];
	_ =	sdelay $0x4  }
0x206: {  	v32 =	vadd.f32 v32, v28;
	_ =	sdelay $0x1  }
0x207: {  	[tilespmem:s20+$0x30] =	vst v32  }
0x208: {  	v32 =	vld [tilespmem:s24+$0x40];
	_ =	sdelay $0x4  }
0x209: {  	v32 =	vadd.f32 v32, v27;
	_ =	sdelay $0x1  }
0x20a: {  	[tilespmem:s20+$0x40] =	vst v32  }
0x20b: {  	v32 =	vld [tilespmem:s24+$0x50];
	_ =	sdelay $0x4  }
0x20c: {  	v32 =	vadd.f32 v32, v26;
	_ =	sdelay $0x1  }
0x20d: {  	[tilespmem:s20+$0x50] =	vst v32  }
0x20e: {  	v32 =	vld [tilespmem:s24+$0x60];
	_ =	sdelay $0x4  }
0x20f: {  	v32 =	vadd.f32 v32, v25;
	_ =	sdelay $0x1  }
0x210: {  	[tilespmem:s20+$0x60] =	vst v32  }
0x211: {  	v32 =	vld [tilespmem:s24+$0x70];
	_ =	sdelay $0x4  }
0x212: {  	v32 =	vadd.f32 v32, v24;
	_ =	sdelay $0x1  }
0x213: {  	[tilespmem:s20+$0x70] =	vst v32  }
0x214: {  	v32 =	vld [tilespmem:s24+$0x400];
	_ =	sdelay $0x4  }
0x215: {  	v32 =	vadd.f32 v32, v23;
	_ =	sdelay $0x1  }
0x216: {  	[tilespmem:s20+$0x400] =	vst v32  }
0x217: {  	v32 =	vld [tilespmem:s24+$0x410];
	_ =	sdelay $0x4  }
0x218: {  	v32 =	vadd.f32 v32, v22;
	_ =	sdelay $0x1  }
0x219: {  	[tilespmem:s20+$0x410] =	vst v32  }
0x21a: {  	v32 =	vld [tilespmem:s24+$0x420];
	_ =	sdelay $0x4  }
0x21b: {  	v32 =	vadd.f32 v32, v21;
	_ =	sdelay $0x1  }
0x21c: {  	[tilespmem:s20+$0x420] =	vst v32  }
0x21d: {  	v32 =	vld [tilespmem:s24+$0x430];
	_ =	sdelay $0x4  }
0x21e: {  	v32 =	vadd.f32 v32, v20;
	_ =	sdelay $0x1  }
0x21f: {  	[tilespmem:s20+$0x430] =	vst v32  }
0x220: {  	v32 =	vld [tilespmem:s24+$0x440];
	_ =	sdelay $0x4  }
0x221: {  	v32 =	vadd.f32 v32, v19;
	_ =	sdelay $0x1  }
0x222: {  	[tilespmem:s20+$0x440] =	vst v32  }
0x223: {  	v32 =	vld [tilespmem:s24+$0x450];
	_ =	sdelay $0x4  }
0x224: {  	v32 =	vadd.f32 v32, v18;
	_ =	sdelay $0x1  }
0x225: {  	[tilespmem:s20+$0x450] =	vst v32  }
0x226: {  	v32 =	vld [tilespmem:s24+$0x460];
	_ =	sdelay $0x4  }
0x227: {  	v32 =	vadd.f32 v32, v17;
	_ =	sdelay $0x1  }
0x228: {  	[tilespmem:s20+$0x460] =	vst v32  }
0x229: {  	v32 =	vld [tilespmem:s24+$0x470];
	_ =	sdelay $0x4  }
0x22a: {  	v32 =	vadd.f32 v32, v16;
	_ =	sdelay $0x1  }
0x22b: {  	[tilespmem:s20+$0x470] =	vst v32  }
0x22c: {  	v32 =	vld [tilespmem:s24+$0x800];
	_ =	sdelay $0x4  }
0x22d: {  	v32 =	vadd.f32 v32, v15;
	_ =	sdelay $0x1  }
0x22e: {  	[tilespmem:s20+$0x800] =	vst v32  }
0x22f: {  	v32 =	vld [tilespmem:s24+$0x810];
	_ =	sdelay $0x4  }
0x230: {  	v32 =	vadd.f32 v32, v14;
	_ =	sdelay $0x1  }
0x231: {  	[tilespmem:s20+$0x810] =	vst v32  }
0x232: {  	v32 =	vld [tilespmem:s24+$0x820];
	_ =	sdelay $0x4  }
0x233: {  	v32 =	vadd.f32 v32, v13;
	_ =	sdelay $0x1  }
0x234: {  	[tilespmem:s20+$0x820] =	vst v32  }
0x235: {  	v32 =	vld [tilespmem:s24+$0x830];
	_ =	sdelay $0x4  }
0x236: {  	v32 =	vadd.f32 v32, v12;
	_ =	sdelay $0x1  }
0x237: {  	[tilespmem:s20+$0x830] =	vst v32  }
0x238: {  	v32 =	vld [tilespmem:s24+$0x840];
	_ =	sdelay $0x4  }
0x239: {  	v32 =	vadd.f32 v32, v11;
	_ =	sdelay $0x1  }
0x23a: {  	[tilespmem:s20+$0x840] =	vst v32  }
0x23b: {  	v32 =	vld [tilespmem:s24+$0x850];
	_ =	sdelay $0x4  }
0x23c: {  	v32 =	vadd.f32 v32, v10;
	_ =	sdelay $0x1  }
0x23d: {  	[tilespmem:s20+$0x850] =	vst v32  }
0x23e: {  	v32 =	vld [tilespmem:s24+$0x860];
	_ =	sdelay $0x4  }
0x23f: {  	v32 =	vadd.f32 v32, v9;
	_ =	sdelay $0x1  }
0x240: {  	[tilespmem:s20+$0x860] =	vst v32  }
0x241: {  	v32 =	vld [tilespmem:s24+$0x870];
	_ =	sdelay $0x4  }
0x242: {  	v32 =	vadd.f32 v32, v5;
	_ =	sdelay $0x1  }
0x243: {  	[tilespmem:s20+$0x870] =	vst v32  }
0x244: {  	v32 =	vld [tilespmem:s24+$0xC00];
	_ =	sdelay $0x4  }
0x245: {  	v32 =	vadd.f32 v32, v6;
	_ =	sdelay $0x1  }
0x246: {  	[tilespmem:s20+$0xC00] =	vst v32  }
0x247: {  	v32 =	vld [tilespmem:s24+$0xC10];
	_ =	sdelay $0x4  }
0x248: {  	v32 =	vadd.f32 v32, v7;
	_ =	sdelay $0x1  }
0x249: {  	[tilespmem:s20+$0xC10] =	vst v32  }
0x24a: {  	v32 =	vld [tilespmem:s24+$0xC20];
	_ =	sdelay $0x4  }
0x24b: {  	v32 =	vadd.f32 v32, v8;
	_ =	sdelay $0x1  }
0x24c: {  	[tilespmem:s20+$0xC20] =	vst v32  }
0x24d: {  	v32 =	vld [tilespmem:s24+$0xC30];
	_ =	sdelay $0x4  }
0x24e: {  	v32 =	vadd.f32 v32, v4;
	_ =	sdelay $0x1  }
0x24f: {  	[tilespmem:s20+$0xC30] =	vst v32  }
0x250: {  	v32 =	vld [tilespmem:s24+$0xC40];
	_ =	sdelay $0x4  }
0x251: {  	v32 =	vadd.f32 v32, v3;
	_ =	sdelay $0x1  }
0x252: {  	[tilespmem:s20+$0xC40] =	vst v32  }
0x253: {  	v32 =	vld [tilespmem:s24+$0xC50];
	_ =	sdelay $0x4  }
0x254: {  	v32 =	vadd.f32 v32, v2;
	_ =	sdelay $0x1  }
0x255: {  	[tilespmem:s20+$0xC50] =	vst v32  }
0x256: {  	v32 =	vld [tilespmem:s24+$0xC60];
	_ =	sdelay $0x4  }
0x257: {  	v32 =	vadd.f32 v32, v1;
	_ =	sdelay $0x1  }
0x258: {  	[tilespmem:s20+$0xC60] =	vst v32  }
0x259: {  	v32 =	vld [tilespmem:s24+$0xC70];
	_ =	sdelay $0x1  }
.Ltmp2:
0x25a: {  	s0 =	smax.u32 s23, $0x9;
	(pc) =	sbr.rel @p0 .LBB2_6-.Ltmp2, $4  }
0x25b: {  	s0 =	smin.u32 s0, $0x49  }
0x25c: {  	s0 =	sadd.s32 $0xFFFFFFF7, s0  }
0x25d: {  	s21 =	sadd.s32 $0x200, s21;
	s23 =	sshll.u32 s0, $0x9;
	s0 =	sshll.u32 s0, $0x7;
	v32 =	vadd.f32 v32, v0  }
0x25e: {  	s23 =	sand.u32 $0xF000, s23;
	s24 =	sand.u32 $0x380, s0;
	s0 =	smov.u32 s22  }
0x25f: {  	s0 =	sor.u32 s24, s23;
	[tilespmem:s20+$0xC70] =	vst v32  }
0x260: {  	v32 =	vld [tilespmem:s0+$0x0];
	_ =	sdelay $0x3  }
0x261: {  	s19 =	sadd.s32 $0x80, s19  }
0x262: {  	s29 =	sand.u32 $0xF000, s21;
	s19 =	sand.u32 $0x380, s19;
	v31 =	vadd.f32 v32, v31  }
0x263: {  	s19 =	sor.u32 s19, s29  }
0x264: {  	[tilespmem:s19+$0x15000] =	vst v31  }
0x265: {  	v31 =	vld [tilespmem:s0+$0x10];
	_ =	sdelay $0x4  }
0x266: {  	v30 =	vadd.f32 v31, v30  }
0x267: {  	s19 =	sadd.s32 $0x15000, s19  }
0x268: {  	[tilespmem:s19+$0x10] =	vst v30  }
0x269: {  	v30 =	vld [tilespmem:s0+$0x20];
	_ =	sdelay $0x4  }
0x26a: {  	v29 =	vadd.f32 v30, v29;
	_ =	sdelay $0x1  }
0x26b: {  	[tilespmem:s19+$0x20] =	vst v29  }
0x26c: {  	v29 =	vld [tilespmem:s0+$0x30];
	_ =	sdelay $0x4  }
0x26d: {  	v28 =	vadd.f32 v29, v28;
	_ =	sdelay $0x1  }
0x26e: {  	[tilespmem:s19+$0x30] =	vst v28  }
0x26f: {  	v28 =	vld [tilespmem:s0+$0x40];
	_ =	sdelay $0x4  }
0x270: {  	v27 =	vadd.f32 v28, v27;
	_ =	sdelay $0x1  }
0x271: {  	[tilespmem:s19+$0x40] =	vst v27  }
0x272: {  	v27 =	vld [tilespmem:s0+$0x50];
	_ =	sdelay $0x4  }
0x273: {  	v26 =	vadd.f32 v27, v26;
	_ =	sdelay $0x1  }
0x274: {  	[tilespmem:s19+$0x50] =	vst v26  }
0x275: {  	v26 =	vld [tilespmem:s0+$0x60];
	_ =	sdelay $0x4  }
0x276: {  	v25 =	vadd.f32 v26, v25;
	_ =	sdelay $0x1  }
0x277: {  	[tilespmem:s19+$0x60] =	vst v25  }
0x278: {  	v25 =	vld [tilespmem:s0+$0x70];
	_ =	sdelay $0x4  }
0x279: {  	v24 =	vadd.f32 v25, v24;
	_ =	sdelay $0x1  }
0x27a: {  	[tilespmem:s19+$0x70] =	vst v24  }
0x27b: {  	v24 =	vld [tilespmem:s0+$0x400];
	_ =	sdelay $0x4  }
0x27c: {  	v23 =	vadd.f32 v24, v23;
	_ =	sdelay $0x1  }
0x27d: {  	[tilespmem:s19+$0x400] =	vst v23  }
0x27e: {  	v23 =	vld [tilespmem:s0+$0x410];
	_ =	sdelay $0x4  }
0x27f: {  	v22 =	vadd.f32 v23, v22;
	_ =	sdelay $0x1  }
0x280: {  	[tilespmem:s19+$0x410] =	vst v22  }
0x281: {  	v22 =	vld [tilespmem:s0+$0x420];
	_ =	sdelay $0x4  }
0x282: {  	v21 =	vadd.f32 v22, v21;
	_ =	sdelay $0x1  }
0x283: {  	[tilespmem:s19+$0x420] =	vst v21  }
0x284: {  	v21 =	vld [tilespmem:s0+$0x430];
	_ =	sdelay $0x4  }
0x285: {  	v20 =	vadd.f32 v21, v20;
	_ =	sdelay $0x1  }
0x286: {  	[tilespmem:s19+$0x430] =	vst v20  }
0x287: {  	v20 =	vld [tilespmem:s0+$0x440];
	_ =	sdelay $0x4  }
0x288: {  	v19 =	vadd.f32 v20, v19;
	_ =	sdelay $0x1  }
0x289: {  	[tilespmem:s19+$0x440] =	vst v19  }
0x28a: {  	v19 =	vld [tilespmem:s0+$0x450];
	_ =	sdelay $0x4  }
0x28b: {  	v18 =	vadd.f32 v19, v18;
	_ =	sdelay $0x1  }
0x28c: {  	[tilespmem:s19+$0x450] =	vst v18  }
0x28d: {  	v18 =	vld [tilespmem:s0+$0x460];
	_ =	sdelay $0x4  }
0x28e: {  	v17 =	vadd.f32 v18, v17;
	_ =	sdelay $0x1  }
0x28f: {  	[tilespmem:s19+$0x460] =	vst v17  }
0x290: {  	v17 =	vld [tilespmem:s0+$0x470];
	_ =	sdelay $0x4  }
0x291: {  	v16 =	vadd.f32 v17, v16;
	_ =	sdelay $0x1  }
0x292: {  	[tilespmem:s19+$0x470] =	vst v16  }
0x293: {  	v16 =	vld [tilespmem:s0+$0x800];
	_ =	sdelay $0x4  }
0x294: {  	v15 =	vadd.f32 v16, v15;
	_ =	sdelay $0x1  }
0x295: {  	[tilespmem:s19+$0x800] =	vst v15  }
0x296: {  	v15 =	vld [tilespmem:s0+$0x810];
	_ =	sdelay $0x4  }
0x297: {  	v14 =	vadd.f32 v15, v14;
	_ =	sdelay $0x1  }
0x298: {  	[tilespmem:s19+$0x810] =	vst v14  }
0x299: {  	v14 =	vld [tilespmem:s0+$0x820];
	_ =	sdelay $0x4  }
0x29a: {  	v13 =	vadd.f32 v14, v13;
	_ =	sdelay $0x1  }
0x29b: {  	[tilespmem:s19+$0x820] =	vst v13  }
0x29c: {  	v13 =	vld [tilespmem:s0+$0x830];
	_ =	sdelay $0x4  }
0x29d: {  	v12 =	vadd.f32 v13, v12;
	_ =	sdelay $0x1  }
0x29e: {  	[tilespmem:s19+$0x830] =	vst v12  }
0x29f: {  	v12 =	vld [tilespmem:s0+$0x840];
	_ =	sdelay $0x4  }
0x2a0: {  	v11 =	vadd.f32 v12, v11;
	_ =	sdelay $0x1  }
0x2a1: {  	[tilespmem:s19+$0x840] =	vst v11  }
0x2a2: {  	v11 =	vld [tilespmem:s0+$0x850];
	_ =	sdelay $0x4  }
0x2a3: {  	v10 =	vadd.f32 v11, v10;
	_ =	sdelay $0x1  }
0x2a4: {  	[tilespmem:s19+$0x850] =	vst v10  }
0x2a5: {  	v10 =	vld [tilespmem:s0+$0x860];
	_ =	sdelay $0x4  }
0x2a6: {  	v9 =	vadd.f32 v10, v9;
	_ =	sdelay $0x1  }
0x2a7: {  	[tilespmem:s19+$0x860] =	vst v9  }
0x2a8: {  	v9 =	vld [tilespmem:s0+$0x870];
	_ =	sdelay $0x4  }
0x2a9: {  	v5 =	vadd.f32 v9, v5;
	_ =	sdelay $0x1  }
0x2aa: {  	[tilespmem:s19+$0x870] =	vst v5  }
0x2ab: {  	v5 =	vld [tilespmem:s0+$0xC00];
	_ =	sdelay $0x4  }
0x2ac: {  	v5 =	vadd.f32 v5, v6;
	_ =	sdelay $0x1  }
0x2ad: {  	[tilespmem:s19+$0xC00] =	vst v5  }
0x2ae: {  	v5 =	vld [tilespmem:s0+$0xC10];
	_ =	sdelay $0x4  }
0x2af: {  	v5 =	vadd.f32 v5, v7;
	_ =	sdelay $0x1  }
0x2b0: {  	[tilespmem:s19+$0xC10] =	vst v5  }
0x2b1: {  	v5 =	vld [tilespmem:s0+$0xC20];
	_ =	sdelay $0x4  }
0x2b2: {  	v5 =	vadd.f32 v5, v8;
	_ =	sdelay $0x1  }
0x2b3: {  	[tilespmem:s19+$0xC20] =	vst v5  }
0x2b4: {  	v5 =	vld [tilespmem:s0+$0xC30];
	_ =	sdelay $0x4  }
0x2b5: {  	v4 =	vadd.f32 v5, v4;
	_ =	sdelay $0x1  }
0x2b6: {  	[tilespmem:s19+$0xC30] =	vst v4  }
0x2b7: {  	v4 =	vld [tilespmem:s0+$0xC40];
	_ =	sdelay $0x4  }
0x2b8: {  	v3 =	vadd.f32 v4, v3;
	_ =	sdelay $0x1  }
0x2b9: {  	[tilespmem:s19+$0xC40] =	vst v3  }
0x2ba: {  	v3 =	vld [tilespmem:s0+$0xC50];
	_ =	sdelay $0x4  }
0x2bb: {  	v2 =	vadd.f32 v3, v2;
	_ =	sdelay $0x1  }
0x2bc: {  	[tilespmem:s19+$0xC50] =	vst v2  }
0x2bd: {  	v2 =	vld [tilespmem:s0+$0xC60];
	_ =	sdelay $0x4  }
0x2be: {  	v1 =	vadd.f32 v2, v1  }
0x2bf: {  	s20 =	sadd.s32 $0x0, s9  }
0x2c0: {  	p0 =	sgt.s32 s20, $0xFFFFFFD7;
	[tilespmem:s19+$0xC60] =	vst v1  }
0x2c1: {  	s20 =	simm.s32 @!p0 $0xFFFFFFD7;
	v1 =	vld [tilespmem:s0+$0xC70]  }
0x2c2: {  	p0 =	slt.s32 s20, $0x27  }
0x2c3: {  	s20 =	simm.s32 @!p0 $0x27  }
0x2c4: {  	s30 =	sshll.u32 s20, $0x9  }
0x2c5: {  	s20 =	sadd.s32 $0x5200, s30;
	s0 =	sadd.s32 $0x8, s9  }
0x2c6: {  	s20 =	sand.u32 $0xF000, s20;
	p0 =	sgt.s32 s0, $0xFFFFFFD7;
	v0 =	vadd.f32 v1, v0  }
0x2c7: {  	s21 =	simm.s32 $0x10;
	s31 =	sadd.s32 $0x15000, s20;
	s0 =	simm.s32 @!p0 $0xFFFFFFD7  }
0x2c8: {  	s20 =	simm.s32 $0x0;
	p0 =	slt.s32 s0, $0x27;
	[tilespmem:s19+$0xC70] =	vst v0;
	s19 =	smov.u32 s8  }
0x2c9: {  	[hbm4b:s8+s20] =	stream.linear.scatter [tilespmem:s31], [sflag:$0x2], $0x1000, $0x38;
	v63 =	vld [tilespmem:$0x0]  }
.LBB2_8:
0x2ca: {  	s22 =	sadd.s32 s21, s9;
	s0 =	simm.s32 @!p0 $0x27;
	p1 =	sne.s32 s21, $0x1F8  }
.Ltmp3:
0x2cb: {  	p0 =	sgt.s32 s22, $0xFFFFFFD7;
	s0 =	sshll.u32 s0, $0x9;
	(pc) =	sbr.rel @p1 .LBB2_8-.Ltmp3, $4  }
0x2cc: {  	s21 =	sadd.s32 $0x8, s21;
	s23 =	sadd.s32 $0x5200, s0;
	s0 =	smov.u32 s22  }
0x2cd: {  	s19 =	sadd.s32 $0x200, s19;
	s0 =	simm.s32 @!p0 $0xFFFFFFD7;
	s22 =	sand.u32 $0xF000, s23  }
0x2ce: {  	p0 =	slt.s32 s0, $0x27;
	s22 =	sadd.s32 $0x15000, s22  }
0x2cf: {  	[hbm4b:s19+s20] =	stream.linear.scatter [tilespmem:s22], [sflag:$0x2], $0x1000, $0x38;
	v63 =	vld [tilespmem:$0x0]  }
0x2d0: {  	s0 =	simm.s32 @!p0 $0x27  }
0x2d1: {  	s0 =	sshll.u32 s0, $0x9  }
0x2d2: {  	s0 =	sadd.s32 $0x5200, s0  }
0x2d3: {  	s20 =	sadd.s32 $0x200, s19;
	s0 =	sand.u32 $0xF000, s0  }
0x2d4: {  	s19 =	simm.s32 $0x0;
	s21 =	smov.u32 s12;
	s0 =	sadd.s32 $0x15000, s0  }
0x2d5: {  	[hbm4b:s20+s19] =	stream.linear.scatter [tilespmem:s0], [sflag:$0x2], $0x1000, $0x38;
	v63 =	vld [tilespmem:$0x0]  }
0x2d6: {  	s22 =	smov.u32 s11;
	s23 =	smov.u32 s10;
	s20 =	smov.u32 s13  }
.LBB2_10:
0x2d7: {  	_ =	swait.ge [sflag:s16], $0x1000  }
0x2d8: {  	s0 =	simm.s32 $0x3F;
	[sflag:s16] =	ssyncset.done $0x0  }
.LBB2_11:
0x2d9: {  	p0 =	sne.s32 s0, $0x1;
	s0 =	sadd.s32 $0xFFFFFFFF, s0;
	[sflag:s16] =	ssyncadd.s32 $0xFFFFF000  }
.Ltmp4:
0x2da: {  	(pc) =	sbr.rel @p0 .LBB2_11-.Ltmp4, $3  }
0x2db: {  	_ =	sdelay $0x1  }
0x2dc: {  	_ =	swait.ge [sflag:s16], $0x1000  }
0x2dd: {  	[sflag:s16] =	ssyncset.done $0x0  }
0x2de: {  	s24 =	sshll.u32 s19, $0x1  }
0x2df: {  	s0 =	sadd.s32 $0x2, s24  }
0x2e0: {  	[sflag:s16] =	ssyncadd.s32 $0xFFFFF000;
	s25 =	sshll.u32 s0, $0x7  }
0x2e1: {  	v31 =	vld [tilespmem:s25+$0x9000]  }
0x2e2: {  	v30 =	vld [tilespmem:s25+$0x9010]  }
0x2e3: {  	v29 =	vld [tilespmem:s25+$0x9020]  }
0x2e4: {  	v28 =	vld [tilespmem:s25+$0x9030]  }
0x2e5: {  	v27 =	vld [tilespmem:s25+$0x9040]  }
0x2e6: {  	v26 =	vld [tilespmem:s25+$0x9050]  }
0x2e7: {  	v25 =	vld [tilespmem:s25+$0x9060]  }
0x2e8: {  	v24 =	vld [tilespmem:s25+$0x9070]  }
0x2e9: {  	v23 =	vld [tilespmem:s25+$0x9400]  }
0x2ea: {  	v22 =	vld [tilespmem:s25+$0x9410]  }
0x2eb: {  	v21 =	vld [tilespmem:s25+$0x9420]  }
0x2ec: {  	v20 =	vld [tilespmem:s25+$0x9430]  }
0x2ed: {  	v19 =	vld [tilespmem:s25+$0x9440]  }
0x2ee: {  	v18 =	vld [tilespmem:s25+$0x9450]  }
0x2ef: {  	v17 =	vld [tilespmem:s25+$0x9460]  }
0x2f0: {  	v16 =	vld [tilespmem:s25+$0x9470]  }
0x2f1: {  	v15 =	vld [tilespmem:s25+$0x9800]  }
0x2f2: {  	v14 =	vld [tilespmem:s25+$0x9810]  }
0x2f3: {  	v13 =	vld [tilespmem:s25+$0x9820]  }
0x2f4: {  	v12 =	vld [tilespmem:s25+$0x9830]  }
0x2f5: {  	v11 =	vld [tilespmem:s25+$0x9840]  }
0x2f6: {  	s26 =	sshll.u32 s0, $0x9;
	v10 =	vld [tilespmem:s25+$0x9850]  }
0x2f7: {  	v9 =	vld [tilespmem:s25+$0x9860];
	s26 =	sor.u32 s26, s25  }
0x2f8: {  	v8 =	vld [tilespmem:s25+$0x9870];
	s2 =	sor.u32 $0xC00, s26  }
0x2f9: {  	v7 =	vld [tilespmem:s2+$0x9000];
	s2 =	sor.u32 $0xC10, s26  }
0x2fa: {  	v6 =	vld [tilespmem:s2+$0x9000];
	s2 =	sor.u32 $0xC20, s26  }
0x2fb: {  	v5 =	vld [tilespmem:s2+$0x9000];
	s2 =	sor.u32 $0xC30, s26  }
0x2fc: {  	v4 =	vld [tilespmem:s2+$0x9000];
	s2 =	sor.u32 $0xC40, s26  }
0x2fd: {  	s25 =	sor.u32 $0x8, s0;
	v3 =	vld [tilespmem:s2+$0x9000];
	s2 =	sor.u32 $0xC50, s26  }
0x2fe: {  	s28 =	sor.u32 $0xC60, s26;
	v1 =	vld [tilespmem:s2+$0x9000];
	s2 =	ssub.s32 $0x0, s25  }
0x2ff: {  	v2 =	vld [tilespmem:s28+$0x9000];
	p0 =	sgt.s32 s2, $0x0;
	s28 =	smov.u32 s2  }
0x300: {  	s28 =	simm.s32 @!p0 $0x0  }
0x301: {  	s28 =	smin.u32 s28, $0x40  }
0x302: {  	s29 =	sshll.u32 s28, $0x9;
	s28 =	sshll.u32 s28, $0x7  }
0x303: {  	s29 =	sand.u32 $0xF000, s29;
	s28 =	sand.u32 $0x380, s28  }
0x304: {  	s31 =	sor.u32 s28, s29  }
0x305: {  	v32 =	vld [tilespmem:s31+$0x0];
	_ =	sdelay $0x2  }
0x306: {  	s26 =	sor.u32 $0xC70, s26  }
0x307: {  	v0 =	vld [tilespmem:s26+$0x9000];
	s26 =	simm.s32 $0x0  }
0x308: {  	s28 =	sand.u32 $0xF000, s26;
	s29 =	sand.u32 $0x380, s26;
	v32 =	vadd.f32 v32, v31  }
0x309: {  	s28 =	sor.u32 s29, s28  }
0x30a: {  	[tilespmem:s28+$0xA000] =	vst v32  }
0x30b: {  	v32 =	vld [tilespmem:s31+$0x10];
	_ =	sdelay $0x4  }
0x30c: {  	v32 =	vadd.f32 v32, v30;
	_ =	sdelay $0x1  }
0x30d: {  	[tilespmem:s28+$0xA010] =	vst v32  }
0x30e: {  	v32 =	vld [tilespmem:s31+$0x20];
	_ =	sdelay $0x4  }
0x30f: {  	v32 =	vadd.f32 v32, v29;
	_ =	sdelay $0x1  }
0x310: {  	[tilespmem:s28+$0xA020] =	vst v32  }
0x311: {  	v32 =	vld [tilespmem:s31+$0x30];
	_ =	sdelay $0x4  }
0x312: {  	v32 =	vadd.f32 v32, v28;
	_ =	sdelay $0x1  }
0x313: {  	[tilespmem:s28+$0xA030] =	vst v32  }
0x314: {  	v32 =	vld [tilespmem:s31+$0x40];
	_ =	sdelay $0x4  }
0x315: {  	v32 =	vadd.f32 v32, v27;
	_ =	sdelay $0x1  }
0x316: {  	[tilespmem:s28+$0xA040] =	vst v32  }
0x317: {  	v32 =	vld [tilespmem:s31+$0x50];
	_ =	sdelay $0x4  }
0x318: {  	v32 =	vadd.f32 v32, v26;
	_ =	sdelay $0x1  }
0x319: {  	[tilespmem:s28+$0xA050] =	vst v32  }
0x31a: {  	v32 =	vld [tilespmem:s31+$0x60];
	_ =	sdelay $0x4  }
0x31b: {  	v32 =	vadd.f32 v32, v25;
	_ =	sdelay $0x1  }
0x31c: {  	[tilespmem:s28+$0xA060] =	vst v32  }
0x31d: {  	v32 =	vld [tilespmem:s31+$0x70];
	_ =	sdelay $0x4  }
0x31e: {  	v32 =	vadd.f32 v32, v24;
	_ =	sdelay $0x1  }
0x31f: {  	[tilespmem:s28+$0xA070] =	vst v32  }
0x320: {  	v32 =	vld [tilespmem:s31+$0x400];
	_ =	sdelay $0x4  }
0x321: {  	v32 =	vadd.f32 v32, v23;
	_ =	sdelay $0x1  }
0x322: {  	[tilespmem:s28+$0xA400] =	vst v32  }
0x323: {  	v32 =	vld [tilespmem:s31+$0x410];
	_ =	sdelay $0x4  }
0x324: {  	v32 =	vadd.f32 v32, v22;
	_ =	sdelay $0x1  }
0x325: {  	[tilespmem:s28+$0xA410] =	vst v32  }
0x326: {  	v32 =	vld [tilespmem:s31+$0x420];
	_ =	sdelay $0x4  }
0x327: {  	v32 =	vadd.f32 v32, v21;
	_ =	sdelay $0x1  }
0x328: {  	[tilespmem:s28+$0xA420] =	vst v32  }
0x329: {  	v32 =	vld [tilespmem:s31+$0x430];
	_ =	sdelay $0x4  }
0x32a: {  	v32 =	vadd.f32 v32, v20;
	_ =	sdelay $0x1  }
0x32b: {  	[tilespmem:s28+$0xA430] =	vst v32  }
0x32c: {  	v32 =	vld [tilespmem:s31+$0x440];
	_ =	sdelay $0x4  }
0x32d: {  	v32 =	vadd.f32 v32, v19;
	_ =	sdelay $0x1  }
0x32e: {  	[tilespmem:s28+$0xA440] =	vst v32  }
0x32f: {  	v32 =	vld [tilespmem:s31+$0x450];
	_ =	sdelay $0x4  }
0x330: {  	v32 =	vadd.f32 v32, v18;
	_ =	sdelay $0x1  }
0x331: {  	[tilespmem:s28+$0xA450] =	vst v32  }
0x332: {  	v32 =	vld [tilespmem:s31+$0x460];
	_ =	sdelay $0x4  }
0x333: {  	v32 =	vadd.f32 v32, v17;
	_ =	sdelay $0x1  }
0x334: {  	[tilespmem:s28+$0xA460] =	vst v32  }
0x335: {  	v32 =	vld [tilespmem:s31+$0x470];
	_ =	sdelay $0x4  }
0x336: {  	v32 =	vadd.f32 v32, v16;
	_ =	sdelay $0x1  }
0x337: {  	[tilespmem:s28+$0xA470] =	vst v32  }
0x338: {  	v32 =	vld [tilespmem:s31+$0x800];
	_ =	sdelay $0x4  }
0x339: {  	v32 =	vadd.f32 v32, v15;
	_ =	sdelay $0x1  }
0x33a: {  	[tilespmem:s28+$0xA800] =	vst v32  }
0x33b: {  	v32 =	vld [tilespmem:s31+$0x810];
	_ =	sdelay $0x4  }
0x33c: {  	v32 =	vadd.f32 v32, v14;
	_ =	sdelay $0x1  }
0x33d: {  	[tilespmem:s28+$0xA810] =	vst v32  }
0x33e: {  	v32 =	vld [tilespmem:s31+$0x820];
	_ =	sdelay $0x4  }
0x33f: {  	v32 =	vadd.f32 v32, v13;
	_ =	sdelay $0x1  }
0x340: {  	[tilespmem:s28+$0xA820] =	vst v32  }
0x341: {  	v32 =	vld [tilespmem:s31+$0x830];
	_ =	sdelay $0x4  }
0x342: {  	v32 =	vadd.f32 v32, v12;
	_ =	sdelay $0x1  }
0x343: {  	[tilespmem:s28+$0xA830] =	vst v32  }
0x344: {  	v32 =	vld [tilespmem:s31+$0x840];
	_ =	sdelay $0x4  }
0x345: {  	v32 =	vadd.f32 v32, v11;
	_ =	sdelay $0x1  }
0x346: {  	[tilespmem:s28+$0xA840] =	vst v32  }
0x347: {  	v32 =	vld [tilespmem:s31+$0x850];
	_ =	sdelay $0x4  }
0x348: {  	v32 =	vadd.f32 v32, v10;
	_ =	sdelay $0x1  }
0x349: {  	[tilespmem:s28+$0xA850] =	vst v32  }
0x34a: {  	v32 =	vld [tilespmem:s31+$0x860];
	_ =	sdelay $0x4  }
0x34b: {  	v32 =	vadd.f32 v32, v9;
	_ =	sdelay $0x1  }
0x34c: {  	[tilespmem:s28+$0xA860] =	vst v32  }
0x34d: {  	v32 =	vld [tilespmem:s31+$0x870];
	_ =	sdelay $0x4  }
0x34e: {  	v32 =	vadd.f32 v32, v8;
	_ =	sdelay $0x1  }
0x34f: {  	[tilespmem:s28+$0xA870] =	vst v32  }
0x350: {  	v32 =	vld [tilespmem:s31+$0xC00];
	_ =	sdelay $0x4  }
0x351: {  	v32 =	vadd.f32 v32, v7;
	_ =	sdelay $0x1  }
0x352: {  	[tilespmem:s28+$0xAC00] =	vst v32  }
0x353: {  	v32 =	vld [tilespmem:s31+$0xC10];
	_ =	sdelay $0x4  }
0x354: {  	v32 =	vadd.f32 v32, v6;
	_ =	sdelay $0x1  }
0x355: {  	[tilespmem:s28+$0xAC10] =	vst v32  }
0x356: {  	v32 =	vld [tilespmem:s31+$0xC20];
	_ =	sdelay $0x4  }
0x357: {  	v32 =	vadd.f32 v32, v5;
	_ =	sdelay $0x1  }
0x358: {  	[tilespmem:s28+$0xAC20] =	vst v32  }
0x359: {  	v32 =	vld [tilespmem:s31+$0xC30];
	_ =	sdelay $0x4  }
0x35a: {  	v32 =	vadd.f32 v32, v4;
	_ =	sdelay $0x1  }
0x35b: {  	[tilespmem:s28+$0xAC30] =	vst v32  }
0x35c: {  	v32 =	vld [tilespmem:s31+$0xC40];
	_ =	sdelay $0x4  }
0x35d: {  	v32 =	vadd.f32 v32, v3;
	_ =	sdelay $0x1  }
0x35e: {  	[tilespmem:s28+$0xAC40] =	vst v32  }
0x35f: {  	v32 =	vld [tilespmem:s31+$0xC50];
	_ =	sdelay $0x4  }
0x360: {  	v32 =	vadd.f32 v32, v1;
	_ =	sdelay $0x1  }
0x361: {  	[tilespmem:s28+$0xAC50] =	vst v32  }
0x362: {  	v32 =	vld [tilespmem:s31+$0xC60];
	_ =	sdelay $0x4  }
0x363: {  	v32 =	vadd.f32 v32, v2;
	_ =	sdelay $0x1  }
0x364: {  	[tilespmem:s28+$0xAC60] =	vst v32  }
0x365: {  	s30 =	sadd.s32 $0x1, s2;
	v32 =	vld [tilespmem:s31+$0xC70]  }
0x366: {  	p1 =	sgt.s32 s30, $0x0;
	s29 =	simm.s32 $0x200;
	s31 =	simm.s32 $0x400  }
.LBB2_13:
0x367: {  	s0 =	smov.u32 s30  }
0x368: {  	p0 =	seq.s32 s31, $0xAE00;
	s0 =	simm.s32 @!p1 $0x0  }
0x369: {  	s0 =	smin.u32 s0, $0x40  }
0x36a: {  	v32 =	vadd.f32 v32, v0;
	s2 =	sshll.u32 s0, $0x9;
	s0 =	sshll.u32 s0, $0x7  }
0x36b: {  	s2 =	sand.u32 $0xF000, s2;
	s0 =	sand.u32 $0x380, s0  }
0x36c: {  	s0 =	sor.u32 s0, s2;
	[tilespmem:s28+$0xAC70] =	vst v32  }
0x36d: {  	v32 =	vld [tilespmem:s0+$0x0];
	_ =	sdelay $0x3  }
0x36e: {  	s26 =	sadd.s32 $0x80, s26  }
0x36f: {  	s2 =	sand.u32 $0xF000, s29;
	s28 =	sand.u32 $0x380, s26;
	s29 =	smov.u32 s31;
	v32 =	vadd.f32 v32, v31  }
0x370: {  	s28 =	sor.u32 s28, s2  }
0x371: {  	[tilespmem:s28+$0xA000] =	vst v32  }
0x372: {  	v32 =	vld [tilespmem:s0+$0x10];
	_ =	sdelay $0x4  }
0x373: {  	v32 =	vadd.f32 v32, v30;
	_ =	sdelay $0x1  }
0x374: {  	[tilespmem:s28+$0xA010] =	vst v32  }
0x375: {  	v32 =	vld [tilespmem:s0+$0x20];
	_ =	sdelay $0x4  }
0x376: {  	v32 =	vadd.f32 v32, v29;
	_ =	sdelay $0x1  }
0x377: {  	[tilespmem:s28+$0xA020] =	vst v32  }
0x378: {  	v32 =	vld [tilespmem:s0+$0x30];
	_ =	sdelay $0x4  }
0x379: {  	v32 =	vadd.f32 v32, v28;
	_ =	sdelay $0x1  }
0x37a: {  	[tilespmem:s28+$0xA030] =	vst v32  }
0x37b: {  	v32 =	vld [tilespmem:s0+$0x40];
	_ =	sdelay $0x4  }
0x37c: {  	v32 =	vadd.f32 v32, v27;
	_ =	sdelay $0x1  }
0x37d: {  	[tilespmem:s28+$0xA040] =	vst v32  }
0x37e: {  	v32 =	vld [tilespmem:s0+$0x50];
	_ =	sdelay $0x4  }
0x37f: {  	v32 =	vadd.f32 v32, v26;
	_ =	sdelay $0x1  }
0x380: {  	[tilespmem:s28+$0xA050] =	vst v32  }
0x381: {  	v32 =	vld [tilespmem:s0+$0x60];
	_ =	sdelay $0x4  }
0x382: {  	v32 =	vadd.f32 v32, v25;
	_ =	sdelay $0x1  }
0x383: {  	[tilespmem:s28+$0xA060] =	vst v32  }
0x384: {  	v32 =	vld [tilespmem:s0+$0x70];
	_ =	sdelay $0x4  }
0x385: {  	v32 =	vadd.f32 v32, v24;
	_ =	sdelay $0x1  }
0x386: {  	[tilespmem:s28+$0xA070] =	vst v32  }
0x387: {  	v32 =	vld [tilespmem:s0+$0x400];
	_ =	sdelay $0x4  }
0x388: {  	v32 =	vadd.f32 v32, v23;
	_ =	sdelay $0x1  }
0x389: {  	[tilespmem:s28+$0xA400] =	vst v32  }
0x38a: {  	v32 =	vld [tilespmem:s0+$0x410];
	_ =	sdelay $0x4  }
0x38b: {  	v32 =	vadd.f32 v32, v22;
	_ =	sdelay $0x1  }
0x38c: {  	[tilespmem:s28+$0xA410] =	vst v32  }
0x38d: {  	v32 =	vld [tilespmem:s0+$0x420];
	_ =	sdelay $0x4  }
0x38e: {  	v32 =	vadd.f32 v32, v21;
	_ =	sdelay $0x1  }
0x38f: {  	[tilespmem:s28+$0xA420] =	vst v32  }
0x390: {  	v32 =	vld [tilespmem:s0+$0x430];
	_ =	sdelay $0x4  }
0x391: {  	v32 =	vadd.f32 v32, v20;
	_ =	sdelay $0x1  }
0x392: {  	[tilespmem:s28+$0xA430] =	vst v32  }
0x393: {  	v32 =	vld [tilespmem:s0+$0x440];
	_ =	sdelay $0x4  }
0x394: {  	v32 =	vadd.f32 v32, v19;
	_ =	sdelay $0x1  }
0x395: {  	[tilespmem:s28+$0xA440] =	vst v32  }
0x396: {  	v32 =	vld [tilespmem:s0+$0x450];
	_ =	sdelay $0x4  }
0x397: {  	v32 =	vadd.f32 v32, v18;
	_ =	sdelay $0x1  }
0x398: {  	[tilespmem:s28+$0xA450] =	vst v32  }
0x399: {  	v32 =	vld [tilespmem:s0+$0x460];
	_ =	sdelay $0x4  }
0x39a: {  	v32 =	vadd.f32 v32, v17;
	_ =	sdelay $0x1  }
0x39b: {  	[tilespmem:s28+$0xA460] =	vst v32  }
0x39c: {  	v32 =	vld [tilespmem:s0+$0x470];
	_ =	sdelay $0x4  }
0x39d: {  	v32 =	vadd.f32 v32, v16;
	_ =	sdelay $0x1  }
0x39e: {  	[tilespmem:s28+$0xA470] =	vst v32  }
0x39f: {  	v32 =	vld [tilespmem:s0+$0x800];
	_ =	sdelay $0x4  }
0x3a0: {  	v32 =	vadd.f32 v32, v15;
	_ =	sdelay $0x1  }
0x3a1: {  	[tilespmem:s28+$0xA800] =	vst v32  }
0x3a2: {  	v32 =	vld [tilespmem:s0+$0x810];
	_ =	sdelay $0x4  }
0x3a3: {  	v32 =	vadd.f32 v32, v14;
	_ =	sdelay $0x1  }
0x3a4: {  	[tilespmem:s28+$0xA810] =	vst v32  }
0x3a5: {  	v32 =	vld [tilespmem:s0+$0x820];
	_ =	sdelay $0x4  }
0x3a6: {  	v32 =	vadd.f32 v32, v13;
	_ =	sdelay $0x1  }
0x3a7: {  	[tilespmem:s28+$0xA820] =	vst v32  }
0x3a8: {  	v32 =	vld [tilespmem:s0+$0x830];
	_ =	sdelay $0x4  }
0x3a9: {  	v32 =	vadd.f32 v32, v12;
	_ =	sdelay $0x1  }
0x3aa: {  	[tilespmem:s28+$0xA830] =	vst v32  }
0x3ab: {  	v32 =	vld [tilespmem:s0+$0x840];
	_ =	sdelay $0x4  }
0x3ac: {  	v32 =	vadd.f32 v32, v11;
	_ =	sdelay $0x1  }
0x3ad: {  	[tilespmem:s28+$0xA840] =	vst v32  }
0x3ae: {  	v32 =	vld [tilespmem:s0+$0x850];
	_ =	sdelay $0x4  }
0x3af: {  	v32 =	vadd.f32 v32, v10;
	_ =	sdelay $0x1  }
0x3b0: {  	[tilespmem:s28+$0xA850] =	vst v32  }
0x3b1: {  	v32 =	vld [tilespmem:s0+$0x860];
	_ =	sdelay $0x4  }
0x3b2: {  	v32 =	vadd.f32 v32, v9;
	_ =	sdelay $0x1  }
0x3b3: {  	[tilespmem:s28+$0xA860] =	vst v32  }
0x3b4: {  	v32 =	vld [tilespmem:s0+$0x870];
	_ =	sdelay $0x4  }
0x3b5: {  	v32 =	vadd.f32 v32, v8;
	_ =	sdelay $0x1  }
0x3b6: {  	[tilespmem:s28+$0xA870] =	vst v32  }
0x3b7: {  	v32 =	vld [tilespmem:s0+$0xC00];
	_ =	sdelay $0x4  }
0x3b8: {  	v32 =	vadd.f32 v32, v7;
	_ =	sdelay $0x1  }
0x3b9: {  	[tilespmem:s28+$0xAC00] =	vst v32  }
0x3ba: {  	v32 =	vld [tilespmem:s0+$0xC10];
	_ =	sdelay $0x4  }
0x3bb: {  	v32 =	vadd.f32 v32, v6;
	_ =	sdelay $0x1  }
0x3bc: {  	[tilespmem:s28+$0xAC10] =	vst v32  }
0x3bd: {  	v32 =	vld [tilespmem:s0+$0xC20];
	_ =	sdelay $0x4  }
0x3be: {  	v32 =	vadd.f32 v32, v5;
	_ =	sdelay $0x1  }
0x3bf: {  	[tilespmem:s28+$0xAC20] =	vst v32  }
0x3c0: {  	v32 =	vld [tilespmem:s0+$0xC30];
	_ =	sdelay $0x4  }
0x3c1: {  	v32 =	vadd.f32 v32, v4;
	_ =	sdelay $0x1  }
0x3c2: {  	[tilespmem:s28+$0xAC30] =	vst v32  }
0x3c3: {  	v32 =	vld [tilespmem:s0+$0xC40];
	_ =	sdelay $0x4  }
0x3c4: {  	v32 =	vadd.f32 v32, v3;
	_ =	sdelay $0x1  }
0x3c5: {  	[tilespmem:s28+$0xAC40] =	vst v32  }
0x3c6: {  	v32 =	vld [tilespmem:s0+$0xC50];
	_ =	sdelay $0x4  }
0x3c7: {  	v32 =	vadd.f32 v32, v1;
	_ =	sdelay $0x1  }
0x3c8: {  	[tilespmem:s28+$0xAC50] =	vst v32  }
0x3c9: {  	v32 =	vld [tilespmem:s0+$0xC60];
	_ =	sdelay $0x4  }
0x3ca: {  	v32 =	vadd.f32 v32, v2  }
.Ltmp5:
0x3cb: {  	(pc) =	sbr.rel @!p0 .LBB2_13-.Ltmp5, $4  }
0x3cc: {  	[tilespmem:s28+$0xAC60] =	vst v32  }
0x3cd: {  	v32 =	vld [tilespmem:s0+$0xC70]  }
0x3ce: {  	s30 =	sadd.s32 $0x1, s30  }
0x3cf: {  	p1 =	sgt.s32 s30, $0x0;
	s31 =	sadd.s32 $0x200, s31  }
0x3d0: {  	s30 =	simm.s32 @!p1 $0x0  }
0x3d1: {  	s0 =	smin.u32 s30, $0x40  }
0x3d2: {  	s2 =	sshll.u32 s0, $0x9;
	s0 =	sshll.u32 s0, $0x7;
	v32 =	vadd.f32 v32, v0  }
0x3d3: {  	s2 =	sand.u32 $0xF000, s2;
	s0 =	sand.u32 $0x380, s0  }
0x3d4: {  	s0 =	sor.u32 s0, s2;
	[tilespmem:s28+$0xAC70] =	vst v32  }
0x3d5: {  	v32 =	vld [tilespmem:s0+$0x0];
	_ =	sdelay $0x3  }
0x3d6: {  	s30 =	sadd.s32 $0x80, s26  }
0x3d7: {  	s31 =	sand.u32 $0xF000, s29;
	s2 =	sand.u32 $0x380, s30;
	v31 =	vadd.f32 v32, v31  }
0x3d8: {  	s26 =	sor.u32 s2, s31  }
0x3d9: {  	[tilespmem:s26+$0xA000] =	vst v31  }
0x3da: {  	v31 =	vld [tilespmem:s0+$0x10];
	_ =	sdelay $0x4  }
0x3db: {  	v30 =	vadd.f32 v31, v30;
	_ =	sdelay $0x1  }
0x3dc: {  	[tilespmem:s26+$0xA010] =	vst v30  }
0x3dd: {  	v30 =	vld [tilespmem:s0+$0x20];
	_ =	sdelay $0x4  }
0x3de: {  	v29 =	vadd.f32 v30, v29;
	_ =	sdelay $0x1  }
0x3df: {  	[tilespmem:s26+$0xA020] =	vst v29  }
0x3e0: {  	v29 =	vld [tilespmem:s0+$0x30];
	_ =	sdelay $0x4  }
0x3e1: {  	v28 =	vadd.f32 v29, v28;
	_ =	sdelay $0x1  }
0x3e2: {  	[tilespmem:s26+$0xA030] =	vst v28  }
0x3e3: {  	v28 =	vld [tilespmem:s0+$0x40];
	_ =	sdelay $0x4  }
0x3e4: {  	v27 =	vadd.f32 v28, v27;
	_ =	sdelay $0x1  }
0x3e5: {  	[tilespmem:s26+$0xA040] =	vst v27  }
0x3e6: {  	v27 =	vld [tilespmem:s0+$0x50];
	_ =	sdelay $0x4  }
0x3e7: {  	v26 =	vadd.f32 v27, v26;
	_ =	sdelay $0x1  }
0x3e8: {  	[tilespmem:s26+$0xA050] =	vst v26  }
0x3e9: {  	v26 =	vld [tilespmem:s0+$0x60];
	_ =	sdelay $0x4  }
0x3ea: {  	v25 =	vadd.f32 v26, v25;
	_ =	sdelay $0x1  }
0x3eb: {  	[tilespmem:s26+$0xA060] =	vst v25  }
0x3ec: {  	v25 =	vld [tilespmem:s0+$0x70];
	_ =	sdelay $0x4  }
0x3ed: {  	v24 =	vadd.f32 v25, v24;
	_ =	sdelay $0x1  }
0x3ee: {  	[tilespmem:s26+$0xA070] =	vst v24  }
0x3ef: {  	v24 =	vld [tilespmem:s0+$0x400];
	_ =	sdelay $0x4  }
0x3f0: {  	v23 =	vadd.f32 v24, v23;
	_ =	sdelay $0x1  }
0x3f1: {  	[tilespmem:s26+$0xA400] =	vst v23  }
0x3f2: {  	v23 =	vld [tilespmem:s0+$0x410];
	_ =	sdelay $0x4  }
0x3f3: {  	v22 =	vadd.f32 v23, v22;
	_ =	sdelay $0x1  }
0x3f4: {  	[tilespmem:s26+$0xA410] =	vst v22  }
0x3f5: {  	v22 =	vld [tilespmem:s0+$0x420];
	_ =	sdelay $0x4  }
0x3f6: {  	v21 =	vadd.f32 v22, v21;
	_ =	sdelay $0x1  }
0x3f7: {  	[tilespmem:s26+$0xA420] =	vst v21  }
0x3f8: {  	v21 =	vld [tilespmem:s0+$0x430];
	_ =	sdelay $0x4  }
0x3f9: {  	v20 =	vadd.f32 v21, v20;
	_ =	sdelay $0x1  }
0x3fa: {  	[tilespmem:s26+$0xA430] =	vst v20  }
0x3fb: {  	v20 =	vld [tilespmem:s0+$0x440];
	_ =	sdelay $0x4  }
0x3fc: {  	v19 =	vadd.f32 v20, v19;
	_ =	sdelay $0x1  }
0x3fd: {  	[tilespmem:s26+$0xA440] =	vst v19  }
0x3fe: {  	v19 =	vld [tilespmem:s0+$0x450];
	_ =	sdelay $0x4  }
0x3ff: {  	v18 =	vadd.f32 v19, v18;
	_ =	sdelay $0x1  }
0x400: {  	[tilespmem:s26+$0xA450] =	vst v18  }
0x401: {  	v18 =	vld [tilespmem:s0+$0x460];
	_ =	sdelay $0x4  }
0x402: {  	v17 =	vadd.f32 v18, v17;
	_ =	sdelay $0x1  }
0x403: {  	[tilespmem:s26+$0xA460] =	vst v17  }
0x404: {  	v17 =	vld [tilespmem:s0+$0x470];
	_ =	sdelay $0x4  }
0x405: {  	v16 =	vadd.f32 v17, v16;
	_ =	sdelay $0x1  }
0x406: {  	[tilespmem:s26+$0xA470] =	vst v16  }
0x407: {  	v16 =	vld [tilespmem:s0+$0x800];
	_ =	sdelay $0x4  }
0x408: {  	v15 =	vadd.f32 v16, v15;
	_ =	sdelay $0x1  }
0x409: {  	[tilespmem:s26+$0xA800] =	vst v15  }
0x40a: {  	v15 =	vld [tilespmem:s0+$0x810];
	_ =	sdelay $0x4  }
0x40b: {  	v14 =	vadd.f32 v15, v14;
	_ =	sdelay $0x1  }
0x40c: {  	[tilespmem:s26+$0xA810] =	vst v14  }
0x40d: {  	v14 =	vld [tilespmem:s0+$0x820];
	_ =	sdelay $0x4  }
0x40e: {  	v13 =	vadd.f32 v14, v13;
	_ =	sdelay $0x1  }
0x40f: {  	[tilespmem:s26+$0xA820] =	vst v13  }
0x410: {  	v13 =	vld [tilespmem:s0+$0x830];
	_ =	sdelay $0x4  }
0x411: {  	v12 =	vadd.f32 v13, v12;
	_ =	sdelay $0x1  }
0x412: {  	[tilespmem:s26+$0xA830] =	vst v12  }
0x413: {  	v12 =	vld [tilespmem:s0+$0x840];
	_ =	sdelay $0x4  }
0x414: {  	v11 =	vadd.f32 v12, v11;
	_ =	sdelay $0x1  }
0x415: {  	[tilespmem:s26+$0xA840] =	vst v11  }
0x416: {  	v11 =	vld [tilespmem:s0+$0x850];
	_ =	sdelay $0x4  }
0x417: {  	v10 =	vadd.f32 v11, v10;
	_ =	sdelay $0x1  }
0x418: {  	[tilespmem:s26+$0xA850] =	vst v10  }
0x419: {  	v10 =	vld [tilespmem:s0+$0x860];
	_ =	sdelay $0x4  }
0x41a: {  	v9 =	vadd.f32 v10, v9;
	_ =	sdelay $0x1  }
0x41b: {  	[tilespmem:s26+$0xA860] =	vst v9  }
0x41c: {  	v9 =	vld [tilespmem:s0+$0x870];
	_ =	sdelay $0x4  }
0x41d: {  	v8 =	vadd.f32 v9, v8;
	_ =	sdelay $0x1  }
0x41e: {  	[tilespmem:s26+$0xA870] =	vst v8  }
0x41f: {  	v8 =	vld [tilespmem:s0+$0xC00];
	_ =	sdelay $0x4  }
0x420: {  	v7 =	vadd.f32 v8, v7;
	_ =	sdelay $0x1  }
0x421: {  	[tilespmem:s26+$0xAC00] =	vst v7  }
0x422: {  	v7 =	vld [tilespmem:s0+$0xC10];
	_ =	sdelay $0x4  }
0x423: {  	v6 =	vadd.f32 v7, v6;
	_ =	sdelay $0x1  }
0x424: {  	[tilespmem:s26+$0xAC10] =	vst v6  }
0x425: {  	v6 =	vld [tilespmem:s0+$0xC20];
	_ =	sdelay $0x4  }
0x426: {  	v5 =	vadd.f32 v6, v5;
	_ =	sdelay $0x1  }
0x427: {  	[tilespmem:s26+$0xAC20] =	vst v5  }
0x428: {  	v5 =	vld [tilespmem:s0+$0xC30];
	_ =	sdelay $0x4  }
0x429: {  	v4 =	vadd.f32 v5, v4;
	_ =	sdelay $0x1  }
0x42a: {  	[tilespmem:s26+$0xAC30] =	vst v4  }
0x42b: {  	v4 =	vld [tilespmem:s0+$0xC40];
	_ =	sdelay $0x4  }
0x42c: {  	v3 =	vadd.f32 v4, v3;
	_ =	sdelay $0x1  }
0x42d: {  	[tilespmem:s26+$0xAC40] =	vst v3  }
0x42e: {  	v3 =	vld [tilespmem:s0+$0xC50];
	_ =	sdelay $0x4  }
0x42f: {  	v1 =	vadd.f32 v3, v1;
	_ =	sdelay $0x1  }
0x430: {  	[tilespmem:s26+$0xAC50] =	vst v1  }
0x431: {  	v1 =	vld [tilespmem:s0+$0xC60];
	_ =	sdelay $0x4  }
0x432: {  	v1 =	vadd.f32 v1, v2;
	_ =	sdelay $0x1  }
0x433: {  	[tilespmem:s26+$0xAC60] =	vst v1  }
0x434: {  	v1 =	vld [tilespmem:s0+$0xC70];
	s0 =	sadd.s32 s22, s25  }
0x435: {  	s2 =	sadd.s32 $0x0, s0  }
0x436: {  	p0 =	sgt.s32 s2, $0x0  }
0x437: {  	s25 =	sadd.s32 $0x8, s0;
	s2 =	simm.s32 @!p0 $0x0  }
0x438: {  	p0 =	sgt.s32 s25, $0x0;
	s2 =	smin.u32 s2, $0x50  }
0x439: {  	s25 =	simm.s32 @!p0 $0x0;
	v62 =	vadd.f32 v1, v0;
	s2 =	sshll.u32 s2, $0x9  }
0x43a: {  	s28 =	smin.u32 s25, $0x50;
	s2 =	sand.u32 $0xF000, s2  }
0x43b: {  	s25 =	smov.u32 s23;
	[tilespmem:s26+$0xAC70] =	vst v62;
	s2 =	sadd.s32 $0xA000, s2;
	s26 =	simm.s32 $0x10  }
0x43c: {  	[hbm4b:s23+s3] =	stream.linear.scatter [tilespmem:s2], [sflag:$0x1], $0x1000, $0x38;
	v63 =	vld [tilespmem:$0x0]  }
.LBB2_15:
0x43d: {  	s2 =	sadd.s32 s26, s0  }
0x43e: {  	s28 =	sshll.u32 s28, $0x9;
	s25 =	sadd.s32 $0x200, s25;
	p1 =	sne.s32 s26, $0x1F8  }
.Ltmp6:
0x43f: {  	p0 =	sgt.s32 s2, $0x0;
	s28 =	sand.u32 $0xF000, s28;
	(pc) =	sbr.rel @p1 .LBB2_15-.Ltmp6, $4  }
0x440: {  	s26 =	sadd.s32 $0x8, s26;
	s28 =	sadd.s32 $0xA000, s28  }
0x441: {  	[hbm4b:s25+s3] =	stream.linear.scatter [tilespmem:s28], [sflag:$0x1], $0x1000, $0x38;
	v63 =	vld [tilespmem:$0x0]  }
0x442: {  	s2 =	simm.s32 @!p0 $0x0  }
0x443: {  	s28 =	smin.u32 s2, $0x50  }
0x444: {  	s0 =	sshll.u32 s28, $0x9  }
0x445: {  	s0 =	sand.u32 $0xF000, s0  }
0x446: {  	s2 =	sadd.s32 $0x200, s25;
	s0 =	sadd.s32 $0xA000, s0  }
0x447: {  	[hbm4b:s2+s3] =	stream.linear.scatter [tilespmem:s0], [sflag:$0x1], $0x1000, $0x38;
	v63 =	vld [tilespmem:$0x0]  }
0x448: {  	_ =	swait.ge [sflag:s17], $0x1000  }
0x449: {  	s0 =	simm.s32 $0x3F;
	[sflag:s17] =	ssyncset.done $0x0  }
.LBB2_17:
0x44a: {  	p0 =	sne.s32 s0, $0x1;
	s0 =	sadd.s32 $0xFFFFFFFF, s0;
	[sflag:s17] =	ssyncadd.s32 $0xFFFFF000  }
.Ltmp7:
0x44b: {  	(pc) =	sbr.rel @p0 .LBB2_17-.Ltmp7, $3  }
0x44c: {  	_ =	sdelay $0x1  }
0x44d: {  	_ =	swait.ge [sflag:s17], $0x1000  }
0x44e: {  	[sflag:s17] =	ssyncset.done $0x0  }
0x44f: {  	s0 =	sadd.s32 $0x3, s24  }
0x450: {  	s2 =	sshll.u32 s0, $0x9  }
0x451: {  	[sflag:s17] =	ssyncadd.s32 $0xFFFFF000;
	s2 =	sshra.s32 s2, $0x2  }
0x452: {  	v31 =	vld [tilespmem:s2+$0x9000]  }
0x453: {  	v30 =	vld [tilespmem:s2+$0x9010]  }
0x454: {  	v29 =	vld [tilespmem:s2+$0x9020]  }
0x455: {  	v28 =	vld [tilespmem:s2+$0x9030]  }
0x456: {  	v27 =	vld [tilespmem:s2+$0x9040]  }
0x457: {  	v26 =	vld [tilespmem:s2+$0x9050]  }
0x458: {  	v25 =	vld [tilespmem:s2+$0x9060]  }
0x459: {  	v24 =	vld [tilespmem:s2+$0x9070]  }
0x45a: {  	v23 =	vld [tilespmem:s2+$0x9400]  }
0x45b: {  	v22 =	vld [tilespmem:s2+$0x9410]  }
0x45c: {  	v21 =	vld [tilespmem:s2+$0x9420]  }
0x45d: {  	v20 =	vld [tilespmem:s2+$0x9430]  }
0x45e: {  	v19 =	vld [tilespmem:s2+$0x9440]  }
0x45f: {  	v18 =	vld [tilespmem:s2+$0x9450]  }
0x460: {  	v17 =	vld [tilespmem:s2+$0x9460]  }
0x461: {  	v16 =	vld [tilespmem:s2+$0x9470]  }
0x462: {  	v15 =	vld [tilespmem:s2+$0x9800]  }
0x463: {  	v14 =	vld [tilespmem:s2+$0x9810]  }
0x464: {  	v13 =	vld [tilespmem:s2+$0x9820]  }
0x465: {  	v12 =	vld [tilespmem:s2+$0x9830]  }
0x466: {  	v11 =	vld [tilespmem:s2+$0x9840]  }
0x467: {  	v10 =	vld [tilespmem:s2+$0x9850]  }
0x468: {  	v9 =	vld [tilespmem:s2+$0x9860]  }
0x469: {  	v8 =	vld [tilespmem:s2+$0x9870]  }
0x46a: {  	v7 =	vld [tilespmem:s2+$0x9C00]  }
0x46b: {  	v6 =	vld [tilespmem:s2+$0x9C10]  }
0x46c: {  	v5 =	vld [tilespmem:s2+$0x9C20]  }
0x46d: {  	v4 =	vld [tilespmem:s2+$0x9C30]  }
0x46e: {  	v3 =	vld [tilespmem:s2+$0x9C40]  }
0x46f: {  	s24 =	sor.u32 $0x8, s0;
	v2 =	vld [tilespmem:s2+$0x9C50]  }
0x470: {  	s0 =	ssub.s32 $0x0, s24;
	v1 =	vld [tilespmem:s2+$0x9C60]  }
0x471: {  	v0 =	vld [tilespmem:s2+$0x9C70];
	p0 =	sgt.s32 s0, $0x0;
	s2 =	smov.u32 s0  }
0x472: {  	s2 =	simm.s32 @!p0 $0x0  }
0x473: {  	s2 =	smin.u32 s2, $0x40  }
0x474: {  	s26 =	sshll.u32 s2, $0x9;
	s2 =	sshll.u32 s2, $0x7  }
0x475: {  	s26 =	sand.u32 $0xF000, s26;
	s2 =	sand.u32 $0x380, s2  }
0x476: {  	s28 =	sor.u32 s2, s26  }
0x477: {  	v32 =	vld [tilespmem:s28+$0x0];
	_ =	sdelay $0x3  }
0x478: {  	s25 =	simm.s32 $0x0  }
0x479: {  	s2 =	sand.u32 $0xF000, s25;
	s26 =	sand.u32 $0x380, s25;
	v32 =	vadd.f32 v32, v31  }
0x47a: {  	s2 =	sor.u32 s26, s2  }
0x47b: {  	[tilespmem:s2+$0x15000] =	vst v32  }
0x47c: {  	v32 =	vld [tilespmem:s28+$0x10];
	_ =	sdelay $0x4  }
0x47d: {  	v32 =	vadd.f32 v32, v30  }
0x47e: {  	s26 =	sadd.s32 $0x15000, s2  }
0x47f: {  	[tilespmem:s26+$0x10] =	vst v32  }
0x480: {  	v32 =	vld [tilespmem:s28+$0x20];
	_ =	sdelay $0x4  }
0x481: {  	v32 =	vadd.f32 v32, v29;
	_ =	sdelay $0x1  }
0x482: {  	[tilespmem:s26+$0x20] =	vst v32  }
0x483: {  	v32 =	vld [tilespmem:s28+$0x30];
	_ =	sdelay $0x4  }
0x484: {  	v32 =	vadd.f32 v32, v28;
	_ =	sdelay $0x1  }
0x485: {  	[tilespmem:s26+$0x30] =	vst v32  }
0x486: {  	v32 =	vld [tilespmem:s28+$0x40];
	_ =	sdelay $0x4  }
0x487: {  	v32 =	vadd.f32 v32, v27;
	_ =	sdelay $0x1  }
0x488: {  	[tilespmem:s26+$0x40] =	vst v32  }
0x489: {  	v32 =	vld [tilespmem:s28+$0x50];
	_ =	sdelay $0x4  }
0x48a: {  	v32 =	vadd.f32 v32, v26;
	_ =	sdelay $0x1  }
0x48b: {  	[tilespmem:s26+$0x50] =	vst v32  }
0x48c: {  	v32 =	vld [tilespmem:s28+$0x60];
	_ =	sdelay $0x4  }
0x48d: {  	v32 =	vadd.f32 v32, v25;
	_ =	sdelay $0x1  }
0x48e: {  	[tilespmem:s26+$0x60] =	vst v32  }
0x48f: {  	v32 =	vld [tilespmem:s28+$0x70];
	_ =	sdelay $0x4  }
0x490: {  	v32 =	vadd.f32 v32, v24;
	_ =	sdelay $0x1  }
0x491: {  	[tilespmem:s26+$0x70] =	vst v32  }
0x492: {  	v32 =	vld [tilespmem:s28+$0x400];
	_ =	sdelay $0x4  }
0x493: {  	v32 =	vadd.f32 v32, v23;
	_ =	sdelay $0x1  }
0x494: {  	[tilespmem:s26+$0x400] =	vst v32  }
0x495: {  	v32 =	vld [tilespmem:s28+$0x410];
	_ =	sdelay $0x4  }
0x496: {  	v32 =	vadd.f32 v32, v22;
	_ =	sdelay $0x1  }
0x497: {  	[tilespmem:s26+$0x410] =	vst v32  }
0x498: {  	v32 =	vld [tilespmem:s28+$0x420];
	_ =	sdelay $0x4  }
0x499: {  	v32 =	vadd.f32 v32, v21;
	_ =	sdelay $0x1  }
0x49a: {  	[tilespmem:s26+$0x420] =	vst v32  }
0x49b: {  	v32 =	vld [tilespmem:s28+$0x430];
	_ =	sdelay $0x4  }
0x49c: {  	v32 =	vadd.f32 v32, v20;
	_ =	sdelay $0x1  }
0x49d: {  	[tilespmem:s26+$0x430] =	vst v32  }
0x49e: {  	v32 =	vld [tilespmem:s28+$0x440];
	_ =	sdelay $0x4  }
0x49f: {  	v32 =	vadd.f32 v32, v19;
	_ =	sdelay $0x1  }
0x4a0: {  	[tilespmem:s26+$0x440] =	vst v32  }
0x4a1: {  	v32 =	vld [tilespmem:s28+$0x450];
	_ =	sdelay $0x4  }
0x4a2: {  	v32 =	vadd.f32 v32, v18;
	_ =	sdelay $0x1  }
0x4a3: {  	[tilespmem:s26+$0x450] =	vst v32  }
0x4a4: {  	v32 =	vld [tilespmem:s28+$0x460];
	_ =	sdelay $0x4  }
0x4a5: {  	v32 =	vadd.f32 v32, v17;
	_ =	sdelay $0x1  }
0x4a6: {  	[tilespmem:s26+$0x460] =	vst v32  }
0x4a7: {  	v32 =	vld [tilespmem:s28+$0x470];
	_ =	sdelay $0x4  }
0x4a8: {  	v32 =	vadd.f32 v32, v16;
	_ =	sdelay $0x1  }
0x4a9: {  	[tilespmem:s26+$0x470] =	vst v32  }
0x4aa: {  	v32 =	vld [tilespmem:s28+$0x800];
	_ =	sdelay $0x4  }
0x4ab: {  	v32 =	vadd.f32 v32, v15;
	_ =	sdelay $0x1  }
0x4ac: {  	[tilespmem:s26+$0x800] =	vst v32  }
0x4ad: {  	v32 =	vld [tilespmem:s28+$0x810];
	_ =	sdelay $0x4  }
0x4ae: {  	v32 =	vadd.f32 v32, v14;
	_ =	sdelay $0x1  }
0x4af: {  	[tilespmem:s26+$0x810] =	vst v32  }
0x4b0: {  	v32 =	vld [tilespmem:s28+$0x820];
	_ =	sdelay $0x4  }
0x4b1: {  	v32 =	vadd.f32 v32, v13;
	_ =	sdelay $0x1  }
0x4b2: {  	[tilespmem:s26+$0x820] =	vst v32  }
0x4b3: {  	v32 =	vld [tilespmem:s28+$0x830];
	_ =	sdelay $0x4  }
0x4b4: {  	v32 =	vadd.f32 v32, v12;
	_ =	sdelay $0x1  }
0x4b5: {  	[tilespmem:s26+$0x830] =	vst v32  }
0x4b6: {  	v32 =	vld [tilespmem:s28+$0x840];
	_ =	sdelay $0x4  }
0x4b7: {  	v32 =	vadd.f32 v32, v11;
	_ =	sdelay $0x1  }
0x4b8: {  	[tilespmem:s26+$0x840] =	vst v32  }
0x4b9: {  	v32 =	vld [tilespmem:s28+$0x850];
	_ =	sdelay $0x4  }
0x4ba: {  	v32 =	vadd.f32 v32, v10;
	_ =	sdelay $0x1  }
0x4bb: {  	[tilespmem:s26+$0x850] =	vst v32  }
0x4bc: {  	v32 =	vld [tilespmem:s28+$0x860];
	_ =	sdelay $0x4  }
0x4bd: {  	v32 =	vadd.f32 v32, v9;
	_ =	sdelay $0x1  }
0x4be: {  	[tilespmem:s26+$0x860] =	vst v32  }
0x4bf: {  	v32 =	vld [tilespmem:s28+$0x870];
	_ =	sdelay $0x4  }
0x4c0: {  	v32 =	vadd.f32 v32, v8;
	_ =	sdelay $0x1  }
0x4c1: {  	[tilespmem:s26+$0x870] =	vst v32  }
0x4c2: {  	v32 =	vld [tilespmem:s28+$0xC00];
	_ =	sdelay $0x4  }
0x4c3: {  	v32 =	vadd.f32 v32, v7;
	_ =	sdelay $0x1  }
0x4c4: {  	[tilespmem:s26+$0xC00] =	vst v32  }
0x4c5: {  	v32 =	vld [tilespmem:s28+$0xC10];
	_ =	sdelay $0x4  }
0x4c6: {  	v32 =	vadd.f32 v32, v6;
	_ =	sdelay $0x1  }
0x4c7: {  	[tilespmem:s26+$0xC10] =	vst v32  }
0x4c8: {  	v32 =	vld [tilespmem:s28+$0xC20];
	_ =	sdelay $0x4  }
0x4c9: {  	v32 =	vadd.f32 v32, v5;
	_ =	sdelay $0x1  }
0x4ca: {  	[tilespmem:s26+$0xC20] =	vst v32  }
0x4cb: {  	v32 =	vld [tilespmem:s28+$0xC30];
	_ =	sdelay $0x4  }
0x4cc: {  	v32 =	vadd.f32 v32, v4;
	_ =	sdelay $0x1  }
0x4cd: {  	[tilespmem:s26+$0xC30] =	vst v32  }
0x4ce: {  	v32 =	vld [tilespmem:s28+$0xC40];
	_ =	sdelay $0x4  }
0x4cf: {  	v32 =	vadd.f32 v32, v3;
	_ =	sdelay $0x1  }
0x4d0: {  	[tilespmem:s26+$0xC40] =	vst v32  }
0x4d1: {  	v32 =	vld [tilespmem:s28+$0xC50];
	_ =	sdelay $0x4  }
0x4d2: {  	v32 =	vadd.f32 v32, v2;
	_ =	sdelay $0x1  }
0x4d3: {  	[tilespmem:s26+$0xC50] =	vst v32  }
0x4d4: {  	v32 =	vld [tilespmem:s28+$0xC60];
	_ =	sdelay $0x4  }
0x4d5: {  	v32 =	vadd.f32 v32, v1;
	_ =	sdelay $0x1  }
0x4d6: {  	[tilespmem:s26+$0xC60] =	vst v32  }
0x4d7: {  	v32 =	vld [tilespmem:s28+$0xC70]  }
0x4d8: {  	s28 =	sadd.s32 $0x1, s0  }
0x4d9: {  	p0 =	sgt.s32 s28, $0x0;
	s0 =	smov.u32 s28  }
0x4da: {  	s0 =	simm.s32 @!p0 $0x0  }
0x4db: {  	s0 =	smin.u32 s0, $0x40  }
0x4dc: {  	s29 =	simm.s32 $0x200;
	s2 =	sshll.u32 s0, $0x9;
	s31 =	sshll.u32 s0, $0x7;
	v32 =	vadd.f32 v32, v0  }
0x4dd: {  	s30 =	simm.s32 $0x400;
	s0 =	sand.u32 $0xF000, s2;
	s31 =	sand.u32 $0x380, s31  }
.LBB2_19:
0x4de: {  	p0 =	seq.s32 s30, $0xAE00;
	s31 =	sor.u32 s31, s0;
	[tilespmem:s26+$0xC70] =	vst v32;
	s25 =	sadd.s32 $0x80, s25  }
0x4df: {  	s0 =	smov.u32 s30;
	s30 =	sadd.s32 $0x200, s30;
	v32 =	vld [tilespmem:s31+$0x0];
	_ =	sdelay $0x4  }
0x4e0: {  	s2 =	sand.u32 $0xF000, s29;
	s26 =	sand.u32 $0x380, s25;
	s29 =	smov.u32 s0;
	v32 =	vadd.f32 v32, v31  }
0x4e1: {  	s0 =	sor.u32 s26, s2  }
0x4e2: {  	[tilespmem:s0+$0x15000] =	vst v32  }
0x4e3: {  	v32 =	vld [tilespmem:s31+$0x10];
	_ =	sdelay $0x4  }
0x4e4: {  	v32 =	vadd.f32 v32, v30  }
0x4e5: {  	s26 =	sadd.s32 $0x15000, s0  }
0x4e6: {  	[tilespmem:s26+$0x10] =	vst v32  }
0x4e7: {  	v32 =	vld [tilespmem:s31+$0x20];
	_ =	sdelay $0x4  }
0x4e8: {  	v32 =	vadd.f32 v32, v29;
	_ =	sdelay $0x1  }
0x4e9: {  	[tilespmem:s26+$0x20] =	vst v32  }
0x4ea: {  	v32 =	vld [tilespmem:s31+$0x30];
	_ =	sdelay $0x4  }
0x4eb: {  	v32 =	vadd.f32 v32, v28;
	_ =	sdelay $0x1  }
0x4ec: {  	[tilespmem:s26+$0x30] =	vst v32  }
0x4ed: {  	v32 =	vld [tilespmem:s31+$0x40];
	_ =	sdelay $0x4  }
0x4ee: {  	v32 =	vadd.f32 v32, v27;
	_ =	sdelay $0x1  }
0x4ef: {  	[tilespmem:s26+$0x40] =	vst v32  }
0x4f0: {  	v32 =	vld [tilespmem:s31+$0x50];
	_ =	sdelay $0x4  }
0x4f1: {  	v32 =	vadd.f32 v32, v26;
	_ =	sdelay $0x1  }
0x4f2: {  	[tilespmem:s26+$0x50] =	vst v32  }
0x4f3: {  	v32 =	vld [tilespmem:s31+$0x60];
	_ =	sdelay $0x4  }
0x4f4: {  	v32 =	vadd.f32 v32, v25;
	_ =	sdelay $0x1  }
0x4f5: {  	[tilespmem:s26+$0x60] =	vst v32  }
0x4f6: {  	v32 =	vld [tilespmem:s31+$0x70];
	_ =	sdelay $0x4  }
0x4f7: {  	v32 =	vadd.f32 v32, v24;
	_ =	sdelay $0x1  }
0x4f8: {  	[tilespmem:s26+$0x70] =	vst v32  }
0x4f9: {  	v32 =	vld [tilespmem:s31+$0x400];
	_ =	sdelay $0x4  }
0x4fa: {  	v32 =	vadd.f32 v32, v23;
	_ =	sdelay $0x1  }
0x4fb: {  	[tilespmem:s26+$0x400] =	vst v32  }
0x4fc: {  	v32 =	vld [tilespmem:s31+$0x410];
	_ =	sdelay $0x4  }
0x4fd: {  	v32 =	vadd.f32 v32, v22;
	_ =	sdelay $0x1  }
0x4fe: {  	[tilespmem:s26+$0x410] =	vst v32  }
0x4ff: {  	v32 =	vld [tilespmem:s31+$0x420];
	_ =	sdelay $0x4  }
0x500: {  	v32 =	vadd.f32 v32, v21;
	_ =	sdelay $0x1  }
0x501: {  	[tilespmem:s26+$0x420] =	vst v32  }
0x502: {  	v32 =	vld [tilespmem:s31+$0x430];
	_ =	sdelay $0x4  }
0x503: {  	v32 =	vadd.f32 v32, v20;
	_ =	sdelay $0x1  }
0x504: {  	[tilespmem:s26+$0x430] =	vst v32  }
0x505: {  	v32 =	vld [tilespmem:s31+$0x440];
	_ =	sdelay $0x4  }
0x506: {  	v32 =	vadd.f32 v32, v19;
	_ =	sdelay $0x1  }
0x507: {  	[tilespmem:s26+$0x440] =	vst v32  }
0x508: {  	v32 =	vld [tilespmem:s31+$0x450];
	_ =	sdelay $0x4  }
0x509: {  	v32 =	vadd.f32 v32, v18;
	_ =	sdelay $0x1  }
0x50a: {  	[tilespmem:s26+$0x450] =	vst v32  }
0x50b: {  	v32 =	vld [tilespmem:s31+$0x460];
	_ =	sdelay $0x4  }
0x50c: {  	v32 =	vadd.f32 v32, v17;
	_ =	sdelay $0x1  }
0x50d: {  	[tilespmem:s26+$0x460] =	vst v32  }
0x50e: {  	v32 =	vld [tilespmem:s31+$0x470];
	_ =	sdelay $0x4  }
0x50f: {  	v32 =	vadd.f32 v32, v16;
	_ =	sdelay $0x1  }
0x510: {  	[tilespmem:s26+$0x470] =	vst v32  }
0x511: {  	v32 =	vld [tilespmem:s31+$0x800];
	_ =	sdelay $0x4  }
0x512: {  	v32 =	vadd.f32 v32, v15;
	_ =	sdelay $0x1  }
0x513: {  	[tilespmem:s26+$0x800] =	vst v32  }
0x514: {  	v32 =	vld [tilespmem:s31+$0x810];
	_ =	sdelay $0x4  }
0x515: {  	v32 =	vadd.f32 v32, v14;
	_ =	sdelay $0x1  }
0x516: {  	[tilespmem:s26+$0x810] =	vst v32  }
0x517: {  	v32 =	vld [tilespmem:s31+$0x820];
	_ =	sdelay $0x4  }
0x518: {  	v32 =	vadd.f32 v32, v13;
	_ =	sdelay $0x1  }
0x519: {  	[tilespmem:s26+$0x820] =	vst v32  }
0x51a: {  	v32 =	vld [tilespmem:s31+$0x830];
	_ =	sdelay $0x4  }
0x51b: {  	v32 =	vadd.f32 v32, v12;
	_ =	sdelay $0x1  }
0x51c: {  	[tilespmem:s26+$0x830] =	vst v32  }
0x51d: {  	v32 =	vld [tilespmem:s31+$0x840];
	_ =	sdelay $0x4  }
0x51e: {  	v32 =	vadd.f32 v32, v11;
	_ =	sdelay $0x1  }
0x51f: {  	[tilespmem:s26+$0x840] =	vst v32  }
0x520: {  	v32 =	vld [tilespmem:s31+$0x850];
	_ =	sdelay $0x4  }
0x521: {  	v32 =	vadd.f32 v32, v10;
	_ =	sdelay $0x1  }
0x522: {  	[tilespmem:s26+$0x850] =	vst v32  }
0x523: {  	v32 =	vld [tilespmem:s31+$0x860];
	_ =	sdelay $0x4  }
0x524: {  	v32 =	vadd.f32 v32, v9;
	_ =	sdelay $0x1  }
0x525: {  	[tilespmem:s26+$0x860] =	vst v32  }
0x526: {  	v32 =	vld [tilespmem:s31+$0x870];
	_ =	sdelay $0x4  }
0x527: {  	v32 =	vadd.f32 v32, v8;
	_ =	sdelay $0x1  }
0x528: {  	[tilespmem:s26+$0x870] =	vst v32  }
0x529: {  	v32 =	vld [tilespmem:s31+$0xC00];
	_ =	sdelay $0x4  }
0x52a: {  	v32 =	vadd.f32 v32, v7;
	_ =	sdelay $0x1  }
0x52b: {  	[tilespmem:s26+$0xC00] =	vst v32  }
0x52c: {  	v32 =	vld [tilespmem:s31+$0xC10];
	_ =	sdelay $0x4  }
0x52d: {  	v32 =	vadd.f32 v32, v6;
	_ =	sdelay $0x1  }
0x52e: {  	[tilespmem:s26+$0xC10] =	vst v32  }
0x52f: {  	v32 =	vld [tilespmem:s31+$0xC20];
	_ =	sdelay $0x4  }
0x530: {  	v32 =	vadd.f32 v32, v5;
	_ =	sdelay $0x1  }
0x531: {  	[tilespmem:s26+$0xC20] =	vst v32  }
0x532: {  	v32 =	vld [tilespmem:s31+$0xC30];
	_ =	sdelay $0x4  }
0x533: {  	v32 =	vadd.f32 v32, v4;
	_ =	sdelay $0x1  }
0x534: {  	[tilespmem:s26+$0xC30] =	vst v32  }
0x535: {  	v32 =	vld [tilespmem:s31+$0xC40];
	_ =	sdelay $0x4  }
0x536: {  	v32 =	vadd.f32 v32, v3;
	_ =	sdelay $0x1  }
0x537: {  	[tilespmem:s26+$0xC40] =	vst v32  }
0x538: {  	v32 =	vld [tilespmem:s31+$0xC50];
	_ =	sdelay $0x4  }
0x539: {  	v32 =	vadd.f32 v32, v2;
	_ =	sdelay $0x1  }
0x53a: {  	[tilespmem:s26+$0xC50] =	vst v32  }
0x53b: {  	v32 =	vld [tilespmem:s31+$0xC60];
	_ =	sdelay $0x4  }
0x53c: {  	v32 =	vadd.f32 v32, v1;
	_ =	sdelay $0x1  }
0x53d: {  	[tilespmem:s26+$0xC60] =	vst v32  }
0x53e: {  	v32 =	vld [tilespmem:s31+$0xC70]  }
0x53f: {  	s28 =	sadd.s32 $0x1, s28  }
.Ltmp8:
0x540: {  	p1 =	sgt.s32 s28, $0x0;
	s0 =	smov.u32 s28;
	(pc) =	sbr.rel @!p0 .LBB2_19-.Ltmp8, $4  }
0x541: {  	s0 =	simm.s32 @!p1 $0x0  }
0x542: {  	s0 =	smin.u32 s0, $0x40  }
0x543: {  	s2 =	sshll.u32 s0, $0x9;
	s31 =	sshll.u32 s0, $0x7;
	v32 =	vadd.f32 v32, v0  }
0x544: {  	s0 =	sand.u32 $0xF000, s2;
	s31 =	sand.u32 $0x380, s31  }
0x545: {  	s0 =	sor.u32 s31, s0;
	[tilespmem:s26+$0xC70] =	vst v32  }
0x546: {  	v32 =	vld [tilespmem:s0+$0x0];
	_ =	sdelay $0x3  }
0x547: {  	s2 =	sadd.s32 $0x80, s25  }
0x548: {  	s31 =	sand.u32 $0xF000, s29;
	s2 =	sand.u32 $0x380, s2;
	v31 =	vadd.f32 v32, v31  }
0x549: {  	s2 =	sor.u32 s2, s31  }
0x54a: {  	[tilespmem:s2+$0x15000] =	vst v31  }
0x54b: {  	v31 =	vld [tilespmem:s0+$0x10];
	_ =	sdelay $0x4  }
0x54c: {  	v30 =	vadd.f32 v31, v30  }
0x54d: {  	s25 =	sadd.s32 $0x15000, s2  }
0x54e: {  	[tilespmem:s25+$0x10] =	vst v30  }
0x54f: {  	v30 =	vld [tilespmem:s0+$0x20];
	_ =	sdelay $0x4  }
0x550: {  	v29 =	vadd.f32 v30, v29;
	_ =	sdelay $0x1  }
0x551: {  	[tilespmem:s25+$0x20] =	vst v29  }
0x552: {  	v29 =	vld [tilespmem:s0+$0x30];
	_ =	sdelay $0x4  }
0x553: {  	v28 =	vadd.f32 v29, v28;
	_ =	sdelay $0x1  }
0x554: {  	[tilespmem:s25+$0x30] =	vst v28  }
0x555: {  	v28 =	vld [tilespmem:s0+$0x40];
	_ =	sdelay $0x4  }
0x556: {  	v27 =	vadd.f32 v28, v27;
	_ =	sdelay $0x1  }
0x557: {  	[tilespmem:s25+$0x40] =	vst v27  }
0x558: {  	v27 =	vld [tilespmem:s0+$0x50];
	_ =	sdelay $0x4  }
0x559: {  	v26 =	vadd.f32 v27, v26;
	_ =	sdelay $0x1  }
0x55a: {  	[tilespmem:s25+$0x50] =	vst v26  }
0x55b: {  	v26 =	vld [tilespmem:s0+$0x60];
	_ =	sdelay $0x4  }
0x55c: {  	v25 =	vadd.f32 v26, v25;
	_ =	sdelay $0x1  }
0x55d: {  	[tilespmem:s25+$0x60] =	vst v25  }
0x55e: {  	v25 =	vld [tilespmem:s0+$0x70];
	_ =	sdelay $0x4  }
0x55f: {  	v24 =	vadd.f32 v25, v24;
	_ =	sdelay $0x1  }
0x560: {  	[tilespmem:s25+$0x70] =	vst v24  }
0x561: {  	v24 =	vld [tilespmem:s0+$0x400];
	_ =	sdelay $0x4  }
0x562: {  	v23 =	vadd.f32 v24, v23;
	_ =	sdelay $0x1  }
0x563: {  	[tilespmem:s25+$0x400] =	vst v23  }
0x564: {  	v23 =	vld [tilespmem:s0+$0x410];
	_ =	sdelay $0x4  }
0x565: {  	v22 =	vadd.f32 v23, v22;
	_ =	sdelay $0x1  }
0x566: {  	[tilespmem:s25+$0x410] =	vst v22  }
0x567: {  	v22 =	vld [tilespmem:s0+$0x420];
	_ =	sdelay $0x4  }
0x568: {  	v21 =	vadd.f32 v22, v21;
	_ =	sdelay $0x1  }
0x569: {  	[tilespmem:s25+$0x420] =	vst v21  }
0x56a: {  	v21 =	vld [tilespmem:s0+$0x430];
	_ =	sdelay $0x4  }
0x56b: {  	v20 =	vadd.f32 v21, v20;
	_ =	sdelay $0x1  }
0x56c: {  	[tilespmem:s25+$0x430] =	vst v20  }
0x56d: {  	v20 =	vld [tilespmem:s0+$0x440];
	_ =	sdelay $0x4  }
0x56e: {  	v19 =	vadd.f32 v20, v19;
	_ =	sdelay $0x1  }
0x56f: {  	[tilespmem:s25+$0x440] =	vst v19  }
0x570: {  	v19 =	vld [tilespmem:s0+$0x450];
	_ =	sdelay $0x4  }
0x571: {  	v18 =	vadd.f32 v19, v18;
	_ =	sdelay $0x1  }
0x572: {  	[tilespmem:s25+$0x450] =	vst v18  }
0x573: {  	v18 =	vld [tilespmem:s0+$0x460];
	_ =	sdelay $0x4  }
0x574: {  	v17 =	vadd.f32 v18, v17;
	_ =	sdelay $0x1  }
0x575: {  	[tilespmem:s25+$0x460] =	vst v17  }
0x576: {  	v17 =	vld [tilespmem:s0+$0x470];
	_ =	sdelay $0x4  }
0x577: {  	v16 =	vadd.f32 v17, v16;
	_ =	sdelay $0x1  }
0x578: {  	[tilespmem:s25+$0x470] =	vst v16  }
0x579: {  	v16 =	vld [tilespmem:s0+$0x800];
	_ =	sdelay $0x4  }
0x57a: {  	v15 =	vadd.f32 v16, v15;
	_ =	sdelay $0x1  }
0x57b: {  	[tilespmem:s25+$0x800] =	vst v15  }
0x57c: {  	v15 =	vld [tilespmem:s0+$0x810];
	_ =	sdelay $0x4  }
0x57d: {  	v14 =	vadd.f32 v15, v14;
	_ =	sdelay $0x1  }
0x57e: {  	[tilespmem:s25+$0x810] =	vst v14  }
0x57f: {  	v14 =	vld [tilespmem:s0+$0x820];
	_ =	sdelay $0x4  }
0x580: {  	v13 =	vadd.f32 v14, v13;
	_ =	sdelay $0x1  }
0x581: {  	[tilespmem:s25+$0x820] =	vst v13  }
0x582: {  	v13 =	vld [tilespmem:s0+$0x830];
	_ =	sdelay $0x4  }
0x583: {  	v12 =	vadd.f32 v13, v12;
	_ =	sdelay $0x1  }
0x584: {  	[tilespmem:s25+$0x830] =	vst v12  }
0x585: {  	v12 =	vld [tilespmem:s0+$0x840];
	_ =	sdelay $0x4  }
0x586: {  	v11 =	vadd.f32 v12, v11;
	_ =	sdelay $0x1  }
0x587: {  	[tilespmem:s25+$0x840] =	vst v11  }
0x588: {  	v11 =	vld [tilespmem:s0+$0x850];
	_ =	sdelay $0x4  }
0x589: {  	v10 =	vadd.f32 v11, v10;
	_ =	sdelay $0x1  }
0x58a: {  	[tilespmem:s25+$0x850] =	vst v10  }
0x58b: {  	v10 =	vld [tilespmem:s0+$0x860];
	_ =	sdelay $0x4  }
0x58c: {  	v9 =	vadd.f32 v10, v9;
	_ =	sdelay $0x1  }
0x58d: {  	[tilespmem:s25+$0x860] =	vst v9  }
0x58e: {  	v9 =	vld [tilespmem:s0+$0x870];
	_ =	sdelay $0x4  }
0x58f: {  	v8 =	vadd.f32 v9, v8;
	_ =	sdelay $0x1  }
0x590: {  	[tilespmem:s25+$0x870] =	vst v8  }
0x591: {  	v8 =	vld [tilespmem:s0+$0xC00];
	_ =	sdelay $0x4  }
0x592: {  	v7 =	vadd.f32 v8, v7;
	_ =	sdelay $0x1  }
0x593: {  	[tilespmem:s25+$0xC00] =	vst v7  }
0x594: {  	v7 =	vld [tilespmem:s0+$0xC10];
	_ =	sdelay $0x4  }
0x595: {  	v6 =	vadd.f32 v7, v6;
	_ =	sdelay $0x1  }
0x596: {  	[tilespmem:s25+$0xC10] =	vst v6  }
0x597: {  	v6 =	vld [tilespmem:s0+$0xC20];
	_ =	sdelay $0x4  }
0x598: {  	v5 =	vadd.f32 v6, v5;
	_ =	sdelay $0x1  }
0x599: {  	[tilespmem:s25+$0xC20] =	vst v5  }
0x59a: {  	v5 =	vld [tilespmem:s0+$0xC30];
	_ =	sdelay $0x4  }
0x59b: {  	v4 =	vadd.f32 v5, v4;
	_ =	sdelay $0x1  }
0x59c: {  	[tilespmem:s25+$0xC30] =	vst v4  }
0x59d: {  	v4 =	vld [tilespmem:s0+$0xC40];
	_ =	sdelay $0x4  }
0x59e: {  	v3 =	vadd.f32 v4, v3;
	_ =	sdelay $0x1  }
0x59f: {  	[tilespmem:s25+$0xC40] =	vst v3  }
0x5a0: {  	v3 =	vld [tilespmem:s0+$0xC50];
	_ =	sdelay $0x4  }
0x5a1: {  	v2 =	vadd.f32 v3, v2;
	_ =	sdelay $0x1  }
0x5a2: {  	[tilespmem:s25+$0xC50] =	vst v2  }
0x5a3: {  	v2 =	vld [tilespmem:s0+$0xC60];
	_ =	sdelay $0x4  }
0x5a4: {  	v1 =	vadd.f32 v2, v1;
	_ =	sdelay $0x1  }
0x5a5: {  	[tilespmem:s25+$0xC60] =	vst v1  }
0x5a6: {  	v1 =	vld [tilespmem:s0+$0xC70];
	s0 =	sadd.s32 s20, s24  }
0x5a7: {  	s2 =	sadd.s32 $0x0, s0  }
0x5a8: {  	p0 =	sgt.s32 s2, $0x0  }
0x5a9: {  	s24 =	sadd.s32 $0x8, s0;
	s2 =	simm.s32 @!p0 $0x0  }
0x5aa: {  	p0 =	sgt.s32 s24, $0x0;
	s2 =	smin.u32 s2, $0x50  }
0x5ab: {  	s24 =	simm.s32 @!p0 $0x0;
	v0 =	vadd.f32 v1, v0;
	s2 =	sshll.u32 s2, $0x9  }
0x5ac: {  	s26 =	smin.u32 s24, $0x50;
	s2 =	sand.u32 $0xF000, s2  }
0x5ad: {  	s24 =	smov.u32 s21;
	[tilespmem:s25+$0xC70] =	vst v0;
	s2 =	sadd.s32 $0x15000, s2;
	s25 =	simm.s32 $0x10  }
0x5ae: {  	[hbm4b:s21+s3] =	stream.linear.scatter [tilespmem:s2], [sflag:$0x2], $0x1000, $0x38;
	v63 =	vld [tilespmem:$0x0]  }
.LBB2_21:
0x5af: {  	s2 =	sadd.s32 s25, s0  }
0x5b0: {  	s26 =	sshll.u32 s26, $0x9;
	s24 =	sadd.s32 $0x200, s24;
	p1 =	sne.s32 s25, $0x1F8  }
.Ltmp9:
0x5b1: {  	p0 =	sgt.s32 s2, $0x0;
	s26 =	sand.u32 $0xF000, s26;
	(pc) =	sbr.rel @p1 .LBB2_21-.Ltmp9, $4  }
0x5b2: {  	s25 =	sadd.s32 $0x8, s25;
	s26 =	sadd.s32 $0x15000, s26  }
0x5b3: {  	[hbm4b:s24+s3] =	stream.linear.scatter [tilespmem:s26], [sflag:$0x2], $0x1000, $0x38;
	v63 =	vld [tilespmem:$0x0]  }
0x5b4: {  	s2 =	simm.s32 @!p0 $0x0  }
0x5b5: {  	s26 =	smin.u32 s2, $0x50  }
0x5b6: {  	s19 =	sadd.s32 $0x1, s19  }
0x5b7: {  	p0 =	sne.s32 s19, $0x3  }
.Ltmp10:
0x5b8: {  	s0 =	sshll.u32 s26, $0x9;
	(pc) =	sbr.rel @p0 .LBB2_10-.Ltmp10, $4  }
0x5b9: {  	s2 =	sadd.s32 $0x200, s24;
	s0 =	sand.u32 $0xF000, s0  }
0x5ba: {  	s23 =	sadd.s32 $0x10000, s23;
	s22 =	sadd.s32 $0xFFFFFFFE, s22;
	s0 =	sadd.s32 $0x15000, s0  }
0x5bb: {  	[hbm4b:s2+s3] =	stream.linear.scatter [tilespmem:s0], [sflag:$0x2], $0x1000, $0x38;
	v63 =	vld [tilespmem:$0x0]  }
0x5bc: {  	s21 =	sadd.s32 $0x10000, s21;
	s20 =	sadd.s32 $0xFFFFFFFE, s20;
	s0 =	simm.s32 $0x40  }
0x5bd: {  	_ =	swait.ge [sflag:s16], $0x1000  }
0x5be: {  	s0 =	sadd.s32 $0xFFFFFFFF, s0;
	[sflag:s16] =	ssyncset.done $0x0  }
.LBB2_24:
0x5bf: {  	p0 =	sne.s32 s0, $0x1;
	s0 =	sadd.s32 $0xFFFFFFFF, s0;
	[sflag:s16] =	ssyncadd.s32 $0xFFFFF000  }
.Ltmp11:
0x5c0: {  	(pc) =	sbr.rel @p0 .LBB2_24-.Ltmp11, $3  }
0x5c1: {  	_ =	sdelay $0x1  }
0x5c2: {  	_ =	swait.ge [sflag:s16], $0x1000  }
0x5c3: {  	[sflag:s16] =	ssyncset.done $0x0  }
0x5c4: {  	[sflag:s16] =	ssyncadd.s32 $0xFFFFF000  }
0x5c5: {  	_ =	swait.ge [sflag:s17], $0x1000  }
0x5c6: {  	s0 =	simm.s32 $0x3F;
	[sflag:s17] =	ssyncset.done $0x0  }
.LBB2_26:
0x5c7: {  	p0 =	sne.s32 s0, $0x1;
	s0 =	sadd.s32 $0xFFFFFFFF, s0;
	[sflag:s17] =	ssyncadd.s32 $0xFFFFF000  }
.Ltmp12:
0x5c8: {  	(pc) =	sbr.rel @p0 .LBB2_26-.Ltmp12, $3  }
0x5c9: {  	_ =	sdelay $0x1  }
0x5ca: {  	_ =	swait.ge [sflag:s17], $0x1000  }
0x5cb: {  	[sflag:s17] =	ssyncset.done $0x0  }
0x5cc: {  	s18 =	sadd.s32 $0x1, s18  }
0x5cd: {  	p0 =	sne.s32 s18, s5  }
.Ltmp13:
0x5ce: {  	_ = 	snop;
	(pc) =	sbr.rel @p0 .LBB2_1-.Ltmp13, $2  }
0x5cf: {  	_ =	sdelay $0x2  }
0x5d0: {  	[sflag:s17] =	ssyncadd.s32 $0xFFFFF000  }
0x5d1: {  	_ =	sfence.sel $0x180000  }
0x5d2: {  	[bflag:$0x0] =	sbarrier.arrive $0xFFFF  }
0x5d3: {  	_ =	strace $0x90000047  }
0x5d4: {  	s0 =	stileid.u32;
	[bflag:$0x2] =	sbarrier.arrive $0xFFFF  }
0x5d5: {  	p0 =	sne.s32 s0, $0x0;
	s0 =	rddreg [dreg:$0x3]  }
0x5d6: {  	s0 =	sadd.s32 @!p0 $0x100000, s0  }
0x5d7: {  	[sflag:s0] =	ssyncadd.tile.s32 @!p0 $0x1;
	_ =	shalt  }
.Lfunc_end2:
_tile_overlayer_lowered:
.L_overlay_start_2:
0x5d8: {  	(tag) =	ssettag $0x2  }
0x5d9: {  	s0 =	rddreg [dreg:$0x0];
	s2 =	stileid.u32  }
0x5da: {  	s1 =	rddreg [dreg:$0x1];
	p0 =	sne.s32 s2, $0x0  }
0x5db: {  	s3 =	rddreg [dreg:$0x2];
	[bflag:$0x3] =	sbarrier.arrive $0xFFFF;
	s2 =	simm.s32 @!p0 $0x1C03  }
0x5dc: {  	[timem:s3], [sflag:s2] =	dma.local @!p0 [hbm:s0], s1  }
0x5dd: {  	s0 =	simm.s32 @!p0 $0x3  }
0x5de: {  	_ =	swait.ge @!p0 [sflag:s0], s1  }
0x5df: {  	s1 =	ssub.s32 @!p0 $0x0, s1;
	[sflag:s0] =	ssyncset.done @!p0 $0x0  }
0x5e0: {  	[sflag:s0] =	ssyncadd.s32 @!p0 s1  }
0x5e1: {  	[bflag:$0x3] =	sbarrier.arrive $0xFFFF  }
0x5e2: {  	_ =	shalt  }

</sc_bundles>
